<compile_context>
chip_gen: v7x
topology: tpu7x:2x2x1
jax: 0.10.2.dev20260603
libtpu: 0.0.44.dev20260713+nightly
codegen_flags: <defaults>
</compile_context>

<pallas_src>
import jax
import jax.numpy as jnp
from jax import lax
from jax.experimental import pallas as pl
from jax.experimental.pallas import tpu as pltpu, tpu_sc as plsc

N_NODES = 100000
N_FEATS = 9
VOCAB = 100
HIDDEN = 256
NPAIR = 5
PAIRB = VOCAB * VOCAB

BLK = 256
NB_TC = 117
M_TC = NB_TC * BLK
M_SC = N_NODES - M_TC

NC = 2
NS = 16
NW = NC * NS

C = 32
FLAT = C * N_FEATS
NCHUNKS = M_SC // C
T = (NCHUNKS + NW - 1) // NW
NITER = (T + 1) // 2

_mesh = plsc.VectorSubcoreMesh(core_axis_name="c", subcore_axis_name="s")


def _stage_x(xc_hbm, xbuf, g, sem):
    return pltpu.async_copy(xc_hbm.at[pl.ds(g * FLAT, FLAT)], xbuf, sem)


def _compute_idx(xbuf, idxs):
    i01, i234 = idxs
    for p in range(4):
        ref, off = (i01, p * C) if p < 2 else (i234, (p - 2) * C)
        for k in range(2):
            da = pl.ds((2 * p) * C + 16 * k, 16)
            db = pl.ds((2 * p + 1) * C + 16 * k, 16)
            ref[pl.ds(off + 16 * k, 16)] = (
                xbuf[da] * VOCAB + xbuf[db] + p * PAIRB)
    for k in range(2):
        d8 = pl.ds(8 * C + 16 * k, 16)
        i234[pl.ds(2 * C + 16 * k, 16)] = xbuf[d8] + 4 * PAIRB


def _issue_gathers(tbl_hbm, idxs, rows, sem):
    i01, i234 = idxs
    return [
        pltpu.async_copy(tbl_hbm.at[i01], rows.at[pl.ds(0, 2 * C)], sem),
        pltpu.async_copy(tbl_hbm.at[i234], rows.at[pl.ds(2 * C, 3 * C)],
                         sem),
    ]


def _wait_gathers(tbl_hbm, idxs, rows, sem):
    i01, i234 = idxs
    pltpu.make_async_copy(tbl_hbm.at[i01],
                          rows.at[pl.ds(0, 2 * C)], sem).wait()
    pltpu.make_async_copy(tbl_hbm.at[i234],
                          rows.at[pl.ds(2 * C, 3 * C)], sem).wait()


def _sum_chunk(rows, out_v):
    def node_sum(m, carry):
        for n in (2 * m, 2 * m + 1):
            for k in range(HIDDEN // 16):
                d = pl.ds(16 * k, 16)
                t0 = rows[n, d] + rows[C + n, d]
                t1 = rows[2 * C + n, d] + rows[3 * C + n, d]
                out_v[n, d] = t0 + t1 + rows[4 * C + n, d]
        return carry

    lax.fori_loop(0, C // 2, node_sum, 0)


def _body(xc_hbm, tbl_hbm, out_hbm, xA, xB, iA01, iA234, iB01, iB234,
          rowsA, rowsB, outA, outB, sem_x, sem_g, sem_oA, sem_oB):
    c = lax.axis_index("c")
    s = lax.axis_index("s")
    wid = s * NC + c
    g_start = wid * T
    idxsA = (iA01, iA234)
    idxsB = (iB01, iB234)

    _stage_x(xc_hbm, xA, g_start, sem_x).wait()
    _compute_idx(xA, idxsA)
    _issue_gathers(tbl_hbm, idxsA, rowsA, sem_g)

    def step(i, carry):
        e = 2 * i
        ge = g_start + e
        go = ge + 1
        gn = ge + 2
        ve = ge < NCHUNKS
        vo = go < NCHUNKS
        vn = gn < NCHUNKS

        @pl.when(vo)
        def _():
            _stage_x(xc_hbm, xB, go, sem_x)

        @pl.when(ve)
        def _():
            _wait_gathers(tbl_hbm, idxsA, rowsA, sem_g)

        @pl.when(vo)
        def _():
            pltpu.make_async_copy(xc_hbm.at[pl.ds(go * FLAT, FLAT)],
                                  xB, sem_x).wait()
            _compute_idx(xB, idxsB)
            _issue_gathers(tbl_hbm, idxsB, rowsB, sem_g)

        @pl.when(ve)
        def _():
            @pl.when(i > 0)
            def _():
                pltpu.make_async_copy(
                    outA, out_hbm.at[pl.ds(0, C)], sem_oA).wait()
            _sum_chunk(rowsA, outA)
            pltpu.async_copy(outA, out_hbm.at[pl.ds(ge * C, C)], sem_oA)

        @pl.when(vn)
        def _():
            _stage_x(xc_hbm, xA, gn, sem_x)

        @pl.when(vo)
        def _():
            _wait_gathers(tbl_hbm, idxsB, rowsB, sem_g)

        @pl.when(vn)
        def _():
            pltpu.make_async_copy(xc_hbm.at[pl.ds(gn * FLAT, FLAT)],
                                  xA, sem_x).wait()
            _compute_idx(xA, idxsA)
            _issue_gathers(tbl_hbm, idxsA, rowsA, sem_g)

        @pl.when(vo)
        def _():
            @pl.when(i > 0)
            def _():
                pltpu.make_async_copy(
                    outB, out_hbm.at[pl.ds(0, C)], sem_oB).wait()
            _sum_chunk(rowsB, outB)
            pltpu.async_copy(outB, out_hbm.at[pl.ds(go * C, C)], sem_oB)
        return carry

    lax.fori_loop(0, NITER, step, 0)

    pltpu.make_async_copy(outA, out_hbm.at[pl.ds(0, C)], sem_oA).wait()
    pltpu.make_async_copy(outB, out_hbm.at[pl.ds(0, C)], sem_oB).wait()


_sc_call = pl.kernel(
    _body,
    out_type=jax.ShapeDtypeStruct((M_SC, HIDDEN), jnp.float32),
    mesh=_mesh,
    scratch_types=(
        [pltpu.VMEM((FLAT,), jnp.int32)] * 2
        + [pltpu.VMEM((2 * C,), jnp.int32),
           pltpu.VMEM((3 * C,), jnp.int32),
           pltpu.VMEM((2 * C,), jnp.int32),
           pltpu.VMEM((3 * C,), jnp.int32)]
        + [pltpu.VMEM((NPAIR * C, HIDDEN), jnp.float32)] * 2
        + [pltpu.VMEM((C, HIDDEN), jnp.float32)] * 2
        + [pltpu.SemaphoreType.DMA] * 4
    ),
)


def _tc_body(xg_ref, tbl_ref, out_ref):
    iot = lax.broadcasted_iota(jnp.int32, (BLK, 1024), 1)
    oh = None
    for f in range(N_FEATS):
        idx = xg_ref[f, 0, :] + f * VOCAB
        m = idx[:, None] == iot
        oh = m if oh is None else (oh | m)
    out_ref[...] = jnp.dot(oh.astype(jnp.bfloat16), tbl_ref[...],
                           preferred_element_type=jnp.float32)


_tc_call = pl.pallas_call(
    _tc_body,
    grid=(NB_TC,),
    in_specs=[
        pl.BlockSpec((N_FEATS, 1, BLK), lambda b: (b, 0, 0)),
        pl.BlockSpec((1024, HIDDEN), lambda b: (0, 0)),
    ],
    out_specs=pl.BlockSpec((BLK, HIDDEN), lambda b: (b, 0)),
    out_shape=jax.ShapeDtypeStruct((M_TC, HIDDEN), jnp.float32),
    compiler_params=pltpu.CompilerParams(
        dimension_semantics=("parallel",)),
)


def kernel(x, emb):
    pairs = [
        (emb[2 * p][:, None, :] + emb[2 * p + 1][None, :, :]).reshape(
            PAIRB, HIDDEN)
        for p in range(4)
    ]
    tbl = jnp.concatenate(pairs + [emb[8]], axis=0)
    x_sc = x[:M_SC]
    xc = x_sc.T.reshape(N_FEATS, NCHUNKS, C).transpose(1, 0, 2).reshape(-1)
    sc_out = _sc_call(xc, tbl)

    x_tc = x[M_SC:]
    xg = x_tc.reshape(NB_TC, BLK, N_FEATS).transpose(0, 2, 1).reshape(
        NB_TC * N_FEATS, 1, BLK)
    emb_flat = emb.reshape(N_FEATS * VOCAB, HIDDEN)
    tblp = jnp.pad(emb_flat.astype(jnp.bfloat16),
                   ((0, 1024 - N_FEATS * VOCAB), (0, 0)))
    tc_out = _tc_call(xg, tblp)
    return jnp.concatenate([sc_out, tc_out], axis=0)

# --- scband reference (transcript-rebuilt; emitter-appended) ---
"""Pipeline reference for scband-atom-encoder-5557687681834 (READ-ONLY COPY).

The authoritative reference and input builder live on the scoring server;
editing this copy changes nothing except your own understanding.
"""

import jax, jax.numpy as jnp
import numpy as np

N_NODES = 100000
N_FEATS = 9
VOCAB = 100
HIDDEN = 256


def setup_inputs(seed: int = 0) -> dict:
    key = jax.random.key(seed)
    kx, kw = jax.random.split(key)
    x = jax.random.randint(kx, (N_NODES, N_FEATS), 0, VOCAB, dtype=jnp.int32)
    # 9 embedding tables, xavier_uniform init: bound = sqrt(6/(fan_in+fan_out))
    bound = np.sqrt(6.0 / (VOCAB + HIDDEN))
    emb = jax.random.uniform(kw, (N_FEATS, VOCAB, HIDDEN), minval=-bound, maxval=bound, dtype=jnp.float32)
    return {"x": x, "emb": emb}


def reference(x, emb):
    # x: int[N, 9]; emb: float32[9, 100, hidden]
    if x.ndim == 1:
        x = x[:, None]
    out = jnp.zeros((x.shape[0], emb.shape[-1]), dtype=emb.dtype)
    for i in range(x.shape[1]):
        out = out + jnp.take(emb[i], x[:, i], axis=0)
    return out

if __name__ == "__main__":
    import jax
    _d = setup_inputs()
    print(jax.jit(kernel)(*tuple(_d.values())))

</pallas_src>

<mosaic_0001>
#map = affine_map<(d0, d1) -> (0)>
#map1 = affine_map<(d0, d1) -> (0, 0)>
module attributes {stable_mosaic.version = 14 : i64} {
  func.func @_body(%arg0: i32, %arg1: i32, %arg2: memref<630432xi32, #tpu.memory_space<hbm>>, %arg3: memref<40100x256xf32, #tpu.memory_space<hbm>>, %arg4: memref<70048x256xf32, #tpu.memory_space<hbm>>, %arg5: memref<288xi32, #tpu.memory_space<vmem>>, %arg6: memref<288xi32, #tpu.memory_space<vmem>>, %arg7: memref<64xi32, #tpu.memory_space<vmem>>, %arg8: memref<96xi32, #tpu.memory_space<vmem>>, %arg9: memref<64xi32, #tpu.memory_space<vmem>>, %arg10: memref<96xi32, #tpu.memory_space<vmem>>, %arg11: memref<160x256xf32, #tpu.memory_space<vmem>>, %arg12: memref<160x256xf32, #tpu.memory_space<vmem>>, %arg13: memref<32x256xf32, #tpu.memory_space<vmem>>, %arg14: memref<32x256xf32, #tpu.memory_space<vmem>>, %arg15: memref<!tpu.dma_semaphore, #tpu.memory_space<semaphore_mem>>, %arg16: memref<!tpu.dma_semaphore, #tpu.memory_space<semaphore_mem>>, %arg17: memref<!tpu.dma_semaphore, #tpu.memory_space<semaphore_mem>>, %arg18: memref<!tpu.dma_semaphore, #tpu.memory_space<semaphore_mem>>) attributes {dimension_semantics = [#tpu.dimension_semantics<core_parallel>, #tpu.dimension_semantics<subcore_parallel>], iteration_bounds = array<i64: 2, 16>, scalar_prefetch = 0 : i64, scratch_operands = 14 : i64, tpu.core_type = #tpu.core_type<sc_vector_subcore>, window_params = [{transform_indices = #map}, {transform_indices = #map1}, {transform_indices = #map1}]} {
    %mul3A = arith.constant 2 : i32
    %mul3A_0 = arith.muli %arg1, %mul3A : i32
    %add3A = arith.addi %mul3A_0, %arg0 : i32
    %mul3A_1 = arith.constant 69 : i32
    %mul3A_2 = arith.muli %add3A, %mul3A_1 : i32
    %mul3A_3 = arith.constant 288 : i32
    %mul3A_4 = arith.muli %mul3A_2, %mul3A_3 : i32
    %dma_start3A = tpu.memref_slice %arg2[%mul3A_4] : memref<630432xi32, #tpu.memory_space<hbm>> -> memref<288xi32, #tpu.memory_space<hbm>>
    %dma_start3A_5 = tpu.memref_slice %arg2[%mul3A_4] : memref<630432xi32, #tpu.memory_space<hbm>> -> memref<288xi32, #tpu.memory_space<hbm>>
    tpu.enqueue_dma source(%dma_start3A_5 : memref<288xi32, #tpu.memory_space<hbm>>) target(%arg5 : memref<288xi32, #tpu.memory_space<vmem>>) target_semaphore(%arg15 : memref<!tpu.dma_semaphore, #tpu.memory_space<semaphore_mem>>)
    %dma_wait3A = tpu.memref_slice %arg2[%mul3A_4] : memref<630432xi32, #tpu.memory_space<hbm>> -> memref<288xi32, #tpu.memory_space<hbm>>
    %dma_wait3A_6 = tpu.memref_slice %arg2[%mul3A_4] : memref<630432xi32, #tpu.memory_space<hbm>> -> memref<288xi32, #tpu.memory_space<hbm>>
    tpu.wait_dma2 semaphore(%arg15 : memref<!tpu.dma_semaphore, #tpu.memory_space<semaphore_mem>>) src(%dma_wait3A_6 : memref<288xi32, #tpu.memory_space<hbm>>) dst(%arg5 : memref<288xi32, #tpu.memory_space<vmem>>)
    %get3A = arith.constant 0 : index
    %get3A_7 = tpu.vector_load %arg5[%get3A] {strides = array<i32>} : memref<288xi32, #tpu.memory_space<vmem>>, vector<16xi32>,
    %get3A_8 = vector.shape_cast %get3A_7 : vector<16xi32> to vector<16xi32>
    %mul3A_9 = arith.constant 100 : i32
    %mul3A_10 = vector.broadcast %mul3A_9 : i32 to vector<16xi32>
    %mul3A_11 = arith.muli %get3A_8, %mul3A_10 : vector<16xi32>
    %get3A_12 = arith.constant 32 : index
    %get3A_13 = tpu.vector_load %arg5[%get3A_12] {strides = array<i32>} : memref<288xi32, #tpu.memory_space<vmem>>, vector<16xi32>,
    %get3A_14 = vector.shape_cast %get3A_13 : vector<16xi32> to vector<16xi32>
    %add3A_15 = arith.addi %mul3A_11, %get3A_14 : vector<16xi32>
    %add3A_16 = arith.constant 0 : i32
    %add3A_17 = vector.broadcast %add3A_16 : i32 to vector<16xi32>
    %add3A_18 = arith.addi %add3A_15, %add3A_17 : vector<16xi32>
    %swap3A = arith.constant 0 : index
    %swap3A_19 = tpu.vector_load %arg7[%swap3A] {strides = array<i32>} : memref<64xi32, #tpu.memory_space<vmem>>, vector<16xi32>,
    %swap3A_20 = vector.shape_cast %swap3A_19 : vector<16xi32> to vector<16xi32>
    %swap3A_21 = vector.shape_cast %add3A_18 : vector<16xi32> to vector<16xi32>
    tpu.vector_store %arg7[%swap3A], %swap3A_21 {strides = array<i32>} : memref<64xi32, #tpu.memory_space<vmem>>, vector<16xi32>,
    %get3A_22 = arith.constant 16 : index
    %get3A_23 = tpu.vector_load %arg5[%get3A_22] {strides = array<i32>} : memref<288xi32, #tpu.memory_space<vmem>>, vector<16xi32>,
    %get3A_24 = vector.shape_cast %get3A_23 : vector<16xi32> to vector<16xi32>
    %mul3A_25 = arith.constant 100 : i32
    %mul3A_26 = vector.broadcast %mul3A_25 : i32 to vector<16xi32>
    %mul3A_27 = arith.muli %get3A_24, %mul3A_26 : vector<16xi32>
    %get3A_28 = arith.constant 48 : index
    %get3A_29 = tpu.vector_load %arg5[%get3A_28] {strides = array<i32>} : memref<288xi32, #tpu.memory_space<vmem>>, vector<16xi32>,
    %get3A_30 = vector.shape_cast %get3A_29 : vector<16xi32> to vector<16xi32>
    %add3A_31 = arith.addi %mul3A_27, %get3A_30 : vector<16xi32>
    %add3A_32 = arith.constant 0 : i32
    %add3A_33 = vector.broadcast %add3A_32 : i32 to vector<16xi32>
    %add3A_34 = arith.addi %add3A_31, %add3A_33 : vector<16xi32>
    %swap3A_35 = arith.constant 16 : index
    %swap3A_36 = tpu.vector_load %arg7[%swap3A_35] {strides = array<i32>} : memref<64xi32, #tpu.memory_space<vmem>>, vector<16xi32>,
    %swap3A_37 = vector.shape_cast %swap3A_36 : vector<16xi32> to vector<16xi32>
    %swap3A_38 = vector.shape_cast %add3A_34 : vector<16xi32> to vector<16xi32>
    tpu.vector_store %arg7[%swap3A_35], %swap3A_38 {strides = array<i32>} : memref<64xi32, #tpu.memory_space<vmem>>, vector<16xi32>,
    %get3A_39 = arith.constant 64 : index
    %get3A_40 = tpu.vector_load %arg5[%get3A_39] {strides = array<i32>} : memref<288xi32, #tpu.memory_space<vmem>>, vector<16xi32>,
    %get3A_41 = vector.shape_cast %get3A_40 : vector<16xi32> to vector<16xi32>
    %mul3A_42 = arith.constant 100 : i32
    %mul3A_43 = vector.broadcast %mul3A_42 : i32 to vector<16xi32>
    %mul3A_44 = arith.muli %get3A_41, %mul3A_43 : vector<16xi32>
    %get3A_45 = arith.constant 96 : index
    %get3A_46 = tpu.vector_load %arg5[%get3A_45] {strides = array<i32>} : memref<288xi32, #tpu.memory_space<vmem>>, vector<16xi32>,
    %get3A_47 = vector.shape_cast %get3A_46 : vector<16xi32> to vector<16xi32>
    %add3A_48 = arith.addi %mul3A_44, %get3A_47 : vector<16xi32>
    %add3A_49 = arith.constant 10000 : i32
    %add3A_50 = vector.broadcast %add3A_49 : i32 to vector<16xi32>
    %add3A_51 = arith.addi %add3A_48, %add3A_50 : vector<16xi32>
    %swap3A_52 = arith.constant 32 : index
    %swap3A_53 = tpu.vector_load %arg7[%swap3A_52] {strides = array<i32>} : memref<64xi32, #tpu.memory_space<vmem>>, vector<16xi32>,
    %swap3A_54 = vector.shape_cast %swap3A_53 : vector<16xi32> to vector<16xi32>
    %swap3A_55 = vector.shape_cast %add3A_51 : vector<16xi32> to vector<16xi32>
    tpu.vector_store %arg7[%swap3A_52], %swap3A_55 {strides = array<i32>} : memref<64xi32, #tpu.memory_space<vmem>>, vector<16xi32>,
    %get3A_56 = arith.constant 80 : index
    %get3A_57 = tpu.vector_load %arg5[%get3A_56] {strides = array<i32>} : memref<288xi32, #tpu.memory_space<vmem>>, vector<16xi32>,
    %get3A_58 = vector.shape_cast %get3A_57 : vector<16xi32> to vector<16xi32>
    %mul3A_59 = arith.constant 100 : i32
    %mul3A_60 = vector.broadcast %mul3A_59 : i32 to vector<16xi32>
    %mul3A_61 = arith.muli %get3A_58, %mul3A_60 : vector<16xi32>
    %get3A_62 = arith.constant 112 : index
    %get3A_63 = tpu.vector_load %arg5[%get3A_62] {strides = array<i32>} : memref<288xi32, #tpu.memory_space<vmem>>, vector<16xi32>,
    %get3A_64 = vector.shape_cast %get3A_63 : vector<16xi32> to vector<16xi32>
    %add3A_65 = arith.addi %mul3A_61, %get3A_64 : vector<16xi32>
    %add3A_66 = arith.constant 10000 : i32
    %add3A_67 = vector.broadcast %add3A_66 : i32 to vector<16xi32>
    %add3A_68 = arith.addi %add3A_65, %add3A_67 : vector<16xi32>
    %swap3A_69 = arith.constant 48 : index
    %swap3A_70 = tpu.vector_load %arg7[%swap3A_69] {strides = array<i32>} : memref<64xi32, #tpu.memory_space<vmem>>, vector<16xi32>,
    %swap3A_71 = vector.shape_cast %swap3A_70 : vector<16xi32> to vector<16xi32>
    %swap3A_72 = vector.shape_cast %add3A_68 : vector<16xi32> to vector<16xi32>
    tpu.vector_store %arg7[%swap3A_69], %swap3A_72 {strides = array<i32>} : memref<64xi32, #tpu.memory_space<vmem>>, vector<16xi32>,
    %get3A_73 = arith.constant 128 : index
    %get3A_74 = tpu.vector_load %arg5[%get3A_73] {strides = array<i32>} : memref<288xi32, #tpu.memory_space<vmem>>, vector<16xi32>,
    %get3A_75 = vector.shape_cast %get3A_74 : vector<16xi32> to vector<16xi32>
    %mul3A_76 = arith.constant 100 : i32
    %mul3A_77 = vector.broadcast %mul3A_76 : i32 to vector<16xi32>
    %mul3A_78 = arith.muli %get3A_75, %mul3A_77 : vector<16xi32>
    %get3A_79 = arith.constant 160 : index
    %get3A_80 = tpu.vector_load %arg5[%get3A_79] {strides = array<i32>} : memref<288xi32, #tpu.memory_space<vmem>>, vector<16xi32>,
    %get3A_81 = vector.shape_cast %get3A_80 : vector<16xi32> to vector<16xi32>
    %add3A_82 = arith.addi %mul3A_78, %get3A_81 : vector<16xi32>
    %add3A_83 = arith.constant 20000 : i32
    %add3A_84 = vector.broadcast %add3A_83 : i32 to vector<16xi32>
    %add3A_85 = arith.addi %add3A_82, %add3A_84 : vector<16xi32>
    %swap3A_86 = arith.constant 0 : index
    %swap3A_87 = tpu.vector_load %arg8[%swap3A_86] {strides = array<i32>} : memref<96xi32, #tpu.memory_space<vmem>>, vector<16xi32>,
    %swap3A_88 = vector.shape_cast %swap3A_87 : vector<16xi32> to vector<16xi32>
    %swap3A_89 = vector.shape_cast %add3A_85 : vector<16xi32> to vector<16xi32>
    tpu.vector_store %arg8[%swap3A_86], %swap3A_89 {strides = array<i32>} : memref<96xi32, #tpu.memory_space<vmem>>, vector<16xi32>,
    %get3A_90 = arith.constant 144 : index
    %get3A_91 = tpu.vector_load %arg5[%get3A_90] {strides = array<i32>} : memref<288xi32, #tpu.memory_space<vmem>>, vector<16xi32>,
    %get3A_92 = vector.shape_cast %get3A_91 : vector<16xi32> to vector<16xi32>
    %mul3A_93 = arith.constant 100 : i32
    %mul3A_94 = vector.broadcast %mul3A_93 : i32 to vector<16xi32>
    %mul3A_95 = arith.muli %get3A_92, %mul3A_94 : vector<16xi32>
    %get3A_96 = arith.constant 176 : index
    %get3A_97 = tpu.vector_load %arg5[%get3A_96] {strides = array<i32>} : memref<288xi32, #tpu.memory_space<vmem>>, vector<16xi32>,
    %get3A_98 = vector.shape_cast %get3A_97 : vector<16xi32> to vector<16xi32>
    %add3A_99 = arith.addi %mul3A_95, %get3A_98 : vector<16xi32>
    %add3A_100 = arith.constant 20000 : i32
    %add3A_101 = vector.broadcast %add3A_100 : i32 to vector<16xi32>
    %add3A_102 = arith.addi %add3A_99, %add3A_101 : vector<16xi32>
    %swap3A_103 = arith.constant 16 : index
    %swap3A_104 = tpu.vector_load %arg8[%swap3A_103] {strides = array<i32>} : memref<96xi32, #tpu.memory_space<vmem>>, vector<16xi32>,
    %swap3A_105 = vector.shape_cast %swap3A_104 : vector<16xi32> to vector<16xi32>
    %swap3A_106 = vector.shape_cast %add3A_102 : vector<16xi32> to vector<16xi32>
    tpu.vector_store %arg8[%swap3A_103], %swap3A_106 {strides = array<i32>} : memref<96xi32, #tpu.memory_space<vmem>>, vector<16xi32>,
    %get3A_107 = arith.constant 192 : index
    %get3A_108 = tpu.vector_load %arg5[%get3A_107] {strides = array<i32>} : memref<288xi32, #tpu.memory_space<vmem>>, vector<16xi32>,
    %get3A_109 = vector.shape_cast %get3A_108 : vector<16xi32> to vector<16xi32>
    %mul3A_110 = arith.constant 100 : i32
    %mul3A_111 = vector.broadcast %mul3A_110 : i32 to vector<16xi32>
    %mul3A_112 = arith.muli %get3A_109, %mul3A_111 : vector<16xi32>
    %get3A_113 = arith.constant 224 : index
    %get3A_114 = tpu.vector_load %arg5[%get3A_113] {strides = array<i32>} : memref<288xi32, #tpu.memory_space<vmem>>, vector<16xi32>,
    %get3A_115 = vector.shape_cast %get3A_114 : vector<16xi32> to vector<16xi32>
    %add3A_116 = arith.addi %mul3A_112, %get3A_115 : vector<16xi32>
    %add3A_117 = arith.constant 30000 : i32
    %add3A_118 = vector.broadcast %add3A_117 : i32 to vector<16xi32>
    %add3A_119 = arith.addi %add3A_116, %add3A_118 : vector<16xi32>
    %swap3A_120 = arith.constant 32 : index
    %swap3A_121 = tpu.vector_load %arg8[%swap3A_120] {strides = array<i32>} : memref<96xi32, #tpu.memory_space<vmem>>, vector<16xi32>,
    %swap3A_122 = vector.shape_cast %swap3A_121 : vector<16xi32> to vector<16xi32>
    %swap3A_123 = vector.shape_cast %add3A_119 : vector<16xi32> to vector<16xi32>
    tpu.vector_store %arg8[%swap3A_120], %swap3A_123 {strides = array<i32>} : memref<96xi32, #tpu.memory_space<vmem>>, vector<16xi32>,
    %get3A_124 = arith.constant 208 : index
    %get3A_125 = tpu.vector_load %arg5[%get3A_124] {strides = array<i32>} : memref<288xi32, #tpu.memory_space<vmem>>, vector<16xi32>,
    %get3A_126 = vector.shape_cast %get3A_125 : vector<16xi32> to vector<16xi32>
    %mul3A_127 = arith.constant 100 : i32
    %mul3A_128 = vector.broadcast %mul3A_127 : i32 to vector<16xi32>
    %mul3A_129 = arith.muli %get3A_126, %mul3A_128 : vector<16xi32>
    %get3A_130 = arith.constant 240 : index
    %get3A_131 = tpu.vector_load %arg5[%get3A_130] {strides = array<i32>} : memref<288xi32, #tpu.memory_space<vmem>>, vector<16xi32>,
    %get3A_132 = vector.shape_cast %get3A_131 : vector<16xi32> to vector<16xi32>
    %add3A_133 = arith.addi %mul3A_129, %get3A_132 : vector<16xi32>
    %add3A_134 = arith.constant 30000 : i32
    %add3A_135 = vector.broadcast %add3A_134 : i32 to vector<16xi32>
    %add3A_136 = arith.addi %add3A_133, %add3A_135 : vector<16xi32>
    %swap3A_137 = arith.constant 48 : index
    %swap3A_138 = tpu.vector_load %arg8[%swap3A_137] {strides = array<i32>} : memref<96xi32, #tpu.memory_space<vmem>>, vector<16xi32>,
    %swap3A_139 = vector.shape_cast %swap3A_138 : vector<16xi32> to vector<16xi32>
    %swap3A_140 = vector.shape_cast %add3A_136 : vector<16xi32> to vector<16xi32>
    tpu.vector_store %arg8[%swap3A_137], %swap3A_140 {strides = array<i32>} : memref<96xi32, #tpu.memory_space<vmem>>, vector<16xi32>,
    %get3A_141 = arith.constant 256 : index
    %get3A_142 = tpu.vector_load %arg5[%get3A_141] {strides = array<i32>} : memref<288xi32, #tpu.memory_space<vmem>>, vector<16xi32>,
    %get3A_143 = vector.shape_cast %get3A_142 : vector<16xi32> to vector<16xi32>
    %add3A_144 = arith.constant 40000 : i32
    %add3A_145 = vector.broadcast %add3A_144 : i32 to vector<16xi32>
    %add3A_146 = arith.addi %get3A_143, %add3A_145 : vector<16xi32>
    %swap3A_147 = arith.constant 64 : index
    %swap3A_148 = tpu.vector_load %arg8[%swap3A_147] {strides = array<i32>} : memref<96xi32, #tpu.memory_space<vmem>>, vector<16xi32>,
    %swap3A_149 = vector.shape_cast %swap3A_148 : vector<16xi32> to vector<16xi32>
    %swap3A_150 = vector.shape_cast %add3A_146 : vector<16xi32> to vector<16xi32>
    tpu.vector_store %arg8[%swap3A_147], %swap3A_150 {strides = array<i32>} : memref<96xi32, #tpu.memory_space<vmem>>, vector<16xi32>,
    %get3A_151 = arith.constant 272 : index
    %get3A_152 = tpu.vector_load %arg5[%get3A_151] {strides = array<i32>} : memref<288xi32, #tpu.memory_space<vmem>>, vector<16xi32>,
    %get3A_153 = vector.shape_cast %get3A_152 : vector<16xi32> to vector<16xi32>
    %add3A_154 = arith.constant 40000 : i32
    %add3A_155 = vector.broadcast %add3A_154 : i32 to vector<16xi32>
    %add3A_156 = arith.addi %get3A_153, %add3A_155 : vector<16xi32>
    %swap3A_157 = arith.constant 80 : index
    %swap3A_158 = tpu.vector_load %arg8[%swap3A_157] {strides = array<i32>} : memref<96xi32, #tpu.memory_space<vmem>>, vector<16xi32>,
    %swap3A_159 = vector.shape_cast %swap3A_158 : vector<16xi32> to vector<16xi32>
    %swap3A_160 = vector.shape_cast %add3A_156 : vector<16xi32> to vector<16xi32>
    tpu.vector_store %arg8[%swap3A_157], %swap3A_160 {strides = array<i32>} : memref<96xi32, #tpu.memory_space<vmem>>, vector<16xi32>,
    %dma_start3A_161 = arith.constant 0 : i32
    %dma_start3A_162 = arith.constant 0 : i32
    %dma_start3A_163 = tpu.memref_slice %arg11[%dma_start3A_161, %dma_start3A_162] : memref<160x256xf32, #tpu.memory_space<vmem>> -> memref<64x256xf32, #tpu.memory_space<vmem>>
    %dma_start3A_164 = arith.constant 0 : i32
    %dma_start3A_165 = arith.constant 0 : i32
    %dma_start3A_166 = tpu.memref_slice %arg3[%dma_start3A_164, %dma_start3A_165] : memref<40100x256xf32, #tpu.memory_space<hbm>> -> memref<40100x256xf32, #tpu.memory_space<hbm>>
    tpu.enqueue_indirect_dma source(%dma_start3A_166 : memref<40100x256xf32, #tpu.memory_space<hbm>>) target(%dma_start3A_163 : memref<64x256xf32, #tpu.memory_space<vmem>>) offsets(%arg7 : memref<64xi32, #tpu.memory_space<vmem>>) semaphore(%arg16 : memref<!tpu.dma_semaphore, #tpu.memory_space<semaphore_mem>>)
    %dma_start3A_167 = arith.constant 64 : i32
    %dma_start3A_168 = arith.constant 0 : i32
    %dma_start3A_169 = tpu.memref_slice %arg11[%dma_start3A_167, %dma_start3A_168] : memref<160x256xf32, #tpu.memory_space<vmem>> -> memref<96x256xf32, #tpu.memory_space<vmem>>
    %dma_start3A_170 = arith.constant 0 : i32
    %dma_start3A_171 = arith.constant 0 : i32
    %dma_start3A_172 = tpu.memref_slice %arg3[%dma_start3A_170, %dma_start3A_171] : memref<40100x256xf32, #tpu.memory_space<hbm>> -> memref<40100x256xf32, #tpu.memory_space<hbm>>
    tpu.enqueue_indirect_dma source(%dma_start3A_172 : memref<40100x256xf32, #tpu.memory_space<hbm>>) target(%dma_start3A_169 : memref<96x256xf32, #tpu.memory_space<vmem>>) offsets(%arg8 : memref<96xi32, #tpu.memory_space<vmem>>) semaphore(%arg16 : memref<!tpu.dma_semaphore, #tpu.memory_space<semaphore_mem>>)
    %scan3A = arith.constant 0 : i32
    %scan3A_173 = arith.constant 0 : i32
    %scan3A_174 = arith.constant 35 : i32
    %scan3A_175 = arith.addi %scan3A_173, %scan3A_174 : i32
    %scan3A_176 = arith.constant 1 : i32
    scf.for %scan3A_190 = %scan3A_173 to %scan3A_175 step %scan3A_176  : i32 {
      %mul3A_191 = arith.constant 2 : i32
      %mul3A_192 = arith.muli %mul3A_191, %scan3A_190 : i32
      %add3A_193 = arith.addi %mul3A_2, %mul3A_192 : i32
      %add3A_194 = arith.constant 1 : i32
      %add3A_195 = arith.addi %add3A_193, %add3A_194 : i32
      %add3A_196 = arith.constant 2 : i32
      %add3A_197 = arith.addi %add3A_193, %add3A_196 : i32
      %lt3A = arith.constant 2189 : i32
      %lt3A_198 = arith.cmpi slt, %add3A_193, %lt3A : i32
      %lt3A_199 = arith.constant 2189 : i32
      %lt3A_200 = arith.cmpi slt, %add3A_195, %lt3A_199 : i32
      %lt3A_201 = arith.constant 2189 : i32
      %lt3A_202 = arith.cmpi slt, %add3A_197, %lt3A_201 : i32
      %convert_element_type3A = arith.extui %lt3A_200 : i1 to i32
      %cond3A = arith.constant 0 : i32
      %cond3A_203 = arith.cmpi ne, %convert_element_type3A, %cond3A : i32
      scf.if %cond3A_203 {
        %mul3A_225 = arith.constant 288 : i32
        %mul3A_226 = arith.muli %add3A_195, %mul3A_225 : i32
        %dma_start3A_227 = tpu.memref_slice %arg2[%mul3A_226] : memref<630432xi32, #tpu.memory_space<hbm>> -> memref<288xi32, #tpu.memory_space<hbm>>
        %dma_start3A_228 = tpu.memref_slice %arg2[%mul3A_226] : memref<630432xi32, #tpu.memory_space<hbm>> -> memref<288xi32, #tpu.memory_space<hbm>>
        tpu.enqueue_dma source(%dma_start3A_228 : memref<288xi32, #tpu.memory_space<hbm>>) target(%arg6 : memref<288xi32, #tpu.memory_space<vmem>>) target_semaphore(%arg15 : memref<!tpu.dma_semaphore, #tpu.memory_space<semaphore_mem>>)
      } else {
      }
      %convert_element_type3A_204 = arith.extui %lt3A_198 : i1 to i32
      %cond3A_205 = arith.constant 0 : i32
      %cond3A_206 = arith.cmpi ne, %convert_element_type3A_204, %cond3A_205 : i32
      scf.if %cond3A_206 {
        %dma_wait3A_225 = arith.constant 0 : i32
        %dma_wait3A_226 = arith.constant 0 : i32
        %dma_wait3A_227 = tpu.memref_slice %arg11[%dma_wait3A_225, %dma_wait3A_226] : memref<160x256xf32, #tpu.memory_space<vmem>> -> memref<64x256xf32, #tpu.memory_space<vmem>>
        %dma_wait3A_228 = arith.constant 0 : i32
        %dma_wait3A_229 = arith.constant 0 : i32
        %dma_wait3A_230 = tpu.memref_slice %arg3[%dma_wait3A_228, %dma_wait3A_229] : memref<40100x256xf32, #tpu.memory_space<hbm>> -> memref<40100x256xf32, #tpu.memory_space<hbm>>
        tpu.wait_indirect_dma semaphore(%arg16 : memref<!tpu.dma_semaphore, #tpu.memory_space<semaphore_mem>>) src(%dma_wait3A_230 : memref<40100x256xf32, #tpu.memory_space<hbm>>) dst(%dma_wait3A_227 : memref<64x256xf32, #tpu.memory_space<vmem>>)
        %dma_wait3A_231 = arith.constant 64 : i32
        %dma_wait3A_232 = arith.constant 0 : i32
        %dma_wait3A_233 = tpu.memref_slice %arg11[%dma_wait3A_231, %dma_wait3A_232] : memref<160x256xf32, #tpu.memory_space<vmem>> -> memref<96x256xf32, #tpu.memory_space<vmem>>
        %dma_wait3A_234 = arith.constant 0 : i32
        %dma_wait3A_235 = arith.constant 0 : i32
        %dma_wait3A_236 = tpu.memref_slice %arg3[%dma_wait3A_234, %dma_wait3A_235] : memref<40100x256xf32, #tpu.memory_space<hbm>> -> memref<40100x256xf32, #tpu.memory_space<hbm>>
        tpu.wait_indirect_dma semaphore(%arg16 : memref<!tpu.dma_semaphore, #tpu.memory_space<semaphore_mem>>) src(%dma_wait3A_236 : memref<40100x256xf32, #tpu.memory_space<hbm>>) dst(%dma_wait3A_233 : memref<96x256xf32, #tpu.memory_space<vmem>>)
      } else {
      }
      %convert_element_type3A_207 = arith.extui %lt3A_200 : i1 to i32
      %cond3A_208 = arith.constant 0 : i32
      %cond3A_209 = arith.cmpi ne, %convert_element_type3A_207, %cond3A_208 : i32
      scf.if %cond3A_209 {
        %mul3A_225 = arith.constant 288 : i32
        %mul3A_226 = arith.muli %add3A_195, %mul3A_225 : i32
        %dma_wait3A_227 = tpu.memref_slice %arg2[%mul3A_226] : memref<630432xi32, #tpu.memory_space<hbm>> -> memref<288xi32, #tpu.memory_space<hbm>>
        %dma_wait3A_228 = tpu.memref_slice %arg2[%mul3A_226] : memref<630432xi32, #tpu.memory_space<hbm>> -> memref<288xi32, #tpu.memory_space<hbm>>
        tpu.wait_dma2 semaphore(%arg15 : memref<!tpu.dma_semaphore, #tpu.memory_space<semaphore_mem>>) src(%dma_wait3A_228 : memref<288xi32, #tpu.memory_space<hbm>>) dst(%arg6 : memref<288xi32, #tpu.memory_space<vmem>>)
        %get3A_229 = arith.constant 0 : index
        %get3A_230 = tpu.vector_load %arg6[%get3A_229] {strides = array<i32>} : memref<288xi32, #tpu.memory_space<vmem>>, vector<16xi32>,
        %get3A_231 = vector.shape_cast %get3A_230 : vector<16xi32> to vector<16xi32>
        %mul3A_232 = arith.constant 100 : i32
        %mul3A_233 = vector.broadcast %mul3A_232 : i32 to vector<16xi32>
        %mul3A_234 = arith.muli %get3A_231, %mul3A_233 : vector<16xi32>
        %get3A_235 = arith.constant 32 : index
        %get3A_236 = tpu.vector_load %arg6[%get3A_235] {strides = array<i32>} : memref<288xi32, #tpu.memory_space<vmem>>, vector<16xi32>,
        %get3A_237 = vector.shape_cast %get3A_236 : vector<16xi32> to vector<16xi32>
        %add3A_238 = arith.addi %mul3A_234, %get3A_237 : vector<16xi32>
        %add3A_239 = arith.constant 0 : i32
        %add3A_240 = vector.broadcast %add3A_239 : i32 to vector<16xi32>
        %add3A_241 = arith.addi %add3A_238, %add3A_240 : vector<16xi32>
        %swap3A_242 = arith.constant 0 : index
        %swap3A_243 = tpu.vector_load %arg9[%swap3A_242] {strides = array<i32>} : memref<64xi32, #tpu.memory_space<vmem>>, vector<16xi32>,
        %swap3A_244 = vector.shape_cast %swap3A_243 : vector<16xi32> to vector<16xi32>
        %swap3A_245 = vector.shape_cast %add3A_241 : vector<16xi32> to vector<16xi32>
        tpu.vector_store %arg9[%swap3A_242], %swap3A_245 {strides = array<i32>} : memref<64xi32, #tpu.memory_space<vmem>>, vector<16xi32>,
        %get3A_246 = arith.constant 16 : index
        %get3A_247 = tpu.vector_load %arg6[%get3A_246] {strides = array<i32>} : memref<288xi32, #tpu.memory_space<vmem>>, vector<16xi32>,
        %get3A_248 = vector.shape_cast %get3A_247 : vector<16xi32> to vector<16xi32>
        %mul3A_249 = arith.constant 100 : i32
        %mul3A_250 = vector.broadcast %mul3A_249 : i32 to vector<16xi32>
        %mul3A_251 = arith.muli %get3A_248, %mul3A_250 : vector<16xi32>
        %get3A_252 = arith.constant 48 : index
        %get3A_253 = tpu.vector_load %arg6[%get3A_252] {strides = array<i32>} : memref<288xi32, #tpu.memory_space<vmem>>, vector<16xi32>,
        %get3A_254 = vector.shape_cast %get3A_253 : vector<16xi32> to vector<16xi32>
        %add3A_255 = arith.addi %mul3A_251, %get3A_254 : vector<16xi32>
        %add3A_256 = arith.constant 0 : i32
        %add3A_257 = vector.broadcast %add3A_256 : i32 to vector<16xi32>
        %add3A_258 = arith.addi %add3A_255, %add3A_257 : vector<16xi32>
        %swap3A_259 = arith.constant 16 : index
        %swap3A_260 = tpu.vector_load %arg9[%swap3A_259] {strides = array<i32>} : memref<64xi32, #tpu.memory_space<vmem>>, vector<16xi32>,
        %swap3A_261 = vector.shape_cast %swap3A_260 : vector<16xi32> to vector<16xi32>
        %swap3A_262 = vector.shape_cast %add3A_258 : vector<16xi32> to vector<16xi32>
        tpu.vector_store %arg9[%swap3A_259], %swap3A_262 {strides = array<i32>} : memref<64xi32, #tpu.memory_space<vmem>>, vector<16xi32>,
        %get3A_263 = arith.constant 64 : index
        %get3A_264 = tpu.vector_load %arg6[%get3A_263] {strides = array<i32>} : memref<288xi32, #tpu.memory_space<vmem>>, vector<16xi32>,
        %get3A_265 = vector.shape_cast %get3A_264 : vector<16xi32> to vector<16xi32>
        %mul3A_266 = arith.constant 100 : i32
        %mul3A_267 = vector.broadcast %mul3A_266 : i32 to vector<16xi32>
        %mul3A_268 = arith.muli %get3A_265, %mul3A_267 : vector<16xi32>
        %get3A_269 = arith.constant 96 : index
        %get3A_270 = tpu.vector_load %arg6[%get3A_269] {strides = array<i32>} : memref<288xi32, #tpu.memory_space<vmem>>, vector<16xi32>,
        %get3A_271 = vector.shape_cast %get3A_270 : vector<16xi32> to vector<16xi32>
        %add3A_272 = arith.addi %mul3A_268, %get3A_271 : vector<16xi32>
        %add3A_273 = arith.constant 10000 : i32
        %add3A_274 = vector.broadcast %add3A_273 : i32 to vector<16xi32>
        %add3A_275 = arith.addi %add3A_272, %add3A_274 : vector<16xi32>
        %swap3A_276 = arith.constant 32 : index
        %swap3A_277 = tpu.vector_load %arg9[%swap3A_276] {strides = array<i32>} : memref<64xi32, #tpu.memory_space<vmem>>, vector<16xi32>,
        %swap3A_278 = vector.shape_cast %swap3A_277 : vector<16xi32> to vector<16xi32>
        %swap3A_279 = vector.shape_cast %add3A_275 : vector<16xi32> to vector<16xi32>
        tpu.vector_store %arg9[%swap3A_276], %swap3A_279 {strides = array<i32>} : memref<64xi32, #tpu.memory_space<vmem>>, vector<16xi32>,
        %get3A_280 = arith.constant 80 : index
        %get3A_281 = tpu.vector_load %arg6[%get3A_280] {strides = array<i32>} : memref<288xi32, #tpu.memory_space<vmem>>, vector<16xi32>,
        %get3A_282 = vector.shape_cast %get3A_281 : vector<16xi32> to vector<16xi32>
        %mul3A_283 = arith.constant 100 : i32
        %mul3A_284 = vector.broadcast %mul3A_283 : i32 to vector<16xi32>
        %mul3A_285 = arith.muli %get3A_282, %mul3A_284 : vector<16xi32>
        %get3A_286 = arith.constant 112 : index
        %get3A_287 = tpu.vector_load %arg6[%get3A_286] {strides = array<i32>} : memref<288xi32, #tpu.memory_space<vmem>>, vector<16xi32>,
        %get3A_288 = vector.shape_cast %get3A_287 : vector<16xi32> to vector<16xi32>
        %add3A_289 = arith.addi %mul3A_285, %get3A_288 : vector<16xi32>
        %add3A_290 = arith.constant 10000 : i32
        %add3A_291 = vector.broadcast %add3A_290 : i32 to vector<16xi32>
        %add3A_292 = arith.addi %add3A_289, %add3A_291 : vector<16xi32>
        %swap3A_293 = arith.constant 48 : index
        %swap3A_294 = tpu.vector_load %arg9[%swap3A_293] {strides = array<i32>} : memref<64xi32, #tpu.memory_space<vmem>>, vector<16xi32>,
        %swap3A_295 = vector.shape_cast %swap3A_294 : vector<16xi32> to vector<16xi32>
        %swap3A_296 = vector.shape_cast %add3A_292 : vector<16xi32> to vector<16xi32>
        tpu.vector_store %arg9[%swap3A_293], %swap3A_296 {strides = array<i32>} : memref<64xi32, #tpu.memory_space<vmem>>, vector<16xi32>,
        %get3A_297 = arith.constant 128 : index
        %get3A_298 = tpu.vector_load %arg6[%get3A_297] {strides = array<i32>} : memref<288xi32, #tpu.memory_space<vmem>>, vector<16xi32>,
        %get3A_299 = vector.shape_cast %get3A_298 : vector<16xi32> to vector<16xi32>
        %mul3A_300 = arith.constant 100 : i32
        %mul3A_301 = vector.broadcast %mul3A_300 : i32 to vector<16xi32>
        %mul3A_302 = arith.muli %get3A_299, %mul3A_301 : vector<16xi32>
        %get3A_303 = arith.constant 160 : index
        %get3A_304 = tpu.vector_load %arg6[%get3A_303] {strides = array<i32>} : memref<288xi32, #tpu.memory_space<vmem>>, vector<16xi32>,
        %get3A_305 = vector.shape_cast %get3A_304 : vector<16xi32> to vector<16xi32>
        %add3A_306 = arith.addi %mul3A_302, %get3A_305 : vector<16xi32>
        %add3A_307 = arith.constant 20000 : i32
        %add3A_308 = vector.broadcast %add3A_307 : i32 to vector<16xi32>
        %add3A_309 = arith.addi %add3A_306, %add3A_308 : vector<16xi32>
        %swap3A_310 = arith.constant 0 : index
        %swap3A_311 = tpu.vector_load %arg10[%swap3A_310] {strides = array<i32>} : memref<96xi32, #tpu.memory_space<vmem>>, vector<16xi32>,
        %swap3A_312 = vector.shape_cast %swap3A_311 : vector<16xi32> to vector<16xi32>
        %swap3A_313 = vector.shape_cast %add3A_309 : vector<16xi32> to vector<16xi32>
        tpu.vector_store %arg10[%swap3A_310], %swap3A_313 {strides = array<i32>} : memref<96xi32, #tpu.memory_space<vmem>>, vector<16xi32>,
        %get3A_314 = arith.constant 144 : index
        %get3A_315 = tpu.vector_load %arg6[%get3A_314] {strides = array<i32>} : memref<288xi32, #tpu.memory_space<vmem>>, vector<16xi32>,
        %get3A_316 = vector.shape_cast %get3A_315 : vector<16xi32> to vector<16xi32>
        %mul3A_317 = arith.constant 100 : i32
        %mul3A_318 = vector.broadcast %mul3A_317 : i32 to vector<16xi32>
        %mul3A_319 = arith.muli %get3A_316, %mul3A_318 : vector<16xi32>
        %get3A_320 = arith.constant 176 : index
        %get3A_321 = tpu.vector_load %arg6[%get3A_320] {strides = array<i32>} : memref<288xi32, #tpu.memory_space<vmem>>, vector<16xi32>,
        %get3A_322 = vector.shape_cast %get3A_321 : vector<16xi32> to vector<16xi32>
        %add3A_323 = arith.addi %mul3A_319, %get3A_322 : vector<16xi32>
        %add3A_324 = arith.constant 20000 : i32
        %add3A_325 = vector.broadcast %add3A_324 : i32 to vector<16xi32>
        %add3A_326 = arith.addi %add3A_323, %add3A_325 : vector<16xi32>
        %swap3A_327 = arith.constant 16 : index
        %swap3A_328 = tpu.vector_load %arg10[%swap3A_327] {strides = array<i32>} : memref<96xi32, #tpu.memory_space<vmem>>, vector<16xi32>,
        %swap3A_329 = vector.shape_cast %swap3A_328 : vector<16xi32> to vector<16xi32>
        %swap3A_330 = vector.shape_cast %add3A_326 : vector<16xi32> to vector<16xi32>
        tpu.vector_store %arg10[%swap3A_327], %swap3A_330 {strides = array<i32>} : memref<96xi32, #tpu.memory_space<vmem>>, vector<16xi32>,
        %get3A_331 = arith.constant 192 : index
        %get3A_332 = tpu.vector_load %arg6[%get3A_331] {strides = array<i32>} : memref<288xi32, #tpu.memory_space<vmem>>, vector<16xi32>,
        %get3A_333 = vector.shape_cast %get3A_332 : vector<16xi32> to vector<16xi32>
        %mul3A_334 = arith.constant 100 : i32
        %mul3A_335 = vector.broadcast %mul3A_334 : i32 to vector<16xi32>
        %mul3A_336 = arith.muli %get3A_333, %mul3A_335 : vector<16xi32>
        %get3A_337 = arith.constant 224 : index
        %get3A_338 = tpu.vector_load %arg6[%get3A_337] {strides = array<i32>} : memref<288xi32, #tpu.memory_space<vmem>>, vector<16xi32>,
        %get3A_339 = vector.shape_cast %get3A_338 : vector<16xi32> to vector<16xi32>
        %add3A_340 = arith.addi %mul3A_336, %get3A_339 : vector<16xi32>
        %add3A_341 = arith.constant 30000 : i32
        %add3A_342 = vector.broadcast %add3A_341 : i32 to vector<16xi32>
        %add3A_343 = arith.addi %add3A_340, %add3A_342 : vector<16xi32>
        %swap3A_344 = arith.constant 32 : index
        %swap3A_345 = tpu.vector_load %arg10[%swap3A_344] {strides = array<i32>} : memref<96xi32, #tpu.memory_space<vmem>>, vector<16xi32>,
        %swap3A_346 = vector.shape_cast %swap3A_345 : vector<16xi32> to vector<16xi32>
        %swap3A_347 = vector.shape_cast %add3A_343 : vector<16xi32> to vector<16xi32>
        tpu.vector_store %arg10[%swap3A_344], %swap3A_347 {strides = array<i32>} : memref<96xi32, #tpu.memory_space<vmem>>, vector<16xi32>,
        %get3A_348 = arith.constant 208 : index
        %get3A_349 = tpu.vector_load %arg6[%get3A_348] {strides = array<i32>} : memref<288xi32, #tpu.memory_space<vmem>>, vector<16xi32>,
        %get3A_350 = vector.shape_cast %get3A_349 : vector<16xi32> to vector<16xi32>
        %mul3A_351 = arith.constant 100 : i32
        %mul3A_352 = vector.broadcast %mul3A_351 : i32 to vector<16xi32>
        %mul3A_353 = arith.muli %get3A_350, %mul3A_352 : vector<16xi32>
        %get3A_354 = arith.constant 240 : index
        %get3A_355 = tpu.vector_load %arg6[%get3A_354] {strides = array<i32>} : memref<288xi32, #tpu.memory_space<vmem>>, vector<16xi32>,
        %get3A_356 = vector.shape_cast %get3A_355 : vector<16xi32> to vector<16xi32>
        %add3A_357 = arith.addi %mul3A_353, %get3A_356 : vector<16xi32>
        %add3A_358 = arith.constant 30000 : i32
        %add3A_359 = vector.broadcast %add3A_358 : i32 to vector<16xi32>
        %add3A_360 = arith.addi %add3A_357, %add3A_359 : vector<16xi32>
        %swap3A_361 = arith.constant 48 : index
        %swap3A_362 = tpu.vector_load %arg10[%swap3A_361] {strides = array<i32>} : memref<96xi32, #tpu.memory_space<vmem>>, vector<16xi32>,
        %swap3A_363 = vector.shape_cast %swap3A_362 : vector<16xi32> to vector<16xi32>
        %swap3A_364 = vector.shape_cast %add3A_360 : vector<16xi32> to vector<16xi32>
        tpu.vector_store %arg10[%swap3A_361], %swap3A_364 {strides = array<i32>} : memref<96xi32, #tpu.memory_space<vmem>>, vector<16xi32>,
        %get3A_365 = arith.constant 256 : index
        %get3A_366 = tpu.vector_load %arg6[%get3A_365] {strides = array<i32>} : memref<288xi32, #tpu.memory_space<vmem>>, vector<16xi32>,
        %get3A_367 = vector.shape_cast %get3A_366 : vector<16xi32> to vector<16xi32>
        %add3A_368 = arith.constant 40000 : i32
        %add3A_369 = vector.broadcast %add3A_368 : i32 to vector<16xi32>
        %add3A_370 = arith.addi %get3A_367, %add3A_369 : vector<16xi32>
        %swap3A_371 = arith.constant 64 : index
        %swap3A_372 = tpu.vector_load %arg10[%swap3A_371] {strides = array<i32>} : memref<96xi32, #tpu.memory_space<vmem>>, vector<16xi32>,
        %swap3A_373 = vector.shape_cast %swap3A_372 : vector<16xi32> to vector<16xi32>
        %swap3A_374 = vector.shape_cast %add3A_370 : vector<16xi32> to vector<16xi32>
        tpu.vector_store %arg10[%swap3A_371], %swap3A_374 {strides = array<i32>} : memref<96xi32, #tpu.memory_space<vmem>>, vector<16xi32>,
        %get3A_375 = arith.constant 272 : index
        %get3A_376 = tpu.vector_load %arg6[%get3A_375] {strides = array<i32>} : memref<288xi32, #tpu.memory_space<vmem>>, vector<16xi32>,
        %get3A_377 = vector.shape_cast %get3A_376 : vector<16xi32> to vector<16xi32>
        %add3A_378 = arith.constant 40000 : i32
        %add3A_379 = vector.broadcast %add3A_378 : i32 to vector<16xi32>
        %add3A_380 = arith.addi %get3A_377, %add3A_379 : vector<16xi32>
        %swap3A_381 = arith.constant 80 : index
        %swap3A_382 = tpu.vector_load %arg10[%swap3A_381] {strides = array<i32>} : memref<96xi32, #tpu.memory_space<vmem>>, vector<16xi32>,
        %swap3A_383 = vector.shape_cast %swap3A_382 : vector<16xi32> to vector<16xi32>
        %swap3A_384 = vector.shape_cast %add3A_380 : vector<16xi32> to vector<16xi32>
        tpu.vector_store %arg10[%swap3A_381], %swap3A_384 {strides = array<i32>} : memref<96xi32, #tpu.memory_space<vmem>>, vector<16xi32>,
        %dma_start3A_385 = arith.constant 0 : i32
        %dma_start3A_386 = arith.constant 0 : i32
        %dma_start3A_387 = tpu.memref_slice %arg12[%dma_start3A_385, %dma_start3A_386] : memref<160x256xf32, #tpu.memory_space<vmem>> -> memref<64x256xf32, #tpu.memory_space<vmem>>
        %dma_start3A_388 = arith.constant 0 : i32
        %dma_start3A_389 = arith.constant 0 : i32
        %dma_start3A_390 = tpu.memref_slice %arg3[%dma_start3A_388, %dma_start3A_389] : memref<40100x256xf32, #tpu.memory_space<hbm>> -> memref<40100x256xf32, #tpu.memory_space<hbm>>
        tpu.enqueue_indirect_dma source(%dma_start3A_390 : memref<40100x256xf32, #tpu.memory_space<hbm>>) target(%dma_start3A_387 : memref<64x256xf32, #tpu.memory_space<vmem>>) offsets(%arg9 : memref<64xi32, #tpu.memory_space<vmem>>) semaphore(%arg16 : memref<!tpu.dma_semaphore, #tpu.memory_space<semaphore_mem>>)
        %dma_start3A_391 = arith.constant 64 : i32
        %dma_start3A_392 = arith.constant 0 : i32
        %dma_start3A_393 = tpu.memref_slice %arg12[%dma_start3A_391, %dma_start3A_392] : memref<160x256xf32, #tpu.memory_space<vmem>> -> memref<96x256xf32, #tpu.memory_space<vmem>>
        %dma_start3A_394 = arith.constant 0 : i32
        %dma_start3A_395 = arith.constant 0 : i32
        %dma_start3A_396 = tpu.memref_slice %arg3[%dma_start3A_394, %dma_start3A_395] : memref<40100x256xf32, #tpu.memory_space<hbm>> -> memref<40100x256xf32, #tpu.memory_space<hbm>>
        tpu.enqueue_indirect_dma source(%dma_start3A_396 : memref<40100x256xf32, #tpu.memory_space<hbm>>) target(%dma_start3A_393 : memref<96x256xf32, #tpu.memory_space<vmem>>) offsets(%arg10 : memref<96xi32, #tpu.memory_space<vmem>>) semaphore(%arg16 : memref<!tpu.dma_semaphore, #tpu.memory_space<semaphore_mem>>)
      } else {
      }
      %convert_element_type3A_210 = arith.extui %lt3A_198 : i1 to i32
      %cond3A_211 = arith.constant 0 : i32
      %cond3A_212 = arith.cmpi ne, %convert_element_type3A_210, %cond3A_211 : i32
      scf.if %cond3A_212 {
        %gt3A = arith.constant 0 : i32
        %gt3A_225 = arith.cmpi sgt, %scan3A_190, %gt3A : i32
        %convert_element_type3A_226 = arith.extui %gt3A_225 : i1 to i32
        %cond3A_227 = arith.constant 0 : i32
        %cond3A_228 = arith.cmpi ne, %convert_element_type3A_226, %cond3A_227 : i32
        scf.if %cond3A_228 {
          %dma_wait3A_241 = arith.constant 0 : i32
          %dma_wait3A_242 = arith.constant 0 : i32
          %dma_wait3A_243 = tpu.memref_slice %arg4[%dma_wait3A_241, %dma_wait3A_242] : memref<70048x256xf32, #tpu.memory_space<hbm>> -> memref<32x256xf32, #tpu.memory_space<hbm>>
          %dma_wait3A_244 = arith.constant 0 : i32
          %dma_wait3A_245 = arith.constant 0 : i32
          %dma_wait3A_246 = tpu.memref_slice %arg4[%dma_wait3A_244, %dma_wait3A_245] : memref<70048x256xf32, #tpu.memory_space<hbm>> -> memref<32x256xf32, #tpu.memory_space<hbm>>
          tpu.wait_dma2 semaphore(%arg17 : memref<!tpu.dma_semaphore, #tpu.memory_space<semaphore_mem>>) src(%arg13 : memref<32x256xf32, #tpu.memory_space<vmem>>) dst(%dma_wait3A_246 : memref<32x256xf32, #tpu.memory_space<hbm>>)
        } else {
        }
        %scan3A_229 = arith.constant 0 : i32
        %scan3A_230 = arith.constant 0 : i32
        %scan3A_231 = arith.constant 16 : i32
        %scan3A_232 = arith.addi %scan3A_230, %scan3A_231 : i32
        %scan3A_233 = arith.constant 1 : i32
        scf.for %scan3A_241 = %scan3A_230 to %scan3A_232 step %scan3A_233  : i32 {
          %mul3A_242 = arith.constant 2 : i32
          %mul3A_243 = arith.muli %mul3A_242, %scan3A_241 : i32
          %mul3A_244 = arith.constant 2 : i32
          %mul3A_245 = arith.muli %mul3A_244, %scan3A_241 : i32
          %add3A_246 = arith.constant 1 : i32
          %add3A_247 = arith.addi %mul3A_245, %add3A_246 : i32
          %get3A_248 = arith.index_cast %mul3A_243 : i32 to index
          %get3A_249 = arith.constant 0 : index
          %get3A_250 = tpu.vector_load %arg11[%get3A_248, %get3A_249] {strides = array<i32>} : memref<160x256xf32, #tpu.memory_space<vmem>>, vector<1x16xf32>,
          %get3A_251 = vector.shape_cast %get3A_250 : vector<1x16xf32> to vector<16xf32>
          %add3A_252 = arith.constant 32 : i32
          %add3A_253 = arith.addi %add3A_252, %mul3A_243 : i32
          %get3A_254 = arith.index_cast %add3A_253 : i32 to index
          %get3A_255 = arith.constant 0 : index
          %get3A_256 = tpu.vector_load %arg11[%get3A_254, %get3A_255] {strides = array<i32>} : memref<160x256xf32, #tpu.memory_space<vmem>>, vector<1x16xf32>,
          %get3A_257 = vector.shape_cast %get3A_256 : vector<1x16xf32> to vector<16xf32>
          %add3A_258 = arith.addf %get3A_251, %get3A_257 : vector<16xf32>
          %add3A_259 = arith.constant 64 : i32
          %add3A_260 = arith.addi %add3A_259, %mul3A_243 : i32
          %get3A_261 = arith.index_cast %add3A_260 : i32 to index
          %get3A_262 = arith.constant 0 : index
          %get3A_263 = tpu.vector_load %arg11[%get3A_261, %get3A_262] {strides = array<i32>} : memref<160x256xf32, #tpu.memory_space<vmem>>, vector<1x16xf32>,
          %get3A_264 = vector.shape_cast %get3A_263 : vector<1x16xf32> to vector<16xf32>
          %add3A_265 = arith.constant 96 : i32
          %add3A_266 = arith.addi %add3A_265, %mul3A_243 : i32
          %get3A_267 = arith.index_cast %add3A_266 : i32 to index
          %get3A_268 = arith.constant 0 : index
          %get3A_269 = tpu.vector_load %arg11[%get3A_267, %get3A_268] {strides = array<i32>} : memref<160x256xf32, #tpu.memory_space<vmem>>, vector<1x16xf32>,
          %get3A_270 = vector.shape_cast %get3A_269 : vector<1x16xf32> to vector<16xf32>
          %add3A_271 = arith.addf %get3A_264, %get3A_270 : vector<16xf32>
          %add3A_272 = arith.addf %add3A_258, %add3A_271 : vector<16xf32>
          %add3A_273 = arith.constant 128 : i32
          %add3A_274 = arith.addi %add3A_273, %mul3A_243 : i32
          %get3A_275 = arith.index_cast %add3A_274 : i32 to index
          %get3A_276 = arith.constant 0 : index
          %get3A_277 = tpu.vector_load %arg11[%get3A_275, %get3A_276] {strides = array<i32>} : memref<160x256xf32, #tpu.memory_space<vmem>>, vector<1x16xf32>,
          %get3A_278 = vector.shape_cast %get3A_277 : vector<1x16xf32> to vector<16xf32>
          %add3A_279 = arith.addf %add3A_272, %get3A_278 : vector<16xf32>
          %swap3A_280 = arith.index_cast %mul3A_243 : i32 to index
          %swap3A_281 = arith.constant 0 : index
          %swap3A_282 = tpu.vector_load %arg13[%swap3A_280, %swap3A_281] {strides = array<i32>} : memref<32x256xf32, #tpu.memory_space<vmem>>, vector<1x16xf32>,
          %swap3A_283 = vector.shape_cast %swap3A_282 : vector<1x16xf32> to vector<16xf32>
          %swap3A_284 = vector.shape_cast %add3A_279 : vector<16xf32> to vector<1x16xf32>
          tpu.vector_store %arg13[%swap3A_280, %swap3A_281], %swap3A_284 {strides = array<i32>} : memref<32x256xf32, #tpu.memory_space<vmem>>, vector<1x16xf32>,
          %get3A_285 = arith.index_cast %mul3A_243 : i32 to index
          %get3A_286 = arith.constant 16 : index
          %get3A_287 = tpu.vector_load %arg11[%get3A_285, %get3A_286] {strides = array<i32>} : memref<160x256xf32, #tpu.memory_space<vmem>>, vector<1x16xf32>,
          %get3A_288 = vector.shape_cast %get3A_287 : vector<1x16xf32> to vector<16xf32>
          %add3A_289 = arith.constant 32 : i32
          %add3A_290 = arith.addi %add3A_289, %mul3A_243 : i32
          %get3A_291 = arith.index_cast %add3A_290 : i32 to index
          %get3A_292 = arith.constant 16 : index
          %get3A_293 = tpu.vector_load %arg11[%get3A_291, %get3A_292] {strides = array<i32>} : memref<160x256xf32, #tpu.memory_space<vmem>>, vector<1x16xf32>,
          %get3A_294 = vector.shape_cast %get3A_293 : vector<1x16xf32> to vector<16xf32>
          %add3A_295 = arith.addf %get3A_288, %get3A_294 : vector<16xf32>
          %add3A_296 = arith.constant 64 : i32
          %add3A_297 = arith.addi %add3A_296, %mul3A_243 : i32
          %get3A_298 = arith.index_cast %add3A_297 : i32 to index
          %get3A_299 = arith.constant 16 : index
          %get3A_300 = tpu.vector_load %arg11[%get3A_298, %get3A_299] {strides = array<i32>} : memref<160x256xf32, #tpu.memory_space<vmem>>, vector<1x16xf32>,
          %get3A_301 = vector.shape_cast %get3A_300 : vector<1x16xf32> to vector<16xf32>
          %add3A_302 = arith.constant 96 : i32
          %add3A_303 = arith.addi %add3A_302, %mul3A_243 : i32
          %get3A_304 = arith.index_cast %add3A_303 : i32 to index
          %get3A_305 = arith.constant 16 : index
          %get3A_306 = tpu.vector_load %arg11[%get3A_304, %get3A_305] {strides = array<i32>} : memref<160x256xf32, #tpu.memory_space<vmem>>, vector<1x16xf32>,
          %get3A_307 = vector.shape_cast %get3A_306 : vector<1x16xf32> to vector<16xf32>
          %add3A_308 = arith.addf %get3A_301, %get3A_307 : vector<16xf32>
          %add3A_309 = arith.addf %add3A_295, %add3A_308 : vector<16xf32>
          %add3A_310 = arith.constant 128 : i32
          %add3A_311 = arith.addi %add3A_310, %mul3A_243 : i32
          %get3A_312 = arith.index_cast %add3A_311 : i32 to index
          %get3A_313 = arith.constant 16 : index
          %get3A_314 = tpu.vector_load %arg11[%get3A_312, %get3A_313] {strides = array<i32>} : memref<160x256xf32, #tpu.memory_space<vmem>>, vector<1x16xf32>,
          %get3A_315 = vector.shape_cast %get3A_314 : vector<1x16xf32> to vector<16xf32>
          %add3A_316 = arith.addf %add3A_309, %get3A_315 : vector<16xf32>
          %swap3A_317 = arith.index_cast %mul3A_243 : i32 to index
          %swap3A_318 = arith.constant 16 : index
          %swap3A_319 = tpu.vector_load %arg13[%swap3A_317, %swap3A_318] {strides = array<i32>} : memref<32x256xf32, #tpu.memory_space<vmem>>, vector<1x16xf32>,
          %swap3A_320 = vector.shape_cast %swap3A_319 : vector<1x16xf32> to vector<16xf32>
          %swap3A_321 = vector.shape_cast %add3A_316 : vector<16xf32> to vector<1x16xf32>
          tpu.vector_store %arg13[%swap3A_317, %swap3A_318], %swap3A_321 {strides = array<i32>} : memref<32x256xf32, #tpu.memory_space<vmem>>, vector<1x16xf32>,
          %get3A_322 = arith.index_cast %mul3A_243 : i32 to index
          %get3A_323 = arith.constant 32 : index
          %get3A_324 = tpu.vector_load %arg11[%get3A_322, %get3A_323] {strides = array<i32>} : memref<160x256xf32, #tpu.memory_space<vmem>>, vector<1x16xf32>,
          %get3A_325 = vector.shape_cast %get3A_324 : vector<1x16xf32> to vector<16xf32>
          %add3A_326 = arith.constant 32 : i32
          %add3A_327 = arith.addi %add3A_326, %mul3A_243 : i32
          %get3A_328 = arith.index_cast %add3A_327 : i32 to index
          %get3A_329 = arith.constant 32 : index
          %get3A_330 = tpu.vector_load %arg11[%get3A_328, %get3A_329] {strides = array<i32>} : memref<160x256xf32, #tpu.memory_space<vmem>>, vector<1x16xf32>,
          %get3A_331 = vector.shape_cast %get3A_330 : vector<1x16xf32> to vector<16xf32>
          %add3A_332 = arith.addf %get3A_325, %get3A_331 : vector<16xf32>
          %add3A_333 = arith.constant 64 : i32
          %add3A_334 = arith.addi %add3A_333, %mul3A_243 : i32
          %get3A_335 = arith.index_cast %add3A_334 : i32 to index
          %get3A_336 = arith.constant 32 : index
          %get3A_337 = tpu.vector_load %arg11[%get3A_335, %get3A_336] {strides = array<i32>} : memref<160x256xf32, #tpu.memory_space<vmem>>, vector<1x16xf32>,
          %get3A_338 = vector.shape_cast %get3A_337 : vector<1x16xf32> to vector<16xf32>
          %add3A_339 = arith.constant 96 : i32
          %add3A_340 = arith.addi %add3A_339, %mul3A_243 : i32
          %get3A_341 = arith.index_cast %add3A_340 : i32 to index
          %get3A_342 = arith.constant 32 : index
          %get3A_343 = tpu.vector_load %arg11[%get3A_341, %get3A_342] {strides = array<i32>} : memref<160x256xf32, #tpu.memory_space<vmem>>, vector<1x16xf32>,
          %get3A_344 = vector.shape_cast %get3A_343 : vector<1x16xf32> to vector<16xf32>
          %add3A_345 = arith.addf %get3A_338, %get3A_344 : vector<16xf32>
          %add3A_346 = arith.addf %add3A_332, %add3A_345 : vector<16xf32>
          %add3A_347 = arith.constant 128 : i32
          %add3A_348 = arith.addi %add3A_347, %mul3A_243 : i32
          %get3A_349 = arith.index_cast %add3A_348 : i32 to index
          %get3A_350 = arith.constant 32 : index
          %get3A_351 = tpu.vector_load %arg11[%get3A_349, %get3A_350] {strides = array<i32>} : memref<160x256xf32, #tpu.memory_space<vmem>>, vector<1x16xf32>,
          %get3A_352 = vector.shape_cast %get3A_351 : vector<1x16xf32> to vector<16xf32>
          %add3A_353 = arith.addf %add3A_346, %get3A_352 : vector<16xf32>
          %swap3A_354 = arith.index_cast %mul3A_243 : i32 to index
          %swap3A_355 = arith.constant 32 : index
          %swap3A_356 = tpu.vector_load %arg13[%swap3A_354, %swap3A_355] {strides = array<i32>} : memref<32x256xf32, #tpu.memory_space<vmem>>, vector<1x16xf32>,
          %swap3A_357 = vector.shape_cast %swap3A_356 : vector<1x16xf32> to vector<16xf32>
          %swap3A_358 = vector.shape_cast %add3A_353 : vector<16xf32> to vector<1x16xf32>
          tpu.vector_store %arg13[%swap3A_354, %swap3A_355], %swap3A_358 {strides = array<i32>} : memref<32x256xf32, #tpu.memory_space<vmem>>, vector<1x16xf32>,
          %get3A_359 = arith.index_cast %mul3A_243 : i32 to index
          %get3A_360 = arith.constant 48 : index
          %get3A_361 = tpu.vector_load %arg11[%get3A_359, %get3A_360] {strides = array<i32>} : memref<160x256xf32, #tpu.memory_space<vmem>>, vector<1x16xf32>,
          %get3A_362 = vector.shape_cast %get3A_361 : vector<1x16xf32> to vector<16xf32>
          %add3A_363 = arith.constant 32 : i32
          %add3A_364 = arith.addi %add3A_363, %mul3A_243 : i32
          %get3A_365 = arith.index_cast %add3A_364 : i32 to index
          %get3A_366 = arith.constant 48 : index
          %get3A_367 = tpu.vector_load %arg11[%get3A_365, %get3A_366] {strides = array<i32>} : memref<160x256xf32, #tpu.memory_space<vmem>>, vector<1x16xf32>,
          %get3A_368 = vector.shape_cast %get3A_367 : vector<1x16xf32> to vector<16xf32>
          %add3A_369 = arith.addf %get3A_362, %get3A_368 : vector<16xf32>
          %add3A_370 = arith.constant 64 : i32
          %add3A_371 = arith.addi %add3A_370, %mul3A_243 : i32
          %get3A_372 = arith.index_cast %add3A_371 : i32 to index
          %get3A_373 = arith.constant 48 : index
          %get3A_374 = tpu.vector_load %arg11[%get3A_372, %get3A_373] {strides = array<i32>} : memref<160x256xf32, #tpu.memory_space<vmem>>, vector<1x16xf32>,
          %get3A_375 = vector.shape_cast %get3A_374 : vector<1x16xf32> to vector<16xf32>
          %add3A_376 = arith.constant 96 : i32
          %add3A_377 = arith.addi %add3A_376, %mul3A_243 : i32
          %get3A_378 = arith.index_cast %add3A_377 : i32 to index
          %get3A_379 = arith.constant 48 : index
          %get3A_380 = tpu.vector_load %arg11[%get3A_378, %get3A_379] {strides = array<i32>} : memref<160x256xf32, #tpu.memory_space<vmem>>, vector<1x16xf32>,
          %get3A_381 = vector.shape_cast %get3A_380 : vector<1x16xf32> to vector<16xf32>
          %add3A_382 = arith.addf %get3A_375, %get3A_381 : vector<16xf32>
          %add3A_383 = arith.addf %add3A_369, %add3A_382 : vector<16xf32>
          %add3A_384 = arith.constant 128 : i32
          %add3A_385 = arith.addi %add3A_384, %mul3A_243 : i32
          %get3A_386 = arith.index_cast %add3A_385 : i32 to index
          %get3A_387 = arith.constant 48 : index
          %get3A_388 = tpu.vector_load %arg11[%get3A_386, %get3A_387] {strides = array<i32>} : memref<160x256xf32, #tpu.memory_space<vmem>>, vector<1x16xf32>,
          %get3A_389 = vector.shape_cast %get3A_388 : vector<1x16xf32> to vector<16xf32>
          %add3A_390 = arith.addf %add3A_383, %get3A_389 : vector<16xf32>
          %swap3A_391 = arith.index_cast %mul3A_243 : i32 to index
          %swap3A_392 = arith.constant 48 : index
          %swap3A_393 = tpu.vector_load %arg13[%swap3A_391, %swap3A_392] {strides = array<i32>} : memref<32x256xf32, #tpu.memory_space<vmem>>, vector<1x16xf32>,
          %swap3A_394 = vector.shape_cast %swap3A_393 : vector<1x16xf32> to vector<16xf32>
          %swap3A_395 = vector.shape_cast %add3A_390 : vector<16xf32> to vector<1x16xf32>
          tpu.vector_store %arg13[%swap3A_391, %swap3A_392], %swap3A_395 {strides = array<i32>} : memref<32x256xf32, #tpu.memory_space<vmem>>, vector<1x16xf32>,
          %get3A_396 = arith.index_cast %mul3A_243 : i32 to index
          %get3A_397 = arith.constant 64 : index
          %get3A_398 = tpu.vector_load %arg11[%get3A_396, %get3A_397] {strides = array<i32>} : memref<160x256xf32, #tpu.memory_space<vmem>>, vector<1x16xf32>,
          %get3A_399 = vector.shape_cast %get3A_398 : vector<1x16xf32> to vector<16xf32>
          %add3A_400 = arith.constant 32 : i32
          %add3A_401 = arith.addi %add3A_400, %mul3A_243 : i32
          %get3A_402 = arith.index_cast %add3A_401 : i32 to index
          %get3A_403 = arith.constant 64 : index
          %get3A_404 = tpu.vector_load %arg11[%get3A_402, %get3A_403] {strides = array<i32>} : memref<160x256xf32, #tpu.memory_space<vmem>>, vector<1x16xf32>,
          %get3A_405 = vector.shape_cast %get3A_404 : vector<1x16xf32> to vector<16xf32>
          %add3A_406 = arith.addf %get3A_399, %get3A_405 : vector<16xf32>
          %add3A_407 = arith.constant 64 : i32
          %add3A_408 = arith.addi %add3A_407, %mul3A_243 : i32
          %get3A_409 = arith.index_cast %add3A_408 : i32 to index
          %get3A_410 = arith.constant 64 : index
          %get3A_411 = tpu.vector_load %arg11[%get3A_409, %get3A_410] {strides = array<i32>} : memref<160x256xf32, #tpu.memory_space<vmem>>, vector<1x16xf32>,
          %get3A_412 = vector.shape_cast %get3A_411 : vector<1x16xf32> to vector<16xf32>
          %add3A_413 = arith.constant 96 : i32
          %add3A_414 = arith.addi %add3A_413, %mul3A_243 : i32
          %get3A_415 = arith.index_cast %add3A_414 : i32 to index
          %get3A_416 = arith.constant 64 : index
          %get3A_417 = tpu.vector_load %arg11[%get3A_415, %get3A_416] {strides = array<i32>} : memref<160x256xf32, #tpu.memory_space<vmem>>, vector<1x16xf32>,
          %get3A_418 = vector.shape_cast %get3A_417 : vector<1x16xf32> to vector<16xf32>
          %add3A_419 = arith.addf %get3A_412, %get3A_418 : vector<16xf32>
          %add3A_420 = arith.addf %add3A_406, %add3A_419 : vector<16xf32>
          %add3A_421 = arith.constant 128 : i32
          %add3A_422 = arith.addi %add3A_421, %mul3A_243 : i32
          %get3A_423 = arith.index_cast %add3A_422 : i32 to index
          %get3A_424 = arith.constant 64 : index
          %get3A_425 = tpu.vector_load %arg11[%get3A_423, %get3A_424] {strides = array<i32>} : memref<160x256xf32, #tpu.memory_space<vmem>>, vector<1x16xf32>,
          %get3A_426 = vector.shape_cast %get3A_425 : vector<1x16xf32> to vector<16xf32>
          %add3A_427 = arith.addf %add3A_420, %get3A_426 : vector<16xf32>
          %swap3A_428 = arith.index_cast %mul3A_243 : i32 to index
          %swap3A_429 = arith.constant 64 : index
          %swap3A_430 = tpu.vector_load %arg13[%swap3A_428, %swap3A_429] {strides = array<i32>} : memref<32x256xf32, #tpu.memory_space<vmem>>, vector<1x16xf32>,
          %swap3A_431 = vector.shape_cast %swap3A_430 : vector<1x16xf32> to vector<16xf32>
          %swap3A_432 = vector.shape_cast %add3A_427 : vector<16xf32> to vector<1x16xf32>
          tpu.vector_store %arg13[%swap3A_428, %swap3A_429], %swap3A_432 {strides = array<i32>} : memref<32x256xf32, #tpu.memory_space<vmem>>, vector<1x16xf32>,
          %get3A_433 = arith.index_cast %mul3A_243 : i32 to index
          %get3A_434 = arith.constant 80 : index
          %get3A_435 = tpu.vector_load %arg11[%get3A_433, %get3A_434] {strides = array<i32>} : memref<160x256xf32, #tpu.memory_space<vmem>>, vector<1x16xf32>,
          %get3A_436 = vector.shape_cast %get3A_435 : vector<1x16xf32> to vector<16xf32>
          %add3A_437 = arith.constant 32 : i32
          %add3A_438 = arith.addi %add3A_437, %mul3A_243 : i32
          %get3A_439 = arith.index_cast %add3A_438 : i32 to index
          %get3A_440 = arith.constant 80 : index
          %get3A_441 = tpu.vector_load %arg11[%get3A_439, %get3A_440] {strides = array<i32>} : memref<160x256xf32, #tpu.memory_space<vmem>>, vector<1x16xf32>,
          %get3A_442 = vector.shape_cast %get3A_441 : vector<1x16xf32> to vector<16xf32>
          %add3A_443 = arith.addf %get3A_436, %get3A_442 : vector<16xf32>
          %add3A_444 = arith.constant 64 : i32
          %add3A_445 = arith.addi %add3A_444, %mul3A_243 : i32
          %get3A_446 = arith.index_cast %add3A_445 : i32 to index
          %get3A_447 = arith.constant 80 : index
          %get3A_448 = tpu.vector_load %arg11[%get3A_446, %get3A_447] {strides = array<i32>} : memref<160x256xf32, #tpu.memory_space<vmem>>, vector<1x16xf32>,
          %get3A_449 = vector.shape_cast %get3A_448 : vector<1x16xf32> to vector<16xf32>
          %add3A_450 = arith.constant 96 : i32
          %add3A_451 = arith.addi %add3A_450, %mul3A_243 : i32
          %get3A_452 = arith.index_cast %add3A_451 : i32 to index
          %get3A_453 = arith.constant 80 : index
          %get3A_454 = tpu.vector_load %arg11[%get3A_452, %get3A_453] {strides = array<i32>} : memref<160x256xf32, #tpu.memory_space<vmem>>, vector<1x16xf32>,
          %get3A_455 = vector.shape_cast %get3A_454 : vector<1x16xf32> to vector<16xf32>
          %add3A_456 = arith.addf %get3A_449, %get3A_455 : vector<16xf32>
          %add3A_457 = arith.addf %add3A_443, %add3A_456 : vector<16xf32>
          %add3A_458 = arith.constant 128 : i32
          %add3A_459 = arith.addi %add3A_458, %mul3A_243 : i32
          %get3A_460 = arith.index_cast %add3A_459 : i32 to index
          %get3A_461 = arith.constant 80 : index
          %get3A_462 = tpu.vector_load %arg11[%get3A_460, %get3A_461] {strides = array<i32>} : memref<160x256xf32, #tpu.memory_space<vmem>>, vector<1x16xf32>,
          %get3A_463 = vector.shape_cast %get3A_462 : vector<1x16xf32> to vector<16xf32>
          %add3A_464 = arith.addf %add3A_457, %get3A_463 : vector<16xf32>
          %swap3A_465 = arith.index_cast %mul3A_243 : i32 to index
          %swap3A_466 = arith.constant 80 : index
          %swap3A_467 = tpu.vector_load %arg13[%swap3A_465, %swap3A_466] {strides = array<i32>} : memref<32x256xf32, #tpu.memory_space<vmem>>, vector<1x16xf32>,
          %swap3A_468 = vector.shape_cast %swap3A_467 : vector<1x16xf32> to vector<16xf32>
          %swap3A_469 = vector.shape_cast %add3A_464 : vector<16xf32> to vector<1x16xf32>
          tpu.vector_store %arg13[%swap3A_465, %swap3A_466], %swap3A_469 {strides = array<i32>} : memref<32x256xf32, #tpu.memory_space<vmem>>, vector<1x16xf32>,
          %get3A_470 = arith.index_cast %mul3A_243 : i32 to index
          %get3A_471 = arith.constant 96 : index
          %get3A_472 = tpu.vector_load %arg11[%get3A_470, %get3A_471] {strides = array<i32>} : memref<160x256xf32, #tpu.memory_space<vmem>>, vector<1x16xf32>,
          %get3A_473 = vector.shape_cast %get3A_472 : vector<1x16xf32> to vector<16xf32>
          %add3A_474 = arith.constant 32 : i32
          %add3A_475 = arith.addi %add3A_474, %mul3A_243 : i32
          %get3A_476 = arith.index_cast %add3A_475 : i32 to index
          %get3A_477 = arith.constant 96 : index
          %get3A_478 = tpu.vector_load %arg11[%get3A_476, %get3A_477] {strides = array<i32>} : memref<160x256xf32, #tpu.memory_space<vmem>>, vector<1x16xf32>,
          %get3A_479 = vector.shape_cast %get3A_478 : vector<1x16xf32> to vector<16xf32>
          %add3A_480 = arith.addf %get3A_473, %get3A_479 : vector<16xf32>
          %add3A_481 = arith.constant 64 : i32
          %add3A_482 = arith.addi %add3A_481, %mul3A_243 : i32
          %get3A_483 = arith.index_cast %add3A_482 : i32 to index
          %get3A_484 = arith.constant 96 : index
          %get3A_485 = tpu.vector_load %arg11[%get3A_483, %get3A_484] {strides = array<i32>} : memref<160x256xf32, #tpu.memory_space<vmem>>, vector<1x16xf32>,
          %get3A_486 = vector.shape_cast %get3A_485 : vector<1x16xf32> to vector<16xf32>
          %add3A_487 = arith.constant 96 : i32
          %add3A_488 = arith.addi %add3A_487, %mul3A_243 : i32
          %get3A_489 = arith.index_cast %add3A_488 : i32 to index
          %get3A_490 = arith.constant 96 : index
          %get3A_491 = tpu.vector_load %arg11[%get3A_489, %get3A_490] {strides = array<i32>} : memref<160x256xf32, #tpu.memory_space<vmem>>, vector<1x16xf32>,
          %get3A_492 = vector.shape_cast %get3A_491 : vector<1x16xf32> to vector<16xf32>
          %add3A_493 = arith.addf %get3A_486, %get3A_492 : vector<16xf32>
          %add3A_494 = arith.addf %add3A_480, %add3A_493 : vector<16xf32>
          %add3A_495 = arith.constant 128 : i32
          %add3A_496 = arith.addi %add3A_495, %mul3A_243 : i32
          %get3A_497 = arith.index_cast %add3A_496 : i32 to index
          %get3A_498 = arith.constant 96 : index
          %get3A_499 = tpu.vector_load %arg11[%get3A_497, %get3A_498] {strides = array<i32>} : memref<160x256xf32, #tpu.memory_space<vmem>>, vector<1x16xf32>,
          %get3A_500 = vector.shape_cast %get3A_499 : vector<1x16xf32> to vector<16xf32>
          %add3A_501 = arith.addf %add3A_494, %get3A_500 : vector<16xf32>
          %swap3A_502 = arith.index_cast %mul3A_243 : i32 to index
          %swap3A_503 = arith.constant 96 : index
          %swap3A_504 = tpu.vector_load %arg13[%swap3A_502, %swap3A_503] {strides = array<i32>} : memref<32x256xf32, #tpu.memory_space<vmem>>, vector<1x16xf32>,
          %swap3A_505 = vector.shape_cast %swap3A_504 : vector<1x16xf32> to vector<16xf32>
          %swap3A_506 = vector.shape_cast %add3A_501 : vector<16xf32> to vector<1x16xf32>
          tpu.vector_store %arg13[%swap3A_502, %swap3A_503], %swap3A_506 {strides = array<i32>} : memref<32x256xf32, #tpu.memory_space<vmem>>, vector<1x16xf32>,
          %get3A_507 = arith.index_cast %mul3A_243 : i32 to index
          %get3A_508 = arith.constant 112 : index
          %get3A_509 = tpu.vector_load %arg11[%get3A_507, %get3A_508] {strides = array<i32>} : memref<160x256xf32, #tpu.memory_space<vmem>>, vector<1x16xf32>,
          %get3A_510 = vector.shape_cast %get3A_509 : vector<1x16xf32> to vector<16xf32>
          %add3A_511 = arith.constant 32 : i32
          %add3A_512 = arith.addi %add3A_511, %mul3A_243 : i32
          %get3A_513 = arith.index_cast %add3A_512 : i32 to index
          %get3A_514 = arith.constant 112 : index
          %get3A_515 = tpu.vector_load %arg11[%get3A_513, %get3A_514] {strides = array<i32>} : memref<160x256xf32, #tpu.memory_space<vmem>>, vector<1x16xf32>,
          %get3A_516 = vector.shape_cast %get3A_515 : vector<1x16xf32> to vector<16xf32>
          %add3A_517 = arith.addf %get3A_510, %get3A_516 : vector<16xf32>
          %add3A_518 = arith.constant 64 : i32
          %add3A_519 = arith.addi %add3A_518, %mul3A_243 : i32
          %get3A_520 = arith.index_cast %add3A_519 : i32 to index
          %get3A_521 = arith.constant 112 : index
          %get3A_522 = tpu.vector_load %arg11[%get3A_520, %get3A_521] {strides = array<i32>} : memref<160x256xf32, #tpu.memory_space<vmem>>, vector<1x16xf32>,
          %get3A_523 = vector.shape_cast %get3A_522 : vector<1x16xf32> to vector<16xf32>
          %add3A_524 = arith.constant 96 : i32
          %add3A_525 = arith.addi %add3A_524, %mul3A_243 : i32
          %get3A_526 = arith.index_cast %add3A_525 : i32 to index
          %get3A_527 = arith.constant 112 : index
          %get3A_528 = tpu.vector_load %arg11[%get3A_526, %get3A_527] {strides = array<i32>} : memref<160x256xf32, #tpu.memory_space<vmem>>, vector<1x16xf32>,
          %get3A_529 = vector.shape_cast %get3A_528 : vector<1x16xf32> to vector<16xf32>
          %add3A_530 = arith.addf %get3A_523, %get3A_529 : vector<16xf32>
          %add3A_531 = arith.addf %add3A_517, %add3A_530 : vector<16xf32>
          %add3A_532 = arith.constant 128 : i32
          %add3A_533 = arith.addi %add3A_532, %mul3A_243 : i32
          %get3A_534 = arith.index_cast %add3A_533 : i32 to index
          %get3A_535 = arith.constant 112 : index
          %get3A_536 = tpu.vector_load %arg11[%get3A_534, %get3A_535] {strides = array<i32>} : memref<160x256xf32, #tpu.memory_space<vmem>>, vector<1x16xf32>,
          %get3A_537 = vector.shape_cast %get3A_536 : vector<1x16xf32> to vector<16xf32>
          %add3A_538 = arith.addf %add3A_531, %get3A_537 : vector<16xf32>
          %swap3A_539 = arith.index_cast %mul3A_243 : i32 to index
          %swap3A_540 = arith.constant 112 : index
          %swap3A_541 = tpu.vector_load %arg13[%swap3A_539, %swap3A_540] {strides = array<i32>} : memref<32x256xf32, #tpu.memory_space<vmem>>, vector<1x16xf32>,
          %swap3A_542 = vector.shape_cast %swap3A_541 : vector<1x16xf32> to vector<16xf32>
          %swap3A_543 = vector.shape_cast %add3A_538 : vector<16xf32> to vector<1x16xf32>
          tpu.vector_store %arg13[%swap3A_539, %swap3A_540], %swap3A_543 {strides = array<i32>} : memref<32x256xf32, #tpu.memory_space<vmem>>, vector<1x16xf32>,
          %get3A_544 = arith.index_cast %mul3A_243 : i32 to index
          %get3A_545 = arith.constant 128 : index
          %get3A_546 = tpu.vector_load %arg11[%get3A_544, %get3A_545] {strides = array<i32>} : memref<160x256xf32, #tpu.memory_space<vmem>>, vector<1x16xf32>,
          %get3A_547 = vector.shape_cast %get3A_546 : vector<1x16xf32> to vector<16xf32>
          %add3A_548 = arith.constant 32 : i32
          %add3A_549 = arith.addi %add3A_548, %mul3A_243 : i32
          %get3A_550 = arith.index_cast %add3A_549 : i32 to index
          %get3A_551 = arith.constant 128 : index
          %get3A_552 = tpu.vector_load %arg11[%get3A_550, %get3A_551] {strides = array<i32>} : memref<160x256xf32, #tpu.memory_space<vmem>>, vector<1x16xf32>,
          %get3A_553 = vector.shape_cast %get3A_552 : vector<1x16xf32> to vector<16xf32>
          %add3A_554 = arith.addf %get3A_547, %get3A_553 : vector<16xf32>
          %add3A_555 = arith.constant 64 : i32
          %add3A_556 = arith.addi %add3A_555, %mul3A_243 : i32
          %get3A_557 = arith.index_cast %add3A_556 : i32 to index
          %get3A_558 = arith.constant 128 : index
          %get3A_559 = tpu.vector_load %arg11[%get3A_557, %get3A_558] {strides = array<i32>} : memref<160x256xf32, #tpu.memory_space<vmem>>, vector<1x16xf32>,
          %get3A_560 = vector.shape_cast %get3A_559 : vector<1x16xf32> to vector<16xf32>
          %add3A_561 = arith.constant 96 : i32
          %add3A_562 = arith.addi %add3A_561, %mul3A_243 : i32
          %get3A_563 = arith.index_cast %add3A_562 : i32 to index
          %get3A_564 = arith.constant 128 : index
          %get3A_565 = tpu.vector_load %arg11[%get3A_563, %get3A_564] {strides = array<i32>} : memref<160x256xf32, #tpu.memory_space<vmem>>, vector<1x16xf32>,
          %get3A_566 = vector.shape_cast %get3A_565 : vector<1x16xf32> to vector<16xf32>
          %add3A_567 = arith.addf %get3A_560, %get3A_566 : vector<16xf32>
          %add3A_568 = arith.addf %add3A_554, %add3A_567 : vector<16xf32>
          %add3A_569 = arith.constant 128 : i32
          %add3A_570 = arith.addi %add3A_569, %mul3A_243 : i32
          %get3A_571 = arith.index_cast %add3A_570 : i32 to index
          %get3A_572 = arith.constant 128 : index
          %get3A_573 = tpu.vector_load %arg11[%get3A_571, %get3A_572] {strides = array<i32>} : memref<160x256xf32, #tpu.memory_space<vmem>>, vector<1x16xf32>,
          %get3A_574 = vector.shape_cast %get3A_573 : vector<1x16xf32> to vector<16xf32>
          %add3A_575 = arith.addf %add3A_568, %get3A_574 : vector<16xf32>
          %swap3A_576 = arith.index_cast %mul3A_243 : i32 to index
          %swap3A_577 = arith.constant 128 : index
          %swap3A_578 = tpu.vector_load %arg13[%swap3A_576, %swap3A_577] {strides = array<i32>} : memref<32x256xf32, #tpu.memory_space<vmem>>, vector<1x16xf32>,
          %swap3A_579 = vector.shape_cast %swap3A_578 : vector<1x16xf32> to vector<16xf32>
          %swap3A_580 = vector.shape_cast %add3A_575 : vector<16xf32> to vector<1x16xf32>
          tpu.vector_store %arg13[%swap3A_576, %swap3A_577], %swap3A_580 {strides = array<i32>} : memref<32x256xf32, #tpu.memory_space<vmem>>, vector<1x16xf32>,
          %get3A_581 = arith.index_cast %mul3A_243 : i32 to index
          %get3A_582 = arith.constant 144 : index
          %get3A_583 = tpu.vector_load %arg11[%get3A_581, %get3A_582] {strides = array<i32>} : memref<160x256xf32, #tpu.memory_space<vmem>>, vector<1x16xf32>,
          %get3A_584 = vector.shape_cast %get3A_583 : vector<1x16xf32> to vector<16xf32>
          %add3A_585 = arith.constant 32 : i32
          %add3A_586 = arith.addi %add3A_585, %mul3A_243 : i32
          %get3A_587 = arith.index_cast %add3A_586 : i32 to index
          %get3A_588 = arith.constant 144 : index
          %get3A_589 = tpu.vector_load %arg11[%get3A_587, %get3A_588] {strides = array<i32>} : memref<160x256xf32, #tpu.memory_space<vmem>>, vector<1x16xf32>,
          %get3A_590 = vector.shape_cast %get3A_589 : vector<1x16xf32> to vector<16xf32>
          %add3A_591 = arith.addf %get3A_584, %get3A_590 : vector<16xf32>
          %add3A_592 = arith.constant 64 : i32
          %add3A_593 = arith.addi %add3A_592, %mul3A_243 : i32
          %get3A_594 = arith.index_cast %add3A_593 : i32 to index
          %get3A_595 = arith.constant 144 : index
          %get3A_596 = tpu.vector_load %arg11[%get3A_594, %get3A_595] {strides = array<i32>} : memref<160x256xf32, #tpu.memory_space<vmem>>, vector<1x16xf32>,
          %get3A_597 = vector.shape_cast %get3A_596 : vector<1x16xf32> to vector<16xf32>
          %add3A_598 = arith.constant 96 : i32
          %add3A_599 = arith.addi %add3A_598, %mul3A_243 : i32
          %get3A_600 = arith.index_cast %add3A_599 : i32 to index
          %get3A_601 = arith.constant 144 : index
          %get3A_602 = tpu.vector_load %arg11[%get3A_600, %get3A_601] {strides = array<i32>} : memref<160x256xf32, #tpu.memory_space<vmem>>, vector<1x16xf32>,
          %get3A_603 = vector.shape_cast %get3A_602 : vector<1x16xf32> to vector<16xf32>
          %add3A_604 = arith.addf %get3A_597, %get3A_603 : vector<16xf32>
          %add3A_605 = arith.addf %add3A_591, %add3A_604 : vector<16xf32>
          %add3A_606 = arith.constant 128 : i32
          %add3A_607 = arith.addi %add3A_606, %mul3A_243 : i32
          %get3A_608 = arith.index_cast %add3A_607 : i32 to index
          %get3A_609 = arith.constant 144 : index
          %get3A_610 = tpu.vector_load %arg11[%get3A_608, %get3A_609] {strides = array<i32>} : memref<160x256xf32, #tpu.memory_space<vmem>>, vector<1x16xf32>,
          %get3A_611 = vector.shape_cast %get3A_610 : vector<1x16xf32> to vector<16xf32>
          %add3A_612 = arith.addf %add3A_605, %get3A_611 : vector<16xf32>
          %swap3A_613 = arith.index_cast %mul3A_243 : i32 to index
          %swap3A_614 = arith.constant 144 : index
          %swap3A_615 = tpu.vector_load %arg13[%swap3A_613, %swap3A_614] {strides = array<i32>} : memref<32x256xf32, #tpu.memory_space<vmem>>, vector<1x16xf32>,
          %swap3A_616 = vector.shape_cast %swap3A_615 : vector<1x16xf32> to vector<16xf32>
          %swap3A_617 = vector.shape_cast %add3A_612 : vector<16xf32> to vector<1x16xf32>
          tpu.vector_store %arg13[%swap3A_613, %swap3A_614], %swap3A_617 {strides = array<i32>} : memref<32x256xf32, #tpu.memory_space<vmem>>, vector<1x16xf32>,
          %get3A_618 = arith.index_cast %mul3A_243 : i32 to index
          %get3A_619 = arith.constant 160 : index
          %get3A_620 = tpu.vector_load %arg11[%get3A_618, %get3A_619] {strides = array<i32>} : memref<160x256xf32, #tpu.memory_space<vmem>>, vector<1x16xf32>,
          %get3A_621 = vector.shape_cast %get3A_620 : vector<1x16xf32> to vector<16xf32>
          %add3A_622 = arith.constant 32 : i32
          %add3A_623 = arith.addi %add3A_622, %mul3A_243 : i32
          %get3A_624 = arith.index_cast %add3A_623 : i32 to index
          %get3A_625 = arith.constant 160 : index
          %get3A_626 = tpu.vector_load %arg11[%get3A_624, %get3A_625] {strides = array<i32>} : memref<160x256xf32, #tpu.memory_space<vmem>>, vector<1x16xf32>,
          %get3A_627 = vector.shape_cast %get3A_626 : vector<1x16xf32> to vector<16xf32>
          %add3A_628 = arith.addf %get3A_621, %get3A_627 : vector<16xf32>
          %add3A_629 = arith.constant 64 : i32
          %add3A_630 = arith.addi %add3A_629, %mul3A_243 : i32
          %get3A_631 = arith.index_cast %add3A_630 : i32 to index
          %get3A_632 = arith.constant 160 : index
          %get3A_633 = tpu.vector_load %arg11[%get3A_631, %get3A_632] {strides = array<i32>} : memref<160x256xf32, #tpu.memory_space<vmem>>, vector<1x16xf32>,
          %get3A_634 = vector.shape_cast %get3A_633 : vector<1x16xf32> to vector<16xf32>
          %add3A_635 = arith.constant 96 : i32
          %add3A_636 = arith.addi %add3A_635, %mul3A_243 : i32
          %get3A_637 = arith.index_cast %add3A_636 : i32 to index
          %get3A_638 = arith.constant 160 : index
          %get3A_639 = tpu.vector_load %arg11[%get3A_637, %get3A_638] {strides = array<i32>} : memref<160x256xf32, #tpu.memory_space<vmem>>, vector<1x16xf32>,
          %get3A_640 = vector.shape_cast %get3A_639 : vector<1x16xf32> to vector<16xf32>
          %add3A_641 = arith.addf %get3A_634, %get3A_640 : vector<16xf32>
          %add3A_642 = arith.addf %add3A_628, %add3A_641 : vector<16xf32>
          %add3A_643 = arith.constant 128 : i32
          %add3A_644 = arith.addi %add3A_643, %mul3A_243 : i32
          %get3A_645 = arith.index_cast %add3A_644 : i32 to index
          %get3A_646 = arith.constant 160 : index
          %get3A_647 = tpu.vector_load %arg11[%get3A_645, %get3A_646] {strides = array<i32>} : memref<160x256xf32, #tpu.memory_space<vmem>>, vector<1x16xf32>,
          %get3A_648 = vector.shape_cast %get3A_647 : vector<1x16xf32> to vector<16xf32>
          %add3A_649 = arith.addf %add3A_642, %get3A_648 : vector<16xf32>
          %swap3A_650 = arith.index_cast %mul3A_243 : i32 to index
          %swap3A_651 = arith.constant 160 : index
          %swap3A_652 = tpu.vector_load %arg13[%swap3A_650, %swap3A_651] {strides = array<i32>} : memref<32x256xf32, #tpu.memory_space<vmem>>, vector<1x16xf32>,
          %swap3A_653 = vector.shape_cast %swap3A_652 : vector<1x16xf32> to vector<16xf32>
          %swap3A_654 = vector.shape_cast %add3A_649 : vector<16xf32> to vector<1x16xf32>
          tpu.vector_store %arg13[%swap3A_650, %swap3A_651], %swap3A_654 {strides = array<i32>} : memref<32x256xf32, #tpu.memory_space<vmem>>, vector<1x16xf32>,
          %get3A_655 = arith.index_cast %mul3A_243 : i32 to index
          %get3A_656 = arith.constant 176 : index
          %get3A_657 = tpu.vector_load %arg11[%get3A_655, %get3A_656] {strides = array<i32>} : memref<160x256xf32, #tpu.memory_space<vmem>>, vector<1x16xf32>,
          %get3A_658 = vector.shape_cast %get3A_657 : vector<1x16xf32> to vector<16xf32>
          %add3A_659 = arith.constant 32 : i32
          %add3A_660 = arith.addi %add3A_659, %mul3A_243 : i32
          %get3A_661 = arith.index_cast %add3A_660 : i32 to index
          %get3A_662 = arith.constant 176 : index
          %get3A_663 = tpu.vector_load %arg11[%get3A_661, %get3A_662] {strides = array<i32>} : memref<160x256xf32, #tpu.memory_space<vmem>>, vector<1x16xf32>,
          %get3A_664 = vector.shape_cast %get3A_663 : vector<1x16xf32> to vector<16xf32>
          %add3A_665 = arith.addf %get3A_658, %get3A_664 : vector<16xf32>
          %add3A_666 = arith.constant 64 : i32
          %add3A_667 = arith.addi %add3A_666, %mul3A_243 : i32
          %get3A_668 = arith.index_cast %add3A_667 : i32 to index
          %get3A_669 = arith.constant 176 : index
          %get3A_670 = tpu.vector_load %arg11[%get3A_668, %get3A_669] {strides = array<i32>} : memref<160x256xf32, #tpu.memory_space<vmem>>, vector<1x16xf32>,
          %get3A_671 = vector.shape_cast %get3A_670 : vector<1x16xf32> to vector<16xf32>
          %add3A_672 = arith.constant 96 : i32
          %add3A_673 = arith.addi %add3A_672, %mul3A_243 : i32
          %get3A_674 = arith.index_cast %add3A_673 : i32 to index
          %get3A_675 = arith.constant 176 : index
          %get3A_676 = tpu.vector_load %arg11[%get3A_674, %get3A_675] {strides = array<i32>} : memref<160x256xf32, #tpu.memory_space<vmem>>, vector<1x16xf32>,
          %get3A_677 = vector.shape_cast %get3A_676 : vector<1x16xf32> to vector<16xf32>
          %add3A_678 = arith.addf %get3A_671, %get3A_677 : vector<16xf32>
          %add3A_679 = arith.addf %add3A_665, %add3A_678 : vector<16xf32>
          %add3A_680 = arith.constant 128 : i32
          %add3A_681 = arith.addi %add3A_680, %mul3A_243 : i32
          %get3A_682 = arith.index_cast %add3A_681 : i32 to index
          %get3A_683 = arith.constant 176 : index
          %get3A_684 = tpu.vector_load %arg11[%get3A_682, %get3A_683] {strides = array<i32>} : memref<160x256xf32, #tpu.memory_space<vmem>>, vector<1x16xf32>,
          %get3A_685 = vector.shape_cast %get3A_684 : vector<1x16xf32> to vector<16xf32>
          %add3A_686 = arith.addf %add3A_679, %get3A_685 : vector<16xf32>
          %swap3A_687 = arith.index_cast %mul3A_243 : i32 to index
          %swap3A_688 = arith.constant 176 : index
          %swap3A_689 = tpu.vector_load %arg13[%swap3A_687, %swap3A_688] {strides = array<i32>} : memref<32x256xf32, #tpu.memory_space<vmem>>, vector<1x16xf32>,
          %swap3A_690 = vector.shape_cast %swap3A_689 : vector<1x16xf32> to vector<16xf32>
          %swap3A_691 = vector.shape_cast %add3A_686 : vector<16xf32> to vector<1x16xf32>
          tpu.vector_store %arg13[%swap3A_687, %swap3A_688], %swap3A_691 {strides = array<i32>} : memref<32x256xf32, #tpu.memory_space<vmem>>, vector<1x16xf32>,
          %get3A_692 = arith.index_cast %mul3A_243 : i32 to index
          %get3A_693 = arith.constant 192 : index
          %get3A_694 = tpu.vector_load %arg11[%get3A_692, %get3A_693] {strides = array<i32>} : memref<160x256xf32, #tpu.memory_space<vmem>>, vector<1x16xf32>,
          %get3A_695 = vector.shape_cast %get3A_694 : vector<1x16xf32> to vector<16xf32>
          %add3A_696 = arith.constant 32 : i32
          %add3A_697 = arith.addi %add3A_696, %mul3A_243 : i32
          %get3A_698 = arith.index_cast %add3A_697 : i32 to index
          %get3A_699 = arith.constant 192 : index
          %get3A_700 = tpu.vector_load %arg11[%get3A_698, %get3A_699] {strides = array<i32>} : memref<160x256xf32, #tpu.memory_space<vmem>>, vector<1x16xf32>,
          %get3A_701 = vector.shape_cast %get3A_700 : vector<1x16xf32> to vector<16xf32>
          %add3A_702 = arith.addf %get3A_695, %get3A_701 : vector<16xf32>
          %add3A_703 = arith.constant 64 : i32
          %add3A_704 = arith.addi %add3A_703, %mul3A_243 : i32
          %get3A_705 = arith.index_cast %add3A_704 : i32 to index
          %get3A_706 = arith.constant 192 : index
          %get3A_707 = tpu.vector_load %arg11[%get3A_705, %get3A_706] {strides = array<i32>} : memref<160x256xf32, #tpu.memory_space<vmem>>, vector<1x16xf32>,
          %get3A_708 = vector.shape_cast %get3A_707 : vector<1x16xf32> to vector<16xf32>
          %add3A_709 = arith.constant 96 : i32
          %add3A_710 = arith.addi %add3A_709, %mul3A_243 : i32
          %get3A_711 = arith.index_cast %add3A_710 : i32 to index
          %get3A_712 = arith.constant 192 : index
          %get3A_713 = tpu.vector_load %arg11[%get3A_711, %get3A_712] {strides = array<i32>} : memref<160x256xf32, #tpu.memory_space<vmem>>, vector<1x16xf32>,
          %get3A_714 = vector.shape_cast %get3A_713 : vector<1x16xf32> to vector<16xf32>
          %add3A_715 = arith.addf %get3A_708, %get3A_714 : vector<16xf32>
          %add3A_716 = arith.addf %add3A_702, %add3A_715 : vector<16xf32>
          %add3A_717 = arith.constant 128 : i32
          %add3A_718 = arith.addi %add3A_717, %mul3A_243 : i32
          %get3A_719 = arith.index_cast %add3A_718 : i32 to index
          %get3A_720 = arith.constant 192 : index
          %get3A_721 = tpu.vector_load %arg11[%get3A_719, %get3A_720] {strides = array<i32>} : memref<160x256xf32, #tpu.memory_space<vmem>>, vector<1x16xf32>,
          %get3A_722 = vector.shape_cast %get3A_721 : vector<1x16xf32> to vector<16xf32>
          %add3A_723 = arith.addf %add3A_716, %get3A_722 : vector<16xf32>
          %swap3A_724 = arith.index_cast %mul3A_243 : i32 to index
          %swap3A_725 = arith.constant 192 : index
          %swap3A_726 = tpu.vector_load %arg13[%swap3A_724, %swap3A_725] {strides = array<i32>} : memref<32x256xf32, #tpu.memory_space<vmem>>, vector<1x16xf32>,
          %swap3A_727 = vector.shape_cast %swap3A_726 : vector<1x16xf32> to vector<16xf32>
          %swap3A_728 = vector.shape_cast %add3A_723 : vector<16xf32> to vector<1x16xf32>
          tpu.vector_store %arg13[%swap3A_724, %swap3A_725], %swap3A_728 {strides = array<i32>} : memref<32x256xf32, #tpu.memory_space<vmem>>, vector<1x16xf32>,
          %get3A_729 = arith.index_cast %mul3A_243 : i32 to index
          %get3A_730 = arith.constant 208 : index
          %get3A_731 = tpu.vector_load %arg11[%get3A_729, %get3A_730] {strides = array<i32>} : memref<160x256xf32, #tpu.memory_space<vmem>>, vector<1x16xf32>,
          %get3A_732 = vector.shape_cast %get3A_731 : vector<1x16xf32> to vector<16xf32>
          %add3A_733 = arith.constant 32 : i32
          %add3A_734 = arith.addi %add3A_733, %mul3A_243 : i32
          %get3A_735 = arith.index_cast %add3A_734 : i32 to index
          %get3A_736 = arith.constant 208 : index
          %get3A_737 = tpu.vector_load %arg11[%get3A_735, %get3A_736] {strides = array<i32>} : memref<160x256xf32, #tpu.memory_space<vmem>>, vector<1x16xf32>,
          %get3A_738 = vector.shape_cast %get3A_737 : vector<1x16xf32> to vector<16xf32>
          %add3A_739 = arith.addf %get3A_732, %get3A_738 : vector<16xf32>
          %add3A_740 = arith.constant 64 : i32
          %add3A_741 = arith.addi %add3A_740, %mul3A_243 : i32
          %get3A_742 = arith.index_cast %add3A_741 : i32 to index
          %get3A_743 = arith.constant 208 : index
          %get3A_744 = tpu.vector_load %arg11[%get3A_742, %get3A_743] {strides = array<i32>} : memref<160x256xf32, #tpu.memory_space<vmem>>, vector<1x16xf32>,
          %get3A_745 = vector.shape_cast %get3A_744 : vector<1x16xf32> to vector<16xf32>
          %add3A_746 = arith.constant 96 : i32
          %add3A_747 = arith.addi %add3A_746, %mul3A_243 : i32
          %get3A_748 = arith.index_cast %add3A_747 : i32 to index
          %get3A_749 = arith.constant 208 : index
          %get3A_750 = tpu.vector_load %arg11[%get3A_748, %get3A_749] {strides = array<i32>} : memref<160x256xf32, #tpu.memory_space<vmem>>, vector<1x16xf32>,
          %get3A_751 = vector.shape_cast %get3A_750 : vector<1x16xf32> to vector<16xf32>
          %add3A_752 = arith.addf %get3A_745, %get3A_751 : vector<16xf32>
          %add3A_753 = arith.addf %add3A_739, %add3A_752 : vector<16xf32>
          %add3A_754 = arith.constant 128 : i32
          %add3A_755 = arith.addi %add3A_754, %mul3A_243 : i32
          %get3A_756 = arith.index_cast %add3A_755 : i32 to index
          %get3A_757 = arith.constant 208 : index
          %get3A_758 = tpu.vector_load %arg11[%get3A_756, %get3A_757] {strides = array<i32>} : memref<160x256xf32, #tpu.memory_space<vmem>>, vector<1x16xf32>,
          %get3A_759 = vector.shape_cast %get3A_758 : vector<1x16xf32> to vector<16xf32>
          %add3A_760 = arith.addf %add3A_753, %get3A_759 : vector<16xf32>
          %swap3A_761 = arith.index_cast %mul3A_243 : i32 to index
          %swap3A_762 = arith.constant 208 : index
          %swap3A_763 = tpu.vector_load %arg13[%swap3A_761, %swap3A_762] {strides = array<i32>} : memref<32x256xf32, #tpu.memory_space<vmem>>, vector<1x16xf32>,
          %swap3A_764 = vector.shape_cast %swap3A_763 : vector<1x16xf32> to vector<16xf32>
          %swap3A_765 = vector.shape_cast %add3A_760 : vector<16xf32> to vector<1x16xf32>
          tpu.vector_store %arg13[%swap3A_761, %swap3A_762], %swap3A_765 {strides = array<i32>} : memref<32x256xf32, #tpu.memory_space<vmem>>, vector<1x16xf32>,
          %get3A_766 = arith.index_cast %mul3A_243 : i32 to index
          %get3A_767 = arith.constant 224 : index
          %get3A_768 = tpu.vector_load %arg11[%get3A_766, %get3A_767] {strides = array<i32>} : memref<160x256xf32, #tpu.memory_space<vmem>>, vector<1x16xf32>,
          %get3A_769 = vector.shape_cast %get3A_768 : vector<1x16xf32> to vector<16xf32>
          %add3A_770 = arith.constant 32 : i32
          %add3A_771 = arith.addi %add3A_770, %mul3A_243 : i32
          %get3A_772 = arith.index_cast %add3A_771 : i32 to index
          %get3A_773 = arith.constant 224 : index
          %get3A_774 = tpu.vector_load %arg11[%get3A_772, %get3A_773] {strides = array<i32>} : memref<160x256xf32, #tpu.memory_space<vmem>>, vector<1x16xf32>,
          %get3A_775 = vector.shape_cast %get3A_774 : vector<1x16xf32> to vector<16xf32>
          %add3A_776 = arith.addf %get3A_769, %get3A_775 : vector<16xf32>
          %add3A_777 = arith.constant 64 : i32
          %add3A_778 = arith.addi %add3A_777, %mul3A_243 : i32
          %get3A_779 = arith.index_cast %add3A_778 : i32 to index
          %get3A_780 = arith.constant 224 : index
          %get3A_781 = tpu.vector_load %arg11[%get3A_779, %get3A_780] {strides = array<i32>} : memref<160x256xf32, #tpu.memory_space<vmem>>, vector<1x16xf32>,
          %get3A_782 = vector.shape_cast %get3A_781 : vector<1x16xf32> to vector<16xf32>
          %add3A_783 = arith.constant 96 : i32
          %add3A_784 = arith.addi %add3A_783, %mul3A_243 : i32
          %get3A_785 = arith.index_cast %add3A_784 : i32 to index
          %get3A_786 = arith.constant 224 : index
          %get3A_787 = tpu.vector_load %arg11[%get3A_785, %get3A_786] {strides = array<i32>} : memref<160x256xf32, #tpu.memory_space<vmem>>, vector<1x16xf32>,
          %get3A_788 = vector.shape_cast %get3A_787 : vector<1x16xf32> to vector<16xf32>
          %add3A_789 = arith.addf %get3A_782, %get3A_788 : vector<16xf32>
          %add3A_790 = arith.addf %add3A_776, %add3A_789 : vector<16xf32>
          %add3A_791 = arith.constant 128 : i32
          %add3A_792 = arith.addi %add3A_791, %mul3A_243 : i32
          %get3A_793 = arith.index_cast %add3A_792 : i32 to index
          %get3A_794 = arith.constant 224 : index
          %get3A_795 = tpu.vector_load %arg11[%get3A_793, %get3A_794] {strides = array<i32>} : memref<160x256xf32, #tpu.memory_space<vmem>>, vector<1x16xf32>,
          %get3A_796 = vector.shape_cast %get3A_795 : vector<1x16xf32> to vector<16xf32>
          %add3A_797 = arith.addf %add3A_790, %get3A_796 : vector<16xf32>
          %swap3A_798 = arith.index_cast %mul3A_243 : i32 to index
          %swap3A_799 = arith.constant 224 : index
          %swap3A_800 = tpu.vector_load %arg13[%swap3A_798, %swap3A_799] {strides = array<i32>} : memref<32x256xf32, #tpu.memory_space<vmem>>, vector<1x16xf32>,
          %swap3A_801 = vector.shape_cast %swap3A_800 : vector<1x16xf32> to vector<16xf32>
          %swap3A_802 = vector.shape_cast %add3A_797 : vector<16xf32> to vector<1x16xf32>
          tpu.vector_store %arg13[%swap3A_798, %swap3A_799], %swap3A_802 {strides = array<i32>} : memref<32x256xf32, #tpu.memory_space<vmem>>, vector<1x16xf32>,
          %get3A_803 = arith.index_cast %mul3A_243 : i32 to index
          %get3A_804 = arith.constant 240 : index
          %get3A_805 = tpu.vector_load %arg11[%get3A_803, %get3A_804] {strides = array<i32>} : memref<160x256xf32, #tpu.memory_space<vmem>>, vector<1x16xf32>,
          %get3A_806 = vector.shape_cast %get3A_805 : vector<1x16xf32> to vector<16xf32>
          %add3A_807 = arith.constant 32 : i32
          %add3A_808 = arith.addi %add3A_807, %mul3A_243 : i32
          %get3A_809 = arith.index_cast %add3A_808 : i32 to index
          %get3A_810 = arith.constant 240 : index
          %get3A_811 = tpu.vector_load %arg11[%get3A_809, %get3A_810] {strides = array<i32>} : memref<160x256xf32, #tpu.memory_space<vmem>>, vector<1x16xf32>,
          %get3A_812 = vector.shape_cast %get3A_811 : vector<1x16xf32> to vector<16xf32>
          %add3A_813 = arith.addf %get3A_806, %get3A_812 : vector<16xf32>
          %add3A_814 = arith.constant 64 : i32
          %add3A_815 = arith.addi %add3A_814, %mul3A_243 : i32
          %get3A_816 = arith.index_cast %add3A_815 : i32 to index
          %get3A_817 = arith.constant 240 : index
          %get3A_818 = tpu.vector_load %arg11[%get3A_816, %get3A_817] {strides = array<i32>} : memref<160x256xf32, #tpu.memory_space<vmem>>, vector<1x16xf32>,
          %get3A_819 = vector.shape_cast %get3A_818 : vector<1x16xf32> to vector<16xf32>
          %add3A_820 = arith.constant 96 : i32
          %add3A_821 = arith.addi %add3A_820, %mul3A_243 : i32
          %get3A_822 = arith.index_cast %add3A_821 : i32 to index
          %get3A_823 = arith.constant 240 : index
          %get3A_824 = tpu.vector_load %arg11[%get3A_822, %get3A_823] {strides = array<i32>} : memref<160x256xf32, #tpu.memory_space<vmem>>, vector<1x16xf32>,
          %get3A_825 = vector.shape_cast %get3A_824 : vector<1x16xf32> to vector<16xf32>
          %add3A_826 = arith.addf %get3A_819, %get3A_825 : vector<16xf32>
          %add3A_827 = arith.addf %add3A_813, %add3A_826 : vector<16xf32>
          %add3A_828 = arith.constant 128 : i32
          %add3A_829 = arith.addi %add3A_828, %mul3A_243 : i32
          %get3A_830 = arith.index_cast %add3A_829 : i32 to index
          %get3A_831 = arith.constant 240 : index
          %get3A_832 = tpu.vector_load %arg11[%get3A_830, %get3A_831] {strides = array<i32>} : memref<160x256xf32, #tpu.memory_space<vmem>>, vector<1x16xf32>,
          %get3A_833 = vector.shape_cast %get3A_832 : vector<1x16xf32> to vector<16xf32>
          %add3A_834 = arith.addf %add3A_827, %get3A_833 : vector<16xf32>
          %swap3A_835 = arith.index_cast %mul3A_243 : i32 to index
          %swap3A_836 = arith.constant 240 : index
          %swap3A_837 = tpu.vector_load %arg13[%swap3A_835, %swap3A_836] {strides = array<i32>} : memref<32x256xf32, #tpu.memory_space<vmem>>, vector<1x16xf32>,
          %swap3A_838 = vector.shape_cast %swap3A_837 : vector<1x16xf32> to vector<16xf32>
          %swap3A_839 = vector.shape_cast %add3A_834 : vector<16xf32> to vector<1x16xf32>
          tpu.vector_store %arg13[%swap3A_835, %swap3A_836], %swap3A_839 {strides = array<i32>} : memref<32x256xf32, #tpu.memory_space<vmem>>, vector<1x16xf32>,
          %get3A_840 = arith.index_cast %add3A_247 : i32 to index
          %get3A_841 = arith.constant 0 : index
          %get3A_842 = tpu.vector_load %arg11[%get3A_840, %get3A_841] {strides = array<i32>} : memref<160x256xf32, #tpu.memory_space<vmem>>, vector<1x16xf32>,
          %get3A_843 = vector.shape_cast %get3A_842 : vector<1x16xf32> to vector<16xf32>
          %add3A_844 = arith.constant 32 : i32
          %add3A_845 = arith.addi %add3A_844, %add3A_247 : i32
          %get3A_846 = arith.index_cast %add3A_845 : i32 to index
          %get3A_847 = arith.constant 0 : index
          %get3A_848 = tpu.vector_load %arg11[%get3A_846, %get3A_847] {strides = array<i32>} : memref<160x256xf32, #tpu.memory_space<vmem>>, vector<1x16xf32>,
          %get3A_849 = vector.shape_cast %get3A_848 : vector<1x16xf32> to vector<16xf32>
          %add3A_850 = arith.addf %get3A_843, %get3A_849 : vector<16xf32>
          %add3A_851 = arith.constant 64 : i32
          %add3A_852 = arith.addi %add3A_851, %add3A_247 : i32
          %get3A_853 = arith.index_cast %add3A_852 : i32 to index
          %get3A_854 = arith.constant 0 : index
          %get3A_855 = tpu.vector_load %arg11[%get3A_853, %get3A_854] {strides = array<i32>} : memref<160x256xf32, #tpu.memory_space<vmem>>, vector<1x16xf32>,
          %get3A_856 = vector.shape_cast %get3A_855 : vector<1x16xf32> to vector<16xf32>
          %add3A_857 = arith.constant 96 : i32
          %add3A_858 = arith.addi %add3A_857, %add3A_247 : i32
          %get3A_859 = arith.index_cast %add3A_858 : i32 to index
          %get3A_860 = arith.constant 0 : index
          %get3A_861 = tpu.vector_load %arg11[%get3A_859, %get3A_860] {strides = array<i32>} : memref<160x256xf32, #tpu.memory_space<vmem>>, vector<1x16xf32>,
          %get3A_862 = vector.shape_cast %get3A_861 : vector<1x16xf32> to vector<16xf32>
          %add3A_863 = arith.addf %get3A_856, %get3A_862 : vector<16xf32>
          %add3A_864 = arith.addf %add3A_850, %add3A_863 : vector<16xf32>
          %add3A_865 = arith.constant 128 : i32
          %add3A_866 = arith.addi %add3A_865, %add3A_247 : i32
          %get3A_867 = arith.index_cast %add3A_866 : i32 to index
          %get3A_868 = arith.constant 0 : index
          %get3A_869 = tpu.vector_load %arg11[%get3A_867, %get3A_868] {strides = array<i32>} : memref<160x256xf32, #tpu.memory_space<vmem>>, vector<1x16xf32>,
          %get3A_870 = vector.shape_cast %get3A_869 : vector<1x16xf32> to vector<16xf32>
          %add3A_871 = arith.addf %add3A_864, %get3A_870 : vector<16xf32>
          %swap3A_872 = arith.index_cast %add3A_247 : i32 to index
          %swap3A_873 = arith.constant 0 : index
          %swap3A_874 = tpu.vector_load %arg13[%swap3A_872, %swap3A_873] {strides = array<i32>} : memref<32x256xf32, #tpu.memory_space<vmem>>, vector<1x16xf32>,
          %swap3A_875 = vector.shape_cast %swap3A_874 : vector<1x16xf32> to vector<16xf32>
          %swap3A_876 = vector.shape_cast %add3A_871 : vector<16xf32> to vector<1x16xf32>
          tpu.vector_store %arg13[%swap3A_872, %swap3A_873], %swap3A_876 {strides = array<i32>} : memref<32x256xf32, #tpu.memory_space<vmem>>, vector<1x16xf32>,
          %get3A_877 = arith.index_cast %add3A_247 : i32 to index
          %get3A_878 = arith.constant 16 : index
          %get3A_879 = tpu.vector_load %arg11[%get3A_877, %get3A_878] {strides = array<i32>} : memref<160x256xf32, #tpu.memory_space<vmem>>, vector<1x16xf32>,
          %get3A_880 = vector.shape_cast %get3A_879 : vector<1x16xf32> to vector<16xf32>
          %add3A_881 = arith.constant 32 : i32
          %add3A_882 = arith.addi %add3A_881, %add3A_247 : i32
          %get3A_883 = arith.index_cast %add3A_882 : i32 to index
          %get3A_884 = arith.constant 16 : index
          %get3A_885 = tpu.vector_load %arg11[%get3A_883, %get3A_884] {strides = array<i32>} : memref<160x256xf32, #tpu.memory_space<vmem>>, vector<1x16xf32>,
          %get3A_886 = vector.shape_cast %get3A_885 : vector<1x16xf32> to vector<16xf32>
          %add3A_887 = arith.addf %get3A_880, %get3A_886 : vector<16xf32>
          %add3A_888 = arith.constant 64 : i32
          %add3A_889 = arith.addi %add3A_888, %add3A_247 : i32
          %get3A_890 = arith.index_cast %add3A_889 : i32 to index
          %get3A_891 = arith.constant 16 : index
          %get3A_892 = tpu.vector_load %arg11[%get3A_890, %get3A_891] {strides = array<i32>} : memref<160x256xf32, #tpu.memory_space<vmem>>, vector<1x16xf32>,
          %get3A_893 = vector.shape_cast %get3A_892 : vector<1x16xf32> to vector<16xf32>
          %add3A_894 = arith.constant 96 : i32
          %add3A_895 = arith.addi %add3A_894, %add3A_247 : i32
          %get3A_896 = arith.index_cast %add3A_895 : i32 to index
          %get3A_897 = arith.constant 16 : index
          %get3A_898 = tpu.vector_load %arg11[%get3A_896, %get3A_897] {strides = array<i32>} : memref<160x256xf32, #tpu.memory_space<vmem>>, vector<1x16xf32>,
          %get3A_899 = vector.shape_cast %get3A_898 : vector<1x16xf32> to vector<16xf32>
          %add3A_900 = arith.addf %get3A_893, %get3A_899 : vector<16xf32>
          %add3A_901 = arith.addf %add3A_887, %add3A_900 : vector<16xf32>
          %add3A_902 = arith.constant 128 : i32
          %add3A_903 = arith.addi %add3A_902, %add3A_247 : i32
          %get3A_904 = arith.index_cast %add3A_903 : i32 to index
          %get3A_905 = arith.constant 16 : index
          %get3A_906 = tpu.vector_load %arg11[%get3A_904, %get3A_905] {strides = array<i32>} : memref<160x256xf32, #tpu.memory_space<vmem>>, vector<1x16xf32>,
          %get3A_907 = vector.shape_cast %get3A_906 : vector<1x16xf32> to vector<16xf32>
          %add3A_908 = arith.addf %add3A_901, %get3A_907 : vector<16xf32>
          %swap3A_909 = arith.index_cast %add3A_247 : i32 to index
          %swap3A_910 = arith.constant 16 : index
          %swap3A_911 = tpu.vector_load %arg13[%swap3A_909, %swap3A_910] {strides = array<i32>} : memref<32x256xf32, #tpu.memory_space<vmem>>, vector<1x16xf32>,
          %swap3A_912 = vector.shape_cast %swap3A_911 : vector<1x16xf32> to vector<16xf32>
          %swap3A_913 = vector.shape_cast %add3A_908 : vector<16xf32> to vector<1x16xf32>
          tpu.vector_store %arg13[%swap3A_909, %swap3A_910], %swap3A_913 {strides = array<i32>} : memref<32x256xf32, #tpu.memory_space<vmem>>, vector<1x16xf32>,
          %get3A_914 = arith.index_cast %add3A_247 : i32 to index
          %get3A_915 = arith.constant 32 : index
          %get3A_916 = tpu.vector_load %arg11[%get3A_914, %get3A_915] {strides = array<i32>} : memref<160x256xf32, #tpu.memory_space<vmem>>, vector<1x16xf32>,
          %get3A_917 = vector.shape_cast %get3A_916 : vector<1x16xf32> to vector<16xf32>
          %add3A_918 = arith.constant 32 : i32
          %add3A_919 = arith.addi %add3A_918, %add3A_247 : i32
          %get3A_920 = arith.index_cast %add3A_919 : i32 to index
          %get3A_921 = arith.constant 32 : index
          %get3A_922 = tpu.vector_load %arg11[%get3A_920, %get3A_921] {strides = array<i32>} : memref<160x256xf32, #tpu.memory_space<vmem>>, vector<1x16xf32>,
          %get3A_923 = vector.shape_cast %get3A_922 : vector<1x16xf32> to vector<16xf32>
          %add3A_924 = arith.addf %get3A_917, %get3A_923 : vector<16xf32>
          %add3A_925 = arith.constant 64 : i32
          %add3A_926 = arith.addi %add3A_925, %add3A_247 : i32
          %get3A_927 = arith.index_cast %add3A_926 : i32 to index
          %get3A_928 = arith.constant 32 : index
          %get3A_929 = tpu.vector_load %arg11[%get3A_927, %get3A_928] {strides = array<i32>} : memref<160x256xf32, #tpu.memory_space<vmem>>, vector<1x16xf32>,
          %get3A_930 = vector.shape_cast %get3A_929 : vector<1x16xf32> to vector<16xf32>
          %add3A_931 = arith.constant 96 : i32
          %add3A_932 = arith.addi %add3A_931, %add3A_247 : i32
          %get3A_933 = arith.index_cast %add3A_932 : i32 to index
          %get3A_934 = arith.constant 32 : index
          %get3A_935 = tpu.vector_load %arg11[%get3A_933, %get3A_934] {strides = array<i32>} : memref<160x256xf32, #tpu.memory_space<vmem>>, vector<1x16xf32>,
          %get3A_936 = vector.shape_cast %get3A_935 : vector<1x16xf32> to vector<16xf32>
          %add3A_937 = arith.addf %get3A_930, %get3A_936 : vector<16xf32>
          %add3A_938 = arith.addf %add3A_924, %add3A_937 : vector<16xf32>
          %add3A_939 = arith.constant 128 : i32
          %add3A_940 = arith.addi %add3A_939, %add3A_247 : i32
          %get3A_941 = arith.index_cast %add3A_940 : i32 to index
          %get3A_942 = arith.constant 32 : index
          %get3A_943 = tpu.vector_load %arg11[%get3A_941, %get3A_942] {strides = array<i32>} : memref<160x256xf32, #tpu.memory_space<vmem>>, vector<1x16xf32>,
          %get3A_944 = vector.shape_cast %get3A_943 : vector<1x16xf32> to vector<16xf32>
          %add3A_945 = arith.addf %add3A_938, %get3A_944 : vector<16xf32>
          %swap3A_946 = arith.index_cast %add3A_247 : i32 to index
          %swap3A_947 = arith.constant 32 : index
          %swap3A_948 = tpu.vector_load %arg13[%swap3A_946, %swap3A_947] {strides = array<i32>} : memref<32x256xf32, #tpu.memory_space<vmem>>, vector<1x16xf32>,
          %swap3A_949 = vector.shape_cast %swap3A_948 : vector<1x16xf32> to vector<16xf32>
          %swap3A_950 = vector.shape_cast %add3A_945 : vector<16xf32> to vector<1x16xf32>
          tpu.vector_store %arg13[%swap3A_946, %swap3A_947], %swap3A_950 {strides = array<i32>} : memref<32x256xf32, #tpu.memory_space<vmem>>, vector<1x16xf32>,
          %get3A_951 = arith.index_cast %add3A_247 : i32 to index
          %get3A_952 = arith.constant 48 : index
          %get3A_953 = tpu.vector_load %arg11[%get3A_951, %get3A_952] {strides = array<i32>} : memref<160x256xf32, #tpu.memory_space<vmem>>, vector<1x16xf32>,
          %get3A_954 = vector.shape_cast %get3A_953 : vector<1x16xf32> to vector<16xf32>
          %add3A_955 = arith.constant 32 : i32
          %add3A_956 = arith.addi %add3A_955, %add3A_247 : i32
          %get3A_957 = arith.index_cast %add3A_956 : i32 to index
          %get3A_958 = arith.constant 48 : index
          %get3A_959 = tpu.vector_load %arg11[%get3A_957, %get3A_958] {strides = array<i32>} : memref<160x256xf32, #tpu.memory_space<vmem>>, vector<1x16xf32>,
          %get3A_960 = vector.shape_cast %get3A_959 : vector<1x16xf32> to vector<16xf32>
          %add3A_961 = arith.addf %get3A_954, %get3A_960 : vector<16xf32>
          %add3A_962 = arith.constant 64 : i32
          %add3A_963 = arith.addi %add3A_962, %add3A_247 : i32
          %get3A_964 = arith.index_cast %add3A_963 : i32 to index
          %get3A_965 = arith.constant 48 : index
          %get3A_966 = tpu.vector_load %arg11[%get3A_964, %get3A_965] {strides = array<i32>} : memref<160x256xf32, #tpu.memory_space<vmem>>, vector<1x16xf32>,
          %get3A_967 = vector.shape_cast %get3A_966 : vector<1x16xf32> to vector<16xf32>
          %add3A_968 = arith.constant 96 : i32
          %add3A_969 = arith.addi %add3A_968, %add3A_247 : i32
          %get3A_970 = arith.index_cast %add3A_969 : i32 to index
          %get3A_971 = arith.constant 48 : index
          %get3A_972 = tpu.vector_load %arg11[%get3A_970, %get3A_971] {strides = array<i32>} : memref<160x256xf32, #tpu.memory_space<vmem>>, vector<1x16xf32>,
          %get3A_973 = vector.shape_cast %get3A_972 : vector<1x16xf32> to vector<16xf32>
          %add3A_974 = arith.addf %get3A_967, %get3A_973 : vector<16xf32>
          %add3A_975 = arith.addf %add3A_961, %add3A_974 : vector<16xf32>
          %add3A_976 = arith.constant 128 : i32
          %add3A_977 = arith.addi %add3A_976, %add3A_247 : i32
          %get3A_978 = arith.index_cast %add3A_977 : i32 to index
          %get3A_979 = arith.constant 48 : index
          %get3A_980 = tpu.vector_load %arg11[%get3A_978, %get3A_979] {strides = array<i32>} : memref<160x256xf32, #tpu.memory_space<vmem>>, vector<1x16xf32>,
          %get3A_981 = vector.shape_cast %get3A_980 : vector<1x16xf32> to vector<16xf32>
          %add3A_982 = arith.addf %add3A_975, %get3A_981 : vector<16xf32>
          %swap3A_983 = arith.index_cast %add3A_247 : i32 to index
          %swap3A_984 = arith.constant 48 : index
          %swap3A_985 = tpu.vector_load %arg13[%swap3A_983, %swap3A_984] {strides = array<i32>} : memref<32x256xf32, #tpu.memory_space<vmem>>, vector<1x16xf32>,
          %swap3A_986 = vector.shape_cast %swap3A_985 : vector<1x16xf32> to vector<16xf32>
          %swap3A_987 = vector.shape_cast %add3A_982 : vector<16xf32> to vector<1x16xf32>
          tpu.vector_store %arg13[%swap3A_983, %swap3A_984], %swap3A_987 {strides = array<i32>} : memref<32x256xf32, #tpu.memory_space<vmem>>, vector<1x16xf32>,
          %get3A_988 = arith.index_cast %add3A_247 : i32 to index
          %get3A_989 = arith.constant 64 : index
          %get3A_990 = tpu.vector_load %arg11[%get3A_988, %get3A_989] {strides = array<i32>} : memref<160x256xf32, #tpu.memory_space<vmem>>, vector<1x16xf32>,
          %get3A_991 = vector.shape_cast %get3A_990 : vector<1x16xf32> to vector<16xf32>
          %add3A_992 = arith.constant 32 : i32
          %add3A_993 = arith.addi %add3A_992, %add3A_247 : i32
          %get3A_994 = arith.index_cast %add3A_993 : i32 to index
          %get3A_995 = arith.constant 64 : index
          %get3A_996 = tpu.vector_load %arg11[%get3A_994, %get3A_995] {strides = array<i32>} : memref<160x256xf32, #tpu.memory_space<vmem>>, vector<1x16xf32>,
          %get3A_997 = vector.shape_cast %get3A_996 : vector<1x16xf32> to vector<16xf32>
          %add3A_998 = arith.addf %get3A_991, %get3A_997 : vector<16xf32>
          %add3A_999 = arith.constant 64 : i32
          %add3A_1000 = arith.addi %add3A_999, %add3A_247 : i32
          %get3A_1001 = arith.index_cast %add3A_1000 : i32 to index
          %get3A_1002 = arith.constant 64 : index
          %get3A_1003 = tpu.vector_load %arg11[%get3A_1001, %get3A_1002] {strides = array<i32>} : memref<160x256xf32, #tpu.memory_space<vmem>>, vector<1x16xf32>,
          %get3A_1004 = vector.shape_cast %get3A_1003 : vector<1x16xf32> to vector<16xf32>
          %add3A_1005 = arith.constant 96 : i32
          %add3A_1006 = arith.addi %add3A_1005, %add3A_247 : i32
          %get3A_1007 = arith.index_cast %add3A_1006 : i32 to index
          %get3A_1008 = arith.constant 64 : index
          %get3A_1009 = tpu.vector_load %arg11[%get3A_1007, %get3A_1008] {strides = array<i32>} : memref<160x256xf32, #tpu.memory_space<vmem>>, vector<1x16xf32>,
          %get3A_1010 = vector.shape_cast %get3A_1009 : vector<1x16xf32> to vector<16xf32>
          %add3A_1011 = arith.addf %get3A_1004, %get3A_1010 : vector<16xf32>
          %add3A_1012 = arith.addf %add3A_998, %add3A_1011 : vector<16xf32>
          %add3A_1013 = arith.constant 128 : i32
          %add3A_1014 = arith.addi %add3A_1013, %add3A_247 : i32
          %get3A_1015 = arith.index_cast %add3A_1014 : i32 to index
          %get3A_1016 = arith.constant 64 : index
          %get3A_1017 = tpu.vector_load %arg11[%get3A_1015, %get3A_1016] {strides = array<i32>} : memref<160x256xf32, #tpu.memory_space<vmem>>, vector<1x16xf32>,
          %get3A_1018 = vector.shape_cast %get3A_1017 : vector<1x16xf32> to vector<16xf32>
          %add3A_1019 = arith.addf %add3A_1012, %get3A_1018 : vector<16xf32>
          %swap3A_1020 = arith.index_cast %add3A_247 : i32 to index
          %swap3A_1021 = arith.constant 64 : index
          %swap3A_1022 = tpu.vector_load %arg13[%swap3A_1020, %swap3A_1021] {strides = array<i32>} : memref<32x256xf32, #tpu.memory_space<vmem>>, vector<1x16xf32>,
          %swap3A_1023 = vector.shape_cast %swap3A_1022 : vector<1x16xf32> to vector<16xf32>
          %swap3A_1024 = vector.shape_cast %add3A_1019 : vector<16xf32> to vector<1x16xf32>
          tpu.vector_store %arg13[%swap3A_1020, %swap3A_1021], %swap3A_1024 {strides = array<i32>} : memref<32x256xf32, #tpu.memory_space<vmem>>, vector<1x16xf32>,
          %get3A_1025 = arith.index_cast %add3A_247 : i32 to index
          %get3A_1026 = arith.constant 80 : index
          %get3A_1027 = tpu.vector_load %arg11[%get3A_1025, %get3A_1026] {strides = array<i32>} : memref<160x256xf32, #tpu.memory_space<vmem>>, vector<1x16xf32>,
          %get3A_1028 = vector.shape_cast %get3A_1027 : vector<1x16xf32> to vector<16xf32>
          %add3A_1029 = arith.constant 32 : i32
          %add3A_1030 = arith.addi %add3A_1029, %add3A_247 : i32
          %get3A_1031 = arith.index_cast %add3A_1030 : i32 to index
          %get3A_1032 = arith.constant 80 : index
          %get3A_1033 = tpu.vector_load %arg11[%get3A_1031, %get3A_1032] {strides = array<i32>} : memref<160x256xf32, #tpu.memory_space<vmem>>, vector<1x16xf32>,
          %get3A_1034 = vector.shape_cast %get3A_1033 : vector<1x16xf32> to vector<16xf32>
          %add3A_1035 = arith.addf %get3A_1028, %get3A_1034 : vector<16xf32>
          %add3A_1036 = arith.constant 64 : i32
          %add3A_1037 = arith.addi %add3A_1036, %add3A_247 : i32
          %get3A_1038 = arith.index_cast %add3A_1037 : i32 to index
          %get3A_1039 = arith.constant 80 : index
          %get3A_1040 = tpu.vector_load %arg11[%get3A_1038, %get3A_1039] {strides = array<i32>} : memref<160x256xf32, #tpu.memory_space<vmem>>, vector<1x16xf32>,
          %get3A_1041 = vector.shape_cast %get3A_1040 : vector<1x16xf32> to vector<16xf32>
          %add3A_1042 = arith.constant 96 : i32
          %add3A_1043 = arith.addi %add3A_1042, %add3A_247 : i32
          %get3A_1044 = arith.index_cast %add3A_1043 : i32 to index
          %get3A_1045 = arith.constant 80 : index
          %get3A_1046 = tpu.vector_load %arg11[%get3A_1044, %get3A_1045] {strides = array<i32>} : memref<160x256xf32, #tpu.memory_space<vmem>>, vector<1x16xf32>,
          %get3A_1047 = vector.shape_cast %get3A_1046 : vector<1x16xf32> to vector<16xf32>
          %add3A_1048 = arith.addf %get3A_1041, %get3A_1047 : vector<16xf32>
          %add3A_1049 = arith.addf %add3A_1035, %add3A_1048 : vector<16xf32>
          %add3A_1050 = arith.constant 128 : i32
          %add3A_1051 = arith.addi %add3A_1050, %add3A_247 : i32
          %get3A_1052 = arith.index_cast %add3A_1051 : i32 to index
          %get3A_1053 = arith.constant 80 : index
          %get3A_1054 = tpu.vector_load %arg11[%get3A_1052, %get3A_1053] {strides = array<i32>} : memref<160x256xf32, #tpu.memory_space<vmem>>, vector<1x16xf32>,
          %get3A_1055 = vector.shape_cast %get3A_1054 : vector<1x16xf32> to vector<16xf32>
          %add3A_1056 = arith.addf %add3A_1049, %get3A_1055 : vector<16xf32>
          %swap3A_1057 = arith.index_cast %add3A_247 : i32 to index
          %swap3A_1058 = arith.constant 80 : index
          %swap3A_1059 = tpu.vector_load %arg13[%swap3A_1057, %swap3A_1058] {strides = array<i32>} : memref<32x256xf32, #tpu.memory_space<vmem>>, vector<1x16xf32>,
          %swap3A_1060 = vector.shape_cast %swap3A_1059 : vector<1x16xf32> to vector<16xf32>
          %swap3A_1061 = vector.shape_cast %add3A_1056 : vector<16xf32> to vector<1x16xf32>
          tpu.vector_store %arg13[%swap3A_1057, %swap3A_1058], %swap3A_1061 {strides = array<i32>} : memref<32x256xf32, #tpu.memory_space<vmem>>, vector<1x16xf32>,
          %get3A_1062 = arith.index_cast %add3A_247 : i32 to index
          %get3A_1063 = arith.constant 96 : index
          %get3A_1064 = tpu.vector_load %arg11[%get3A_1062, %get3A_1063] {strides = array<i32>} : memref<160x256xf32, #tpu.memory_space<vmem>>, vector<1x16xf32>,
          %get3A_1065 = vector.shape_cast %get3A_1064 : vector<1x16xf32> to vector<16xf32>
          %add3A_1066 = arith.constant 32 : i32
          %add3A_1067 = arith.addi %add3A_1066, %add3A_247 : i32
          %get3A_1068 = arith.index_cast %add3A_1067 : i32 to index
          %get3A_1069 = arith.constant 96 : index
          %get3A_1070 = tpu.vector_load %arg11[%get3A_1068, %get3A_1069] {strides = array<i32>} : memref<160x256xf32, #tpu.memory_space<vmem>>, vector<1x16xf32>,
          %get3A_1071 = vector.shape_cast %get3A_1070 : vector<1x16xf32> to vector<16xf32>
          %add3A_1072 = arith.addf %get3A_1065, %get3A_1071 : vector<16xf32>
          %add3A_1073 = arith.constant 64 : i32
          %add3A_1074 = arith.addi %add3A_1073, %add3A_247 : i32
          %get3A_1075 = arith.index_cast %add3A_1074 : i32 to index
          %get3A_1076 = arith.constant 96 : index
          %get3A_1077 = tpu.vector_load %arg11[%get3A_1075, %get3A_1076] {strides = array<i32>} : memref<160x256xf32, #tpu.memory_space<vmem>>, vector<1x16xf32>,
          %get3A_1078 = vector.shape_cast %get3A_1077 : vector<1x16xf32> to vector<16xf32>
          %add3A_1079 = arith.constant 96 : i32
          %add3A_1080 = arith.addi %add3A_1079, %add3A_247 : i32
          %get3A_1081 = arith.index_cast %add3A_1080 : i32 to index
          %get3A_1082 = arith.constant 96 : index
          %get3A_1083 = tpu.vector_load %arg11[%get3A_1081, %get3A_1082] {strides = array<i32>} : memref<160x256xf32, #tpu.memory_space<vmem>>, vector<1x16xf32>,
          %get3A_1084 = vector.shape_cast %get3A_1083 : vector<1x16xf32> to vector<16xf32>
          %add3A_1085 = arith.addf %get3A_1078, %get3A_1084 : vector<16xf32>
          %add3A_1086 = arith.addf %add3A_1072, %add3A_1085 : vector<16xf32>
          %add3A_1087 = arith.constant 128 : i32
          %add3A_1088 = arith.addi %add3A_1087, %add3A_247 : i32
          %get3A_1089 = arith.index_cast %add3A_1088 : i32 to index
          %get3A_1090 = arith.constant 96 : index
          %get3A_1091 = tpu.vector_load %arg11[%get3A_1089, %get3A_1090] {strides = array<i32>} : memref<160x256xf32, #tpu.memory_space<vmem>>, vector<1x16xf32>,
          %get3A_1092 = vector.shape_cast %get3A_1091 : vector<1x16xf32> to vector<16xf32>
          %add3A_1093 = arith.addf %add3A_1086, %get3A_1092 : vector<16xf32>
          %swap3A_1094 = arith.index_cast %add3A_247 : i32 to index
          %swap3A_1095 = arith.constant 96 : index
          %swap3A_1096 = tpu.vector_load %arg13[%swap3A_1094, %swap3A_1095] {strides = array<i32>} : memref<32x256xf32, #tpu.memory_space<vmem>>, vector<1x16xf32>,
          %swap3A_1097 = vector.shape_cast %swap3A_1096 : vector<1x16xf32> to vector<16xf32>
          %swap3A_1098 = vector.shape_cast %add3A_1093 : vector<16xf32> to vector<1x16xf32>
          tpu.vector_store %arg13[%swap3A_1094, %swap3A_1095], %swap3A_1098 {strides = array<i32>} : memref<32x256xf32, #tpu.memory_space<vmem>>, vector<1x16xf32>,
          %get3A_1099 = arith.index_cast %add3A_247 : i32 to index
          %get3A_1100 = arith.constant 112 : index
          %get3A_1101 = tpu.vector_load %arg11[%get3A_1099, %get3A_1100] {strides = array<i32>} : memref<160x256xf32, #tpu.memory_space<vmem>>, vector<1x16xf32>,
          %get3A_1102 = vector.shape_cast %get3A_1101 : vector<1x16xf32> to vector<16xf32>
          %add3A_1103 = arith.constant 32 : i32
          %add3A_1104 = arith.addi %add3A_1103, %add3A_247 : i32
          %get3A_1105 = arith.index_cast %add3A_1104 : i32 to index
          %get3A_1106 = arith.constant 112 : index
          %get3A_1107 = tpu.vector_load %arg11[%get3A_1105, %get3A_1106] {strides = array<i32>} : memref<160x256xf32, #tpu.memory_space<vmem>>, vector<1x16xf32>,
          %get3A_1108 = vector.shape_cast %get3A_1107 : vector<1x16xf32> to vector<16xf32>
          %add3A_1109 = arith.addf %get3A_1102, %get3A_1108 : vector<16xf32>
          %add3A_1110 = arith.constant 64 : i32
          %add3A_1111 = arith.addi %add3A_1110, %add3A_247 : i32
          %get3A_1112 = arith.index_cast %add3A_1111 : i32 to index
          %get3A_1113 = arith.constant 112 : index
          %get3A_1114 = tpu.vector_load %arg11[%get3A_1112, %get3A_1113] {strides = array<i32>} : memref<160x256xf32, #tpu.memory_space<vmem>>, vector<1x16xf32>,
          %get3A_1115 = vector.shape_cast %get3A_1114 : vector<1x16xf32> to vector<16xf32>
          %add3A_1116 = arith.constant 96 : i32
          %add3A_1117 = arith.addi %add3A_1116, %add3A_247 : i32
          %get3A_1118 = arith.index_cast %add3A_1117 : i32 to index
          %get3A_1119 = arith.constant 112 : index
          %get3A_1120 = tpu.vector_load %arg11[%get3A_1118, %get3A_1119] {strides = array<i32>} : memref<160x256xf32, #tpu.memory_space<vmem>>, vector<1x16xf32>,
          %get3A_1121 = vector.shape_cast %get3A_1120 : vector<1x16xf32> to vector<16xf32>
          %add3A_1122 = arith.addf %get3A_1115, %get3A_1121 : vector<16xf32>
          %add3A_1123 = arith.addf %add3A_1109, %add3A_1122 : vector<16xf32>
          %add3A_1124 = arith.constant 128 : i32
          %add3A_1125 = arith.addi %add3A_1124, %add3A_247 : i32
          %get3A_1126 = arith.index_cast %add3A_1125 : i32 to index
          %get3A_1127 = arith.constant 112 : index
          %get3A_1128 = tpu.vector_load %arg11[%get3A_1126, %get3A_1127] {strides = array<i32>} : memref<160x256xf32, #tpu.memory_space<vmem>>, vector<1x16xf32>,
          %get3A_1129 = vector.shape_cast %get3A_1128 : vector<1x16xf32> to vector<16xf32>
          %add3A_1130 = arith.addf %add3A_1123, %get3A_1129 : vector<16xf32>
          %swap3A_1131 = arith.index_cast %add3A_247 : i32 to index
          %swap3A_1132 = arith.constant 112 : index
          %swap3A_1133 = tpu.vector_load %arg13[%swap3A_1131, %swap3A_1132] {strides = array<i32>} : memref<32x256xf32, #tpu.memory_space<vmem>>, vector<1x16xf32>,
          %swap3A_1134 = vector.shape_cast %swap3A_1133 : vector<1x16xf32> to vector<16xf32>
          %swap3A_1135 = vector.shape_cast %add3A_1130 : vector<16xf32> to vector<1x16xf32>
          tpu.vector_store %arg13[%swap3A_1131, %swap3A_1132], %swap3A_1135 {strides = array<i32>} : memref<32x256xf32, #tpu.memory_space<vmem>>, vector<1x16xf32>,
          %get3A_1136 = arith.index_cast %add3A_247 : i32 to index
          %get3A_1137 = arith.constant 128 : index
          %get3A_1138 = tpu.vector_load %arg11[%get3A_1136, %get3A_1137] {strides = array<i32>} : memref<160x256xf32, #tpu.memory_space<vmem>>, vector<1x16xf32>,
          %get3A_1139 = vector.shape_cast %get3A_1138 : vector<1x16xf32> to vector<16xf32>
          %add3A_1140 = arith.constant 32 : i32
          %add3A_1141 = arith.addi %add3A_1140, %add3A_247 : i32
          %get3A_1142 = arith.index_cast %add3A_1141 : i32 to index
          %get3A_1143 = arith.constant 128 : index
          %get3A_1144 = tpu.vector_load %arg11[%get3A_1142, %get3A_1143] {strides = array<i32>} : memref<160x256xf32, #tpu.memory_space<vmem>>, vector<1x16xf32>,
          %get3A_1145 = vector.shape_cast %get3A_1144 : vector<1x16xf32> to vector<16xf32>
          %add3A_1146 = arith.addf %get3A_1139, %get3A_1145 : vector<16xf32>
          %add3A_1147 = arith.constant 64 : i32
          %add3A_1148 = arith.addi %add3A_1147, %add3A_247 : i32
          %get3A_1149 = arith.index_cast %add3A_1148 : i32 to index
          %get3A_1150 = arith.constant 128 : index
          %get3A_1151 = tpu.vector_load %arg11[%get3A_1149, %get3A_1150] {strides = array<i32>} : memref<160x256xf32, #tpu.memory_space<vmem>>, vector<1x16xf32>,
          %get3A_1152 = vector.shape_cast %get3A_1151 : vector<1x16xf32> to vector<16xf32>
          %add3A_1153 = arith.constant 96 : i32
          %add3A_1154 = arith.addi %add3A_1153, %add3A_247 : i32
          %get3A_1155 = arith.index_cast %add3A_1154 : i32 to index
          %get3A_1156 = arith.constant 128 : index
          %get3A_1157 = tpu.vector_load %arg11[%get3A_1155, %get3A_1156] {strides = array<i32>} : memref<160x256xf32, #tpu.memory_space<vmem>>, vector<1x16xf32>,
          %get3A_1158 = vector.shape_cast %get3A_1157 : vector<1x16xf32> to vector<16xf32>
          %add3A_1159 = arith.addf %get3A_1152, %get3A_1158 : vector<16xf32>
          %add3A_1160 = arith.addf %add3A_1146, %add3A_1159 : vector<16xf32>
          %add3A_1161 = arith.constant 128 : i32
          %add3A_1162 = arith.addi %add3A_1161, %add3A_247 : i32
          %get3A_1163 = arith.index_cast %add3A_1162 : i32 to index
          %get3A_1164 = arith.constant 128 : index
          %get3A_1165 = tpu.vector_load %arg11[%get3A_1163, %get3A_1164] {strides = array<i32>} : memref<160x256xf32, #tpu.memory_space<vmem>>, vector<1x16xf32>,
          %get3A_1166 = vector.shape_cast %get3A_1165 : vector<1x16xf32> to vector<16xf32>
          %add3A_1167 = arith.addf %add3A_1160, %get3A_1166 : vector<16xf32>
          %swap3A_1168 = arith.index_cast %add3A_247 : i32 to index
          %swap3A_1169 = arith.constant 128 : index
          %swap3A_1170 = tpu.vector_load %arg13[%swap3A_1168, %swap3A_1169] {strides = array<i32>} : memref<32x256xf32, #tpu.memory_space<vmem>>, vector<1x16xf32>,
          %swap3A_1171 = vector.shape_cast %swap3A_1170 : vector<1x16xf32> to vector<16xf32>
          %swap3A_1172 = vector.shape_cast %add3A_1167 : vector<16xf32> to vector<1x16xf32>
          tpu.vector_store %arg13[%swap3A_1168, %swap3A_1169], %swap3A_1172 {strides = array<i32>} : memref<32x256xf32, #tpu.memory_space<vmem>>, vector<1x16xf32>,
          %get3A_1173 = arith.index_cast %add3A_247 : i32 to index
          %get3A_1174 = arith.constant 144 : index
          %get3A_1175 = tpu.vector_load %arg11[%get3A_1173, %get3A_1174] {strides = array<i32>} : memref<160x256xf32, #tpu.memory_space<vmem>>, vector<1x16xf32>,
          %get3A_1176 = vector.shape_cast %get3A_1175 : vector<1x16xf32> to vector<16xf32>
          %add3A_1177 = arith.constant 32 : i32
          %add3A_1178 = arith.addi %add3A_1177, %add3A_247 : i32
          %get3A_1179 = arith.index_cast %add3A_1178 : i32 to index
          %get3A_1180 = arith.constant 144 : index
          %get3A_1181 = tpu.vector_load %arg11[%get3A_1179, %get3A_1180] {strides = array<i32>} : memref<160x256xf32, #tpu.memory_space<vmem>>, vector<1x16xf32>,
          %get3A_1182 = vector.shape_cast %get3A_1181 : vector<1x16xf32> to vector<16xf32>
          %add3A_1183 = arith.addf %get3A_1176, %get3A_1182 : vector<16xf32>
          %add3A_1184 = arith.constant 64 : i32
          %add3A_1185 = arith.addi %add3A_1184, %add3A_247 : i32
          %get3A_1186 = arith.index_cast %add3A_1185 : i32 to index
          %get3A_1187 = arith.constant 144 : index
          %get3A_1188 = tpu.vector_load %arg11[%get3A_1186, %get3A_1187] {strides = array<i32>} : memref<160x256xf32, #tpu.memory_space<vmem>>, vector<1x16xf32>,
          %get3A_1189 = vector.shape_cast %get3A_1188 : vector<1x16xf32> to vector<16xf32>
          %add3A_1190 = arith.constant 96 : i32
          %add3A_1191 = arith.addi %add3A_1190, %add3A_247 : i32
          %get3A_1192 = arith.index_cast %add3A_1191 : i32 to index
          %get3A_1193 = arith.constant 144 : index
          %get3A_1194 = tpu.vector_load %arg11[%get3A_1192, %get3A_1193] {strides = array<i32>} : memref<160x256xf32, #tpu.memory_space<vmem>>, vector<1x16xf32>,
          %get3A_1195 = vector.shape_cast %get3A_1194 : vector<1x16xf32> to vector<16xf32>
          %add3A_1196 = arith.addf %get3A_1189, %get3A_1195 : vector<16xf32>
          %add3A_1197 = arith.addf %add3A_1183, %add3A_1196 : vector<16xf32>
          %add3A_1198 = arith.constant 128 : i32
          %add3A_1199 = arith.addi %add3A_1198, %add3A_247 : i32
          %get3A_1200 = arith.index_cast %add3A_1199 : i32 to index
          %get3A_1201 = arith.constant 144 : index
          %get3A_1202 = tpu.vector_load %arg11[%get3A_1200, %get3A_1201] {strides = array<i32>} : memref<160x256xf32, #tpu.memory_space<vmem>>, vector<1x16xf32>,
          %get3A_1203 = vector.shape_cast %get3A_1202 : vector<1x16xf32> to vector<16xf32>
          %add3A_1204 = arith.addf %add3A_1197, %get3A_1203 : vector<16xf32>
          %swap3A_1205 = arith.index_cast %add3A_247 : i32 to index
          %swap3A_1206 = arith.constant 144 : index
          %swap3A_1207 = tpu.vector_load %arg13[%swap3A_1205, %swap3A_1206] {strides = array<i32>} : memref<32x256xf32, #tpu.memory_space<vmem>>, vector<1x16xf32>,
          %swap3A_1208 = vector.shape_cast %swap3A_1207 : vector<1x16xf32> to vector<16xf32>
          %swap3A_1209 = vector.shape_cast %add3A_1204 : vector<16xf32> to vector<1x16xf32>
          tpu.vector_store %arg13[%swap3A_1205, %swap3A_1206], %swap3A_1209 {strides = array<i32>} : memref<32x256xf32, #tpu.memory_space<vmem>>, vector<1x16xf32>,
          %get3A_1210 = arith.index_cast %add3A_247 : i32 to index
          %get3A_1211 = arith.constant 160 : index
          %get3A_1212 = tpu.vector_load %arg11[%get3A_1210, %get3A_1211] {strides = array<i32>} : memref<160x256xf32, #tpu.memory_space<vmem>>, vector<1x16xf32>,
          %get3A_1213 = vector.shape_cast %get3A_1212 : vector<1x16xf32> to vector<16xf32>
          %add3A_1214 = arith.constant 32 : i32
          %add3A_1215 = arith.addi %add3A_1214, %add3A_247 : i32
          %get3A_1216 = arith.index_cast %add3A_1215 : i32 to index
          %get3A_1217 = arith.constant 160 : index
          %get3A_1218 = tpu.vector_load %arg11[%get3A_1216, %get3A_1217] {strides = array<i32>} : memref<160x256xf32, #tpu.memory_space<vmem>>, vector<1x16xf32>,
          %get3A_1219 = vector.shape_cast %get3A_1218 : vector<1x16xf32> to vector<16xf32>
          %add3A_1220 = arith.addf %get3A_1213, %get3A_1219 : vector<16xf32>
          %add3A_1221 = arith.constant 64 : i32
          %add3A_1222 = arith.addi %add3A_1221, %add3A_247 : i32
          %get3A_1223 = arith.index_cast %add3A_1222 : i32 to index
          %get3A_1224 = arith.constant 160 : index
          %get3A_1225 = tpu.vector_load %arg11[%get3A_1223, %get3A_1224] {strides = array<i32>} : memref<160x256xf32, #tpu.memory_space<vmem>>, vector<1x16xf32>,
          %get3A_1226 = vector.shape_cast %get3A_1225 : vector<1x16xf32> to vector<16xf32>
          %add3A_1227 = arith.constant 96 : i32
          %add3A_1228 = arith.addi %add3A_1227, %add3A_247 : i32
          %get3A_1229 = arith.index_cast %add3A_1228 : i32 to index
          %get3A_1230 = arith.constant 160 : index
          %get3A_1231 = tpu.vector_load %arg11[%get3A_1229, %get3A_1230] {strides = array<i32>} : memref<160x256xf32, #tpu.memory_space<vmem>>, vector<1x16xf32>,
          %get3A_1232 = vector.shape_cast %get3A_1231 : vector<1x16xf32> to vector<16xf32>
          %add3A_1233 = arith.addf %get3A_1226, %get3A_1232 : vector<16xf32>
          %add3A_1234 = arith.addf %add3A_1220, %add3A_1233 : vector<16xf32>
          %add3A_1235 = arith.constant 128 : i32
          %add3A_1236 = arith.addi %add3A_1235, %add3A_247 : i32
          %get3A_1237 = arith.index_cast %add3A_1236 : i32 to index
          %get3A_1238 = arith.constant 160 : index
          %get3A_1239 = tpu.vector_load %arg11[%get3A_1237, %get3A_1238] {strides = array<i32>} : memref<160x256xf32, #tpu.memory_space<vmem>>, vector<1x16xf32>,
          %get3A_1240 = vector.shape_cast %get3A_1239 : vector<1x16xf32> to vector<16xf32>
          %add3A_1241 = arith.addf %add3A_1234, %get3A_1240 : vector<16xf32>
          %swap3A_1242 = arith.index_cast %add3A_247 : i32 to index
          %swap3A_1243 = arith.constant 160 : index
          %swap3A_1244 = tpu.vector_load %arg13[%swap3A_1242, %swap3A_1243] {strides = array<i32>} : memref<32x256xf32, #tpu.memory_space<vmem>>, vector<1x16xf32>,
          %swap3A_1245 = vector.shape_cast %swap3A_1244 : vector<1x16xf32> to vector<16xf32>
          %swap3A_1246 = vector.shape_cast %add3A_1241 : vector<16xf32> to vector<1x16xf32>
          tpu.vector_store %arg13[%swap3A_1242, %swap3A_1243], %swap3A_1246 {strides = array<i32>} : memref<32x256xf32, #tpu.memory_space<vmem>>, vector<1x16xf32>,
          %get3A_1247 = arith.index_cast %add3A_247 : i32 to index
          %get3A_1248 = arith.constant 176 : index
          %get3A_1249 = tpu.vector_load %arg11[%get3A_1247, %get3A_1248] {strides = array<i32>} : memref<160x256xf32, #tpu.memory_space<vmem>>, vector<1x16xf32>,
          %get3A_1250 = vector.shape_cast %get3A_1249 : vector<1x16xf32> to vector<16xf32>
          %add3A_1251 = arith.constant 32 : i32
          %add3A_1252 = arith.addi %add3A_1251, %add3A_247 : i32
          %get3A_1253 = arith.index_cast %add3A_1252 : i32 to index
          %get3A_1254 = arith.constant 176 : index
          %get3A_1255 = tpu.vector_load %arg11[%get3A_1253, %get3A_1254] {strides = array<i32>} : memref<160x256xf32, #tpu.memory_space<vmem>>, vector<1x16xf32>,
          %get3A_1256 = vector.shape_cast %get3A_1255 : vector<1x16xf32> to vector<16xf32>
          %add3A_1257 = arith.addf %get3A_1250, %get3A_1256 : vector<16xf32>
          %add3A_1258 = arith.constant 64 : i32
          %add3A_1259 = arith.addi %add3A_1258, %add3A_247 : i32
          %get3A_1260 = arith.index_cast %add3A_1259 : i32 to index
          %get3A_1261 = arith.constant 176 : index
          %get3A_1262 = tpu.vector_load %arg11[%get3A_1260, %get3A_1261] {strides = array<i32>} : memref<160x256xf32, #tpu.memory_space<vmem>>, vector<1x16xf32>,
          %get3A_1263 = vector.shape_cast %get3A_1262 : vector<1x16xf32> to vector<16xf32>
          %add3A_1264 = arith.constant 96 : i32
          %add3A_1265 = arith.addi %add3A_1264, %add3A_247 : i32
          %get3A_1266 = arith.index_cast %add3A_1265 : i32 to index
          %get3A_1267 = arith.constant 176 : index
          %get3A_1268 = tpu.vector_load %arg11[%get3A_1266, %get3A_1267] {strides = array<i32>} : memref<160x256xf32, #tpu.memory_space<vmem>>, vector<1x16xf32>,
          %get3A_1269 = vector.shape_cast %get3A_1268 : vector<1x16xf32> to vector<16xf32>
          %add3A_1270 = arith.addf %get3A_1263, %get3A_1269 : vector<16xf32>
          %add3A_1271 = arith.addf %add3A_1257, %add3A_1270 : vector<16xf32>
          %add3A_1272 = arith.constant 128 : i32
          %add3A_1273 = arith.addi %add3A_1272, %add3A_247 : i32
          %get3A_1274 = arith.index_cast %add3A_1273 : i32 to index
          %get3A_1275 = arith.constant 176 : index
          %get3A_1276 = tpu.vector_load %arg11[%get3A_1274, %get3A_1275] {strides = array<i32>} : memref<160x256xf32, #tpu.memory_space<vmem>>, vector<1x16xf32>,
          %get3A_1277 = vector.shape_cast %get3A_1276 : vector<1x16xf32> to vector<16xf32>
          %add3A_1278 = arith.addf %add3A_1271, %get3A_1277 : vector<16xf32>
          %swap3A_1279 = arith.index_cast %add3A_247 : i32 to index
          %swap3A_1280 = arith.constant 176 : index
          %swap3A_1281 = tpu.vector_load %arg13[%swap3A_1279, %swap3A_1280] {strides = array<i32>} : memref<32x256xf32, #tpu.memory_space<vmem>>, vector<1x16xf32>,
          %swap3A_1282 = vector.shape_cast %swap3A_1281 : vector<1x16xf32> to vector<16xf32>
          %swap3A_1283 = vector.shape_cast %add3A_1278 : vector<16xf32> to vector<1x16xf32>
          tpu.vector_store %arg13[%swap3A_1279, %swap3A_1280], %swap3A_1283 {strides = array<i32>} : memref<32x256xf32, #tpu.memory_space<vmem>>, vector<1x16xf32>,
          %get3A_1284 = arith.index_cast %add3A_247 : i32 to index
          %get3A_1285 = arith.constant 192 : index
          %get3A_1286 = tpu.vector_load %arg11[%get3A_1284, %get3A_1285] {strides = array<i32>} : memref<160x256xf32, #tpu.memory_space<vmem>>, vector<1x16xf32>,
          %get3A_1287 = vector.shape_cast %get3A_1286 : vector<1x16xf32> to vector<16xf32>
          %add3A_1288 = arith.constant 32 : i32
          %add3A_1289 = arith.addi %add3A_1288, %add3A_247 : i32
          %get3A_1290 = arith.index_cast %add3A_1289 : i32 to index
          %get3A_1291 = arith.constant 192 : index
          %get3A_1292 = tpu.vector_load %arg11[%get3A_1290, %get3A_1291] {strides = array<i32>} : memref<160x256xf32, #tpu.memory_space<vmem>>, vector<1x16xf32>,
          %get3A_1293 = vector.shape_cast %get3A_1292 : vector<1x16xf32> to vector<16xf32>
          %add3A_1294 = arith.addf %get3A_1287, %get3A_1293 : vector<16xf32>
          %add3A_1295 = arith.constant 64 : i32
          %add3A_1296 = arith.addi %add3A_1295, %add3A_247 : i32
          %get3A_1297 = arith.index_cast %add3A_1296 : i32 to index
          %get3A_1298 = arith.constant 192 : index
          %get3A_1299 = tpu.vector_load %arg11[%get3A_1297, %get3A_1298] {strides = array<i32>} : memref<160x256xf32, #tpu.memory_space<vmem>>, vector<1x16xf32>,
          %get3A_1300 = vector.shape_cast %get3A_1299 : vector<1x16xf32> to vector<16xf32>
          %add3A_1301 = arith.constant 96 : i32
          %add3A_1302 = arith.addi %add3A_1301, %add3A_247 : i32
          %get3A_1303 = arith.index_cast %add3A_1302 : i32 to index
          %get3A_1304 = arith.constant 192 : index
          %get3A_1305 = tpu.vector_load %arg11[%get3A_1303, %get3A_1304] {strides = array<i32>} : memref<160x256xf32, #tpu.memory_space<vmem>>, vector<1x16xf32>,
          %get3A_1306 = vector.shape_cast %get3A_1305 : vector<1x16xf32> to vector<16xf32>
          %add3A_1307 = arith.addf %get3A_1300, %get3A_1306 : vector<16xf32>
          %add3A_1308 = arith.addf %add3A_1294, %add3A_1307 : vector<16xf32>
          %add3A_1309 = arith.constant 128 : i32
          %add3A_1310 = arith.addi %add3A_1309, %add3A_247 : i32
          %get3A_1311 = arith.index_cast %add3A_1310 : i32 to index
          %get3A_1312 = arith.constant 192 : index
          %get3A_1313 = tpu.vector_load %arg11[%get3A_1311, %get3A_1312] {strides = array<i32>} : memref<160x256xf32, #tpu.memory_space<vmem>>, vector<1x16xf32>,
          %get3A_1314 = vector.shape_cast %get3A_1313 : vector<1x16xf32> to vector<16xf32>
          %add3A_1315 = arith.addf %add3A_1308, %get3A_1314 : vector<16xf32>
          %swap3A_1316 = arith.index_cast %add3A_247 : i32 to index
          %swap3A_1317 = arith.constant 192 : index
          %swap3A_1318 = tpu.vector_load %arg13[%swap3A_1316, %swap3A_1317] {strides = array<i32>} : memref<32x256xf32, #tpu.memory_space<vmem>>, vector<1x16xf32>,
          %swap3A_1319 = vector.shape_cast %swap3A_1318 : vector<1x16xf32> to vector<16xf32>
          %swap3A_1320 = vector.shape_cast %add3A_1315 : vector<16xf32> to vector<1x16xf32>
          tpu.vector_store %arg13[%swap3A_1316, %swap3A_1317], %swap3A_1320 {strides = array<i32>} : memref<32x256xf32, #tpu.memory_space<vmem>>, vector<1x16xf32>,
          %get3A_1321 = arith.index_cast %add3A_247 : i32 to index
          %get3A_1322 = arith.constant 208 : index
          %get3A_1323 = tpu.vector_load %arg11[%get3A_1321, %get3A_1322] {strides = array<i32>} : memref<160x256xf32, #tpu.memory_space<vmem>>, vector<1x16xf32>,
          %get3A_1324 = vector.shape_cast %get3A_1323 : vector<1x16xf32> to vector<16xf32>
          %add3A_1325 = arith.constant 32 : i32
          %add3A_1326 = arith.addi %add3A_1325, %add3A_247 : i32
          %get3A_1327 = arith.index_cast %add3A_1326 : i32 to index
          %get3A_1328 = arith.constant 208 : index
          %get3A_1329 = tpu.vector_load %arg11[%get3A_1327, %get3A_1328] {strides = array<i32>} : memref<160x256xf32, #tpu.memory_space<vmem>>, vector<1x16xf32>,
          %get3A_1330 = vector.shape_cast %get3A_1329 : vector<1x16xf32> to vector<16xf32>
          %add3A_1331 = arith.addf %get3A_1324, %get3A_1330 : vector<16xf32>
          %add3A_1332 = arith.constant 64 : i32
          %add3A_1333 = arith.addi %add3A_1332, %add3A_247 : i32
          %get3A_1334 = arith.index_cast %add3A_1333 : i32 to index
          %get3A_1335 = arith.constant 208 : index
          %get3A_1336 = tpu.vector_load %arg11[%get3A_1334, %get3A_1335] {strides = array<i32>} : memref<160x256xf32, #tpu.memory_space<vmem>>, vector<1x16xf32>,
          %get3A_1337 = vector.shape_cast %get3A_1336 : vector<1x16xf32> to vector<16xf32>
          %add3A_1338 = arith.constant 96 : i32
          %add3A_1339 = arith.addi %add3A_1338, %add3A_247 : i32
          %get3A_1340 = arith.index_cast %add3A_1339 : i32 to index
          %get3A_1341 = arith.constant 208 : index
          %get3A_1342 = tpu.vector_load %arg11[%get3A_1340, %get3A_1341] {strides = array<i32>} : memref<160x256xf32, #tpu.memory_space<vmem>>, vector<1x16xf32>,
          %get3A_1343 = vector.shape_cast %get3A_1342 : vector<1x16xf32> to vector<16xf32>
          %add3A_1344 = arith.addf %get3A_1337, %get3A_1343 : vector<16xf32>
          %add3A_1345 = arith.addf %add3A_1331, %add3A_1344 : vector<16xf32>
          %add3A_1346 = arith.constant 128 : i32
          %add3A_1347 = arith.addi %add3A_1346, %add3A_247 : i32
          %get3A_1348 = arith.index_cast %add3A_1347 : i32 to index
          %get3A_1349 = arith.constant 208 : index
          %get3A_1350 = tpu.vector_load %arg11[%get3A_1348, %get3A_1349] {strides = array<i32>} : memref<160x256xf32, #tpu.memory_space<vmem>>, vector<1x16xf32>,
          %get3A_1351 = vector.shape_cast %get3A_1350 : vector<1x16xf32> to vector<16xf32>
          %add3A_1352 = arith.addf %add3A_1345, %get3A_1351 : vector<16xf32>
          %swap3A_1353 = arith.index_cast %add3A_247 : i32 to index
          %swap3A_1354 = arith.constant 208 : index
          %swap3A_1355 = tpu.vector_load %arg13[%swap3A_1353, %swap3A_1354] {strides = array<i32>} : memref<32x256xf32, #tpu.memory_space<vmem>>, vector<1x16xf32>,
          %swap3A_1356 = vector.shape_cast %swap3A_1355 : vector<1x16xf32> to vector<16xf32>
          %swap3A_1357 = vector.shape_cast %add3A_1352 : vector<16xf32> to vector<1x16xf32>
          tpu.vector_store %arg13[%swap3A_1353, %swap3A_1354], %swap3A_1357 {strides = array<i32>} : memref<32x256xf32, #tpu.memory_space<vmem>>, vector<1x16xf32>,
          %get3A_1358 = arith.index_cast %add3A_247 : i32 to index
          %get3A_1359 = arith.constant 224 : index
          %get3A_1360 = tpu.vector_load %arg11[%get3A_1358, %get3A_1359] {strides = array<i32>} : memref<160x256xf32, #tpu.memory_space<vmem>>, vector<1x16xf32>,
          %get3A_1361 = vector.shape_cast %get3A_1360 : vector<1x16xf32> to vector<16xf32>
          %add3A_1362 = arith.constant 32 : i32
          %add3A_1363 = arith.addi %add3A_1362, %add3A_247 : i32
          %get3A_1364 = arith.index_cast %add3A_1363 : i32 to index
          %get3A_1365 = arith.constant 224 : index
          %get3A_1366 = tpu.vector_load %arg11[%get3A_1364, %get3A_1365] {strides = array<i32>} : memref<160x256xf32, #tpu.memory_space<vmem>>, vector<1x16xf32>,
          %get3A_1367 = vector.shape_cast %get3A_1366 : vector<1x16xf32> to vector<16xf32>
          %add3A_1368 = arith.addf %get3A_1361, %get3A_1367 : vector<16xf32>
          %add3A_1369 = arith.constant 64 : i32
          %add3A_1370 = arith.addi %add3A_1369, %add3A_247 : i32
          %get3A_1371 = arith.index_cast %add3A_1370 : i32 to index
          %get3A_1372 = arith.constant 224 : index
          %get3A_1373 = tpu.vector_load %arg11[%get3A_1371, %get3A_1372] {strides = array<i32>} : memref<160x256xf32, #tpu.memory_space<vmem>>, vector<1x16xf32>,
          %get3A_1374 = vector.shape_cast %get3A_1373 : vector<1x16xf32> to vector<16xf32>
          %add3A_1375 = arith.constant 96 : i32
          %add3A_1376 = arith.addi %add3A_1375, %add3A_247 : i32
          %get3A_1377 = arith.index_cast %add3A_1376 : i32 to index
          %get3A_1378 = arith.constant 224 : index
          %get3A_1379 = tpu.vector_load %arg11[%get3A_1377, %get3A_1378] {strides = array<i32>} : memref<160x256xf32, #tpu.memory_space<vmem>>, vector<1x16xf32>,
          %get3A_1380 = vector.shape_cast %get3A_1379 : vector<1x16xf32> to vector<16xf32>
          %add3A_1381 = arith.addf %get3A_1374, %get3A_1380 : vector<16xf32>
          %add3A_1382 = arith.addf %add3A_1368, %add3A_1381 : vector<16xf32>
          %add3A_1383 = arith.constant 128 : i32
          %add3A_1384 = arith.addi %add3A_1383, %add3A_247 : i32
          %get3A_1385 = arith.index_cast %add3A_1384 : i32 to index
          %get3A_1386 = arith.constant 224 : index
          %get3A_1387 = tpu.vector_load %arg11[%get3A_1385, %get3A_1386] {strides = array<i32>} : memref<160x256xf32, #tpu.memory_space<vmem>>, vector<1x16xf32>,
          %get3A_1388 = vector.shape_cast %get3A_1387 : vector<1x16xf32> to vector<16xf32>
          %add3A_1389 = arith.addf %add3A_1382, %get3A_1388 : vector<16xf32>
          %swap3A_1390 = arith.index_cast %add3A_247 : i32 to index
          %swap3A_1391 = arith.constant 224 : index
          %swap3A_1392 = tpu.vector_load %arg13[%swap3A_1390, %swap3A_1391] {strides = array<i32>} : memref<32x256xf32, #tpu.memory_space<vmem>>, vector<1x16xf32>,
          %swap3A_1393 = vector.shape_cast %swap3A_1392 : vector<1x16xf32> to vector<16xf32>
          %swap3A_1394 = vector.shape_cast %add3A_1389 : vector<16xf32> to vector<1x16xf32>
          tpu.vector_store %arg13[%swap3A_1390, %swap3A_1391], %swap3A_1394 {strides = array<i32>} : memref<32x256xf32, #tpu.memory_space<vmem>>, vector<1x16xf32>,
          %get3A_1395 = arith.index_cast %add3A_247 : i32 to index
          %get3A_1396 = arith.constant 240 : index
          %get3A_1397 = tpu.vector_load %arg11[%get3A_1395, %get3A_1396] {strides = array<i32>} : memref<160x256xf32, #tpu.memory_space<vmem>>, vector<1x16xf32>,
          %get3A_1398 = vector.shape_cast %get3A_1397 : vector<1x16xf32> to vector<16xf32>
          %add3A_1399 = arith.constant 32 : i32
          %add3A_1400 = arith.addi %add3A_1399, %add3A_247 : i32
          %get3A_1401 = arith.index_cast %add3A_1400 : i32 to index
          %get3A_1402 = arith.constant 240 : index
          %get3A_1403 = tpu.vector_load %arg11[%get3A_1401, %get3A_1402] {strides = array<i32>} : memref<160x256xf32, #tpu.memory_space<vmem>>, vector<1x16xf32>,
          %get3A_1404 = vector.shape_cast %get3A_1403 : vector<1x16xf32> to vector<16xf32>
          %add3A_1405 = arith.addf %get3A_1398, %get3A_1404 : vector<16xf32>
          %add3A_1406 = arith.constant 64 : i32
          %add3A_1407 = arith.addi %add3A_1406, %add3A_247 : i32
          %get3A_1408 = arith.index_cast %add3A_1407 : i32 to index
          %get3A_1409 = arith.constant 240 : index
          %get3A_1410 = tpu.vector_load %arg11[%get3A_1408, %get3A_1409] {strides = array<i32>} : memref<160x256xf32, #tpu.memory_space<vmem>>, vector<1x16xf32>,
          %get3A_1411 = vector.shape_cast %get3A_1410 : vector<1x16xf32> to vector<16xf32>
          %add3A_1412 = arith.constant 96 : i32
          %add3A_1413 = arith.addi %add3A_1412, %add3A_247 : i32
          %get3A_1414 = arith.index_cast %add3A_1413 : i32 to index
          %get3A_1415 = arith.constant 240 : index
          %get3A_1416 = tpu.vector_load %arg11[%get3A_1414, %get3A_1415] {strides = array<i32>} : memref<160x256xf32, #tpu.memory_space<vmem>>, vector<1x16xf32>,
          %get3A_1417 = vector.shape_cast %get3A_1416 : vector<1x16xf32> to vector<16xf32>
          %add3A_1418 = arith.addf %get3A_1411, %get3A_1417 : vector<16xf32>
          %add3A_1419 = arith.addf %add3A_1405, %add3A_1418 : vector<16xf32>
          %add3A_1420 = arith.constant 128 : i32
          %add3A_1421 = arith.addi %add3A_1420, %add3A_247 : i32
          %get3A_1422 = arith.index_cast %add3A_1421 : i32 to index
          %get3A_1423 = arith.constant 240 : index
          %get3A_1424 = tpu.vector_load %arg11[%get3A_1422, %get3A_1423] {strides = array<i32>} : memref<160x256xf32, #tpu.memory_space<vmem>>, vector<1x16xf32>,
          %get3A_1425 = vector.shape_cast %get3A_1424 : vector<1x16xf32> to vector<16xf32>
          %add3A_1426 = arith.addf %add3A_1419, %get3A_1425 : vector<16xf32>
          %swap3A_1427 = arith.index_cast %add3A_247 : i32 to index
          %swap3A_1428 = arith.constant 240 : index
          %swap3A_1429 = tpu.vector_load %arg13[%swap3A_1427, %swap3A_1428] {strides = array<i32>} : memref<32x256xf32, #tpu.memory_space<vmem>>, vector<1x16xf32>,
          %swap3A_1430 = vector.shape_cast %swap3A_1429 : vector<1x16xf32> to vector<16xf32>
          %swap3A_1431 = vector.shape_cast %add3A_1426 : vector<16xf32> to vector<1x16xf32>
          tpu.vector_store %arg13[%swap3A_1427, %swap3A_1428], %swap3A_1431 {strides = array<i32>} : memref<32x256xf32, #tpu.memory_space<vmem>>, vector<1x16xf32>,
        }
        %scan3A_234 = arith.constant 16 : i32
        %mul3A_235 = arith.constant 32 : i32
        %mul3A_236 = arith.muli %add3A_193, %mul3A_235 : i32
        %dma_start3A_237 = arith.constant 0 : i32
        %dma_start3A_238 = tpu.memref_slice %arg4[%mul3A_236, %dma_start3A_237] : memref<70048x256xf32, #tpu.memory_space<hbm>> -> memref<32x256xf32, #tpu.memory_space<hbm>>
        %dma_start3A_239 = arith.constant 0 : i32
        %dma_start3A_240 = tpu.memref_slice %arg4[%mul3A_236, %dma_start3A_239] : memref<70048x256xf32, #tpu.memory_space<hbm>> -> memref<32x256xf32, #tpu.memory_space<hbm>>
        tpu.enqueue_dma source(%arg13 : memref<32x256xf32, #tpu.memory_space<vmem>>) target(%dma_start3A_240 : memref<32x256xf32, #tpu.memory_space<hbm>>) target_semaphore(%arg17 : memref<!tpu.dma_semaphore, #tpu.memory_space<semaphore_mem>>)
      } else {
      }
      %convert_element_type3A_213 = arith.extui %lt3A_202 : i1 to i32
      %cond3A_214 = arith.constant 0 : i32
      %cond3A_215 = arith.cmpi ne, %convert_element_type3A_213, %cond3A_214 : i32
      scf.if %cond3A_215 {
        %mul3A_225 = arith.constant 288 : i32
        %mul3A_226 = arith.muli %add3A_197, %mul3A_225 : i32
        %dma_start3A_227 = tpu.memref_slice %arg2[%mul3A_226] : memref<630432xi32, #tpu.memory_space<hbm>> -> memref<288xi32, #tpu.memory_space<hbm>>
        %dma_start3A_228 = tpu.memref_slice %arg2[%mul3A_226] : memref<630432xi32, #tpu.memory_space<hbm>> -> memref<288xi32, #tpu.memory_space<hbm>>
        tpu.enqueue_dma source(%dma_start3A_228 : memref<288xi32, #tpu.memory_space<hbm>>) target(%arg5 : memref<288xi32, #tpu.memory_space<vmem>>) target_semaphore(%arg15 : memref<!tpu.dma_semaphore, #tpu.memory_space<semaphore_mem>>)
      } else {
      }
      %convert_element_type3A_216 = arith.extui %lt3A_200 : i1 to i32
      %cond3A_217 = arith.constant 0 : i32
      %cond3A_218 = arith.cmpi ne, %convert_element_type3A_216, %cond3A_217 : i32
      scf.if %cond3A_218 {
        %dma_wait3A_225 = arith.constant 0 : i32
        %dma_wait3A_226 = arith.constant 0 : i32
        %dma_wait3A_227 = tpu.memref_slice %arg12[%dma_wait3A_225, %dma_wait3A_226] : memref<160x256xf32, #tpu.memory_space<vmem>> -> memref<64x256xf32, #tpu.memory_space<vmem>>
        %dma_wait3A_228 = arith.constant 0 : i32
        %dma_wait3A_229 = arith.constant 0 : i32
        %dma_wait3A_230 = tpu.memref_slice %arg3[%dma_wait3A_228, %dma_wait3A_229] : memref<40100x256xf32, #tpu.memory_space<hbm>> -> memref<40100x256xf32, #tpu.memory_space<hbm>>
        tpu.wait_indirect_dma semaphore(%arg16 : memref<!tpu.dma_semaphore, #tpu.memory_space<semaphore_mem>>) src(%dma_wait3A_230 : memref<40100x256xf32, #tpu.memory_space<hbm>>) dst(%dma_wait3A_227 : memref<64x256xf32, #tpu.memory_space<vmem>>)
        %dma_wait3A_231 = arith.constant 64 : i32
        %dma_wait3A_232 = arith.constant 0 : i32
        %dma_wait3A_233 = tpu.memref_slice %arg12[%dma_wait3A_231, %dma_wait3A_232] : memref<160x256xf32, #tpu.memory_space<vmem>> -> memref<96x256xf32, #tpu.memory_space<vmem>>
        %dma_wait3A_234 = arith.constant 0 : i32
        %dma_wait3A_235 = arith.constant 0 : i32
        %dma_wait3A_236 = tpu.memref_slice %arg3[%dma_wait3A_234, %dma_wait3A_235] : memref<40100x256xf32, #tpu.memory_space<hbm>> -> memref<40100x256xf32, #tpu.memory_space<hbm>>
        tpu.wait_indirect_dma semaphore(%arg16 : memref<!tpu.dma_semaphore, #tpu.memory_space<semaphore_mem>>) src(%dma_wait3A_236 : memref<40100x256xf32, #tpu.memory_space<hbm>>) dst(%dma_wait3A_233 : memref<96x256xf32, #tpu.memory_space<vmem>>)
      } else {
      }
      %convert_element_type3A_219 = arith.extui %lt3A_202 : i1 to i32
      %cond3A_220 = arith.constant 0 : i32
      %cond3A_221 = arith.cmpi ne, %convert_element_type3A_219, %cond3A_220 : i32
      scf.if %cond3A_221 {
        %mul3A_225 = arith.constant 288 : i32
        %mul3A_226 = arith.muli %add3A_197, %mul3A_225 : i32
        %dma_wait3A_227 = tpu.memref_slice %arg2[%mul3A_226] : memref<630432xi32, #tpu.memory_space<hbm>> -> memref<288xi32, #tpu.memory_space<hbm>>
        %dma_wait3A_228 = tpu.memref_slice %arg2[%mul3A_226] : memref<630432xi32, #tpu.memory_space<hbm>> -> memref<288xi32, #tpu.memory_space<hbm>>
        tpu.wait_dma2 semaphore(%arg15 : memref<!tpu.dma_semaphore, #tpu.memory_space<semaphore_mem>>) src(%dma_wait3A_228 : memref<288xi32, #tpu.memory_space<hbm>>) dst(%arg5 : memref<288xi32, #tpu.memory_space<vmem>>)
        %get3A_229 = arith.constant 0 : index
        %get3A_230 = tpu.vector_load %arg5[%get3A_229] {strides = array<i32>} : memref<288xi32, #tpu.memory_space<vmem>>, vector<16xi32>,
        %get3A_231 = vector.shape_cast %get3A_230 : vector<16xi32> to vector<16xi32>
        %mul3A_232 = arith.constant 100 : i32
        %mul3A_233 = vector.broadcast %mul3A_232 : i32 to vector<16xi32>
        %mul3A_234 = arith.muli %get3A_231, %mul3A_233 : vector<16xi32>
        %get3A_235 = arith.constant 32 : index
        %get3A_236 = tpu.vector_load %arg5[%get3A_235] {strides = array<i32>} : memref<288xi32, #tpu.memory_space<vmem>>, vector<16xi32>,
        %get3A_237 = vector.shape_cast %get3A_236 : vector<16xi32> to vector<16xi32>
        %add3A_238 = arith.addi %mul3A_234, %get3A_237 : vector<16xi32>
        %add3A_239 = arith.constant 0 : i32
        %add3A_240 = vector.broadcast %add3A_239 : i32 to vector<16xi32>
        %add3A_241 = arith.addi %add3A_238, %add3A_240 : vector<16xi32>
        %swap3A_242 = arith.constant 0 : index
        %swap3A_243 = tpu.vector_load %arg7[%swap3A_242] {strides = array<i32>} : memref<64xi32, #tpu.memory_space<vmem>>, vector<16xi32>,
        %swap3A_244 = vector.shape_cast %swap3A_243 : vector<16xi32> to vector<16xi32>
        %swap3A_245 = vector.shape_cast %add3A_241 : vector<16xi32> to vector<16xi32>
        tpu.vector_store %arg7[%swap3A_242], %swap3A_245 {strides = array<i32>} : memref<64xi32, #tpu.memory_space<vmem>>, vector<16xi32>,
        %get3A_246 = arith.constant 16 : index
        %get3A_247 = tpu.vector_load %arg5[%get3A_246] {strides = array<i32>} : memref<288xi32, #tpu.memory_space<vmem>>, vector<16xi32>,
        %get3A_248 = vector.shape_cast %get3A_247 : vector<16xi32> to vector<16xi32>
        %mul3A_249 = arith.constant 100 : i32
        %mul3A_250 = vector.broadcast %mul3A_249 : i32 to vector<16xi32>
        %mul3A_251 = arith.muli %get3A_248, %mul3A_250 : vector<16xi32>
        %get3A_252 = arith.constant 48 : index
        %get3A_253 = tpu.vector_load %arg5[%get3A_252] {strides = array<i32>} : memref<288xi32, #tpu.memory_space<vmem>>, vector<16xi32>,
        %get3A_254 = vector.shape_cast %get3A_253 : vector<16xi32> to vector<16xi32>
        %add3A_255 = arith.addi %mul3A_251, %get3A_254 : vector<16xi32>
        %add3A_256 = arith.constant 0 : i32
        %add3A_257 = vector.broadcast %add3A_256 : i32 to vector<16xi32>
        %add3A_258 = arith.addi %add3A_255, %add3A_257 : vector<16xi32>
        %swap3A_259 = arith.constant 16 : index
        %swap3A_260 = tpu.vector_load %arg7[%swap3A_259] {strides = array<i32>} : memref<64xi32, #tpu.memory_space<vmem>>, vector<16xi32>,
        %swap3A_261 = vector.shape_cast %swap3A_260 : vector<16xi32> to vector<16xi32>
        %swap3A_262 = vector.shape_cast %add3A_258 : vector<16xi32> to vector<16xi32>
        tpu.vector_store %arg7[%swap3A_259], %swap3A_262 {strides = array<i32>} : memref<64xi32, #tpu.memory_space<vmem>>, vector<16xi32>,
        %get3A_263 = arith.constant 64 : index
        %get3A_264 = tpu.vector_load %arg5[%get3A_263] {strides = array<i32>} : memref<288xi32, #tpu.memory_space<vmem>>, vector<16xi32>,
        %get3A_265 = vector.shape_cast %get3A_264 : vector<16xi32> to vector<16xi32>
        %mul3A_266 = arith.constant 100 : i32
        %mul3A_267 = vector.broadcast %mul3A_266 : i32 to vector<16xi32>
        %mul3A_268 = arith.muli %get3A_265, %mul3A_267 : vector<16xi32>
        %get3A_269 = arith.constant 96 : index
        %get3A_270 = tpu.vector_load %arg5[%get3A_269] {strides = array<i32>} : memref<288xi32, #tpu.memory_space<vmem>>, vector<16xi32>,
        %get3A_271 = vector.shape_cast %get3A_270 : vector<16xi32> to vector<16xi32>
        %add3A_272 = arith.addi %mul3A_268, %get3A_271 : vector<16xi32>
        %add3A_273 = arith.constant 10000 : i32
        %add3A_274 = vector.broadcast %add3A_273 : i32 to vector<16xi32>
        %add3A_275 = arith.addi %add3A_272, %add3A_274 : vector<16xi32>
        %swap3A_276 = arith.constant 32 : index
        %swap3A_277 = tpu.vector_load %arg7[%swap3A_276] {strides = array<i32>} : memref<64xi32, #tpu.memory_space<vmem>>, vector<16xi32>,
        %swap3A_278 = vector.shape_cast %swap3A_277 : vector<16xi32> to vector<16xi32>
        %swap3A_279 = vector.shape_cast %add3A_275 : vector<16xi32> to vector<16xi32>
        tpu.vector_store %arg7[%swap3A_276], %swap3A_279 {strides = array<i32>} : memref<64xi32, #tpu.memory_space<vmem>>, vector<16xi32>,
        %get3A_280 = arith.constant 80 : index
        %get3A_281 = tpu.vector_load %arg5[%get3A_280] {strides = array<i32>} : memref<288xi32, #tpu.memory_space<vmem>>, vector<16xi32>,
        %get3A_282 = vector.shape_cast %get3A_281 : vector<16xi32> to vector<16xi32>
        %mul3A_283 = arith.constant 100 : i32
        %mul3A_284 = vector.broadcast %mul3A_283 : i32 to vector<16xi32>
        %mul3A_285 = arith.muli %get3A_282, %mul3A_284 : vector<16xi32>
        %get3A_286 = arith.constant 112 : index
        %get3A_287 = tpu.vector_load %arg5[%get3A_286] {strides = array<i32>} : memref<288xi32, #tpu.memory_space<vmem>>, vector<16xi32>,
        %get3A_288 = vector.shape_cast %get3A_287 : vector<16xi32> to vector<16xi32>
        %add3A_289 = arith.addi %mul3A_285, %get3A_288 : vector<16xi32>
        %add3A_290 = arith.constant 10000 : i32
        %add3A_291 = vector.broadcast %add3A_290 : i32 to vector<16xi32>
        %add3A_292 = arith.addi %add3A_289, %add3A_291 : vector<16xi32>
        %swap3A_293 = arith.constant 48 : index
        %swap3A_294 = tpu.vector_load %arg7[%swap3A_293] {strides = array<i32>} : memref<64xi32, #tpu.memory_space<vmem>>, vector<16xi32>,
        %swap3A_295 = vector.shape_cast %swap3A_294 : vector<16xi32> to vector<16xi32>
        %swap3A_296 = vector.shape_cast %add3A_292 : vector<16xi32> to vector<16xi32>
        tpu.vector_store %arg7[%swap3A_293], %swap3A_296 {strides = array<i32>} : memref<64xi32, #tpu.memory_space<vmem>>, vector<16xi32>,
        %get3A_297 = arith.constant 128 : index
        %get3A_298 = tpu.vector_load %arg5[%get3A_297] {strides = array<i32>} : memref<288xi32, #tpu.memory_space<vmem>>, vector<16xi32>,
        %get3A_299 = vector.shape_cast %get3A_298 : vector<16xi32> to vector<16xi32>
        %mul3A_300 = arith.constant 100 : i32
        %mul3A_301 = vector.broadcast %mul3A_300 : i32 to vector<16xi32>
        %mul3A_302 = arith.muli %get3A_299, %mul3A_301 : vector<16xi32>
        %get3A_303 = arith.constant 160 : index
        %get3A_304 = tpu.vector_load %arg5[%get3A_303] {strides = array<i32>} : memref<288xi32, #tpu.memory_space<vmem>>, vector<16xi32>,
        %get3A_305 = vector.shape_cast %get3A_304 : vector<16xi32> to vector<16xi32>
        %add3A_306 = arith.addi %mul3A_302, %get3A_305 : vector<16xi32>
        %add3A_307 = arith.constant 20000 : i32
        %add3A_308 = vector.broadcast %add3A_307 : i32 to vector<16xi32>
        %add3A_309 = arith.addi %add3A_306, %add3A_308 : vector<16xi32>
        %swap3A_310 = arith.constant 0 : index
        %swap3A_311 = tpu.vector_load %arg8[%swap3A_310] {strides = array<i32>} : memref<96xi32, #tpu.memory_space<vmem>>, vector<16xi32>,
        %swap3A_312 = vector.shape_cast %swap3A_311 : vector<16xi32> to vector<16xi32>
        %swap3A_313 = vector.shape_cast %add3A_309 : vector<16xi32> to vector<16xi32>
        tpu.vector_store %arg8[%swap3A_310], %swap3A_313 {strides = array<i32>} : memref<96xi32, #tpu.memory_space<vmem>>, vector<16xi32>,
        %get3A_314 = arith.constant 144 : index
        %get3A_315 = tpu.vector_load %arg5[%get3A_314] {strides = array<i32>} : memref<288xi32, #tpu.memory_space<vmem>>, vector<16xi32>,
        %get3A_316 = vector.shape_cast %get3A_315 : vector<16xi32> to vector<16xi32>
        %mul3A_317 = arith.constant 100 : i32
        %mul3A_318 = vector.broadcast %mul3A_317 : i32 to vector<16xi32>
        %mul3A_319 = arith.muli %get3A_316, %mul3A_318 : vector<16xi32>
        %get3A_320 = arith.constant 176 : index
        %get3A_321 = tpu.vector_load %arg5[%get3A_320] {strides = array<i32>} : memref<288xi32, #tpu.memory_space<vmem>>, vector<16xi32>,
        %get3A_322 = vector.shape_cast %get3A_321 : vector<16xi32> to vector<16xi32>
        %add3A_323 = arith.addi %mul3A_319, %get3A_322 : vector<16xi32>
        %add3A_324 = arith.constant 20000 : i32
        %add3A_325 = vector.broadcast %add3A_324 : i32 to vector<16xi32>
        %add3A_326 = arith.addi %add3A_323, %add3A_325 : vector<16xi32>
        %swap3A_327 = arith.constant 16 : index
        %swap3A_328 = tpu.vector_load %arg8[%swap3A_327] {strides = array<i32>} : memref<96xi32, #tpu.memory_space<vmem>>, vector<16xi32>,
        %swap3A_329 = vector.shape_cast %swap3A_328 : vector<16xi32> to vector<16xi32>
        %swap3A_330 = vector.shape_cast %add3A_326 : vector<16xi32> to vector<16xi32>
        tpu.vector_store %arg8[%swap3A_327], %swap3A_330 {strides = array<i32>} : memref<96xi32, #tpu.memory_space<vmem>>, vector<16xi32>,
        %get3A_331 = arith.constant 192 : index
        %get3A_332 = tpu.vector_load %arg5[%get3A_331] {strides = array<i32>} : memref<288xi32, #tpu.memory_space<vmem>>, vector<16xi32>,
        %get3A_333 = vector.shape_cast %get3A_332 : vector<16xi32> to vector<16xi32>
        %mul3A_334 = arith.constant 100 : i32
        %mul3A_335 = vector.broadcast %mul3A_334 : i32 to vector<16xi32>
        %mul3A_336 = arith.muli %get3A_333, %mul3A_335 : vector<16xi32>
        %get3A_337 = arith.constant 224 : index
        %get3A_338 = tpu.vector_load %arg5[%get3A_337] {strides = array<i32>} : memref<288xi32, #tpu.memory_space<vmem>>, vector<16xi32>,
        %get3A_339 = vector.shape_cast %get3A_338 : vector<16xi32> to vector<16xi32>
        %add3A_340 = arith.addi %mul3A_336, %get3A_339 : vector<16xi32>
        %add3A_341 = arith.constant 30000 : i32
        %add3A_342 = vector.broadcast %add3A_341 : i32 to vector<16xi32>
        %add3A_343 = arith.addi %add3A_340, %add3A_342 : vector<16xi32>
        %swap3A_344 = arith.constant 32 : index
        %swap3A_345 = tpu.vector_load %arg8[%swap3A_344] {strides = array<i32>} : memref<96xi32, #tpu.memory_space<vmem>>, vector<16xi32>,
        %swap3A_346 = vector.shape_cast %swap3A_345 : vector<16xi32> to vector<16xi32>
        %swap3A_347 = vector.shape_cast %add3A_343 : vector<16xi32> to vector<16xi32>
        tpu.vector_store %arg8[%swap3A_344], %swap3A_347 {strides = array<i32>} : memref<96xi32, #tpu.memory_space<vmem>>, vector<16xi32>,
        %get3A_348 = arith.constant 208 : index
        %get3A_349 = tpu.vector_load %arg5[%get3A_348] {strides = array<i32>} : memref<288xi32, #tpu.memory_space<vmem>>, vector<16xi32>,
        %get3A_350 = vector.shape_cast %get3A_349 : vector<16xi32> to vector<16xi32>
        %mul3A_351 = arith.constant 100 : i32
        %mul3A_352 = vector.broadcast %mul3A_351 : i32 to vector<16xi32>
        %mul3A_353 = arith.muli %get3A_350, %mul3A_352 : vector<16xi32>
        %get3A_354 = arith.constant 240 : index
        %get3A_355 = tpu.vector_load %arg5[%get3A_354] {strides = array<i32>} : memref<288xi32, #tpu.memory_space<vmem>>, vector<16xi32>,
        %get3A_356 = vector.shape_cast %get3A_355 : vector<16xi32> to vector<16xi32>
        %add3A_357 = arith.addi %mul3A_353, %get3A_356 : vector<16xi32>
        %add3A_358 = arith.constant 30000 : i32
        %add3A_359 = vector.broadcast %add3A_358 : i32 to vector<16xi32>
        %add3A_360 = arith.addi %add3A_357, %add3A_359 : vector<16xi32>
        %swap3A_361 = arith.constant 48 : index
        %swap3A_362 = tpu.vector_load %arg8[%swap3A_361] {strides = array<i32>} : memref<96xi32, #tpu.memory_space<vmem>>, vector<16xi32>,
        %swap3A_363 = vector.shape_cast %swap3A_362 : vector<16xi32> to vector<16xi32>
        %swap3A_364 = vector.shape_cast %add3A_360 : vector<16xi32> to vector<16xi32>
        tpu.vector_store %arg8[%swap3A_361], %swap3A_364 {strides = array<i32>} : memref<96xi32, #tpu.memory_space<vmem>>, vector<16xi32>,
        %get3A_365 = arith.constant 256 : index
        %get3A_366 = tpu.vector_load %arg5[%get3A_365] {strides = array<i32>} : memref<288xi32, #tpu.memory_space<vmem>>, vector<16xi32>,
        %get3A_367 = vector.shape_cast %get3A_366 : vector<16xi32> to vector<16xi32>
        %add3A_368 = arith.constant 40000 : i32
        %add3A_369 = vector.broadcast %add3A_368 : i32 to vector<16xi32>
        %add3A_370 = arith.addi %get3A_367, %add3A_369 : vector<16xi32>
        %swap3A_371 = arith.constant 64 : index
        %swap3A_372 = tpu.vector_load %arg8[%swap3A_371] {strides = array<i32>} : memref<96xi32, #tpu.memory_space<vmem>>, vector<16xi32>,
        %swap3A_373 = vector.shape_cast %swap3A_372 : vector<16xi32> to vector<16xi32>
        %swap3A_374 = vector.shape_cast %add3A_370 : vector<16xi32> to vector<16xi32>
        tpu.vector_store %arg8[%swap3A_371], %swap3A_374 {strides = array<i32>} : memref<96xi32, #tpu.memory_space<vmem>>, vector<16xi32>,
        %get3A_375 = arith.constant 272 : index
        %get3A_376 = tpu.vector_load %arg5[%get3A_375] {strides = array<i32>} : memref<288xi32, #tpu.memory_space<vmem>>, vector<16xi32>,
        %get3A_377 = vector.shape_cast %get3A_376 : vector<16xi32> to vector<16xi32>
        %add3A_378 = arith.constant 40000 : i32
        %add3A_379 = vector.broadcast %add3A_378 : i32 to vector<16xi32>
        %add3A_380 = arith.addi %get3A_377, %add3A_379 : vector<16xi32>
        %swap3A_381 = arith.constant 80 : index
        %swap3A_382 = tpu.vector_load %arg8[%swap3A_381] {strides = array<i32>} : memref<96xi32, #tpu.memory_space<vmem>>, vector<16xi32>,
        %swap3A_383 = vector.shape_cast %swap3A_382 : vector<16xi32> to vector<16xi32>
        %swap3A_384 = vector.shape_cast %add3A_380 : vector<16xi32> to vector<16xi32>
        tpu.vector_store %arg8[%swap3A_381], %swap3A_384 {strides = array<i32>} : memref<96xi32, #tpu.memory_space<vmem>>, vector<16xi32>,
        %dma_start3A_385 = arith.constant 0 : i32
        %dma_start3A_386 = arith.constant 0 : i32
        %dma_start3A_387 = tpu.memref_slice %arg11[%dma_start3A_385, %dma_start3A_386] : memref<160x256xf32, #tpu.memory_space<vmem>> -> memref<64x256xf32, #tpu.memory_space<vmem>>
        %dma_start3A_388 = arith.constant 0 : i32
        %dma_start3A_389 = arith.constant 0 : i32
        %dma_start3A_390 = tpu.memref_slice %arg3[%dma_start3A_388, %dma_start3A_389] : memref<40100x256xf32, #tpu.memory_space<hbm>> -> memref<40100x256xf32, #tpu.memory_space<hbm>>
        tpu.enqueue_indirect_dma source(%dma_start3A_390 : memref<40100x256xf32, #tpu.memory_space<hbm>>) target(%dma_start3A_387 : memref<64x256xf32, #tpu.memory_space<vmem>>) offsets(%arg7 : memref<64xi32, #tpu.memory_space<vmem>>) semaphore(%arg16 : memref<!tpu.dma_semaphore, #tpu.memory_space<semaphore_mem>>)
        %dma_start3A_391 = arith.constant 64 : i32
        %dma_start3A_392 = arith.constant 0 : i32
        %dma_start3A_393 = tpu.memref_slice %arg11[%dma_start3A_391, %dma_start3A_392] : memref<160x256xf32, #tpu.memory_space<vmem>> -> memref<96x256xf32, #tpu.memory_space<vmem>>
        %dma_start3A_394 = arith.constant 0 : i32
        %dma_start3A_395 = arith.constant 0 : i32
        %dma_start3A_396 = tpu.memref_slice %arg3[%dma_start3A_394, %dma_start3A_395] : memref<40100x256xf32, #tpu.memory_space<hbm>> -> memref<40100x256xf32, #tpu.memory_space<hbm>>
        tpu.enqueue_indirect_dma source(%dma_start3A_396 : memref<40100x256xf32, #tpu.memory_space<hbm>>) target(%dma_start3A_393 : memref<96x256xf32, #tpu.memory_space<vmem>>) offsets(%arg8 : memref<96xi32, #tpu.memory_space<vmem>>) semaphore(%arg16 : memref<!tpu.dma_semaphore, #tpu.memory_space<semaphore_mem>>)
      } else {
      }
      %convert_element_type3A_222 = arith.extui %lt3A_200 : i1 to i32
      %cond3A_223 = arith.constant 0 : i32
      %cond3A_224 = arith.cmpi ne, %convert_element_type3A_222, %cond3A_223 : i32
      scf.if %cond3A_224 {
        %gt3A = arith.constant 0 : i32
        %gt3A_225 = arith.cmpi sgt, %scan3A_190, %gt3A : i32
        %convert_element_type3A_226 = arith.extui %gt3A_225 : i1 to i32
        %cond3A_227 = arith.constant 0 : i32
        %cond3A_228 = arith.cmpi ne, %convert_element_type3A_226, %cond3A_227 : i32
        scf.if %cond3A_228 {
          %dma_wait3A_241 = arith.constant 0 : i32
          %dma_wait3A_242 = arith.constant 0 : i32
          %dma_wait3A_243 = tpu.memref_slice %arg4[%dma_wait3A_241, %dma_wait3A_242] : memref<70048x256xf32, #tpu.memory_space<hbm>> -> memref<32x256xf32, #tpu.memory_space<hbm>>
          %dma_wait3A_244 = arith.constant 0 : i32
          %dma_wait3A_245 = arith.constant 0 : i32
          %dma_wait3A_246 = tpu.memref_slice %arg4[%dma_wait3A_244, %dma_wait3A_245] : memref<70048x256xf32, #tpu.memory_space<hbm>> -> memref<32x256xf32, #tpu.memory_space<hbm>>
          tpu.wait_dma2 semaphore(%arg18 : memref<!tpu.dma_semaphore, #tpu.memory_space<semaphore_mem>>) src(%arg14 : memref<32x256xf32, #tpu.memory_space<vmem>>) dst(%dma_wait3A_246 : memref<32x256xf32, #tpu.memory_space<hbm>>)
        } else {
        }
        %scan3A_229 = arith.constant 0 : i32
        %scan3A_230 = arith.constant 0 : i32
        %scan3A_231 = arith.constant 16 : i32
        %scan3A_232 = arith.addi %scan3A_230, %scan3A_231 : i32
        %scan3A_233 = arith.constant 1 : i32
        scf.for %scan3A_241 = %scan3A_230 to %scan3A_232 step %scan3A_233  : i32 {
          %mul3A_242 = arith.constant 2 : i32
          %mul3A_243 = arith.muli %mul3A_242, %scan3A_241 : i32
          %mul3A_244 = arith.constant 2 : i32
          %mul3A_245 = arith.muli %mul3A_244, %scan3A_241 : i32
          %add3A_246 = arith.constant 1 : i32
          %add3A_247 = arith.addi %mul3A_245, %add3A_246 : i32
          %get3A_248 = arith.index_cast %mul3A_243 : i32 to index
          %get3A_249 = arith.constant 0 : index
          %get3A_250 = tpu.vector_load %arg12[%get3A_248, %get3A_249] {strides = array<i32>} : memref<160x256xf32, #tpu.memory_space<vmem>>, vector<1x16xf32>,
          %get3A_251 = vector.shape_cast %get3A_250 : vector<1x16xf32> to vector<16xf32>
          %add3A_252 = arith.constant 32 : i32
          %add3A_253 = arith.addi %add3A_252, %mul3A_243 : i32
          %get3A_254 = arith.index_cast %add3A_253 : i32 to index
          %get3A_255 = arith.constant 0 : index
          %get3A_256 = tpu.vector_load %arg12[%get3A_254, %get3A_255] {strides = array<i32>} : memref<160x256xf32, #tpu.memory_space<vmem>>, vector<1x16xf32>,
          %get3A_257 = vector.shape_cast %get3A_256 : vector<1x16xf32> to vector<16xf32>
          %add3A_258 = arith.addf %get3A_251, %get3A_257 : vector<16xf32>
          %add3A_259 = arith.constant 64 : i32
          %add3A_260 = arith.addi %add3A_259, %mul3A_243 : i32
          %get3A_261 = arith.index_cast %add3A_260 : i32 to index
          %get3A_262 = arith.constant 0 : index
          %get3A_263 = tpu.vector_load %arg12[%get3A_261, %get3A_262] {strides = array<i32>} : memref<160x256xf32, #tpu.memory_space<vmem>>, vector<1x16xf32>,
          %get3A_264 = vector.shape_cast %get3A_263 : vector<1x16xf32> to vector<16xf32>
          %add3A_265 = arith.constant 96 : i32
          %add3A_266 = arith.addi %add3A_265, %mul3A_243 : i32
          %get3A_267 = arith.index_cast %add3A_266 : i32 to index
          %get3A_268 = arith.constant 0 : index
          %get3A_269 = tpu.vector_load %arg12[%get3A_267, %get3A_268] {strides = array<i32>} : memref<160x256xf32, #tpu.memory_space<vmem>>, vector<1x16xf32>,
          %get3A_270 = vector.shape_cast %get3A_269 : vector<1x16xf32> to vector<16xf32>
          %add3A_271 = arith.addf %get3A_264, %get3A_270 : vector<16xf32>
          %add3A_272 = arith.addf %add3A_258, %add3A_271 : vector<16xf32>
          %add3A_273 = arith.constant 128 : i32
          %add3A_274 = arith.addi %add3A_273, %mul3A_243 : i32
          %get3A_275 = arith.index_cast %add3A_274 : i32 to index
          %get3A_276 = arith.constant 0 : index
          %get3A_277 = tpu.vector_load %arg12[%get3A_275, %get3A_276] {strides = array<i32>} : memref<160x256xf32, #tpu.memory_space<vmem>>, vector<1x16xf32>,
          %get3A_278 = vector.shape_cast %get3A_277 : vector<1x16xf32> to vector<16xf32>
          %add3A_279 = arith.addf %add3A_272, %get3A_278 : vector<16xf32>
          %swap3A_280 = arith.index_cast %mul3A_243 : i32 to index
          %swap3A_281 = arith.constant 0 : index
          %swap3A_282 = tpu.vector_load %arg14[%swap3A_280, %swap3A_281] {strides = array<i32>} : memref<32x256xf32, #tpu.memory_space<vmem>>, vector<1x16xf32>,
          %swap3A_283 = vector.shape_cast %swap3A_282 : vector<1x16xf32> to vector<16xf32>
          %swap3A_284 = vector.shape_cast %add3A_279 : vector<16xf32> to vector<1x16xf32>
          tpu.vector_store %arg14[%swap3A_280, %swap3A_281], %swap3A_284 {strides = array<i32>} : memref<32x256xf32, #tpu.memory_space<vmem>>, vector<1x16xf32>,
          %get3A_285 = arith.index_cast %mul3A_243 : i32 to index
          %get3A_286 = arith.constant 16 : index
          %get3A_287 = tpu.vector_load %arg12[%get3A_285, %get3A_286] {strides = array<i32>} : memref<160x256xf32, #tpu.memory_space<vmem>>, vector<1x16xf32>,
          %get3A_288 = vector.shape_cast %get3A_287 : vector<1x16xf32> to vector<16xf32>
          %add3A_289 = arith.constant 32 : i32
          %add3A_290 = arith.addi %add3A_289, %mul3A_243 : i32
          %get3A_291 = arith.index_cast %add3A_290 : i32 to index
          %get3A_292 = arith.constant 16 : index
          %get3A_293 = tpu.vector_load %arg12[%get3A_291, %get3A_292] {strides = array<i32>} : memref<160x256xf32, #tpu.memory_space<vmem>>, vector<1x16xf32>,
          %get3A_294 = vector.shape_cast %get3A_293 : vector<1x16xf32> to vector<16xf32>
          %add3A_295 = arith.addf %get3A_288, %get3A_294 : vector<16xf32>
          %add3A_296 = arith.constant 64 : i32
          %add3A_297 = arith.addi %add3A_296, %mul3A_243 : i32
          %get3A_298 = arith.index_cast %add3A_297 : i32 to index
          %get3A_299 = arith.constant 16 : index
          %get3A_300 = tpu.vector_load %arg12[%get3A_298, %get3A_299] {strides = array<i32>} : memref<160x256xf32, #tpu.memory_space<vmem>>, vector<1x16xf32>,
          %get3A_301 = vector.shape_cast %get3A_300 : vector<1x16xf32> to vector<16xf32>
          %add3A_302 = arith.constant 96 : i32
          %add3A_303 = arith.addi %add3A_302, %mul3A_243 : i32
          %get3A_304 = arith.index_cast %add3A_303 : i32 to index
          %get3A_305 = arith.constant 16 : index
          %get3A_306 = tpu.vector_load %arg12[%get3A_304, %get3A_305] {strides = array<i32>} : memref<160x256xf32, #tpu.memory_space<vmem>>, vector<1x16xf32>,
          %get3A_307 = vector.shape_cast %get3A_306 : vector<1x16xf32> to vector<16xf32>
          %add3A_308 = arith.addf %get3A_301, %get3A_307 : vector<16xf32>
          %add3A_309 = arith.addf %add3A_295, %add3A_308 : vector<16xf32>
          %add3A_310 = arith.constant 128 : i32
          %add3A_311 = arith.addi %add3A_310, %mul3A_243 : i32
          %get3A_312 = arith.index_cast %add3A_311 : i32 to index
          %get3A_313 = arith.constant 16 : index
          %get3A_314 = tpu.vector_load %arg12[%get3A_312, %get3A_313] {strides = array<i32>} : memref<160x256xf32, #tpu.memory_space<vmem>>, vector<1x16xf32>,
          %get3A_315 = vector.shape_cast %get3A_314 : vector<1x16xf32> to vector<16xf32>
          %add3A_316 = arith.addf %add3A_309, %get3A_315 : vector<16xf32>
          %swap3A_317 = arith.index_cast %mul3A_243 : i32 to index
          %swap3A_318 = arith.constant 16 : index
          %swap3A_319 = tpu.vector_load %arg14[%swap3A_317, %swap3A_318] {strides = array<i32>} : memref<32x256xf32, #tpu.memory_space<vmem>>, vector<1x16xf32>,
          %swap3A_320 = vector.shape_cast %swap3A_319 : vector<1x16xf32> to vector<16xf32>
          %swap3A_321 = vector.shape_cast %add3A_316 : vector<16xf32> to vector<1x16xf32>
          tpu.vector_store %arg14[%swap3A_317, %swap3A_318], %swap3A_321 {strides = array<i32>} : memref<32x256xf32, #tpu.memory_space<vmem>>, vector<1x16xf32>,
          %get3A_322 = arith.index_cast %mul3A_243 : i32 to index
          %get3A_323 = arith.constant 32 : index
          %get3A_324 = tpu.vector_load %arg12[%get3A_322, %get3A_323] {strides = array<i32>} : memref<160x256xf32, #tpu.memory_space<vmem>>, vector<1x16xf32>,
          %get3A_325 = vector.shape_cast %get3A_324 : vector<1x16xf32> to vector<16xf32>
          %add3A_326 = arith.constant 32 : i32
          %add3A_327 = arith.addi %add3A_326, %mul3A_243 : i32
          %get3A_328 = arith.index_cast %add3A_327 : i32 to index
          %get3A_329 = arith.constant 32 : index
          %get3A_330 = tpu.vector_load %arg12[%get3A_328, %get3A_329] {strides = array<i32>} : memref<160x256xf32, #tpu.memory_space<vmem>>, vector<1x16xf32>,
          %get3A_331 = vector.shape_cast %get3A_330 : vector<1x16xf32> to vector<16xf32>
          %add3A_332 = arith.addf %get3A_325, %get3A_331 : vector<16xf32>
          %add3A_333 = arith.constant 64 : i32
          %add3A_334 = arith.addi %add3A_333, %mul3A_243 : i32
          %get3A_335 = arith.index_cast %add3A_334 : i32 to index
          %get3A_336 = arith.constant 32 : index
          %get3A_337 = tpu.vector_load %arg12[%get3A_335, %get3A_336] {strides = array<i32>} : memref<160x256xf32, #tpu.memory_space<vmem>>, vector<1x16xf32>,
          %get3A_338 = vector.shape_cast %get3A_337 : vector<1x16xf32> to vector<16xf32>
          %add3A_339 = arith.constant 96 : i32
          %add3A_340 = arith.addi %add3A_339, %mul3A_243 : i32
          %get3A_341 = arith.index_cast %add3A_340 : i32 to index
          %get3A_342 = arith.constant 32 : index
          %get3A_343 = tpu.vector_load %arg12[%get3A_341, %get3A_342] {strides = array<i32>} : memref<160x256xf32, #tpu.memory_space<vmem>>, vector<1x16xf32>,
          %get3A_344 = vector.shape_cast %get3A_343 : vector<1x16xf32> to vector<16xf32>
          %add3A_345 = arith.addf %get3A_338, %get3A_344 : vector<16xf32>
          %add3A_346 = arith.addf %add3A_332, %add3A_345 : vector<16xf32>
          %add3A_347 = arith.constant 128 : i32
          %add3A_348 = arith.addi %add3A_347, %mul3A_243 : i32
          %get3A_349 = arith.index_cast %add3A_348 : i32 to index
          %get3A_350 = arith.constant 32 : index
          %get3A_351 = tpu.vector_load %arg12[%get3A_349, %get3A_350] {strides = array<i32>} : memref<160x256xf32, #tpu.memory_space<vmem>>, vector<1x16xf32>,
          %get3A_352 = vector.shape_cast %get3A_351 : vector<1x16xf32> to vector<16xf32>
          %add3A_353 = arith.addf %add3A_346, %get3A_352 : vector<16xf32>
          %swap3A_354 = arith.index_cast %mul3A_243 : i32 to index
          %swap3A_355 = arith.constant 32 : index
          %swap3A_356 = tpu.vector_load %arg14[%swap3A_354, %swap3A_355] {strides = array<i32>} : memref<32x256xf32, #tpu.memory_space<vmem>>, vector<1x16xf32>,
          %swap3A_357 = vector.shape_cast %swap3A_356 : vector<1x16xf32> to vector<16xf32>
          %swap3A_358 = vector.shape_cast %add3A_353 : vector<16xf32> to vector<1x16xf32>
          tpu.vector_store %arg14[%swap3A_354, %swap3A_355], %swap3A_358 {strides = array<i32>} : memref<32x256xf32, #tpu.memory_space<vmem>>, vector<1x16xf32>,
          %get3A_359 = arith.index_cast %mul3A_243 : i32 to index
          %get3A_360 = arith.constant 48 : index
          %get3A_361 = tpu.vector_load %arg12[%get3A_359, %get3A_360] {strides = array<i32>} : memref<160x256xf32, #tpu.memory_space<vmem>>, vector<1x16xf32>,
          %get3A_362 = vector.shape_cast %get3A_361 : vector<1x16xf32> to vector<16xf32>
          %add3A_363 = arith.constant 32 : i32
          %add3A_364 = arith.addi %add3A_363, %mul3A_243 : i32
          %get3A_365 = arith.index_cast %add3A_364 : i32 to index
          %get3A_366 = arith.constant 48 : index
          %get3A_367 = tpu.vector_load %arg12[%get3A_365, %get3A_366] {strides = array<i32>} : memref<160x256xf32, #tpu.memory_space<vmem>>, vector<1x16xf32>,
          %get3A_368 = vector.shape_cast %get3A_367 : vector<1x16xf32> to vector<16xf32>
          %add3A_369 = arith.addf %get3A_362, %get3A_368 : vector<16xf32>
          %add3A_370 = arith.constant 64 : i32
          %add3A_371 = arith.addi %add3A_370, %mul3A_243 : i32
          %get3A_372 = arith.index_cast %add3A_371 : i32 to index
          %get3A_373 = arith.constant 48 : index
          %get3A_374 = tpu.vector_load %arg12[%get3A_372, %get3A_373] {strides = array<i32>} : memref<160x256xf32, #tpu.memory_space<vmem>>, vector<1x16xf32>,
          %get3A_375 = vector.shape_cast %get3A_374 : vector<1x16xf32> to vector<16xf32>
          %add3A_376 = arith.constant 96 : i32
          %add3A_377 = arith.addi %add3A_376, %mul3A_243 : i32
          %get3A_378 = arith.index_cast %add3A_377 : i32 to index
          %get3A_379 = arith.constant 48 : index
          %get3A_380 = tpu.vector_load %arg12[%get3A_378, %get3A_379] {strides = array<i32>} : memref<160x256xf32, #tpu.memory_space<vmem>>, vector<1x16xf32>,
          %get3A_381 = vector.shape_cast %get3A_380 : vector<1x16xf32> to vector<16xf32>
          %add3A_382 = arith.addf %get3A_375, %get3A_381 : vector<16xf32>
          %add3A_383 = arith.addf %add3A_369, %add3A_382 : vector<16xf32>
          %add3A_384 = arith.constant 128 : i32
          %add3A_385 = arith.addi %add3A_384, %mul3A_243 : i32
          %get3A_386 = arith.index_cast %add3A_385 : i32 to index
          %get3A_387 = arith.constant 48 : index
          %get3A_388 = tpu.vector_load %arg12[%get3A_386, %get3A_387] {strides = array<i32>} : memref<160x256xf32, #tpu.memory_space<vmem>>, vector<1x16xf32>,
          %get3A_389 = vector.shape_cast %get3A_388 : vector<1x16xf32> to vector<16xf32>
          %add3A_390 = arith.addf %add3A_383, %get3A_389 : vector<16xf32>
          %swap3A_391 = arith.index_cast %mul3A_243 : i32 to index
          %swap3A_392 = arith.constant 48 : index
          %swap3A_393 = tpu.vector_load %arg14[%swap3A_391, %swap3A_392] {strides = array<i32>} : memref<32x256xf32, #tpu.memory_space<vmem>>, vector<1x16xf32>,
          %swap3A_394 = vector.shape_cast %swap3A_393 : vector<1x16xf32> to vector<16xf32>
          %swap3A_395 = vector.shape_cast %add3A_390 : vector<16xf32> to vector<1x16xf32>
          tpu.vector_store %arg14[%swap3A_391, %swap3A_392], %swap3A_395 {strides = array<i32>} : memref<32x256xf32, #tpu.memory_space<vmem>>, vector<1x16xf32>,
          %get3A_396 = arith.index_cast %mul3A_243 : i32 to index
          %get3A_397 = arith.constant 64 : index
          %get3A_398 = tpu.vector_load %arg12[%get3A_396, %get3A_397] {strides = array<i32>} : memref<160x256xf32, #tpu.memory_space<vmem>>, vector<1x16xf32>,
          %get3A_399 = vector.shape_cast %get3A_398 : vector<1x16xf32> to vector<16xf32>
          %add3A_400 = arith.constant 32 : i32
          %add3A_401 = arith.addi %add3A_400, %mul3A_243 : i32
          %get3A_402 = arith.index_cast %add3A_401 : i32 to index
          %get3A_403 = arith.constant 64 : index
          %get3A_404 = tpu.vector_load %arg12[%get3A_402, %get3A_403] {strides = array<i32>} : memref<160x256xf32, #tpu.memory_space<vmem>>, vector<1x16xf32>,
          %get3A_405 = vector.shape_cast %get3A_404 : vector<1x16xf32> to vector<16xf32>
          %add3A_406 = arith.addf %get3A_399, %get3A_405 : vector<16xf32>
          %add3A_407 = arith.constant 64 : i32
          %add3A_408 = arith.addi %add3A_407, %mul3A_243 : i32
          %get3A_409 = arith.index_cast %add3A_408 : i32 to index
          %get3A_410 = arith.constant 64 : index
          %get3A_411 = tpu.vector_load %arg12[%get3A_409, %get3A_410] {strides = array<i32>} : memref<160x256xf32, #tpu.memory_space<vmem>>, vector<1x16xf32>,
          %get3A_412 = vector.shape_cast %get3A_411 : vector<1x16xf32> to vector<16xf32>
          %add3A_413 = arith.constant 96 : i32
          %add3A_414 = arith.addi %add3A_413, %mul3A_243 : i32
          %get3A_415 = arith.index_cast %add3A_414 : i32 to index
          %get3A_416 = arith.constant 64 : index
          %get3A_417 = tpu.vector_load %arg12[%get3A_415, %get3A_416] {strides = array<i32>} : memref<160x256xf32, #tpu.memory_space<vmem>>, vector<1x16xf32>,
          %get3A_418 = vector.shape_cast %get3A_417 : vector<1x16xf32> to vector<16xf32>
          %add3A_419 = arith.addf %get3A_412, %get3A_418 : vector<16xf32>
          %add3A_420 = arith.addf %add3A_406, %add3A_419 : vector<16xf32>
          %add3A_421 = arith.constant 128 : i32
          %add3A_422 = arith.addi %add3A_421, %mul3A_243 : i32
          %get3A_423 = arith.index_cast %add3A_422 : i32 to index
          %get3A_424 = arith.constant 64 : index
          %get3A_425 = tpu.vector_load %arg12[%get3A_423, %get3A_424] {strides = array<i32>} : memref<160x256xf32, #tpu.memory_space<vmem>>, vector<1x16xf32>,
          %get3A_426 = vector.shape_cast %get3A_425 : vector<1x16xf32> to vector<16xf32>
          %add3A_427 = arith.addf %add3A_420, %get3A_426 : vector<16xf32>
          %swap3A_428 = arith.index_cast %mul3A_243 : i32 to index
          %swap3A_429 = arith.constant 64 : index
          %swap3A_430 = tpu.vector_load %arg14[%swap3A_428, %swap3A_429] {strides = array<i32>} : memref<32x256xf32, #tpu.memory_space<vmem>>, vector<1x16xf32>,
          %swap3A_431 = vector.shape_cast %swap3A_430 : vector<1x16xf32> to vector<16xf32>
          %swap3A_432 = vector.shape_cast %add3A_427 : vector<16xf32> to vector<1x16xf32>
          tpu.vector_store %arg14[%swap3A_428, %swap3A_429], %swap3A_432 {strides = array<i32>} : memref<32x256xf32, #tpu.memory_space<vmem>>, vector<1x16xf32>,
          %get3A_433 = arith.index_cast %mul3A_243 : i32 to index
          %get3A_434 = arith.constant 80 : index
          %get3A_435 = tpu.vector_load %arg12[%get3A_433, %get3A_434] {strides = array<i32>} : memref<160x256xf32, #tpu.memory_space<vmem>>, vector<1x16xf32>,
          %get3A_436 = vector.shape_cast %get3A_435 : vector<1x16xf32> to vector<16xf32>
          %add3A_437 = arith.constant 32 : i32
          %add3A_438 = arith.addi %add3A_437, %mul3A_243 : i32
          %get3A_439 = arith.index_cast %add3A_438 : i32 to index
          %get3A_440 = arith.constant 80 : index
          %get3A_441 = tpu.vector_load %arg12[%get3A_439, %get3A_440] {strides = array<i32>} : memref<160x256xf32, #tpu.memory_space<vmem>>, vector<1x16xf32>,
          %get3A_442 = vector.shape_cast %get3A_441 : vector<1x16xf32> to vector<16xf32>
          %add3A_443 = arith.addf %get3A_436, %get3A_442 : vector<16xf32>
          %add3A_444 = arith.constant 64 : i32
          %add3A_445 = arith.addi %add3A_444, %mul3A_243 : i32
          %get3A_446 = arith.index_cast %add3A_445 : i32 to index
          %get3A_447 = arith.constant 80 : index
          %get3A_448 = tpu.vector_load %arg12[%get3A_446, %get3A_447] {strides = array<i32>} : memref<160x256xf32, #tpu.memory_space<vmem>>, vector<1x16xf32>,
          %get3A_449 = vector.shape_cast %get3A_448 : vector<1x16xf32> to vector<16xf32>
          %add3A_450 = arith.constant 96 : i32
          %add3A_451 = arith.addi %add3A_450, %mul3A_243 : i32
          %get3A_452 = arith.index_cast %add3A_451 : i32 to index
          %get3A_453 = arith.constant 80 : index
          %get3A_454 = tpu.vector_load %arg12[%get3A_452, %get3A_453] {strides = array<i32>} : memref<160x256xf32, #tpu.memory_space<vmem>>, vector<1x16xf32>,
          %get3A_455 = vector.shape_cast %get3A_454 : vector<1x16xf32> to vector<16xf32>
          %add3A_456 = arith.addf %get3A_449, %get3A_455 : vector<16xf32>
          %add3A_457 = arith.addf %add3A_443, %add3A_456 : vector<16xf32>
          %add3A_458 = arith.constant 128 : i32
          %add3A_459 = arith.addi %add3A_458, %mul3A_243 : i32
          %get3A_460 = arith.index_cast %add3A_459 : i32 to index
          %get3A_461 = arith.constant 80 : index
          %get3A_462 = tpu.vector_load %arg12[%get3A_460, %get3A_461] {strides = array<i32>} : memref<160x256xf32, #tpu.memory_space<vmem>>, vector<1x16xf32>,
          %get3A_463 = vector.shape_cast %get3A_462 : vector<1x16xf32> to vector<16xf32>
          %add3A_464 = arith.addf %add3A_457, %get3A_463 : vector<16xf32>
          %swap3A_465 = arith.index_cast %mul3A_243 : i32 to index
          %swap3A_466 = arith.constant 80 : index
          %swap3A_467 = tpu.vector_load %arg14[%swap3A_465, %swap3A_466] {strides = array<i32>} : memref<32x256xf32, #tpu.memory_space<vmem>>, vector<1x16xf32>,
          %swap3A_468 = vector.shape_cast %swap3A_467 : vector<1x16xf32> to vector<16xf32>
          %swap3A_469 = vector.shape_cast %add3A_464 : vector<16xf32> to vector<1x16xf32>
          tpu.vector_store %arg14[%swap3A_465, %swap3A_466], %swap3A_469 {strides = array<i32>} : memref<32x256xf32, #tpu.memory_space<vmem>>, vector<1x16xf32>,
          %get3A_470 = arith.index_cast %mul3A_243 : i32 to index
          %get3A_471 = arith.constant 96 : index
          %get3A_472 = tpu.vector_load %arg12[%get3A_470, %get3A_471] {strides = array<i32>} : memref<160x256xf32, #tpu.memory_space<vmem>>, vector<1x16xf32>,
          %get3A_473 = vector.shape_cast %get3A_472 : vector<1x16xf32> to vector<16xf32>
          %add3A_474 = arith.constant 32 : i32
          %add3A_475 = arith.addi %add3A_474, %mul3A_243 : i32
          %get3A_476 = arith.index_cast %add3A_475 : i32 to index
          %get3A_477 = arith.constant 96 : index
          %get3A_478 = tpu.vector_load %arg12[%get3A_476, %get3A_477] {strides = array<i32>} : memref<160x256xf32, #tpu.memory_space<vmem>>, vector<1x16xf32>,
          %get3A_479 = vector.shape_cast %get3A_478 : vector<1x16xf32> to vector<16xf32>
          %add3A_480 = arith.addf %get3A_473, %get3A_479 : vector<16xf32>
          %add3A_481 = arith.constant 64 : i32
          %add3A_482 = arith.addi %add3A_481, %mul3A_243 : i32
          %get3A_483 = arith.index_cast %add3A_482 : i32 to index
          %get3A_484 = arith.constant 96 : index
          %get3A_485 = tpu.vector_load %arg12[%get3A_483, %get3A_484] {strides = array<i32>} : memref<160x256xf32, #tpu.memory_space<vmem>>, vector<1x16xf32>,
          %get3A_486 = vector.shape_cast %get3A_485 : vector<1x16xf32> to vector<16xf32>
          %add3A_487 = arith.constant 96 : i32
          %add3A_488 = arith.addi %add3A_487, %mul3A_243 : i32
          %get3A_489 = arith.index_cast %add3A_488 : i32 to index
          %get3A_490 = arith.constant 96 : index
          %get3A_491 = tpu.vector_load %arg12[%get3A_489, %get3A_490] {strides = array<i32>} : memref<160x256xf32, #tpu.memory_space<vmem>>, vector<1x16xf32>,
          %get3A_492 = vector.shape_cast %get3A_491 : vector<1x16xf32> to vector<16xf32>
          %add3A_493 = arith.addf %get3A_486, %get3A_492 : vector<16xf32>
          %add3A_494 = arith.addf %add3A_480, %add3A_493 : vector<16xf32>
          %add3A_495 = arith.constant 128 : i32
          %add3A_496 = arith.addi %add3A_495, %mul3A_243 : i32
          %get3A_497 = arith.index_cast %add3A_496 : i32 to index
          %get3A_498 = arith.constant 96 : index
          %get3A_499 = tpu.vector_load %arg12[%get3A_497, %get3A_498] {strides = array<i32>} : memref<160x256xf32, #tpu.memory_space<vmem>>, vector<1x16xf32>,
          %get3A_500 = vector.shape_cast %get3A_499 : vector<1x16xf32> to vector<16xf32>
          %add3A_501 = arith.addf %add3A_494, %get3A_500 : vector<16xf32>
          %swap3A_502 = arith.index_cast %mul3A_243 : i32 to index
          %swap3A_503 = arith.constant 96 : index
          %swap3A_504 = tpu.vector_load %arg14[%swap3A_502, %swap3A_503] {strides = array<i32>} : memref<32x256xf32, #tpu.memory_space<vmem>>, vector<1x16xf32>,
          %swap3A_505 = vector.shape_cast %swap3A_504 : vector<1x16xf32> to vector<16xf32>
          %swap3A_506 = vector.shape_cast %add3A_501 : vector<16xf32> to vector<1x16xf32>
          tpu.vector_store %arg14[%swap3A_502, %swap3A_503], %swap3A_506 {strides = array<i32>} : memref<32x256xf32, #tpu.memory_space<vmem>>, vector<1x16xf32>,
          %get3A_507 = arith.index_cast %mul3A_243 : i32 to index
          %get3A_508 = arith.constant 112 : index
          %get3A_509 = tpu.vector_load %arg12[%get3A_507, %get3A_508] {strides = array<i32>} : memref<160x256xf32, #tpu.memory_space<vmem>>, vector<1x16xf32>,
          %get3A_510 = vector.shape_cast %get3A_509 : vector<1x16xf32> to vector<16xf32>
          %add3A_511 = arith.constant 32 : i32
          %add3A_512 = arith.addi %add3A_511, %mul3A_243 : i32
          %get3A_513 = arith.index_cast %add3A_512 : i32 to index
          %get3A_514 = arith.constant 112 : index
          %get3A_515 = tpu.vector_load %arg12[%get3A_513, %get3A_514] {strides = array<i32>} : memref<160x256xf32, #tpu.memory_space<vmem>>, vector<1x16xf32>,
          %get3A_516 = vector.shape_cast %get3A_515 : vector<1x16xf32> to vector<16xf32>
          %add3A_517 = arith.addf %get3A_510, %get3A_516 : vector<16xf32>
          %add3A_518 = arith.constant 64 : i32
          %add3A_519 = arith.addi %add3A_518, %mul3A_243 : i32
          %get3A_520 = arith.index_cast %add3A_519 : i32 to index
          %get3A_521 = arith.constant 112 : index
          %get3A_522 = tpu.vector_load %arg12[%get3A_520, %get3A_521] {strides = array<i32>} : memref<160x256xf32, #tpu.memory_space<vmem>>, vector<1x16xf32>,
          %get3A_523 = vector.shape_cast %get3A_522 : vector<1x16xf32> to vector<16xf32>
          %add3A_524 = arith.constant 96 : i32
          %add3A_525 = arith.addi %add3A_524, %mul3A_243 : i32
          %get3A_526 = arith.index_cast %add3A_525 : i32 to index
          %get3A_527 = arith.constant 112 : index
          %get3A_528 = tpu.vector_load %arg12[%get3A_526, %get3A_527] {strides = array<i32>} : memref<160x256xf32, #tpu.memory_space<vmem>>, vector<1x16xf32>,
          %get3A_529 = vector.shape_cast %get3A_528 : vector<1x16xf32> to vector<16xf32>
          %add3A_530 = arith.addf %get3A_523, %get3A_529 : vector<16xf32>
          %add3A_531 = arith.addf %add3A_517, %add3A_530 : vector<16xf32>
          %add3A_532 = arith.constant 128 : i32
          %add3A_533 = arith.addi %add3A_532, %mul3A_243 : i32
          %get3A_534 = arith.index_cast %add3A_533 : i32 to index
          %get3A_535 = arith.constant 112 : index
          %get3A_536 = tpu.vector_load %arg12[%get3A_534, %get3A_535] {strides = array<i32>} : memref<160x256xf32, #tpu.memory_space<vmem>>, vector<1x16xf32>,
          %get3A_537 = vector.shape_cast %get3A_536 : vector<1x16xf32> to vector<16xf32>
          %add3A_538 = arith.addf %add3A_531, %get3A_537 : vector<16xf32>
          %swap3A_539 = arith.index_cast %mul3A_243 : i32 to index
          %swap3A_540 = arith.constant 112 : index
          %swap3A_541 = tpu.vector_load %arg14[%swap3A_539, %swap3A_540] {strides = array<i32>} : memref<32x256xf32, #tpu.memory_space<vmem>>, vector<1x16xf32>,
          %swap3A_542 = vector.shape_cast %swap3A_541 : vector<1x16xf32> to vector<16xf32>
          %swap3A_543 = vector.shape_cast %add3A_538 : vector<16xf32> to vector<1x16xf32>
          tpu.vector_store %arg14[%swap3A_539, %swap3A_540], %swap3A_543 {strides = array<i32>} : memref<32x256xf32, #tpu.memory_space<vmem>>, vector<1x16xf32>,
          %get3A_544 = arith.index_cast %mul3A_243 : i32 to index
          %get3A_545 = arith.constant 128 : index
          %get3A_546 = tpu.vector_load %arg12[%get3A_544, %get3A_545] {strides = array<i32>} : memref<160x256xf32, #tpu.memory_space<vmem>>, vector<1x16xf32>,
          %get3A_547 = vector.shape_cast %get3A_546 : vector<1x16xf32> to vector<16xf32>
          %add3A_548 = arith.constant 32 : i32
          %add3A_549 = arith.addi %add3A_548, %mul3A_243 : i32
          %get3A_550 = arith.index_cast %add3A_549 : i32 to index
          %get3A_551 = arith.constant 128 : index
          %get3A_552 = tpu.vector_load %arg12[%get3A_550, %get3A_551] {strides = array<i32>} : memref<160x256xf32, #tpu.memory_space<vmem>>, vector<1x16xf32>,
          %get3A_553 = vector.shape_cast %get3A_552 : vector<1x16xf32> to vector<16xf32>
          %add3A_554 = arith.addf %get3A_547, %get3A_553 : vector<16xf32>
          %add3A_555 = arith.constant 64 : i32
          %add3A_556 = arith.addi %add3A_555, %mul3A_243 : i32
          %get3A_557 = arith.index_cast %add3A_556 : i32 to index
          %get3A_558 = arith.constant 128 : index
          %get3A_559 = tpu.vector_load %arg12[%get3A_557, %get3A_558] {strides = array<i32>} : memref<160x256xf32, #tpu.memory_space<vmem>>, vector<1x16xf32>,
          %get3A_560 = vector.shape_cast %get3A_559 : vector<1x16xf32> to vector<16xf32>
          %add3A_561 = arith.constant 96 : i32
          %add3A_562 = arith.addi %add3A_561, %mul3A_243 : i32
          %get3A_563 = arith.index_cast %add3A_562 : i32 to index
          %get3A_564 = arith.constant 128 : index
          %get3A_565 = tpu.vector_load %arg12[%get3A_563, %get3A_564] {strides = array<i32>} : memref<160x256xf32, #tpu.memory_space<vmem>>, vector<1x16xf32>,
          %get3A_566 = vector.shape_cast %get3A_565 : vector<1x16xf32> to vector<16xf32>
          %add3A_567 = arith.addf %get3A_560, %get3A_566 : vector<16xf32>
          %add3A_568 = arith.addf %add3A_554, %add3A_567 : vector<16xf32>
          %add3A_569 = arith.constant 128 : i32
          %add3A_570 = arith.addi %add3A_569, %mul3A_243 : i32
          %get3A_571 = arith.index_cast %add3A_570 : i32 to index
          %get3A_572 = arith.constant 128 : index
          %get3A_573 = tpu.vector_load %arg12[%get3A_571, %get3A_572] {strides = array<i32>} : memref<160x256xf32, #tpu.memory_space<vmem>>, vector<1x16xf32>,
          %get3A_574 = vector.shape_cast %get3A_573 : vector<1x16xf32> to vector<16xf32>
          %add3A_575 = arith.addf %add3A_568, %get3A_574 : vector<16xf32>
          %swap3A_576 = arith.index_cast %mul3A_243 : i32 to index
          %swap3A_577 = arith.constant 128 : index
          %swap3A_578 = tpu.vector_load %arg14[%swap3A_576, %swap3A_577] {strides = array<i32>} : memref<32x256xf32, #tpu.memory_space<vmem>>, vector<1x16xf32>,
          %swap3A_579 = vector.shape_cast %swap3A_578 : vector<1x16xf32> to vector<16xf32>
          %swap3A_580 = vector.shape_cast %add3A_575 : vector<16xf32> to vector<1x16xf32>
          tpu.vector_store %arg14[%swap3A_576, %swap3A_577], %swap3A_580 {strides = array<i32>} : memref<32x256xf32, #tpu.memory_space<vmem>>, vector<1x16xf32>,
          %get3A_581 = arith.index_cast %mul3A_243 : i32 to index
          %get3A_582 = arith.constant 144 : index
          %get3A_583 = tpu.vector_load %arg12[%get3A_581, %get3A_582] {strides = array<i32>} : memref<160x256xf32, #tpu.memory_space<vmem>>, vector<1x16xf32>,
          %get3A_584 = vector.shape_cast %get3A_583 : vector<1x16xf32> to vector<16xf32>
          %add3A_585 = arith.constant 32 : i32
          %add3A_586 = arith.addi %add3A_585, %mul3A_243 : i32
          %get3A_587 = arith.index_cast %add3A_586 : i32 to index
          %get3A_588 = arith.constant 144 : index
          %get3A_589 = tpu.vector_load %arg12[%get3A_587, %get3A_588] {strides = array<i32>} : memref<160x256xf32, #tpu.memory_space<vmem>>, vector<1x16xf32>,
          %get3A_590 = vector.shape_cast %get3A_589 : vector<1x16xf32> to vector<16xf32>
          %add3A_591 = arith.addf %get3A_584, %get3A_590 : vector<16xf32>
          %add3A_592 = arith.constant 64 : i32
          %add3A_593 = arith.addi %add3A_592, %mul3A_243 : i32
          %get3A_594 = arith.index_cast %add3A_593 : i32 to index
          %get3A_595 = arith.constant 144 : index
          %get3A_596 = tpu.vector_load %arg12[%get3A_594, %get3A_595] {strides = array<i32>} : memref<160x256xf32, #tpu.memory_space<vmem>>, vector<1x16xf32>,
          %get3A_597 = vector.shape_cast %get3A_596 : vector<1x16xf32> to vector<16xf32>
          %add3A_598 = arith.constant 96 : i32
          %add3A_599 = arith.addi %add3A_598, %mul3A_243 : i32
          %get3A_600 = arith.index_cast %add3A_599 : i32 to index
          %get3A_601 = arith.constant 144 : index
          %get3A_602 = tpu.vector_load %arg12[%get3A_600, %get3A_601] {strides = array<i32>} : memref<160x256xf32, #tpu.memory_space<vmem>>, vector<1x16xf32>,
          %get3A_603 = vector.shape_cast %get3A_602 : vector<1x16xf32> to vector<16xf32>
          %add3A_604 = arith.addf %get3A_597, %get3A_603 : vector<16xf32>
          %add3A_605 = arith.addf %add3A_591, %add3A_604 : vector<16xf32>
          %add3A_606 = arith.constant 128 : i32
          %add3A_607 = arith.addi %add3A_606, %mul3A_243 : i32
          %get3A_608 = arith.index_cast %add3A_607 : i32 to index
          %get3A_609 = arith.constant 144 : index
          %get3A_610 = tpu.vector_load %arg12[%get3A_608, %get3A_609] {strides = array<i32>} : memref<160x256xf32, #tpu.memory_space<vmem>>, vector<1x16xf32>,
          %get3A_611 = vector.shape_cast %get3A_610 : vector<1x16xf32> to vector<16xf32>
          %add3A_612 = arith.addf %add3A_605, %get3A_611 : vector<16xf32>
          %swap3A_613 = arith.index_cast %mul3A_243 : i32 to index
          %swap3A_614 = arith.constant 144 : index
          %swap3A_615 = tpu.vector_load %arg14[%swap3A_613, %swap3A_614] {strides = array<i32>} : memref<32x256xf32, #tpu.memory_space<vmem>>, vector<1x16xf32>,
          %swap3A_616 = vector.shape_cast %swap3A_615 : vector<1x16xf32> to vector<16xf32>
          %swap3A_617 = vector.shape_cast %add3A_612 : vector<16xf32> to vector<1x16xf32>
          tpu.vector_store %arg14[%swap3A_613, %swap3A_614], %swap3A_617 {strides = array<i32>} : memref<32x256xf32, #tpu.memory_space<vmem>>, vector<1x16xf32>,
          %get3A_618 = arith.index_cast %mul3A_243 : i32 to index
          %get3A_619 = arith.constant 160 : index
          %get3A_620 = tpu.vector_load %arg12[%get3A_618, %get3A_619] {strides = array<i32>} : memref<160x256xf32, #tpu.memory_space<vmem>>, vector<1x16xf32>,
          %get3A_621 = vector.shape_cast %get3A_620 : vector<1x16xf32> to vector<16xf32>
          %add3A_622 = arith.constant 32 : i32
          %add3A_623 = arith.addi %add3A_622, %mul3A_243 : i32
          %get3A_624 = arith.index_cast %add3A_623 : i32 to index
          %get3A_625 = arith.constant 160 : index
          %get3A_626 = tpu.vector_load %arg12[%get3A_624, %get3A_625] {strides = array<i32>} : memref<160x256xf32, #tpu.memory_space<vmem>>, vector<1x16xf32>,
          %get3A_627 = vector.shape_cast %get3A_626 : vector<1x16xf32> to vector<16xf32>
          %add3A_628 = arith.addf %get3A_621, %get3A_627 : vector<16xf32>
          %add3A_629 = arith.constant 64 : i32
          %add3A_630 = arith.addi %add3A_629, %mul3A_243 : i32
          %get3A_631 = arith.index_cast %add3A_630 : i32 to index
          %get3A_632 = arith.constant 160 : index
          %get3A_633 = tpu.vector_load %arg12[%get3A_631, %get3A_632] {strides = array<i32>} : memref<160x256xf32, #tpu.memory_space<vmem>>, vector<1x16xf32>,
          %get3A_634 = vector.shape_cast %get3A_633 : vector<1x16xf32> to vector<16xf32>
          %add3A_635 = arith.constant 96 : i32
          %add3A_636 = arith.addi %add3A_635, %mul3A_243 : i32
          %get3A_637 = arith.index_cast %add3A_636 : i32 to index
          %get3A_638 = arith.constant 160 : index
          %get3A_639 = tpu.vector_load %arg12[%get3A_637, %get3A_638] {strides = array<i32>} : memref<160x256xf32, #tpu.memory_space<vmem>>, vector<1x16xf32>,
          %get3A_640 = vector.shape_cast %get3A_639 : vector<1x16xf32> to vector<16xf32>
          %add3A_641 = arith.addf %get3A_634, %get3A_640 : vector<16xf32>
          %add3A_642 = arith.addf %add3A_628, %add3A_641 : vector<16xf32>
          %add3A_643 = arith.constant 128 : i32
          %add3A_644 = arith.addi %add3A_643, %mul3A_243 : i32
          %get3A_645 = arith.index_cast %add3A_644 : i32 to index
          %get3A_646 = arith.constant 160 : index
          %get3A_647 = tpu.vector_load %arg12[%get3A_645, %get3A_646] {strides = array<i32>} : memref<160x256xf32, #tpu.memory_space<vmem>>, vector<1x16xf32>,
          %get3A_648 = vector.shape_cast %get3A_647 : vector<1x16xf32> to vector<16xf32>
          %add3A_649 = arith.addf %add3A_642, %get3A_648 : vector<16xf32>
          %swap3A_650 = arith.index_cast %mul3A_243 : i32 to index
          %swap3A_651 = arith.constant 160 : index
          %swap3A_652 = tpu.vector_load %arg14[%swap3A_650, %swap3A_651] {strides = array<i32>} : memref<32x256xf32, #tpu.memory_space<vmem>>, vector<1x16xf32>,
          %swap3A_653 = vector.shape_cast %swap3A_652 : vector<1x16xf32> to vector<16xf32>
          %swap3A_654 = vector.shape_cast %add3A_649 : vector<16xf32> to vector<1x16xf32>
          tpu.vector_store %arg14[%swap3A_650, %swap3A_651], %swap3A_654 {strides = array<i32>} : memref<32x256xf32, #tpu.memory_space<vmem>>, vector<1x16xf32>,
          %get3A_655 = arith.index_cast %mul3A_243 : i32 to index
          %get3A_656 = arith.constant 176 : index
          %get3A_657 = tpu.vector_load %arg12[%get3A_655, %get3A_656] {strides = array<i32>} : memref<160x256xf32, #tpu.memory_space<vmem>>, vector<1x16xf32>,
          %get3A_658 = vector.shape_cast %get3A_657 : vector<1x16xf32> to vector<16xf32>
          %add3A_659 = arith.constant 32 : i32
          %add3A_660 = arith.addi %add3A_659, %mul3A_243 : i32
          %get3A_661 = arith.index_cast %add3A_660 : i32 to index
          %get3A_662 = arith.constant 176 : index
          %get3A_663 = tpu.vector_load %arg12[%get3A_661, %get3A_662] {strides = array<i32>} : memref<160x256xf32, #tpu.memory_space<vmem>>, vector<1x16xf32>,
          %get3A_664 = vector.shape_cast %get3A_663 : vector<1x16xf32> to vector<16xf32>
          %add3A_665 = arith.addf %get3A_658, %get3A_664 : vector<16xf32>
          %add3A_666 = arith.constant 64 : i32
          %add3A_667 = arith.addi %add3A_666, %mul3A_243 : i32
          %get3A_668 = arith.index_cast %add3A_667 : i32 to index
          %get3A_669 = arith.constant 176 : index
          %get3A_670 = tpu.vector_load %arg12[%get3A_668, %get3A_669] {strides = array<i32>} : memref<160x256xf32, #tpu.memory_space<vmem>>, vector<1x16xf32>,
          %get3A_671 = vector.shape_cast %get3A_670 : vector<1x16xf32> to vector<16xf32>
          %add3A_672 = arith.constant 96 : i32
          %add3A_673 = arith.addi %add3A_672, %mul3A_243 : i32
          %get3A_674 = arith.index_cast %add3A_673 : i32 to index
          %get3A_675 = arith.constant 176 : index
          %get3A_676 = tpu.vector_load %arg12[%get3A_674, %get3A_675] {strides = array<i32>} : memref<160x256xf32, #tpu.memory_space<vmem>>, vector<1x16xf32>,
          %get3A_677 = vector.shape_cast %get3A_676 : vector<1x16xf32> to vector<16xf32>
          %add3A_678 = arith.addf %get3A_671, %get3A_677 : vector<16xf32>
          %add3A_679 = arith.addf %add3A_665, %add3A_678 : vector<16xf32>
          %add3A_680 = arith.constant 128 : i32
          %add3A_681 = arith.addi %add3A_680, %mul3A_243 : i32
          %get3A_682 = arith.index_cast %add3A_681 : i32 to index
          %get3A_683 = arith.constant 176 : index
          %get3A_684 = tpu.vector_load %arg12[%get3A_682, %get3A_683] {strides = array<i32>} : memref<160x256xf32, #tpu.memory_space<vmem>>, vector<1x16xf32>,
          %get3A_685 = vector.shape_cast %get3A_684 : vector<1x16xf32> to vector<16xf32>
          %add3A_686 = arith.addf %add3A_679, %get3A_685 : vector<16xf32>
          %swap3A_687 = arith.index_cast %mul3A_243 : i32 to index
          %swap3A_688 = arith.constant 176 : index
          %swap3A_689 = tpu.vector_load %arg14[%swap3A_687, %swap3A_688] {strides = array<i32>} : memref<32x256xf32, #tpu.memory_space<vmem>>, vector<1x16xf32>,
          %swap3A_690 = vector.shape_cast %swap3A_689 : vector<1x16xf32> to vector<16xf32>
          %swap3A_691 = vector.shape_cast %add3A_686 : vector<16xf32> to vector<1x16xf32>
          tpu.vector_store %arg14[%swap3A_687, %swap3A_688], %swap3A_691 {strides = array<i32>} : memref<32x256xf32, #tpu.memory_space<vmem>>, vector<1x16xf32>,
          %get3A_692 = arith.index_cast %mul3A_243 : i32 to index
          %get3A_693 = arith.constant 192 : index
          %get3A_694 = tpu.vector_load %arg12[%get3A_692, %get3A_693] {strides = array<i32>} : memref<160x256xf32, #tpu.memory_space<vmem>>, vector<1x16xf32>,
          %get3A_695 = vector.shape_cast %get3A_694 : vector<1x16xf32> to vector<16xf32>
          %add3A_696 = arith.constant 32 : i32
          %add3A_697 = arith.addi %add3A_696, %mul3A_243 : i32
          %get3A_698 = arith.index_cast %add3A_697 : i32 to index
          %get3A_699 = arith.constant 192 : index
          %get3A_700 = tpu.vector_load %arg12[%get3A_698, %get3A_699] {strides = array<i32>} : memref<160x256xf32, #tpu.memory_space<vmem>>, vector<1x16xf32>,
          %get3A_701 = vector.shape_cast %get3A_700 : vector<1x16xf32> to vector<16xf32>
          %add3A_702 = arith.addf %get3A_695, %get3A_701 : vector<16xf32>
          %add3A_703 = arith.constant 64 : i32
          %add3A_704 = arith.addi %add3A_703, %mul3A_243 : i32
          %get3A_705 = arith.index_cast %add3A_704 : i32 to index
          %get3A_706 = arith.constant 192 : index
          %get3A_707 = tpu.vector_load %arg12[%get3A_705, %get3A_706] {strides = array<i32>} : memref<160x256xf32, #tpu.memory_space<vmem>>, vector<1x16xf32>,
          %get3A_708 = vector.shape_cast %get3A_707 : vector<1x16xf32> to vector<16xf32>
          %add3A_709 = arith.constant 96 : i32
          %add3A_710 = arith.addi %add3A_709, %mul3A_243 : i32
          %get3A_711 = arith.index_cast %add3A_710 : i32 to index
          %get3A_712 = arith.constant 192 : index
          %get3A_713 = tpu.vector_load %arg12[%get3A_711, %get3A_712] {strides = array<i32>} : memref<160x256xf32, #tpu.memory_space<vmem>>, vector<1x16xf32>,
          %get3A_714 = vector.shape_cast %get3A_713 : vector<1x16xf32> to vector<16xf32>
          %add3A_715 = arith.addf %get3A_708, %get3A_714 : vector<16xf32>
          %add3A_716 = arith.addf %add3A_702, %add3A_715 : vector<16xf32>
          %add3A_717 = arith.constant 128 : i32
          %add3A_718 = arith.addi %add3A_717, %mul3A_243 : i32
          %get3A_719 = arith.index_cast %add3A_718 : i32 to index
          %get3A_720 = arith.constant 192 : index
          %get3A_721 = tpu.vector_load %arg12[%get3A_719, %get3A_720] {strides = array<i32>} : memref<160x256xf32, #tpu.memory_space<vmem>>, vector<1x16xf32>,
          %get3A_722 = vector.shape_cast %get3A_721 : vector<1x16xf32> to vector<16xf32>
          %add3A_723 = arith.addf %add3A_716, %get3A_722 : vector<16xf32>
          %swap3A_724 = arith.index_cast %mul3A_243 : i32 to index
          %swap3A_725 = arith.constant 192 : index
          %swap3A_726 = tpu.vector_load %arg14[%swap3A_724, %swap3A_725] {strides = array<i32>} : memref<32x256xf32, #tpu.memory_space<vmem>>, vector<1x16xf32>,
          %swap3A_727 = vector.shape_cast %swap3A_726 : vector<1x16xf32> to vector<16xf32>
          %swap3A_728 = vector.shape_cast %add3A_723 : vector<16xf32> to vector<1x16xf32>
          tpu.vector_store %arg14[%swap3A_724, %swap3A_725], %swap3A_728 {strides = array<i32>} : memref<32x256xf32, #tpu.memory_space<vmem>>, vector<1x16xf32>,
          %get3A_729 = arith.index_cast %mul3A_243 : i32 to index
          %get3A_730 = arith.constant 208 : index
          %get3A_731 = tpu.vector_load %arg12[%get3A_729, %get3A_730] {strides = array<i32>} : memref<160x256xf32, #tpu.memory_space<vmem>>, vector<1x16xf32>,
          %get3A_732 = vector.shape_cast %get3A_731 : vector<1x16xf32> to vector<16xf32>
          %add3A_733 = arith.constant 32 : i32
          %add3A_734 = arith.addi %add3A_733, %mul3A_243 : i32
          %get3A_735 = arith.index_cast %add3A_734 : i32 to index
          %get3A_736 = arith.constant 208 : index
          %get3A_737 = tpu.vector_load %arg12[%get3A_735, %get3A_736] {strides = array<i32>} : memref<160x256xf32, #tpu.memory_space<vmem>>, vector<1x16xf32>,
          %get3A_738 = vector.shape_cast %get3A_737 : vector<1x16xf32> to vector<16xf32>
          %add3A_739 = arith.addf %get3A_732, %get3A_738 : vector<16xf32>
          %add3A_740 = arith.constant 64 : i32
          %add3A_741 = arith.addi %add3A_740, %mul3A_243 : i32
          %get3A_742 = arith.index_cast %add3A_741 : i32 to index
          %get3A_743 = arith.constant 208 : index
          %get3A_744 = tpu.vector_load %arg12[%get3A_742, %get3A_743] {strides = array<i32>} : memref<160x256xf32, #tpu.memory_space<vmem>>, vector<1x16xf32>,
          %get3A_745 = vector.shape_cast %get3A_744 : vector<1x16xf32> to vector<16xf32>
          %add3A_746 = arith.constant 96 : i32
          %add3A_747 = arith.addi %add3A_746, %mul3A_243 : i32
          %get3A_748 = arith.index_cast %add3A_747 : i32 to index
          %get3A_749 = arith.constant 208 : index
          %get3A_750 = tpu.vector_load %arg12[%get3A_748, %get3A_749] {strides = array<i32>} : memref<160x256xf32, #tpu.memory_space<vmem>>, vector<1x16xf32>,
          %get3A_751 = vector.shape_cast %get3A_750 : vector<1x16xf32> to vector<16xf32>
          %add3A_752 = arith.addf %get3A_745, %get3A_751 : vector<16xf32>
          %add3A_753 = arith.addf %add3A_739, %add3A_752 : vector<16xf32>
          %add3A_754 = arith.constant 128 : i32
          %add3A_755 = arith.addi %add3A_754, %mul3A_243 : i32
          %get3A_756 = arith.index_cast %add3A_755 : i32 to index
          %get3A_757 = arith.constant 208 : index
          %get3A_758 = tpu.vector_load %arg12[%get3A_756, %get3A_757] {strides = array<i32>} : memref<160x256xf32, #tpu.memory_space<vmem>>, vector<1x16xf32>,
          %get3A_759 = vector.shape_cast %get3A_758 : vector<1x16xf32> to vector<16xf32>
          %add3A_760 = arith.addf %add3A_753, %get3A_759 : vector<16xf32>
          %swap3A_761 = arith.index_cast %mul3A_243 : i32 to index
          %swap3A_762 = arith.constant 208 : index
          %swap3A_763 = tpu.vector_load %arg14[%swap3A_761, %swap3A_762] {strides = array<i32>} : memref<32x256xf32, #tpu.memory_space<vmem>>, vector<1x16xf32>,
          %swap3A_764 = vector.shape_cast %swap3A_763 : vector<1x16xf32> to vector<16xf32>
          %swap3A_765 = vector.shape_cast %add3A_760 : vector<16xf32> to vector<1x16xf32>
          tpu.vector_store %arg14[%swap3A_761, %swap3A_762], %swap3A_765 {strides = array<i32>} : memref<32x256xf32, #tpu.memory_space<vmem>>, vector<1x16xf32>,
          %get3A_766 = arith.index_cast %mul3A_243 : i32 to index
          %get3A_767 = arith.constant 224 : index
          %get3A_768 = tpu.vector_load %arg12[%get3A_766, %get3A_767] {strides = array<i32>} : memref<160x256xf32, #tpu.memory_space<vmem>>, vector<1x16xf32>,
          %get3A_769 = vector.shape_cast %get3A_768 : vector<1x16xf32> to vector<16xf32>
          %add3A_770 = arith.constant 32 : i32
          %add3A_771 = arith.addi %add3A_770, %mul3A_243 : i32
          %get3A_772 = arith.index_cast %add3A_771 : i32 to index
          %get3A_773 = arith.constant 224 : index
          %get3A_774 = tpu.vector_load %arg12[%get3A_772, %get3A_773] {strides = array<i32>} : memref<160x256xf32, #tpu.memory_space<vmem>>, vector<1x16xf32>,
          %get3A_775 = vector.shape_cast %get3A_774 : vector<1x16xf32> to vector<16xf32>
          %add3A_776 = arith.addf %get3A_769, %get3A_775 : vector<16xf32>
          %add3A_777 = arith.constant 64 : i32
          %add3A_778 = arith.addi %add3A_777, %mul3A_243 : i32
          %get3A_779 = arith.index_cast %add3A_778 : i32 to index
          %get3A_780 = arith.constant 224 : index
          %get3A_781 = tpu.vector_load %arg12[%get3A_779, %get3A_780] {strides = array<i32>} : memref<160x256xf32, #tpu.memory_space<vmem>>, vector<1x16xf32>,
          %get3A_782 = vector.shape_cast %get3A_781 : vector<1x16xf32> to vector<16xf32>
          %add3A_783 = arith.constant 96 : i32
          %add3A_784 = arith.addi %add3A_783, %mul3A_243 : i32
          %get3A_785 = arith.index_cast %add3A_784 : i32 to index
          %get3A_786 = arith.constant 224 : index
          %get3A_787 = tpu.vector_load %arg12[%get3A_785, %get3A_786] {strides = array<i32>} : memref<160x256xf32, #tpu.memory_space<vmem>>, vector<1x16xf32>,
          %get3A_788 = vector.shape_cast %get3A_787 : vector<1x16xf32> to vector<16xf32>
          %add3A_789 = arith.addf %get3A_782, %get3A_788 : vector<16xf32>
          %add3A_790 = arith.addf %add3A_776, %add3A_789 : vector<16xf32>
          %add3A_791 = arith.constant 128 : i32
          %add3A_792 = arith.addi %add3A_791, %mul3A_243 : i32
          %get3A_793 = arith.index_cast %add3A_792 : i32 to index
          %get3A_794 = arith.constant 224 : index
          %get3A_795 = tpu.vector_load %arg12[%get3A_793, %get3A_794] {strides = array<i32>} : memref<160x256xf32, #tpu.memory_space<vmem>>, vector<1x16xf32>,
          %get3A_796 = vector.shape_cast %get3A_795 : vector<1x16xf32> to vector<16xf32>
          %add3A_797 = arith.addf %add3A_790, %get3A_796 : vector<16xf32>
          %swap3A_798 = arith.index_cast %mul3A_243 : i32 to index
          %swap3A_799 = arith.constant 224 : index
          %swap3A_800 = tpu.vector_load %arg14[%swap3A_798, %swap3A_799] {strides = array<i32>} : memref<32x256xf32, #tpu.memory_space<vmem>>, vector<1x16xf32>,
          %swap3A_801 = vector.shape_cast %swap3A_800 : vector<1x16xf32> to vector<16xf32>
          %swap3A_802 = vector.shape_cast %add3A_797 : vector<16xf32> to vector<1x16xf32>
          tpu.vector_store %arg14[%swap3A_798, %swap3A_799], %swap3A_802 {strides = array<i32>} : memref<32x256xf32, #tpu.memory_space<vmem>>, vector<1x16xf32>,
          %get3A_803 = arith.index_cast %mul3A_243 : i32 to index
          %get3A_804 = arith.constant 240 : index
          %get3A_805 = tpu.vector_load %arg12[%get3A_803, %get3A_804] {strides = array<i32>} : memref<160x256xf32, #tpu.memory_space<vmem>>, vector<1x16xf32>,
          %get3A_806 = vector.shape_cast %get3A_805 : vector<1x16xf32> to vector<16xf32>
          %add3A_807 = arith.constant 32 : i32
          %add3A_808 = arith.addi %add3A_807, %mul3A_243 : i32
          %get3A_809 = arith.index_cast %add3A_808 : i32 to index
          %get3A_810 = arith.constant 240 : index
          %get3A_811 = tpu.vector_load %arg12[%get3A_809, %get3A_810] {strides = array<i32>} : memref<160x256xf32, #tpu.memory_space<vmem>>, vector<1x16xf32>,
          %get3A_812 = vector.shape_cast %get3A_811 : vector<1x16xf32> to vector<16xf32>
          %add3A_813 = arith.addf %get3A_806, %get3A_812 : vector<16xf32>
          %add3A_814 = arith.constant 64 : i32
          %add3A_815 = arith.addi %add3A_814, %mul3A_243 : i32
          %get3A_816 = arith.index_cast %add3A_815 : i32 to index
          %get3A_817 = arith.constant 240 : index
          %get3A_818 = tpu.vector_load %arg12[%get3A_816, %get3A_817] {strides = array<i32>} : memref<160x256xf32, #tpu.memory_space<vmem>>, vector<1x16xf32>,
          %get3A_819 = vector.shape_cast %get3A_818 : vector<1x16xf32> to vector<16xf32>
          %add3A_820 = arith.constant 96 : i32
          %add3A_821 = arith.addi %add3A_820, %mul3A_243 : i32
          %get3A_822 = arith.index_cast %add3A_821 : i32 to index
          %get3A_823 = arith.constant 240 : index
          %get3A_824 = tpu.vector_load %arg12[%get3A_822, %get3A_823] {strides = array<i32>} : memref<160x256xf32, #tpu.memory_space<vmem>>, vector<1x16xf32>,
          %get3A_825 = vector.shape_cast %get3A_824 : vector<1x16xf32> to vector<16xf32>
          %add3A_826 = arith.addf %get3A_819, %get3A_825 : vector<16xf32>
          %add3A_827 = arith.addf %add3A_813, %add3A_826 : vector<16xf32>
          %add3A_828 = arith.constant 128 : i32
          %add3A_829 = arith.addi %add3A_828, %mul3A_243 : i32
          %get3A_830 = arith.index_cast %add3A_829 : i32 to index
          %get3A_831 = arith.constant 240 : index
          %get3A_832 = tpu.vector_load %arg12[%get3A_830, %get3A_831] {strides = array<i32>} : memref<160x256xf32, #tpu.memory_space<vmem>>, vector<1x16xf32>,
          %get3A_833 = vector.shape_cast %get3A_832 : vector<1x16xf32> to vector<16xf32>
          %add3A_834 = arith.addf %add3A_827, %get3A_833 : vector<16xf32>
          %swap3A_835 = arith.index_cast %mul3A_243 : i32 to index
          %swap3A_836 = arith.constant 240 : index
          %swap3A_837 = tpu.vector_load %arg14[%swap3A_835, %swap3A_836] {strides = array<i32>} : memref<32x256xf32, #tpu.memory_space<vmem>>, vector<1x16xf32>,
          %swap3A_838 = vector.shape_cast %swap3A_837 : vector<1x16xf32> to vector<16xf32>
          %swap3A_839 = vector.shape_cast %add3A_834 : vector<16xf32> to vector<1x16xf32>
          tpu.vector_store %arg14[%swap3A_835, %swap3A_836], %swap3A_839 {strides = array<i32>} : memref<32x256xf32, #tpu.memory_space<vmem>>, vector<1x16xf32>,
          %get3A_840 = arith.index_cast %add3A_247 : i32 to index
          %get3A_841 = arith.constant 0 : index
          %get3A_842 = tpu.vector_load %arg12[%get3A_840, %get3A_841] {strides = array<i32>} : memref<160x256xf32, #tpu.memory_space<vmem>>, vector<1x16xf32>,
          %get3A_843 = vector.shape_cast %get3A_842 : vector<1x16xf32> to vector<16xf32>
          %add3A_844 = arith.constant 32 : i32
          %add3A_845 = arith.addi %add3A_844, %add3A_247 : i32
          %get3A_846 = arith.index_cast %add3A_845 : i32 to index
          %get3A_847 = arith.constant 0 : index
          %get3A_848 = tpu.vector_load %arg12[%get3A_846, %get3A_847] {strides = array<i32>} : memref<160x256xf32, #tpu.memory_space<vmem>>, vector<1x16xf32>,
          %get3A_849 = vector.shape_cast %get3A_848 : vector<1x16xf32> to vector<16xf32>
          %add3A_850 = arith.addf %get3A_843, %get3A_849 : vector<16xf32>
          %add3A_851 = arith.constant 64 : i32
          %add3A_852 = arith.addi %add3A_851, %add3A_247 : i32
          %get3A_853 = arith.index_cast %add3A_852 : i32 to index
          %get3A_854 = arith.constant 0 : index
          %get3A_855 = tpu.vector_load %arg12[%get3A_853, %get3A_854] {strides = array<i32>} : memref<160x256xf32, #tpu.memory_space<vmem>>, vector<1x16xf32>,
          %get3A_856 = vector.shape_cast %get3A_855 : vector<1x16xf32> to vector<16xf32>
          %add3A_857 = arith.constant 96 : i32
          %add3A_858 = arith.addi %add3A_857, %add3A_247 : i32
          %get3A_859 = arith.index_cast %add3A_858 : i32 to index
          %get3A_860 = arith.constant 0 : index
          %get3A_861 = tpu.vector_load %arg12[%get3A_859, %get3A_860] {strides = array<i32>} : memref<160x256xf32, #tpu.memory_space<vmem>>, vector<1x16xf32>,
          %get3A_862 = vector.shape_cast %get3A_861 : vector<1x16xf32> to vector<16xf32>
          %add3A_863 = arith.addf %get3A_856, %get3A_862 : vector<16xf32>
          %add3A_864 = arith.addf %add3A_850, %add3A_863 : vector<16xf32>
          %add3A_865 = arith.constant 128 : i32
          %add3A_866 = arith.addi %add3A_865, %add3A_247 : i32
          %get3A_867 = arith.index_cast %add3A_866 : i32 to index
          %get3A_868 = arith.constant 0 : index
          %get3A_869 = tpu.vector_load %arg12[%get3A_867, %get3A_868] {strides = array<i32>} : memref<160x256xf32, #tpu.memory_space<vmem>>, vector<1x16xf32>,
          %get3A_870 = vector.shape_cast %get3A_869 : vector<1x16xf32> to vector<16xf32>
          %add3A_871 = arith.addf %add3A_864, %get3A_870 : vector<16xf32>
          %swap3A_872 = arith.index_cast %add3A_247 : i32 to index
          %swap3A_873 = arith.constant 0 : index
          %swap3A_874 = tpu.vector_load %arg14[%swap3A_872, %swap3A_873] {strides = array<i32>} : memref<32x256xf32, #tpu.memory_space<vmem>>, vector<1x16xf32>,
          %swap3A_875 = vector.shape_cast %swap3A_874 : vector<1x16xf32> to vector<16xf32>
          %swap3A_876 = vector.shape_cast %add3A_871 : vector<16xf32> to vector<1x16xf32>
          tpu.vector_store %arg14[%swap3A_872, %swap3A_873], %swap3A_876 {strides = array<i32>} : memref<32x256xf32, #tpu.memory_space<vmem>>, vector<1x16xf32>,
          %get3A_877 = arith.index_cast %add3A_247 : i32 to index
          %get3A_878 = arith.constant 16 : index
          %get3A_879 = tpu.vector_load %arg12[%get3A_877, %get3A_878] {strides = array<i32>} : memref<160x256xf32, #tpu.memory_space<vmem>>, vector<1x16xf32>,
          %get3A_880 = vector.shape_cast %get3A_879 : vector<1x16xf32> to vector<16xf32>
          %add3A_881 = arith.constant 32 : i32
          %add3A_882 = arith.addi %add3A_881, %add3A_247 : i32
          %get3A_883 = arith.index_cast %add3A_882 : i32 to index
          %get3A_884 = arith.constant 16 : index
          %get3A_885 = tpu.vector_load %arg12[%get3A_883, %get3A_884] {strides = array<i32>} : memref<160x256xf32, #tpu.memory_space<vmem>>, vector<1x16xf32>,
          %get3A_886 = vector.shape_cast %get3A_885 : vector<1x16xf32> to vector<16xf32>
          %add3A_887 = arith.addf %get3A_880, %get3A_886 : vector<16xf32>
          %add3A_888 = arith.constant 64 : i32
          %add3A_889 = arith.addi %add3A_888, %add3A_247 : i32
          %get3A_890 = arith.index_cast %add3A_889 : i32 to index
          %get3A_891 = arith.constant 16 : index
          %get3A_892 = tpu.vector_load %arg12[%get3A_890, %get3A_891] {strides = array<i32>} : memref<160x256xf32, #tpu.memory_space<vmem>>, vector<1x16xf32>,
          %get3A_893 = vector.shape_cast %get3A_892 : vector<1x16xf32> to vector<16xf32>
          %add3A_894 = arith.constant 96 : i32
          %add3A_895 = arith.addi %add3A_894, %add3A_247 : i32
          %get3A_896 = arith.index_cast %add3A_895 : i32 to index
          %get3A_897 = arith.constant 16 : index
          %get3A_898 = tpu.vector_load %arg12[%get3A_896, %get3A_897] {strides = array<i32>} : memref<160x256xf32, #tpu.memory_space<vmem>>, vector<1x16xf32>,
          %get3A_899 = vector.shape_cast %get3A_898 : vector<1x16xf32> to vector<16xf32>
          %add3A_900 = arith.addf %get3A_893, %get3A_899 : vector<16xf32>
          %add3A_901 = arith.addf %add3A_887, %add3A_900 : vector<16xf32>
          %add3A_902 = arith.constant 128 : i32
          %add3A_903 = arith.addi %add3A_902, %add3A_247 : i32
          %get3A_904 = arith.index_cast %add3A_903 : i32 to index
          %get3A_905 = arith.constant 16 : index
          %get3A_906 = tpu.vector_load %arg12[%get3A_904, %get3A_905] {strides = array<i32>} : memref<160x256xf32, #tpu.memory_space<vmem>>, vector<1x16xf32>,
          %get3A_907 = vector.shape_cast %get3A_906 : vector<1x16xf32> to vector<16xf32>
          %add3A_908 = arith.addf %add3A_901, %get3A_907 : vector<16xf32>
          %swap3A_909 = arith.index_cast %add3A_247 : i32 to index
          %swap3A_910 = arith.constant 16 : index
          %swap3A_911 = tpu.vector_load %arg14[%swap3A_909, %swap3A_910] {strides = array<i32>} : memref<32x256xf32, #tpu.memory_space<vmem>>, vector<1x16xf32>,
          %swap3A_912 = vector.shape_cast %swap3A_911 : vector<1x16xf32> to vector<16xf32>
          %swap3A_913 = vector.shape_cast %add3A_908 : vector<16xf32> to vector<1x16xf32>
          tpu.vector_store %arg14[%swap3A_909, %swap3A_910], %swap3A_913 {strides = array<i32>} : memref<32x256xf32, #tpu.memory_space<vmem>>, vector<1x16xf32>,
          %get3A_914 = arith.index_cast %add3A_247 : i32 to index
          %get3A_915 = arith.constant 32 : index
          %get3A_916 = tpu.vector_load %arg12[%get3A_914, %get3A_915] {strides = array<i32>} : memref<160x256xf32, #tpu.memory_space<vmem>>, vector<1x16xf32>,
          %get3A_917 = vector.shape_cast %get3A_916 : vector<1x16xf32> to vector<16xf32>
          %add3A_918 = arith.constant 32 : i32
          %add3A_919 = arith.addi %add3A_918, %add3A_247 : i32
          %get3A_920 = arith.index_cast %add3A_919 : i32 to index
          %get3A_921 = arith.constant 32 : index
          %get3A_922 = tpu.vector_load %arg12[%get3A_920, %get3A_921] {strides = array<i32>} : memref<160x256xf32, #tpu.memory_space<vmem>>, vector<1x16xf32>,
          %get3A_923 = vector.shape_cast %get3A_922 : vector<1x16xf32> to vector<16xf32>
          %add3A_924 = arith.addf %get3A_917, %get3A_923 : vector<16xf32>
          %add3A_925 = arith.constant 64 : i32
          %add3A_926 = arith.addi %add3A_925, %add3A_247 : i32
          %get3A_927 = arith.index_cast %add3A_926 : i32 to index
          %get3A_928 = arith.constant 32 : index
          %get3A_929 = tpu.vector_load %arg12[%get3A_927, %get3A_928] {strides = array<i32>} : memref<160x256xf32, #tpu.memory_space<vmem>>, vector<1x16xf32>,
          %get3A_930 = vector.shape_cast %get3A_929 : vector<1x16xf32> to vector<16xf32>
          %add3A_931 = arith.constant 96 : i32
          %add3A_932 = arith.addi %add3A_931, %add3A_247 : i32
          %get3A_933 = arith.index_cast %add3A_932 : i32 to index
          %get3A_934 = arith.constant 32 : index
          %get3A_935 = tpu.vector_load %arg12[%get3A_933, %get3A_934] {strides = array<i32>} : memref<160x256xf32, #tpu.memory_space<vmem>>, vector<1x16xf32>,
          %get3A_936 = vector.shape_cast %get3A_935 : vector<1x16xf32> to vector<16xf32>
          %add3A_937 = arith.addf %get3A_930, %get3A_936 : vector<16xf32>
          %add3A_938 = arith.addf %add3A_924, %add3A_937 : vector<16xf32>
          %add3A_939 = arith.constant 128 : i32
          %add3A_940 = arith.addi %add3A_939, %add3A_247 : i32
          %get3A_941 = arith.index_cast %add3A_940 : i32 to index
          %get3A_942 = arith.constant 32 : index
          %get3A_943 = tpu.vector_load %arg12[%get3A_941, %get3A_942] {strides = array<i32>} : memref<160x256xf32, #tpu.memory_space<vmem>>, vector<1x16xf32>,
          %get3A_944 = vector.shape_cast %get3A_943 : vector<1x16xf32> to vector<16xf32>
          %add3A_945 = arith.addf %add3A_938, %get3A_944 : vector<16xf32>
          %swap3A_946 = arith.index_cast %add3A_247 : i32 to index
          %swap3A_947 = arith.constant 32 : index
          %swap3A_948 = tpu.vector_load %arg14[%swap3A_946, %swap3A_947] {strides = array<i32>} : memref<32x256xf32, #tpu.memory_space<vmem>>, vector<1x16xf32>,
          %swap3A_949 = vector.shape_cast %swap3A_948 : vector<1x16xf32> to vector<16xf32>
          %swap3A_950 = vector.shape_cast %add3A_945 : vector<16xf32> to vector<1x16xf32>
          tpu.vector_store %arg14[%swap3A_946, %swap3A_947], %swap3A_950 {strides = array<i32>} : memref<32x256xf32, #tpu.memory_space<vmem>>, vector<1x16xf32>,
          %get3A_951 = arith.index_cast %add3A_247 : i32 to index
          %get3A_952 = arith.constant 48 : index
          %get3A_953 = tpu.vector_load %arg12[%get3A_951, %get3A_952] {strides = array<i32>} : memref<160x256xf32, #tpu.memory_space<vmem>>, vector<1x16xf32>,
          %get3A_954 = vector.shape_cast %get3A_953 : vector<1x16xf32> to vector<16xf32>
          %add3A_955 = arith.constant 32 : i32
          %add3A_956 = arith.addi %add3A_955, %add3A_247 : i32
          %get3A_957 = arith.index_cast %add3A_956 : i32 to index
          %get3A_958 = arith.constant 48 : index
          %get3A_959 = tpu.vector_load %arg12[%get3A_957, %get3A_958] {strides = array<i32>} : memref<160x256xf32, #tpu.memory_space<vmem>>, vector<1x16xf32>,
          %get3A_960 = vector.shape_cast %get3A_959 : vector<1x16xf32> to vector<16xf32>
          %add3A_961 = arith.addf %get3A_954, %get3A_960 : vector<16xf32>
          %add3A_962 = arith.constant 64 : i32
          %add3A_963 = arith.addi %add3A_962, %add3A_247 : i32
          %get3A_964 = arith.index_cast %add3A_963 : i32 to index
          %get3A_965 = arith.constant 48 : index
          %get3A_966 = tpu.vector_load %arg12[%get3A_964, %get3A_965] {strides = array<i32>} : memref<160x256xf32, #tpu.memory_space<vmem>>, vector<1x16xf32>,
          %get3A_967 = vector.shape_cast %get3A_966 : vector<1x16xf32> to vector<16xf32>
          %add3A_968 = arith.constant 96 : i32
          %add3A_969 = arith.addi %add3A_968, %add3A_247 : i32
          %get3A_970 = arith.index_cast %add3A_969 : i32 to index
          %get3A_971 = arith.constant 48 : index
          %get3A_972 = tpu.vector_load %arg12[%get3A_970, %get3A_971] {strides = array<i32>} : memref<160x256xf32, #tpu.memory_space<vmem>>, vector<1x16xf32>,
          %get3A_973 = vector.shape_cast %get3A_972 : vector<1x16xf32> to vector<16xf32>
          %add3A_974 = arith.addf %get3A_967, %get3A_973 : vector<16xf32>
          %add3A_975 = arith.addf %add3A_961, %add3A_974 : vector<16xf32>
          %add3A_976 = arith.constant 128 : i32
          %add3A_977 = arith.addi %add3A_976, %add3A_247 : i32
          %get3A_978 = arith.index_cast %add3A_977 : i32 to index
          %get3A_979 = arith.constant 48 : index
          %get3A_980 = tpu.vector_load %arg12[%get3A_978, %get3A_979] {strides = array<i32>} : memref<160x256xf32, #tpu.memory_space<vmem>>, vector<1x16xf32>,
          %get3A_981 = vector.shape_cast %get3A_980 : vector<1x16xf32> to vector<16xf32>
          %add3A_982 = arith.addf %add3A_975, %get3A_981 : vector<16xf32>
          %swap3A_983 = arith.index_cast %add3A_247 : i32 to index
          %swap3A_984 = arith.constant 48 : index
          %swap3A_985 = tpu.vector_load %arg14[%swap3A_983, %swap3A_984] {strides = array<i32>} : memref<32x256xf32, #tpu.memory_space<vmem>>, vector<1x16xf32>,
          %swap3A_986 = vector.shape_cast %swap3A_985 : vector<1x16xf32> to vector<16xf32>
          %swap3A_987 = vector.shape_cast %add3A_982 : vector<16xf32> to vector<1x16xf32>
          tpu.vector_store %arg14[%swap3A_983, %swap3A_984], %swap3A_987 {strides = array<i32>} : memref<32x256xf32, #tpu.memory_space<vmem>>, vector<1x16xf32>,
          %get3A_988 = arith.index_cast %add3A_247 : i32 to index
          %get3A_989 = arith.constant 64 : index
          %get3A_990 = tpu.vector_load %arg12[%get3A_988, %get3A_989] {strides = array<i32>} : memref<160x256xf32, #tpu.memory_space<vmem>>, vector<1x16xf32>,
          %get3A_991 = vector.shape_cast %get3A_990 : vector<1x16xf32> to vector<16xf32>
          %add3A_992 = arith.constant 32 : i32
          %add3A_993 = arith.addi %add3A_992, %add3A_247 : i32
          %get3A_994 = arith.index_cast %add3A_993 : i32 to index
          %get3A_995 = arith.constant 64 : index
          %get3A_996 = tpu.vector_load %arg12[%get3A_994, %get3A_995] {strides = array<i32>} : memref<160x256xf32, #tpu.memory_space<vmem>>, vector<1x16xf32>,
          %get3A_997 = vector.shape_cast %get3A_996 : vector<1x16xf32> to vector<16xf32>
          %add3A_998 = arith.addf %get3A_991, %get3A_997 : vector<16xf32>
          %add3A_999 = arith.constant 64 : i32
          %add3A_1000 = arith.addi %add3A_999, %add3A_247 : i32
          %get3A_1001 = arith.index_cast %add3A_1000 : i32 to index
          %get3A_1002 = arith.constant 64 : index
          %get3A_1003 = tpu.vector_load %arg12[%get3A_1001, %get3A_1002] {strides = array<i32>} : memref<160x256xf32, #tpu.memory_space<vmem>>, vector<1x16xf32>,
          %get3A_1004 = vector.shape_cast %get3A_1003 : vector<1x16xf32> to vector<16xf32>
          %add3A_1005 = arith.constant 96 : i32
          %add3A_1006 = arith.addi %add3A_1005, %add3A_247 : i32
          %get3A_1007 = arith.index_cast %add3A_1006 : i32 to index
          %get3A_1008 = arith.constant 64 : index
          %get3A_1009 = tpu.vector_load %arg12[%get3A_1007, %get3A_1008] {strides = array<i32>} : memref<160x256xf32, #tpu.memory_space<vmem>>, vector<1x16xf32>,
          %get3A_1010 = vector.shape_cast %get3A_1009 : vector<1x16xf32> to vector<16xf32>
          %add3A_1011 = arith.addf %get3A_1004, %get3A_1010 : vector<16xf32>
          %add3A_1012 = arith.addf %add3A_998, %add3A_1011 : vector<16xf32>
          %add3A_1013 = arith.constant 128 : i32
          %add3A_1014 = arith.addi %add3A_1013, %add3A_247 : i32
          %get3A_1015 = arith.index_cast %add3A_1014 : i32 to index
          %get3A_1016 = arith.constant 64 : index
          %get3A_1017 = tpu.vector_load %arg12[%get3A_1015, %get3A_1016] {strides = array<i32>} : memref<160x256xf32, #tpu.memory_space<vmem>>, vector<1x16xf32>,
          %get3A_1018 = vector.shape_cast %get3A_1017 : vector<1x16xf32> to vector<16xf32>
          %add3A_1019 = arith.addf %add3A_1012, %get3A_1018 : vector<16xf32>
          %swap3A_1020 = arith.index_cast %add3A_247 : i32 to index
          %swap3A_1021 = arith.constant 64 : index
          %swap3A_1022 = tpu.vector_load %arg14[%swap3A_1020, %swap3A_1021] {strides = array<i32>} : memref<32x256xf32, #tpu.memory_space<vmem>>, vector<1x16xf32>,
          %swap3A_1023 = vector.shape_cast %swap3A_1022 : vector<1x16xf32> to vector<16xf32>
          %swap3A_1024 = vector.shape_cast %add3A_1019 : vector<16xf32> to vector<1x16xf32>
          tpu.vector_store %arg14[%swap3A_1020, %swap3A_1021], %swap3A_1024 {strides = array<i32>} : memref<32x256xf32, #tpu.memory_space<vmem>>, vector<1x16xf32>,
          %get3A_1025 = arith.index_cast %add3A_247 : i32 to index
          %get3A_1026 = arith.constant 80 : index
          %get3A_1027 = tpu.vector_load %arg12[%get3A_1025, %get3A_1026] {strides = array<i32>} : memref<160x256xf32, #tpu.memory_space<vmem>>, vector<1x16xf32>,
          %get3A_1028 = vector.shape_cast %get3A_1027 : vector<1x16xf32> to vector<16xf32>
          %add3A_1029 = arith.constant 32 : i32
          %add3A_1030 = arith.addi %add3A_1029, %add3A_247 : i32
          %get3A_1031 = arith.index_cast %add3A_1030 : i32 to index
          %get3A_1032 = arith.constant 80 : index
          %get3A_1033 = tpu.vector_load %arg12[%get3A_1031, %get3A_1032] {strides = array<i32>} : memref<160x256xf32, #tpu.memory_space<vmem>>, vector<1x16xf32>,
          %get3A_1034 = vector.shape_cast %get3A_1033 : vector<1x16xf32> to vector<16xf32>
          %add3A_1035 = arith.addf %get3A_1028, %get3A_1034 : vector<16xf32>
          %add3A_1036 = arith.constant 64 : i32
          %add3A_1037 = arith.addi %add3A_1036, %add3A_247 : i32
          %get3A_1038 = arith.index_cast %add3A_1037 : i32 to index
          %get3A_1039 = arith.constant 80 : index
          %get3A_1040 = tpu.vector_load %arg12[%get3A_1038, %get3A_1039] {strides = array<i32>} : memref<160x256xf32, #tpu.memory_space<vmem>>, vector<1x16xf32>,
          %get3A_1041 = vector.shape_cast %get3A_1040 : vector<1x16xf32> to vector<16xf32>
          %add3A_1042 = arith.constant 96 : i32
          %add3A_1043 = arith.addi %add3A_1042, %add3A_247 : i32
          %get3A_1044 = arith.index_cast %add3A_1043 : i32 to index
          %get3A_1045 = arith.constant 80 : index
          %get3A_1046 = tpu.vector_load %arg12[%get3A_1044, %get3A_1045] {strides = array<i32>} : memref<160x256xf32, #tpu.memory_space<vmem>>, vector<1x16xf32>,
          %get3A_1047 = vector.shape_cast %get3A_1046 : vector<1x16xf32> to vector<16xf32>
          %add3A_1048 = arith.addf %get3A_1041, %get3A_1047 : vector<16xf32>
          %add3A_1049 = arith.addf %add3A_1035, %add3A_1048 : vector<16xf32>
          %add3A_1050 = arith.constant 128 : i32
          %add3A_1051 = arith.addi %add3A_1050, %add3A_247 : i32
          %get3A_1052 = arith.index_cast %add3A_1051 : i32 to index
          %get3A_1053 = arith.constant 80 : index
          %get3A_1054 = tpu.vector_load %arg12[%get3A_1052, %get3A_1053] {strides = array<i32>} : memref<160x256xf32, #tpu.memory_space<vmem>>, vector<1x16xf32>,
          %get3A_1055 = vector.shape_cast %get3A_1054 : vector<1x16xf32> to vector<16xf32>
          %add3A_1056 = arith.addf %add3A_1049, %get3A_1055 : vector<16xf32>
          %swap3A_1057 = arith.index_cast %add3A_247 : i32 to index
          %swap3A_1058 = arith.constant 80 : index
          %swap3A_1059 = tpu.vector_load %arg14[%swap3A_1057, %swap3A_1058] {strides = array<i32>} : memref<32x256xf32, #tpu.memory_space<vmem>>, vector<1x16xf32>,
          %swap3A_1060 = vector.shape_cast %swap3A_1059 : vector<1x16xf32> to vector<16xf32>
          %swap3A_1061 = vector.shape_cast %add3A_1056 : vector<16xf32> to vector<1x16xf32>
          tpu.vector_store %arg14[%swap3A_1057, %swap3A_1058], %swap3A_1061 {strides = array<i32>} : memref<32x256xf32, #tpu.memory_space<vmem>>, vector<1x16xf32>,
          %get3A_1062 = arith.index_cast %add3A_247 : i32 to index
          %get3A_1063 = arith.constant 96 : index
          %get3A_1064 = tpu.vector_load %arg12[%get3A_1062, %get3A_1063] {strides = array<i32>} : memref<160x256xf32, #tpu.memory_space<vmem>>, vector<1x16xf32>,
          %get3A_1065 = vector.shape_cast %get3A_1064 : vector<1x16xf32> to vector<16xf32>
          %add3A_1066 = arith.constant 32 : i32
          %add3A_1067 = arith.addi %add3A_1066, %add3A_247 : i32
          %get3A_1068 = arith.index_cast %add3A_1067 : i32 to index
          %get3A_1069 = arith.constant 96 : index
          %get3A_1070 = tpu.vector_load %arg12[%get3A_1068, %get3A_1069] {strides = array<i32>} : memref<160x256xf32, #tpu.memory_space<vmem>>, vector<1x16xf32>,
          %get3A_1071 = vector.shape_cast %get3A_1070 : vector<1x16xf32> to vector<16xf32>
          %add3A_1072 = arith.addf %get3A_1065, %get3A_1071 : vector<16xf32>
          %add3A_1073 = arith.constant 64 : i32
          %add3A_1074 = arith.addi %add3A_1073, %add3A_247 : i32
          %get3A_1075 = arith.index_cast %add3A_1074 : i32 to index
          %get3A_1076 = arith.constant 96 : index
          %get3A_1077 = tpu.vector_load %arg12[%get3A_1075, %get3A_1076] {strides = array<i32>} : memref<160x256xf32, #tpu.memory_space<vmem>>, vector<1x16xf32>,
          %get3A_1078 = vector.shape_cast %get3A_1077 : vector<1x16xf32> to vector<16xf32>
          %add3A_1079 = arith.constant 96 : i32
          %add3A_1080 = arith.addi %add3A_1079, %add3A_247 : i32
          %get3A_1081 = arith.index_cast %add3A_1080 : i32 to index
          %get3A_1082 = arith.constant 96 : index
          %get3A_1083 = tpu.vector_load %arg12[%get3A_1081, %get3A_1082] {strides = array<i32>} : memref<160x256xf32, #tpu.memory_space<vmem>>, vector<1x16xf32>,
          %get3A_1084 = vector.shape_cast %get3A_1083 : vector<1x16xf32> to vector<16xf32>
          %add3A_1085 = arith.addf %get3A_1078, %get3A_1084 : vector<16xf32>
          %add3A_1086 = arith.addf %add3A_1072, %add3A_1085 : vector<16xf32>
          %add3A_1087 = arith.constant 128 : i32
          %add3A_1088 = arith.addi %add3A_1087, %add3A_247 : i32
          %get3A_1089 = arith.index_cast %add3A_1088 : i32 to index
          %get3A_1090 = arith.constant 96 : index
          %get3A_1091 = tpu.vector_load %arg12[%get3A_1089, %get3A_1090] {strides = array<i32>} : memref<160x256xf32, #tpu.memory_space<vmem>>, vector<1x16xf32>,
          %get3A_1092 = vector.shape_cast %get3A_1091 : vector<1x16xf32> to vector<16xf32>
          %add3A_1093 = arith.addf %add3A_1086, %get3A_1092 : vector<16xf32>
          %swap3A_1094 = arith.index_cast %add3A_247 : i32 to index
          %swap3A_1095 = arith.constant 96 : index
          %swap3A_1096 = tpu.vector_load %arg14[%swap3A_1094, %swap3A_1095] {strides = array<i32>} : memref<32x256xf32, #tpu.memory_space<vmem>>, vector<1x16xf32>,
          %swap3A_1097 = vector.shape_cast %swap3A_1096 : vector<1x16xf32> to vector<16xf32>
          %swap3A_1098 = vector.shape_cast %add3A_1093 : vector<16xf32> to vector<1x16xf32>
          tpu.vector_store %arg14[%swap3A_1094, %swap3A_1095], %swap3A_1098 {strides = array<i32>} : memref<32x256xf32, #tpu.memory_space<vmem>>, vector<1x16xf32>,
          %get3A_1099 = arith.index_cast %add3A_247 : i32 to index
          %get3A_1100 = arith.constant 112 : index
          %get3A_1101 = tpu.vector_load %arg12[%get3A_1099, %get3A_1100] {strides = array<i32>} : memref<160x256xf32, #tpu.memory_space<vmem>>, vector<1x16xf32>,
          %get3A_1102 = vector.shape_cast %get3A_1101 : vector<1x16xf32> to vector<16xf32>
          %add3A_1103 = arith.constant 32 : i32
          %add3A_1104 = arith.addi %add3A_1103, %add3A_247 : i32
          %get3A_1105 = arith.index_cast %add3A_1104 : i32 to index
          %get3A_1106 = arith.constant 112 : index
          %get3A_1107 = tpu.vector_load %arg12[%get3A_1105, %get3A_1106] {strides = array<i32>} : memref<160x256xf32, #tpu.memory_space<vmem>>, vector<1x16xf32>,
          %get3A_1108 = vector.shape_cast %get3A_1107 : vector<1x16xf32> to vector<16xf32>
          %add3A_1109 = arith.addf %get3A_1102, %get3A_1108 : vector<16xf32>
          %add3A_1110 = arith.constant 64 : i32
          %add3A_1111 = arith.addi %add3A_1110, %add3A_247 : i32
          %get3A_1112 = arith.index_cast %add3A_1111 : i32 to index
          %get3A_1113 = arith.constant 112 : index
          %get3A_1114 = tpu.vector_load %arg12[%get3A_1112, %get3A_1113] {strides = array<i32>} : memref<160x256xf32, #tpu.memory_space<vmem>>, vector<1x16xf32>,
          %get3A_1115 = vector.shape_cast %get3A_1114 : vector<1x16xf32> to vector<16xf32>
          %add3A_1116 = arith.constant 96 : i32
          %add3A_1117 = arith.addi %add3A_1116, %add3A_247 : i32
          %get3A_1118 = arith.index_cast %add3A_1117 : i32 to index
          %get3A_1119 = arith.constant 112 : index
          %get3A_1120 = tpu.vector_load %arg12[%get3A_1118, %get3A_1119] {strides = array<i32>} : memref<160x256xf32, #tpu.memory_space<vmem>>, vector<1x16xf32>,
          %get3A_1121 = vector.shape_cast %get3A_1120 : vector<1x16xf32> to vector<16xf32>
          %add3A_1122 = arith.addf %get3A_1115, %get3A_1121 : vector<16xf32>
          %add3A_1123 = arith.addf %add3A_1109, %add3A_1122 : vector<16xf32>
          %add3A_1124 = arith.constant 128 : i32
          %add3A_1125 = arith.addi %add3A_1124, %add3A_247 : i32
          %get3A_1126 = arith.index_cast %add3A_1125 : i32 to index
          %get3A_1127 = arith.constant 112 : index
          %get3A_1128 = tpu.vector_load %arg12[%get3A_1126, %get3A_1127] {strides = array<i32>} : memref<160x256xf32, #tpu.memory_space<vmem>>, vector<1x16xf32>,
          %get3A_1129 = vector.shape_cast %get3A_1128 : vector<1x16xf32> to vector<16xf32>
          %add3A_1130 = arith.addf %add3A_1123, %get3A_1129 : vector<16xf32>
          %swap3A_1131 = arith.index_cast %add3A_247 : i32 to index
          %swap3A_1132 = arith.constant 112 : index
          %swap3A_1133 = tpu.vector_load %arg14[%swap3A_1131, %swap3A_1132] {strides = array<i32>} : memref<32x256xf32, #tpu.memory_space<vmem>>, vector<1x16xf32>,
          %swap3A_1134 = vector.shape_cast %swap3A_1133 : vector<1x16xf32> to vector<16xf32>
          %swap3A_1135 = vector.shape_cast %add3A_1130 : vector<16xf32> to vector<1x16xf32>
          tpu.vector_store %arg14[%swap3A_1131, %swap3A_1132], %swap3A_1135 {strides = array<i32>} : memref<32x256xf32, #tpu.memory_space<vmem>>, vector<1x16xf32>,
          %get3A_1136 = arith.index_cast %add3A_247 : i32 to index
          %get3A_1137 = arith.constant 128 : index
          %get3A_1138 = tpu.vector_load %arg12[%get3A_1136, %get3A_1137] {strides = array<i32>} : memref<160x256xf32, #tpu.memory_space<vmem>>, vector<1x16xf32>,
          %get3A_1139 = vector.shape_cast %get3A_1138 : vector<1x16xf32> to vector<16xf32>
          %add3A_1140 = arith.constant 32 : i32
          %add3A_1141 = arith.addi %add3A_1140, %add3A_247 : i32
          %get3A_1142 = arith.index_cast %add3A_1141 : i32 to index
          %get3A_1143 = arith.constant 128 : index
          %get3A_1144 = tpu.vector_load %arg12[%get3A_1142, %get3A_1143] {strides = array<i32>} : memref<160x256xf32, #tpu.memory_space<vmem>>, vector<1x16xf32>,
          %get3A_1145 = vector.shape_cast %get3A_1144 : vector<1x16xf32> to vector<16xf32>
          %add3A_1146 = arith.addf %get3A_1139, %get3A_1145 : vector<16xf32>
          %add3A_1147 = arith.constant 64 : i32
          %add3A_1148 = arith.addi %add3A_1147, %add3A_247 : i32
          %get3A_1149 = arith.index_cast %add3A_1148 : i32 to index
          %get3A_1150 = arith.constant 128 : index
          %get3A_1151 = tpu.vector_load %arg12[%get3A_1149, %get3A_1150] {strides = array<i32>} : memref<160x256xf32, #tpu.memory_space<vmem>>, vector<1x16xf32>,
          %get3A_1152 = vector.shape_cast %get3A_1151 : vector<1x16xf32> to vector<16xf32>
          %add3A_1153 = arith.constant 96 : i32
          %add3A_1154 = arith.addi %add3A_1153, %add3A_247 : i32
          %get3A_1155 = arith.index_cast %add3A_1154 : i32 to index
          %get3A_1156 = arith.constant 128 : index
          %get3A_1157 = tpu.vector_load %arg12[%get3A_1155, %get3A_1156] {strides = array<i32>} : memref<160x256xf32, #tpu.memory_space<vmem>>, vector<1x16xf32>,
          %get3A_1158 = vector.shape_cast %get3A_1157 : vector<1x16xf32> to vector<16xf32>
          %add3A_1159 = arith.addf %get3A_1152, %get3A_1158 : vector<16xf32>
          %add3A_1160 = arith.addf %add3A_1146, %add3A_1159 : vector<16xf32>
          %add3A_1161 = arith.constant 128 : i32
          %add3A_1162 = arith.addi %add3A_1161, %add3A_247 : i32
          %get3A_1163 = arith.index_cast %add3A_1162 : i32 to index
          %get3A_1164 = arith.constant 128 : index
          %get3A_1165 = tpu.vector_load %arg12[%get3A_1163, %get3A_1164] {strides = array<i32>} : memref<160x256xf32, #tpu.memory_space<vmem>>, vector<1x16xf32>,
          %get3A_1166 = vector.shape_cast %get3A_1165 : vector<1x16xf32> to vector<16xf32>
          %add3A_1167 = arith.addf %add3A_1160, %get3A_1166 : vector<16xf32>
          %swap3A_1168 = arith.index_cast %add3A_247 : i32 to index
          %swap3A_1169 = arith.constant 128 : index
          %swap3A_1170 = tpu.vector_load %arg14[%swap3A_1168, %swap3A_1169] {strides = array<i32>} : memref<32x256xf32, #tpu.memory_space<vmem>>, vector<1x16xf32>,
          %swap3A_1171 = vector.shape_cast %swap3A_1170 : vector<1x16xf32> to vector<16xf32>
          %swap3A_1172 = vector.shape_cast %add3A_1167 : vector<16xf32> to vector<1x16xf32>
          tpu.vector_store %arg14[%swap3A_1168, %swap3A_1169], %swap3A_1172 {strides = array<i32>} : memref<32x256xf32, #tpu.memory_space<vmem>>, vector<1x16xf32>,
          %get3A_1173 = arith.index_cast %add3A_247 : i32 to index
          %get3A_1174 = arith.constant 144 : index
          %get3A_1175 = tpu.vector_load %arg12[%get3A_1173, %get3A_1174] {strides = array<i32>} : memref<160x256xf32, #tpu.memory_space<vmem>>, vector<1x16xf32>,
          %get3A_1176 = vector.shape_cast %get3A_1175 : vector<1x16xf32> to vector<16xf32>
          %add3A_1177 = arith.constant 32 : i32
          %add3A_1178 = arith.addi %add3A_1177, %add3A_247 : i32
          %get3A_1179 = arith.index_cast %add3A_1178 : i32 to index
          %get3A_1180 = arith.constant 144 : index
          %get3A_1181 = tpu.vector_load %arg12[%get3A_1179, %get3A_1180] {strides = array<i32>} : memref<160x256xf32, #tpu.memory_space<vmem>>, vector<1x16xf32>,
          %get3A_1182 = vector.shape_cast %get3A_1181 : vector<1x16xf32> to vector<16xf32>
          %add3A_1183 = arith.addf %get3A_1176, %get3A_1182 : vector<16xf32>
          %add3A_1184 = arith.constant 64 : i32
          %add3A_1185 = arith.addi %add3A_1184, %add3A_247 : i32
          %get3A_1186 = arith.index_cast %add3A_1185 : i32 to index
          %get3A_1187 = arith.constant 144 : index
          %get3A_1188 = tpu.vector_load %arg12[%get3A_1186, %get3A_1187] {strides = array<i32>} : memref<160x256xf32, #tpu.memory_space<vmem>>, vector<1x16xf32>,
          %get3A_1189 = vector.shape_cast %get3A_1188 : vector<1x16xf32> to vector<16xf32>
          %add3A_1190 = arith.constant 96 : i32
          %add3A_1191 = arith.addi %add3A_1190, %add3A_247 : i32
          %get3A_1192 = arith.index_cast %add3A_1191 : i32 to index
          %get3A_1193 = arith.constant 144 : index
          %get3A_1194 = tpu.vector_load %arg12[%get3A_1192, %get3A_1193] {strides = array<i32>} : memref<160x256xf32, #tpu.memory_space<vmem>>, vector<1x16xf32>,
          %get3A_1195 = vector.shape_cast %get3A_1194 : vector<1x16xf32> to vector<16xf32>
          %add3A_1196 = arith.addf %get3A_1189, %get3A_1195 : vector<16xf32>
          %add3A_1197 = arith.addf %add3A_1183, %add3A_1196 : vector<16xf32>
          %add3A_1198 = arith.constant 128 : i32
          %add3A_1199 = arith.addi %add3A_1198, %add3A_247 : i32
          %get3A_1200 = arith.index_cast %add3A_1199 : i32 to index
          %get3A_1201 = arith.constant 144 : index
          %get3A_1202 = tpu.vector_load %arg12[%get3A_1200, %get3A_1201] {strides = array<i32>} : memref<160x256xf32, #tpu.memory_space<vmem>>, vector<1x16xf32>,
          %get3A_1203 = vector.shape_cast %get3A_1202 : vector<1x16xf32> to vector<16xf32>
          %add3A_1204 = arith.addf %add3A_1197, %get3A_1203 : vector<16xf32>
          %swap3A_1205 = arith.index_cast %add3A_247 : i32 to index
          %swap3A_1206 = arith.constant 144 : index
          %swap3A_1207 = tpu.vector_load %arg14[%swap3A_1205, %swap3A_1206] {strides = array<i32>} : memref<32x256xf32, #tpu.memory_space<vmem>>, vector<1x16xf32>,
          %swap3A_1208 = vector.shape_cast %swap3A_1207 : vector<1x16xf32> to vector<16xf32>
          %swap3A_1209 = vector.shape_cast %add3A_1204 : vector<16xf32> to vector<1x16xf32>
          tpu.vector_store %arg14[%swap3A_1205, %swap3A_1206], %swap3A_1209 {strides = array<i32>} : memref<32x256xf32, #tpu.memory_space<vmem>>, vector<1x16xf32>,
          %get3A_1210 = arith.index_cast %add3A_247 : i32 to index
          %get3A_1211 = arith.constant 160 : index
          %get3A_1212 = tpu.vector_load %arg12[%get3A_1210, %get3A_1211] {strides = array<i32>} : memref<160x256xf32, #tpu.memory_space<vmem>>, vector<1x16xf32>,
          %get3A_1213 = vector.shape_cast %get3A_1212 : vector<1x16xf32> to vector<16xf32>
          %add3A_1214 = arith.constant 32 : i32
          %add3A_1215 = arith.addi %add3A_1214, %add3A_247 : i32
          %get3A_1216 = arith.index_cast %add3A_1215 : i32 to index
          %get3A_1217 = arith.constant 160 : index
          %get3A_1218 = tpu.vector_load %arg12[%get3A_1216, %get3A_1217] {strides = array<i32>} : memref<160x256xf32, #tpu.memory_space<vmem>>, vector<1x16xf32>,
          %get3A_1219 = vector.shape_cast %get3A_1218 : vector<1x16xf32> to vector<16xf32>
          %add3A_1220 = arith.addf %get3A_1213, %get3A_1219 : vector<16xf32>
          %add3A_1221 = arith.constant 64 : i32
          %add3A_1222 = arith.addi %add3A_1221, %add3A_247 : i32
          %get3A_1223 = arith.index_cast %add3A_1222 : i32 to index
          %get3A_1224 = arith.constant 160 : index
          %get3A_1225 = tpu.vector_load %arg12[%get3A_1223, %get3A_1224] {strides = array<i32>} : memref<160x256xf32, #tpu.memory_space<vmem>>, vector<1x16xf32>,
          %get3A_1226 = vector.shape_cast %get3A_1225 : vector<1x16xf32> to vector<16xf32>
          %add3A_1227 = arith.constant 96 : i32
          %add3A_1228 = arith.addi %add3A_1227, %add3A_247 : i32
          %get3A_1229 = arith.index_cast %add3A_1228 : i32 to index
          %get3A_1230 = arith.constant 160 : index
          %get3A_1231 = tpu.vector_load %arg12[%get3A_1229, %get3A_1230] {strides = array<i32>} : memref<160x256xf32, #tpu.memory_space<vmem>>, vector<1x16xf32>,
          %get3A_1232 = vector.shape_cast %get3A_1231 : vector<1x16xf32> to vector<16xf32>
          %add3A_1233 = arith.addf %get3A_1226, %get3A_1232 : vector<16xf32>
          %add3A_1234 = arith.addf %add3A_1220, %add3A_1233 : vector<16xf32>
          %add3A_1235 = arith.constant 128 : i32
          %add3A_1236 = arith.addi %add3A_1235, %add3A_247 : i32
          %get3A_1237 = arith.index_cast %add3A_1236 : i32 to index
          %get3A_1238 = arith.constant 160 : index
          %get3A_1239 = tpu.vector_load %arg12[%get3A_1237, %get3A_1238] {strides = array<i32>} : memref<160x256xf32, #tpu.memory_space<vmem>>, vector<1x16xf32>,
          %get3A_1240 = vector.shape_cast %get3A_1239 : vector<1x16xf32> to vector<16xf32>
          %add3A_1241 = arith.addf %add3A_1234, %get3A_1240 : vector<16xf32>
          %swap3A_1242 = arith.index_cast %add3A_247 : i32 to index
          %swap3A_1243 = arith.constant 160 : index
          %swap3A_1244 = tpu.vector_load %arg14[%swap3A_1242, %swap3A_1243] {strides = array<i32>} : memref<32x256xf32, #tpu.memory_space<vmem>>, vector<1x16xf32>,
          %swap3A_1245 = vector.shape_cast %swap3A_1244 : vector<1x16xf32> to vector<16xf32>
          %swap3A_1246 = vector.shape_cast %add3A_1241 : vector<16xf32> to vector<1x16xf32>
          tpu.vector_store %arg14[%swap3A_1242, %swap3A_1243], %swap3A_1246 {strides = array<i32>} : memref<32x256xf32, #tpu.memory_space<vmem>>, vector<1x16xf32>,
          %get3A_1247 = arith.index_cast %add3A_247 : i32 to index
          %get3A_1248 = arith.constant 176 : index
          %get3A_1249 = tpu.vector_load %arg12[%get3A_1247, %get3A_1248] {strides = array<i32>} : memref<160x256xf32, #tpu.memory_space<vmem>>, vector<1x16xf32>,
          %get3A_1250 = vector.shape_cast %get3A_1249 : vector<1x16xf32> to vector<16xf32>
          %add3A_1251 = arith.constant 32 : i32
          %add3A_1252 = arith.addi %add3A_1251, %add3A_247 : i32
          %get3A_1253 = arith.index_cast %add3A_1252 : i32 to index
          %get3A_1254 = arith.constant 176 : index
          %get3A_1255 = tpu.vector_load %arg12[%get3A_1253, %get3A_1254] {strides = array<i32>} : memref<160x256xf32, #tpu.memory_space<vmem>>, vector<1x16xf32>,
          %get3A_1256 = vector.shape_cast %get3A_1255 : vector<1x16xf32> to vector<16xf32>
          %add3A_1257 = arith.addf %get3A_1250, %get3A_1256 : vector<16xf32>
          %add3A_1258 = arith.constant 64 : i32
          %add3A_1259 = arith.addi %add3A_1258, %add3A_247 : i32
          %get3A_1260 = arith.index_cast %add3A_1259 : i32 to index
          %get3A_1261 = arith.constant 176 : index
          %get3A_1262 = tpu.vector_load %arg12[%get3A_1260, %get3A_1261] {strides = array<i32>} : memref<160x256xf32, #tpu.memory_space<vmem>>, vector<1x16xf32>,
          %get3A_1263 = vector.shape_cast %get3A_1262 : vector<1x16xf32> to vector<16xf32>
          %add3A_1264 = arith.constant 96 : i32
          %add3A_1265 = arith.addi %add3A_1264, %add3A_247 : i32
          %get3A_1266 = arith.index_cast %add3A_1265 : i32 to index
          %get3A_1267 = arith.constant 176 : index
          %get3A_1268 = tpu.vector_load %arg12[%get3A_1266, %get3A_1267] {strides = array<i32>} : memref<160x256xf32, #tpu.memory_space<vmem>>, vector<1x16xf32>,
          %get3A_1269 = vector.shape_cast %get3A_1268 : vector<1x16xf32> to vector<16xf32>
          %add3A_1270 = arith.addf %get3A_1263, %get3A_1269 : vector<16xf32>
          %add3A_1271 = arith.addf %add3A_1257, %add3A_1270 : vector<16xf32>
          %add3A_1272 = arith.constant 128 : i32
          %add3A_1273 = arith.addi %add3A_1272, %add3A_247 : i32
          %get3A_1274 = arith.index_cast %add3A_1273 : i32 to index
          %get3A_1275 = arith.constant 176 : index
          %get3A_1276 = tpu.vector_load %arg12[%get3A_1274, %get3A_1275] {strides = array<i32>} : memref<160x256xf32, #tpu.memory_space<vmem>>, vector<1x16xf32>,
          %get3A_1277 = vector.shape_cast %get3A_1276 : vector<1x16xf32> to vector<16xf32>
          %add3A_1278 = arith.addf %add3A_1271, %get3A_1277 : vector<16xf32>
          %swap3A_1279 = arith.index_cast %add3A_247 : i32 to index
          %swap3A_1280 = arith.constant 176 : index
          %swap3A_1281 = tpu.vector_load %arg14[%swap3A_1279, %swap3A_1280] {strides = array<i32>} : memref<32x256xf32, #tpu.memory_space<vmem>>, vector<1x16xf32>,
          %swap3A_1282 = vector.shape_cast %swap3A_1281 : vector<1x16xf32> to vector<16xf32>
          %swap3A_1283 = vector.shape_cast %add3A_1278 : vector<16xf32> to vector<1x16xf32>
          tpu.vector_store %arg14[%swap3A_1279, %swap3A_1280], %swap3A_1283 {strides = array<i32>} : memref<32x256xf32, #tpu.memory_space<vmem>>, vector<1x16xf32>,
          %get3A_1284 = arith.index_cast %add3A_247 : i32 to index
          %get3A_1285 = arith.constant 192 : index
          %get3A_1286 = tpu.vector_load %arg12[%get3A_1284, %get3A_1285] {strides = array<i32>} : memref<160x256xf32, #tpu.memory_space<vmem>>, vector<1x16xf32>,
          %get3A_1287 = vector.shape_cast %get3A_1286 : vector<1x16xf32> to vector<16xf32>
          %add3A_1288 = arith.constant 32 : i32
          %add3A_1289 = arith.addi %add3A_1288, %add3A_247 : i32
          %get3A_1290 = arith.index_cast %add3A_1289 : i32 to index
          %get3A_1291 = arith.constant 192 : index
          %get3A_1292 = tpu.vector_load %arg12[%get3A_1290, %get3A_1291] {strides = array<i32>} : memref<160x256xf32, #tpu.memory_space<vmem>>, vector<1x16xf32>,
          %get3A_1293 = vector.shape_cast %get3A_1292 : vector<1x16xf32> to vector<16xf32>
          %add3A_1294 = arith.addf %get3A_1287, %get3A_1293 : vector<16xf32>
          %add3A_1295 = arith.constant 64 : i32
          %add3A_1296 = arith.addi %add3A_1295, %add3A_247 : i32
          %get3A_1297 = arith.index_cast %add3A_1296 : i32 to index
          %get3A_1298 = arith.constant 192 : index
          %get3A_1299 = tpu.vector_load %arg12[%get3A_1297, %get3A_1298] {strides = array<i32>} : memref<160x256xf32, #tpu.memory_space<vmem>>, vector<1x16xf32>,
          %get3A_1300 = vector.shape_cast %get3A_1299 : vector<1x16xf32> to vector<16xf32>
          %add3A_1301 = arith.constant 96 : i32
          %add3A_1302 = arith.addi %add3A_1301, %add3A_247 : i32
          %get3A_1303 = arith.index_cast %add3A_1302 : i32 to index
          %get3A_1304 = arith.constant 192 : index
          %get3A_1305 = tpu.vector_load %arg12[%get3A_1303, %get3A_1304] {strides = array<i32>} : memref<160x256xf32, #tpu.memory_space<vmem>>, vector<1x16xf32>,
          %get3A_1306 = vector.shape_cast %get3A_1305 : vector<1x16xf32> to vector<16xf32>
          %add3A_1307 = arith.addf %get3A_1300, %get3A_1306 : vector<16xf32>
          %add3A_1308 = arith.addf %add3A_1294, %add3A_1307 : vector<16xf32>
          %add3A_1309 = arith.constant 128 : i32
          %add3A_1310 = arith.addi %add3A_1309, %add3A_247 : i32
          %get3A_1311 = arith.index_cast %add3A_1310 : i32 to index
          %get3A_1312 = arith.constant 192 : index
          %get3A_1313 = tpu.vector_load %arg12[%get3A_1311, %get3A_1312] {strides = array<i32>} : memref<160x256xf32, #tpu.memory_space<vmem>>, vector<1x16xf32>,
          %get3A_1314 = vector.shape_cast %get3A_1313 : vector<1x16xf32> to vector<16xf32>
          %add3A_1315 = arith.addf %add3A_1308, %get3A_1314 : vector<16xf32>
          %swap3A_1316 = arith.index_cast %add3A_247 : i32 to index
          %swap3A_1317 = arith.constant 192 : index
          %swap3A_1318 = tpu.vector_load %arg14[%swap3A_1316, %swap3A_1317] {strides = array<i32>} : memref<32x256xf32, #tpu.memory_space<vmem>>, vector<1x16xf32>,
          %swap3A_1319 = vector.shape_cast %swap3A_1318 : vector<1x16xf32> to vector<16xf32>
          %swap3A_1320 = vector.shape_cast %add3A_1315 : vector<16xf32> to vector<1x16xf32>
          tpu.vector_store %arg14[%swap3A_1316, %swap3A_1317], %swap3A_1320 {strides = array<i32>} : memref<32x256xf32, #tpu.memory_space<vmem>>, vector<1x16xf32>,
          %get3A_1321 = arith.index_cast %add3A_247 : i32 to index
          %get3A_1322 = arith.constant 208 : index
          %get3A_1323 = tpu.vector_load %arg12[%get3A_1321, %get3A_1322] {strides = array<i32>} : memref<160x256xf32, #tpu.memory_space<vmem>>, vector<1x16xf32>,
          %get3A_1324 = vector.shape_cast %get3A_1323 : vector<1x16xf32> to vector<16xf32>
          %add3A_1325 = arith.constant 32 : i32
          %add3A_1326 = arith.addi %add3A_1325, %add3A_247 : i32
          %get3A_1327 = arith.index_cast %add3A_1326 : i32 to index
          %get3A_1328 = arith.constant 208 : index
          %get3A_1329 = tpu.vector_load %arg12[%get3A_1327, %get3A_1328] {strides = array<i32>} : memref<160x256xf32, #tpu.memory_space<vmem>>, vector<1x16xf32>,
          %get3A_1330 = vector.shape_cast %get3A_1329 : vector<1x16xf32> to vector<16xf32>
          %add3A_1331 = arith.addf %get3A_1324, %get3A_1330 : vector<16xf32>
          %add3A_1332 = arith.constant 64 : i32
          %add3A_1333 = arith.addi %add3A_1332, %add3A_247 : i32
          %get3A_1334 = arith.index_cast %add3A_1333 : i32 to index
          %get3A_1335 = arith.constant 208 : index
          %get3A_1336 = tpu.vector_load %arg12[%get3A_1334, %get3A_1335] {strides = array<i32>} : memref<160x256xf32, #tpu.memory_space<vmem>>, vector<1x16xf32>,
          %get3A_1337 = vector.shape_cast %get3A_1336 : vector<1x16xf32> to vector<16xf32>
          %add3A_1338 = arith.constant 96 : i32
          %add3A_1339 = arith.addi %add3A_1338, %add3A_247 : i32
          %get3A_1340 = arith.index_cast %add3A_1339 : i32 to index
          %get3A_1341 = arith.constant 208 : index
          %get3A_1342 = tpu.vector_load %arg12[%get3A_1340, %get3A_1341] {strides = array<i32>} : memref<160x256xf32, #tpu.memory_space<vmem>>, vector<1x16xf32>,
          %get3A_1343 = vector.shape_cast %get3A_1342 : vector<1x16xf32> to vector<16xf32>
          %add3A_1344 = arith.addf %get3A_1337, %get3A_1343 : vector<16xf32>
          %add3A_1345 = arith.addf %add3A_1331, %add3A_1344 : vector<16xf32>
          %add3A_1346 = arith.constant 128 : i32
          %add3A_1347 = arith.addi %add3A_1346, %add3A_247 : i32
          %get3A_1348 = arith.index_cast %add3A_1347 : i32 to index
          %get3A_1349 = arith.constant 208 : index
          %get3A_1350 = tpu.vector_load %arg12[%get3A_1348, %get3A_1349] {strides = array<i32>} : memref<160x256xf32, #tpu.memory_space<vmem>>, vector<1x16xf32>,
          %get3A_1351 = vector.shape_cast %get3A_1350 : vector<1x16xf32> to vector<16xf32>
          %add3A_1352 = arith.addf %add3A_1345, %get3A_1351 : vector<16xf32>
          %swap3A_1353 = arith.index_cast %add3A_247 : i32 to index
          %swap3A_1354 = arith.constant 208 : index
          %swap3A_1355 = tpu.vector_load %arg14[%swap3A_1353, %swap3A_1354] {strides = array<i32>} : memref<32x256xf32, #tpu.memory_space<vmem>>, vector<1x16xf32>,
          %swap3A_1356 = vector.shape_cast %swap3A_1355 : vector<1x16xf32> to vector<16xf32>
          %swap3A_1357 = vector.shape_cast %add3A_1352 : vector<16xf32> to vector<1x16xf32>
          tpu.vector_store %arg14[%swap3A_1353, %swap3A_1354], %swap3A_1357 {strides = array<i32>} : memref<32x256xf32, #tpu.memory_space<vmem>>, vector<1x16xf32>,
          %get3A_1358 = arith.index_cast %add3A_247 : i32 to index
          %get3A_1359 = arith.constant 224 : index
          %get3A_1360 = tpu.vector_load %arg12[%get3A_1358, %get3A_1359] {strides = array<i32>} : memref<160x256xf32, #tpu.memory_space<vmem>>, vector<1x16xf32>,
          %get3A_1361 = vector.shape_cast %get3A_1360 : vector<1x16xf32> to vector<16xf32>
          %add3A_1362 = arith.constant 32 : i32
          %add3A_1363 = arith.addi %add3A_1362, %add3A_247 : i32
          %get3A_1364 = arith.index_cast %add3A_1363 : i32 to index
          %get3A_1365 = arith.constant 224 : index
          %get3A_1366 = tpu.vector_load %arg12[%get3A_1364, %get3A_1365] {strides = array<i32>} : memref<160x256xf32, #tpu.memory_space<vmem>>, vector<1x16xf32>,
          %get3A_1367 = vector.shape_cast %get3A_1366 : vector<1x16xf32> to vector<16xf32>
          %add3A_1368 = arith.addf %get3A_1361, %get3A_1367 : vector<16xf32>
          %add3A_1369 = arith.constant 64 : i32
          %add3A_1370 = arith.addi %add3A_1369, %add3A_247 : i32
          %get3A_1371 = arith.index_cast %add3A_1370 : i32 to index
          %get3A_1372 = arith.constant 224 : index
          %get3A_1373 = tpu.vector_load %arg12[%get3A_1371, %get3A_1372] {strides = array<i32>} : memref<160x256xf32, #tpu.memory_space<vmem>>, vector<1x16xf32>,
          %get3A_1374 = vector.shape_cast %get3A_1373 : vector<1x16xf32> to vector<16xf32>
          %add3A_1375 = arith.constant 96 : i32
          %add3A_1376 = arith.addi %add3A_1375, %add3A_247 : i32
          %get3A_1377 = arith.index_cast %add3A_1376 : i32 to index
          %get3A_1378 = arith.constant 224 : index
          %get3A_1379 = tpu.vector_load %arg12[%get3A_1377, %get3A_1378] {strides = array<i32>} : memref<160x256xf32, #tpu.memory_space<vmem>>, vector<1x16xf32>,
          %get3A_1380 = vector.shape_cast %get3A_1379 : vector<1x16xf32> to vector<16xf32>
          %add3A_1381 = arith.addf %get3A_1374, %get3A_1380 : vector<16xf32>
          %add3A_1382 = arith.addf %add3A_1368, %add3A_1381 : vector<16xf32>
          %add3A_1383 = arith.constant 128 : i32
          %add3A_1384 = arith.addi %add3A_1383, %add3A_247 : i32
          %get3A_1385 = arith.index_cast %add3A_1384 : i32 to index
          %get3A_1386 = arith.constant 224 : index
          %get3A_1387 = tpu.vector_load %arg12[%get3A_1385, %get3A_1386] {strides = array<i32>} : memref<160x256xf32, #tpu.memory_space<vmem>>, vector<1x16xf32>,
          %get3A_1388 = vector.shape_cast %get3A_1387 : vector<1x16xf32> to vector<16xf32>
          %add3A_1389 = arith.addf %add3A_1382, %get3A_1388 : vector<16xf32>
          %swap3A_1390 = arith.index_cast %add3A_247 : i32 to index
          %swap3A_1391 = arith.constant 224 : index
          %swap3A_1392 = tpu.vector_load %arg14[%swap3A_1390, %swap3A_1391] {strides = array<i32>} : memref<32x256xf32, #tpu.memory_space<vmem>>, vector<1x16xf32>,
          %swap3A_1393 = vector.shape_cast %swap3A_1392 : vector<1x16xf32> to vector<16xf32>
          %swap3A_1394 = vector.shape_cast %add3A_1389 : vector<16xf32> to vector<1x16xf32>
          tpu.vector_store %arg14[%swap3A_1390, %swap3A_1391], %swap3A_1394 {strides = array<i32>} : memref<32x256xf32, #tpu.memory_space<vmem>>, vector<1x16xf32>,
          %get3A_1395 = arith.index_cast %add3A_247 : i32 to index
          %get3A_1396 = arith.constant 240 : index
          %get3A_1397 = tpu.vector_load %arg12[%get3A_1395, %get3A_1396] {strides = array<i32>} : memref<160x256xf32, #tpu.memory_space<vmem>>, vector<1x16xf32>,
          %get3A_1398 = vector.shape_cast %get3A_1397 : vector<1x16xf32> to vector<16xf32>
          %add3A_1399 = arith.constant 32 : i32
          %add3A_1400 = arith.addi %add3A_1399, %add3A_247 : i32
          %get3A_1401 = arith.index_cast %add3A_1400 : i32 to index
          %get3A_1402 = arith.constant 240 : index
          %get3A_1403 = tpu.vector_load %arg12[%get3A_1401, %get3A_1402] {strides = array<i32>} : memref<160x256xf32, #tpu.memory_space<vmem>>, vector<1x16xf32>,
          %get3A_1404 = vector.shape_cast %get3A_1403 : vector<1x16xf32> to vector<16xf32>
          %add3A_1405 = arith.addf %get3A_1398, %get3A_1404 : vector<16xf32>
          %add3A_1406 = arith.constant 64 : i32
          %add3A_1407 = arith.addi %add3A_1406, %add3A_247 : i32
          %get3A_1408 = arith.index_cast %add3A_1407 : i32 to index
          %get3A_1409 = arith.constant 240 : index
          %get3A_1410 = tpu.vector_load %arg12[%get3A_1408, %get3A_1409] {strides = array<i32>} : memref<160x256xf32, #tpu.memory_space<vmem>>, vector<1x16xf32>,
          %get3A_1411 = vector.shape_cast %get3A_1410 : vector<1x16xf32> to vector<16xf32>
          %add3A_1412 = arith.constant 96 : i32
          %add3A_1413 = arith.addi %add3A_1412, %add3A_247 : i32
          %get3A_1414 = arith.index_cast %add3A_1413 : i32 to index
          %get3A_1415 = arith.constant 240 : index
          %get3A_1416 = tpu.vector_load %arg12[%get3A_1414, %get3A_1415] {strides = array<i32>} : memref<160x256xf32, #tpu.memory_space<vmem>>, vector<1x16xf32>,
          %get3A_1417 = vector.shape_cast %get3A_1416 : vector<1x16xf32> to vector<16xf32>
          %add3A_1418 = arith.addf %get3A_1411, %get3A_1417 : vector<16xf32>
          %add3A_1419 = arith.addf %add3A_1405, %add3A_1418 : vector<16xf32>
          %add3A_1420 = arith.constant 128 : i32
          %add3A_1421 = arith.addi %add3A_1420, %add3A_247 : i32
          %get3A_1422 = arith.index_cast %add3A_1421 : i32 to index
          %get3A_1423 = arith.constant 240 : index
          %get3A_1424 = tpu.vector_load %arg12[%get3A_1422, %get3A_1423] {strides = array<i32>} : memref<160x256xf32, #tpu.memory_space<vmem>>, vector<1x16xf32>,
          %get3A_1425 = vector.shape_cast %get3A_1424 : vector<1x16xf32> to vector<16xf32>
          %add3A_1426 = arith.addf %add3A_1419, %get3A_1425 : vector<16xf32>
          %swap3A_1427 = arith.index_cast %add3A_247 : i32 to index
          %swap3A_1428 = arith.constant 240 : index
          %swap3A_1429 = tpu.vector_load %arg14[%swap3A_1427, %swap3A_1428] {strides = array<i32>} : memref<32x256xf32, #tpu.memory_space<vmem>>, vector<1x16xf32>,
          %swap3A_1430 = vector.shape_cast %swap3A_1429 : vector<1x16xf32> to vector<16xf32>
          %swap3A_1431 = vector.shape_cast %add3A_1426 : vector<16xf32> to vector<1x16xf32>
          tpu.vector_store %arg14[%swap3A_1427, %swap3A_1428], %swap3A_1431 {strides = array<i32>} : memref<32x256xf32, #tpu.memory_space<vmem>>, vector<1x16xf32>,
        }
        %scan3A_234 = arith.constant 16 : i32
        %mul3A_235 = arith.constant 32 : i32
        %mul3A_236 = arith.muli %add3A_195, %mul3A_235 : i32
        %dma_start3A_237 = arith.constant 0 : i32
        %dma_start3A_238 = tpu.memref_slice %arg4[%mul3A_236, %dma_start3A_237] : memref<70048x256xf32, #tpu.memory_space<hbm>> -> memref<32x256xf32, #tpu.memory_space<hbm>>
        %dma_start3A_239 = arith.constant 0 : i32
        %dma_start3A_240 = tpu.memref_slice %arg4[%mul3A_236, %dma_start3A_239] : memref<70048x256xf32, #tpu.memory_space<hbm>> -> memref<32x256xf32, #tpu.memory_space<hbm>>
        tpu.enqueue_dma source(%arg14 : memref<32x256xf32, #tpu.memory_space<vmem>>) target(%dma_start3A_240 : memref<32x256xf32, #tpu.memory_space<hbm>>) target_semaphore(%arg18 : memref<!tpu.dma_semaphore, #tpu.memory_space<semaphore_mem>>)
      } else {
      }
    }
    %scan3A_177 = arith.constant 35 : i32
    %dma_wait3A_178 = arith.constant 0 : i32
    %dma_wait3A_179 = arith.constant 0 : i32
    %dma_wait3A_180 = tpu.memref_slice %arg4[%dma_wait3A_178, %dma_wait3A_179] : memref<70048x256xf32, #tpu.memory_space<hbm>> -> memref<32x256xf32, #tpu.memory_space<hbm>>
    %dma_wait3A_181 = arith.constant 0 : i32
    %dma_wait3A_182 = arith.constant 0 : i32
    %dma_wait3A_183 = tpu.memref_slice %arg4[%dma_wait3A_181, %dma_wait3A_182] : memref<70048x256xf32, #tpu.memory_space<hbm>> -> memref<32x256xf32, #tpu.memory_space<hbm>>
    tpu.wait_dma2 semaphore(%arg17 : memref<!tpu.dma_semaphore, #tpu.memory_space<semaphore_mem>>) src(%arg13 : memref<32x256xf32, #tpu.memory_space<vmem>>) dst(%dma_wait3A_183 : memref<32x256xf32, #tpu.memory_space<hbm>>)
    %dma_wait3A_184 = arith.constant 0 : i32
    %dma_wait3A_185 = arith.constant 0 : i32
    %dma_wait3A_186 = tpu.memref_slice %arg4[%dma_wait3A_184, %dma_wait3A_185] : memref<70048x256xf32, #tpu.memory_space<hbm>> -> memref<32x256xf32, #tpu.memory_space<hbm>>
    %dma_wait3A_187 = arith.constant 0 : i32
    %dma_wait3A_188 = arith.constant 0 : i32
    %dma_wait3A_189 = tpu.memref_slice %arg4[%dma_wait3A_187, %dma_wait3A_188] : memref<70048x256xf32, #tpu.memory_space<hbm>> -> memref<32x256xf32, #tpu.memory_space<hbm>>
    tpu.wait_dma2 semaphore(%arg18 : memref<!tpu.dma_semaphore, #tpu.memory_space<semaphore_mem>>) src(%arg14 : memref<32x256xf32, #tpu.memory_space<vmem>>) dst(%dma_wait3A_189 : memref<32x256xf32, #tpu.memory_space<hbm>>)
    return
  }
}

module attributes {stable_mosaic.version = 14 : i64} {
  func.func @_tc_body(%arg0: i32, %arg1: memref<9x1x256xi32, #tpu.memory_space<vmem>>, %arg2: memref<1024x256xbf16, #tpu.memory_space<vmem>>, %arg3: memref<256x256xf32, #tpu.memory_space<vmem>>) attributes {dimension_semantics = [#tpu.dimension_semantics<parallel>], iteration_bounds = array<i64: 117>, scalar_prefetch = 0 : i64, scratch_operands = 0 : i64, tpu.core_type = #tpu.core_type<tc>, window_params = [{transform_indices = @transform_0, window_bounds = array<i64: 9, 1, 256>}, {pipeline_mode = #tpu.pipeline_mode<synchronous>, transform_indices = @transform_1, window_bounds = array<i64: 1024, 256>}, {transform_indices = @transform_2, window_bounds = array<i64: 256, 256>}]} {
    %iota3A = tpu.iota {dimensions = array<i32: 1>} : vector<256x1024xi32>
    %get3A = arith.constant 0 : index
    %get3A_0 = arith.constant 0 : index
    %get3A_1 = arith.constant 0 : index
    %get3A_2 = vector.load %arg1[%get3A, %get3A_0, %get3A_1] : memref<9x1x256xi32, #tpu.memory_space<vmem>>, vector<1x1x256xi32>
    %get3A_3 = vector.shape_cast %get3A_2 : vector<1x1x256xi32> to vector<256xi32>
    %add3A = arith.constant 0 : i32
    %add3A_4 = vector.broadcast %add3A : i32 to vector<256xi32>
    %add3A_5 = arith.addi %get3A_3, %add3A_4 : vector<256xi32>
    %broadcast_in_dim3A = vector.shape_cast %add3A_5 : vector<256xi32> to vector<256x1xi32>
    %eq3A = vector.broadcast %broadcast_in_dim3A : vector<256x1xi32> to vector<256x1024xi32>
    %eq3A_6 = arith.cmpi eq, %eq3A, %iota3A : vector<256x1024xi32>
    %get3A_7 = arith.constant 1 : index
    %get3A_8 = arith.constant 0 : index
    %get3A_9 = arith.constant 0 : index
    %get3A_10 = vector.load %arg1[%get3A_7, %get3A_8, %get3A_9] : memref<9x1x256xi32, #tpu.memory_space<vmem>>, vector<1x1x256xi32>
    %get3A_11 = vector.shape_cast %get3A_10 : vector<1x1x256xi32> to vector<256xi32>
    %add3A_12 = arith.constant 100 : i32
    %add3A_13 = vector.broadcast %add3A_12 : i32 to vector<256xi32>
    %add3A_14 = arith.addi %get3A_11, %add3A_13 : vector<256xi32>
    %broadcast_in_dim3A_15 = vector.shape_cast %add3A_14 : vector<256xi32> to vector<256x1xi32>
    %eq3A_16 = vector.broadcast %broadcast_in_dim3A_15 : vector<256x1xi32> to vector<256x1024xi32>
    %eq3A_17 = arith.cmpi eq, %eq3A_16, %iota3A : vector<256x1024xi32>
    %or3A = arith.ori %eq3A_6, %eq3A_17 : vector<256x1024xi1>
    %get3A_18 = arith.constant 2 : index
    %get3A_19 = arith.constant 0 : index
    %get3A_20 = arith.constant 0 : index
    %get3A_21 = vector.load %arg1[%get3A_18, %get3A_19, %get3A_20] : memref<9x1x256xi32, #tpu.memory_space<vmem>>, vector<1x1x256xi32>
    %get3A_22 = vector.shape_cast %get3A_21 : vector<1x1x256xi32> to vector<256xi32>
    %add3A_23 = arith.constant 200 : i32
    %add3A_24 = vector.broadcast %add3A_23 : i32 to vector<256xi32>
    %add3A_25 = arith.addi %get3A_22, %add3A_24 : vector<256xi32>
    %broadcast_in_dim3A_26 = vector.shape_cast %add3A_25 : vector<256xi32> to vector<256x1xi32>
    %eq3A_27 = vector.broadcast %broadcast_in_dim3A_26 : vector<256x1xi32> to vector<256x1024xi32>
    %eq3A_28 = arith.cmpi eq, %eq3A_27, %iota3A : vector<256x1024xi32>
    %or3A_29 = arith.ori %or3A, %eq3A_28 : vector<256x1024xi1>
    %get3A_30 = arith.constant 3 : index
    %get3A_31 = arith.constant 0 : index
    %get3A_32 = arith.constant 0 : index
    %get3A_33 = vector.load %arg1[%get3A_30, %get3A_31, %get3A_32] : memref<9x1x256xi32, #tpu.memory_space<vmem>>, vector<1x1x256xi32>
    %get3A_34 = vector.shape_cast %get3A_33 : vector<1x1x256xi32> to vector<256xi32>
    %add3A_35 = arith.constant 300 : i32
    %add3A_36 = vector.broadcast %add3A_35 : i32 to vector<256xi32>
    %add3A_37 = arith.addi %get3A_34, %add3A_36 : vector<256xi32>
    %broadcast_in_dim3A_38 = vector.shape_cast %add3A_37 : vector<256xi32> to vector<256x1xi32>
    %eq3A_39 = vector.broadcast %broadcast_in_dim3A_38 : vector<256x1xi32> to vector<256x1024xi32>
    %eq3A_40 = arith.cmpi eq, %eq3A_39, %iota3A : vector<256x1024xi32>
    %or3A_41 = arith.ori %or3A_29, %eq3A_40 : vector<256x1024xi1>
    %get3A_42 = arith.constant 4 : index
    %get3A_43 = arith.constant 0 : index
    %get3A_44 = arith.constant 0 : index
    %get3A_45 = vector.load %arg1[%get3A_42, %get3A_43, %get3A_44] : memref<9x1x256xi32, #tpu.memory_space<vmem>>, vector<1x1x256xi32>
    %get3A_46 = vector.shape_cast %get3A_45 : vector<1x1x256xi32> to vector<256xi32>
    %add3A_47 = arith.constant 400 : i32
    %add3A_48 = vector.broadcast %add3A_47 : i32 to vector<256xi32>
    %add3A_49 = arith.addi %get3A_46, %add3A_48 : vector<256xi32>
    %broadcast_in_dim3A_50 = vector.shape_cast %add3A_49 : vector<256xi32> to vector<256x1xi32>
    %eq3A_51 = vector.broadcast %broadcast_in_dim3A_50 : vector<256x1xi32> to vector<256x1024xi32>
    %eq3A_52 = arith.cmpi eq, %eq3A_51, %iota3A : vector<256x1024xi32>
    %or3A_53 = arith.ori %or3A_41, %eq3A_52 : vector<256x1024xi1>
    %get3A_54 = arith.constant 5 : index
    %get3A_55 = arith.constant 0 : index
    %get3A_56 = arith.constant 0 : index
    %get3A_57 = vector.load %arg1[%get3A_54, %get3A_55, %get3A_56] : memref<9x1x256xi32, #tpu.memory_space<vmem>>, vector<1x1x256xi32>
    %get3A_58 = vector.shape_cast %get3A_57 : vector<1x1x256xi32> to vector<256xi32>
    %add3A_59 = arith.constant 500 : i32
    %add3A_60 = vector.broadcast %add3A_59 : i32 to vector<256xi32>
    %add3A_61 = arith.addi %get3A_58, %add3A_60 : vector<256xi32>
    %broadcast_in_dim3A_62 = vector.shape_cast %add3A_61 : vector<256xi32> to vector<256x1xi32>
    %eq3A_63 = vector.broadcast %broadcast_in_dim3A_62 : vector<256x1xi32> to vector<256x1024xi32>
    %eq3A_64 = arith.cmpi eq, %eq3A_63, %iota3A : vector<256x1024xi32>
    %or3A_65 = arith.ori %or3A_53, %eq3A_64 : vector<256x1024xi1>
    %get3A_66 = arith.constant 6 : index
    %get3A_67 = arith.constant 0 : index
    %get3A_68 = arith.constant 0 : index
    %get3A_69 = vector.load %arg1[%get3A_66, %get3A_67, %get3A_68] : memref<9x1x256xi32, #tpu.memory_space<vmem>>, vector<1x1x256xi32>
    %get3A_70 = vector.shape_cast %get3A_69 : vector<1x1x256xi32> to vector<256xi32>
    %add3A_71 = arith.constant 600 : i32
    %add3A_72 = vector.broadcast %add3A_71 : i32 to vector<256xi32>
    %add3A_73 = arith.addi %get3A_70, %add3A_72 : vector<256xi32>
    %broadcast_in_dim3A_74 = vector.shape_cast %add3A_73 : vector<256xi32> to vector<256x1xi32>
    %eq3A_75 = vector.broadcast %broadcast_in_dim3A_74 : vector<256x1xi32> to vector<256x1024xi32>
    %eq3A_76 = arith.cmpi eq, %eq3A_75, %iota3A : vector<256x1024xi32>
    %or3A_77 = arith.ori %or3A_65, %eq3A_76 : vector<256x1024xi1>
    %get3A_78 = arith.constant 7 : index
    %get3A_79 = arith.constant 0 : index
    %get3A_80 = arith.constant 0 : index
    %get3A_81 = vector.load %arg1[%get3A_78, %get3A_79, %get3A_80] : memref<9x1x256xi32, #tpu.memory_space<vmem>>, vector<1x1x256xi32>
    %get3A_82 = vector.shape_cast %get3A_81 : vector<1x1x256xi32> to vector<256xi32>
    %add3A_83 = arith.constant 700 : i32
    %add3A_84 = vector.broadcast %add3A_83 : i32 to vector<256xi32>
    %add3A_85 = arith.addi %get3A_82, %add3A_84 : vector<256xi32>
    %broadcast_in_dim3A_86 = vector.shape_cast %add3A_85 : vector<256xi32> to vector<256x1xi32>
    %eq3A_87 = vector.broadcast %broadcast_in_dim3A_86 : vector<256x1xi32> to vector<256x1024xi32>
    %eq3A_88 = arith.cmpi eq, %eq3A_87, %iota3A : vector<256x1024xi32>
    %or3A_89 = arith.ori %or3A_77, %eq3A_88 : vector<256x1024xi1>
    %get3A_90 = arith.constant 8 : index
    %get3A_91 = arith.constant 0 : index
    %get3A_92 = arith.constant 0 : index
    %get3A_93 = vector.load %arg1[%get3A_90, %get3A_91, %get3A_92] : memref<9x1x256xi32, #tpu.memory_space<vmem>>, vector<1x1x256xi32>
    %get3A_94 = vector.shape_cast %get3A_93 : vector<1x1x256xi32> to vector<256xi32>
    %add3A_95 = arith.constant 800 : i32
    %add3A_96 = vector.broadcast %add3A_95 : i32 to vector<256xi32>
    %add3A_97 = arith.addi %get3A_94, %add3A_96 : vector<256xi32>
    %broadcast_in_dim3A_98 = vector.shape_cast %add3A_97 : vector<256xi32> to vector<256x1xi32>
    %eq3A_99 = vector.broadcast %broadcast_in_dim3A_98 : vector<256x1xi32> to vector<256x1024xi32>
    %eq3A_100 = arith.cmpi eq, %eq3A_99, %iota3A : vector<256x1024xi32>
    %or3A_101 = arith.ori %or3A_89, %eq3A_100 : vector<256x1024xi1>
    %convert_element_type3A = arith.extui %or3A_101 : vector<256x1024xi1> to vector<256x1024xi32>
    %convert_element_type3A_102 = arith.sitofp %convert_element_type3A : vector<256x1024xi32> to vector<256x1024xf32>
    %convert_element_type3A_103 = arith.truncf %convert_element_type3A_102 : vector<256x1024xf32> to vector<256x1024xbf16>
    %get3A_104 = arith.constant 0 : index
    %get3A_105 = arith.constant 0 : index
    %get3A_106 = vector.load %arg2[%get3A_104, %get3A_105] : memref<1024x256xbf16, #tpu.memory_space<vmem>>, vector<1024x256xbf16>
    %dot_general3A = arith.constant dense<0.000000e+00> : vector<256x256xf32>
    %dot_general3A_107 = tpu.matmul %convert_element_type3A_103, %get3A_106, %dot_general3A {dimension_numbers = #tpu.dot_dimension_numbers<[1], [0], [0], [1], [0, 0, 1, 1], [], []>, transpose_lhs_hint = false} : vector<256x1024xbf16>, vector<1024x256xbf16>, vector<256x256xf32> -> vector<256x256xf32>
    %swap3A = arith.constant 0 : index
    %swap3A_108 = arith.constant 0 : index
    %swap3A_109 = vector.load %arg3[%swap3A, %swap3A_108] : memref<256x256xf32, #tpu.memory_space<vmem>>, vector<256x256xf32>
    tpu.vector_store %arg3[%swap3A, %swap3A_108], %dot_general3A_107 {strides = array<i32>} : memref<256x256xf32, #tpu.memory_space<vmem>>, vector<256x256xf32>,
    return
  }
  func.func @transform_0(%arg0: i32) -> (i32, i32, i32) {
    %c0_i32 = arith.constant 0 : i32
    %c0_i32_0 = arith.constant 0 : i32
    %c0_i32_1 = arith.constant 0 : i32
    return %arg0, %c0_i32, %c0_i32_0 : i32, i32, i32
  }
  func.func @transform_1(%arg0: i32) -> (i32, i32) {
    %c0_i32 = arith.constant 0 : i32
    %c0_i32_0 = arith.constant 0 : i32
    %c0_i32_1 = arith.constant 0 : i32
    return %c0_i32, %c0_i32_0 : i32, i32
  }
  func.func @transform_2(%arg0: i32) -> (i32, i32) {
    %c0_i32 = arith.constant 0 : i32
    %c0_i32_0 = arith.constant 0 : i32
    return %arg0, %c0_i32 : i32, i32
  }
}

</mosaic_0001>

<sc_bundles>
// kernel: kernel.4.cloned.1.call-start
scs
__scs_entry_jumppad:
0x0: {  	(pc) =	sbr.rel $0x88, $3  }
0x1: {  	(tag) =	ssettag $0x0;
	lr =	simm.s32 $0x1  }
0x2: {  	[smem:$0x3F9F] =	sst lr;
	_ =	strace $0xD0000000  }
0x3: {  	_ = 	snop  }
0x4: {  	_ = 	snop  }
0x5: {  	_ = 	snop  }
0x6: {  	_ = 	snop  }
0x7: {  	_ = 	snop  }
__scs_overlays_trampoline_lowered:
0x8: {  	[smem:$0x3FAE] =	sst s0  }
0x9: {  	[smem:$0x3FAF] =	sst s1  }
0xa: {  	[smem:$0x3FB0] =	sst s2  }
0xb: {  	[smem:$0x3FB1] =	sst s3  }
0xc: {  	[smem:$0x3FB2] =	sst s4  }
0xd: {  	[smem:$0x3FB3] =	sst s5  }
0xe: {  	[smem:$0x3FB4] =	sst s6  }
0xf: {  	[smem:$0x3FB5] =	sst s7  }
0x10: {  	[smem:$0x3FB6] =	sst s8  }
0x11: {  	[smem:$0x3FB7] =	sst s9;
	s0 =	simm.s32 @!p0 $0x0  }
0x12: {  	s1 =	sld [smem:$0x3F9D];
	s0 =	simm.s32 @p0 $0x1  }
0x13: {  	[smem:$0x3FB8] =	sst s0;
	s0 =	simm.s32 @!p1 $0x0  }
0x14: {  	s2 =	sld [smem:$0x3F9C];
	s0 =	simm.s32 @p1 $0x1  }
0x15: {  	[smem:$0x3FB9] =	sst s0;
	s0 =	simm.s32 @!p2 $0x0  }
0x16: {  	s3 =	sld [smem:$0x3FDB];
	s0 =	simm.s32 @p2 $0x1  }
0x17: {  	s4 =	simm.s32 $0x1BF5;
	[smem:$0x3FBB] =	sst s0  }
0x18: {  	s0 =	sld [smem:$0x3F9E];
	_ =	swait.ge [sflag:s4], $0x0  }
0x19: {  	s7 =	sld [smem:$0x3F9F]  }
0x1a: {  	s8 =	sadd.s32 $0xFFFFE003, lr  }
0x1b: {  	s9 =	sadd.s32 $0xFFFFFEF7, lr;
	s5 =	simm.s32 $0xFFFFFFFF;
	p2 =	slt.u32 s8, $0xFFFFF086  }
0x1c: {  	p1 =	slt.u32 s9, $0xF7A;
	s5 =	simm.s32 @!p2 $0x0  }
0x1d: {  	s5 =	simm.s32 @p1 $0x1;
	p0 =	seq.s32 s7, s2  }
0x1e: {  	s7 =	smul.u32 @!p0 $0xF7A, s2;
	p2 =	seq.s32 @!p0 s5, $0x0  }
0x1f: {  	s9 =	smul.u32 $0xF7A, s1;
	s8 =	simm.s32 @!p0 $0x1BF5;
	p2 =	por !p2, p0  }
0x20: {  	[sflag:s8] =	ssyncset.s32 @!p0 $0xFFFFF086;
	s6 =	sadd.s32 @!p0 s3, s7;
	s7 =	simm.s32 @!p0 $0x108  }
0x21: {  	s3 =	sadd.s32 s3, s9;
	s6 =	sadd.s32 @!p0 $0x88, s6;
	s7 =	simm.s32 @p2 $0x1082  }
0x22: {  	[simem:s7], [sflag:s8] =	dma.local @!p0 [hbm:s6], $0xF7A  }
0x23: {  	s9 =	sor.u32 $0xD0000000, s2;
	s6 =	simm.s32 $0x108;
	_ =	swait.ge @!p0 [sflag:s8], $0x0  }
0x24: {  	s3 =	sadd.s32 $0x88, s3;
	s6 =	simm.s32 @!p1 $0x1082;
	[sflag:s4] =	ssyncset.s32 $0xFFFFF086  }
0x25: {  	[simem:s6], [sflag:s4] =	dma.local [hbm:s3], $0xF7A  }
0x26: {  	[smem:$0x3F9F] =	sst s1;
	(tag) =	ssettag s2;
	_ =	strace s9  }
0x27: {  	s1 =	sld [smem:$0x3FAF]  }
0x28: {  	s2 =	sld [smem:$0x3FB0]  }
0x29: {  	s4 =	sld [smem:$0x3FB2]  }
0x2a: {  	p0 =	seq.s32 s5, $0x0;
	s5 =	sld [smem:$0x3FB3]  }
0x2b: {  	s6 =	sld [smem:$0x3FB4]  }
0x2c: {  	s7 =	sld [smem:$0x3FB5]  }
0x2d: {  	s3 =	simm.s32 $0x108;
	s8 =	sld [smem:$0x3FB6]  }
0x2e: {  	s3 =	simm.s32 @!p0 $0x1082;
	s9 =	sld [smem:$0x3FB7]  }
0x2f: {  	lr =	sadd.s32 s0, s3;
	s0 =	sld [smem:$0x3FAE]  }
0x30: {  	s3 =	sld [smem:$0x3FB1]  }
0x31: {  	[smem:$0x3FBA] =	sst s10  }
0x32: {  	s10 =	sld [smem:$0x3FB8];
	_ =	sdelay $0x3  }
0x33: {  	p0 =	seq.s32 s10, $0x1;
	s10 =	sld [smem:$0x3FBA];
	_ =	sdelay $0x3  }
0x34: {  	[smem:$0x3FBA] =	sst s10  }
0x35: {  	s10 =	sld [smem:$0x3FB9];
	_ =	sdelay $0x3  }
0x36: {  	p1 =	seq.s32 s10, $0x1;
	s10 =	sld [smem:$0x3FBA];
	_ =	sdelay $0x3  }
0x37: {  	[smem:$0x3FBA] =	sst s10  }
0x38: {  	s10 =	sld [smem:$0x3FBB]  }
0x39: {  	_ = 	snop;
	(pc) =	sbr.ind lr, $3  }
0x3a: {  	_ = 	snop  }
0x3b: {  	_ = 	snop  }
0x3c: {  	p2 =	seq.s32 s10, $0x1;
	s10 =	sld [smem:$0x3FBA]  }
0x3d: {  	_ =	shalt  }
0x3e: {  	_ =	shalt  }
0x3f: {  	_ =	shalt  }
0x40: {  	_ =	shalt  }
0x41: {  	_ =	shalt  }
0x42: {  	_ =	shalt  }
0x43: {  	_ =	shalt  }
0x44: {  	_ =	shalt  }
0x45: {  	_ =	shalt  }
0x46: {  	_ =	shalt  }
0x47: {  	_ =	shalt  }
0x48: {  	_ =	shalt  }
0x49: {  	_ =	shalt  }
0x4a: {  	_ =	shalt  }
0x4b: {  	_ =	shalt  }
0x4c: {  	_ =	shalt  }
0x4d: {  	_ =	shalt  }
0x4e: {  	_ =	shalt  }
0x4f: {  	_ =	shalt  }
0x50: {  	_ =	shalt  }
0x51: {  	_ =	shalt  }
0x52: {  	_ =	shalt  }
0x53: {  	_ =	shalt  }
0x54: {  	_ =	shalt  }
0x55: {  	_ =	shalt  }
0x56: {  	_ =	shalt  }
0x57: {  	_ =	shalt  }
0x58: {  	_ =	shalt  }
0x59: {  	_ =	shalt  }
0x5a: {  	_ =	shalt  }
0x5b: {  	_ =	shalt  }
0x5c: {  	_ =	shalt  }
0x5d: {  	_ =	shalt  }
0x5e: {  	_ =	shalt  }
0x5f: {  	_ =	shalt  }
0x60: {  	_ =	shalt  }
0x61: {  	_ =	shalt  }
0x62: {  	_ =	shalt  }
0x63: {  	_ =	shalt  }
0x64: {  	_ =	shalt  }
0x65: {  	_ =	shalt  }
0x66: {  	_ =	shalt  }
0x67: {  	_ =	shalt  }
0x68: {  	_ =	shalt  }
0x69: {  	_ =	shalt  }
0x6a: {  	_ =	shalt  }
0x6b: {  	_ =	shalt  }
0x6c: {  	_ =	shalt  }
0x6d: {  	_ =	shalt  }
0x6e: {  	_ =	shalt  }
0x6f: {  	_ =	shalt  }
0x70: {  	_ =	shalt  }
0x71: {  	_ =	shalt  }
0x72: {  	_ =	shalt  }
0x73: {  	_ =	shalt  }
0x74: {  	_ =	shalt  }
0x75: {  	_ =	shalt  }
0x76: {  	_ =	shalt  }
0x77: {  	_ =	shalt  }
0x78: {  	_ =	shalt  }
0x79: {  	_ =	shalt  }
0x7a: {  	_ =	shalt  }
0x7b: {  	_ =	shalt  }
0x7c: {  	_ =	shalt  }
0x7d: {  	_ =	shalt  }
0x7e: {  	_ =	shalt  }
0x7f: {  	_ =	shalt  }
0x80: {  	_ =	shalt  }
0x81: {  	_ =	shalt  }
0x82: {  	_ =	shalt  }
0x83: {  	_ =	shalt  }
0x84: {  	_ =	shalt  }
0x85: {  	_ =	shalt  }
0x86: {  	_ =	shalt  }
0x87: {  	_ =	shalt  }
.Lfunc_end0:
.L_simem_size_0:
called_computation_lowered:
.L_overlay_start_0:
0x88: {  	s2 =	sld [smem:$0x3FD9]  }
0x89: {  	s3 =	sld [smem:$0x3FFE];
	_ =	sdelay $0x1  }
0x8a: {  	s1 =	srdreg.scid  }
0x8b: {  	s0 =	sand.u32 $0x1, s1  }
0x8c: {  	s17 =	sshll.u32 s0, $0xA;
	s2 =	sadd.s32 s3, s2  }
0x8d: {  	s2 =	sadd.s32 s2, s17  }
0x8e: {  	[smem:$0x3FC6] =	sst s2  }
0x8f: {  	_ = 	snop  }
0x90: {  	s2 =	sld [smem:$0x3FD0];
	(tm) =	ssettm $0x1  }
0x91: {  	s18 =	sld [smem:$0x3FFB];
	_ =	sdelay $0x3  }
0x92: {  	_ =	strace s18  }
0x93: {  	s3 =	sld [smem:$0x3FFC];
	_ =	sdelay $0x3  }
0x94: {  	_ =	strace s3  }
0x95: {  	s3 =	sld [smem:$0x3FFD];
	_ =	sdelay $0x3  }
0x96: {  	_ =	strace s3  }
0x97: {  	_ =	strace $0x8FFFFFFF  }
0x98: {  	s19 =	sld [smem:$0x3FDB];
	_ =	sdelay $0x1  }
0x99: {  	s4 =	simm.s32 $_scs_section_size  }
0x9a: {  	s5 =	simm.s32 $_size__tile_overlayer_lowered;
	s6 =	simm.s32 $_tile_overlayer_lowered  }
0x9b: {  	s22 =	simm.s32 $0x1BFF;
	s21 =	sshll.u32 s6, $0x1;
	s3 =	sadd.s32 s4, s19  }
0x9c: {  	s7 =	simm.s32 $0x0;
	s20 =	sshll.u32 s5, $0x1;
	s5 =	sadd.s32 s21, s3  }
0x9d: {  	[timem:s7], [sflag:s22] =	dma.local [hbm:s5], s20  }
0x9e: {  	_ =	swait.ge [sflag:s22], s20  }
0x9f: {  	s4 =	ssub.s32 $0x0, s20;
	[sflag:s22] =	ssyncset.done $0x0  }
0xa0: {  	[sflag:s22] =	ssyncadd.s32 s4;
	_ =	sdelay $0x1  }
0xa1: {  	s23 =	simm.s32 $0x1B8B  }
0xa2: {  	_ =	swait.ge [sflag:s23], $0x1  }
0xa3: {  	[sflag:s23] =	ssyncset.done $0x0  }
0xa4: {  	s25 =	simm.s32 $0x1B8E;
	s24 =	sld [smem:$0x3FFE];
	[sflag:s23] =	ssyncadd.s32 $0xFFFFFFFF  }
0xa5: {  	s26 =	simm.s32 $execute0_lowered;
	[smem:$0x3FD2] =	sst s25  }
0xa6: {  	s5 =	sshll.u32 s26, $0x1;
	_ =	strace $0x80000046;
	[dreg:$0x1] =	wrdreg $0xFFFFFFFF  }
0xa7: {  	s28 =	simm.s32 $_size_execute0_lowered;
	s3 =	sadd.s32 s3, s5;
	[dreg:$0x0] =	wrdreg $0x0  }
0xa8: {  	s5 =	sshll.u32 s28, $0x1;
	[dreg:$0x2] =	wrdreg s3  }
0xa9: {  	[dreg:$0x3] =	wrdreg s5  }
0xaa: {  	[dreg:$0x4] =	wrdreg $0xC0  }
0xab: {  	_ =	task [dreg:s7], $0x5FFFF  }
0xac: {  	[dreg:$0x1] =	wrdreg $0xFFFFFFFF  }
0xad: {  	[dreg:$0x0] =	wrdreg $0x60  }
0xae: {  	[dreg:$0x2] =	wrdreg s24  }
0xaf: {  	[dreg:$0x3] =	wrdreg s2  }
0xb0: {  	[dreg:$0x4] =	wrdreg $0x9  }
0xb1: {  	_ =	task.clear_ibuf [dreg:s7], $0x5FFFF;
	_ =	strace $0x90000046  }
0xb2: {  	s29 =	simm.s32 $0x9;
	_ =	strace $0x80000048  }
0xb3: {  	_ =	swait.ge [sflag:s29], $0x1  }
0xb4: {  	[sflag:s29] =	ssyncadd.s32 $0xFFFFFFFF  }
0xb5: {  	_ =	strace $0x90000048  }
0xb6: {  	_ =	sfence  }
0xb7: {  	s30 =	sld [smem:$0x0];
	_ =	sdelay $0x2  }
0xb8: {  	s31 =	sshll.u32 s1, $0xD;
	s1 =	sshrl.u32 s1, $0x2  }
0xb9: {  	s3 =	sand.u32 $0x4000, s31;
	s1 =	sadd.s32 s1, s30  }
0xba: {  	s0 =	sor.u32 s3, s0;
	s1 =	sshll.u32 s1, $0x11  }
0xbb: {  	s0 =	sor.u32 s1, s0  }
0xbc: {  	s0 =	sadd.s32 $0x8F2B, s0  }
0xbd: {  	[sflag:s0] =	ssyncadd.remote.s32 $0x1  }
0xbe: {  	_ =	sfence.sel $0xFFFF  }
0xbf: {  	[dreg:$0x0] =	wrdreg $0xFFFFFFFF;
	(pc) =	sbr.abs _section_cstart, $3  }
0xc0: {  	[dreg:$0x1] =	wrdreg $0xFFFFFFFF  }
0xc1: {  	_ =	task.clear_ibuf [dreg:s7], $0x2FFFF;
	_ =	strace $0x9FFFFFFF  }
0xc2: {  	(tm) =	ssettm $0x7FFFFFFF  }
0xc3: {  	_ =	shalt  }
tec
execute0_lowered:
.L_overlay_start_1:
0x0: {  	(tag) =	ssettag $0x1  }
0x1: {  	s0 =	rddreg [dreg:$0x0]  }
0x2: {  	s2 =	rddreg [dreg:$0x1]  }
0x3: {  	s1 =	srdreg.scid;
	s4 =	stileid.u32  }
0x4: {  	s3 =	simm.s32 $0x0;
	s9 =	simm.s32 $0x1;
	s31 =	simm.s32 $0x180  }
0x5: {  	s18 =	simm.s32 $0xFD00;
	s19 =	simm.s32 $0x10500;
	s20 =	simm.s32 $0x10D00  }
0x6: {  	s21 =	simm.s32 $0x11500;
	s22 =	simm.s32 $0x11D00;
	s23 =	simm.s32 $0x12500  }
0x7: {  	s24 =	simm.s32 $0x12D00;
	s1 =	sand.u32 $0x1, s1;
	s4 =	sshll.u32 s4, $0x1  }
0x8: {  	s28 =	simm.s32 $0x14500;
	s6 =	ssub.s32 $0x2, s1;
	s1 =	sor.u32 s1, s4  }
0x9: {  	s29 =	simm.s32 $0x16500;
	s30 =	simm.s32 $0x0;
	s8 =	smul.u32 $0x9B4, s1  }
.Ltmp0:
0xa: {  	[smem:$0x7FF] =	sst s3;
	s5 =	sadd.s32 $0x15800, s0;
	(pc) =	sbr.rel .LBB2_1-.Ltmp0, $4  }
0xb: {  	_ =	strace $0x80000047;
	s4 =	sadd.s32 $0x2400, s0;
	s7 =	sshrl.u32 s6, $0x1  }
0xc: {  	v2 =	vlaneseq.u32;
	s25 =	ssub.s32 s6, s7;
	s6 =	smul.u32 $0x45, s1;
	s26 =	sadd.s32 s4, s8  }
0xd: {  	vm0 =	vmmov $0xffff;
	v1 =	vshrl.u32 v2, $0x3;
	s0 =	smax.u32 s25, $0x1;
	s25 =	simm.s32 $0x13500;
	[dreg:$0x3] =	wrdreg s26  }
0xe: {  	v0 =	vand.u32 $0x7, v2;
	v2 =	vor.u32 $0x8, v2;
	v1 =	vmul.u32 $0x8, v1;
	[dreg:$0x4] =	wrdreg s0;
	s0 =	simm.s32 $0x2;
	s26 =	simm.s32 $0x13D00  }
.LBB2_18:
0xf: {  	s1 =	simm.s32 $0x3  }
0x10: {  	_ =	swait.ge [sflag:s1], $0x2000  }
0x11: {  	[sflag:s1] =	ssyncset.done $0x0  }
0x12: {  	s7 =	simm.s32 $0x4;
	[sflag:s1] =	ssyncadd.s32 $0xFFFFE000  }
0x13: {  	_ =	swait.ge [sflag:s7], $0x2000  }
0x14: {  	s30 =	sadd.s32 $0x1, s30;
	s17 =	rddreg [dreg:$0x4]  }
0x15: {  	p0 =	sne.s32 s30, s17  }
.Ltmp1:
0x16: {  	_ = 	snop;
	(pc) =	sbr.rel @!p0 .LBB2_19-.Ltmp1, $3  }
0x17: {  	_ =	sdelay $0x1  }
0x18: {  	[sflag:s7] =	ssyncset.done $0x0  }
0x19: {  	[sflag:s7] =	ssyncadd.s32 $0xFFFFE000  }
.LBB2_1:
0x1a: {  	s1 =	rddreg [dreg:$0x3]  }
0x1b: {  	[tilespmem:s3], [sflag:$0x1] =	stream.linear.gather [hbm4b:s1+s3], $0x120, $0x38;
	[tilespmem:$0x18500] =	vst v63  }
0x1c: {  	_ =	swait.ge [sflag:s9], $0x120  }
0x1d: {  	[sflag:s9] =	ssyncset.done $0x0  }
0x1e: {  	[sflag:s9] =	ssyncadd.s32 $0xFFFFFEE0  }
0x1f: {  	v3 =	vld [tilespmem:$0x0]  }
0x20: {  	v4 =	vld [tilespmem:$0x20]  }
0x21: {  	v5 =	vld [tilespmem:$0x10]  }
0x22: {  	v6 =	vld [tilespmem:$0x30]  }
0x23: {  	v7 =	vld [tilespmem:$0x40]  }
0x24: {  	v8 =	vld [tilespmem:$0x60]  }
0x25: {  	v9 =	vld [tilespmem:$0x50]  }
0x26: {  	v10 =	vld [tilespmem:$0x70]  }
0x27: {  	v11 =	vld [tilespmem:$0x80];
	v3 =	vmul.u32 $0x64, v3  }
0x28: {  	v39 =	vld [tilespmem:$0x90]  }
0x29: {  	v14 =	vld [tilespmem:$0xC0];
	v3 =	vadd.s32 v4, v3  }
0x2a: {  	v15 =	vld [tilespmem:$0xD0];
	[tilespmem:$0x300] =	vst v3  }
0x2b: {  	v13 =	vld [tilespmem:$0x300]  }
0x2c: {  	v12 =	vld [tilespmem:$0xA0]  }
0x2d: {  	v41 =	vld [tilespmem:$0xE0];
	v7 =	vmul.u32 $0x64, v7;
	v5 =	vmul.u32 $0x64, v5  }
0x2e: {  	v9 =	vmul.u32 $0x64, v9;
	v40 =	vmul.u32 $0x64, v11;
	v47 =	vmul.u32 $0x64, v14;
	v3 =	vld [tilespmem:$0xB0]  }
0x2f: {  	v44 =	vld [tilespmem:$0xF0];
	v48 =	vmul.u32 $0x64, v15;
	v7 =	vadd.s32 v7, v8;
	v5 =	vadd.s32 v6, v5  }
0x30: {  	v43 =	vadd.s32 v9, v10;
	v4 =	vmul.u32 $0x64, v39;
	v45 =	vshll.u32 v13, $0x1  }
0x31: {  	v42 =	vadd.s32 $0x2710, v7;
	[tilespmem:$0x310] =	vst v5;
	v46 =	vand.u32 $0x7, v13;
	v10 =	vand.u32 $0xFFFFFFF0, v45  }
0x32: {  	v49 =	vld [tilespmem:$0x100];
	v8 =	vadd.s32 v40, v12;
	v7 =	vadd.s32 $0x2710, v43;
	[tilespmem:$0x320] =	vst v42;
	v5 =	vor.u32 v46, v10  }
0x33: {  	v51 =	vld [tilespmem:$0x110];
	v50 =	vadd.s32 $0x4E20, v8;
	[tilespmem:$0x330] =	vst v7;
	v3 =	vadd.s32 v4, v3;
	v52 =	vperm.xlane v5, v0  }
0x34: {  	v6 =	vadd.s32 v47, v41;
	v53 =	vadd.s32 v48, v44;
	[tilespmem:$0x380] =	vst v50;
	v3 =	vadd.s32 $0x4E20, v3  }
0x35: {  	[tilespmem:$0x390] =	vst v3;
	v3 =	vadd.s32 $0x7530, v6;
	v5 =	vperm.xlane v5, v2;
	v54 =	vadd.s32 v1, v52  }
0x36: {  	[tilespmem:$0x3A0] =	vst v3;
	v3 =	vadd.s32 $0x7530, v53  }
0x37: {  	[tilespmem:$0x3B0] =	vst v3;
	v3 =	vadd.s32 $0x9C40, v49;
	v5 =	vadd.s32 v1, v5  }
0x38: {  	[tilespmem:$0x3C0] =	vst v3;
	v3 =	vadd.s32 $0x9C40, v51  }
0x39: {  	s7 =	simm.s32 $0x500;
	[tilespmem:$0x3D0] =	vst v3  }
0x3a: {  	[tilespmem:s7], [sflag:$0x2] =	stream.indirect_vreg.gather [hbm4b:s2+s3], $0x80, v54, vm0, $0xb8;
	[tilespmem:$0x18500] =	vst v63  }
0x3b: {  	s8 =	simm.s32 $0xD00  }
0x3c: {  	[tilespmem:s8], [sflag:$0x2] =	stream.indirect_vreg.gather [hbm4b:s2+s3], $0x80, v5, vm0, $0xb8;
	[tilespmem:$0x18500] =	vst v63  }
0x3d: {  	v3 =	vld [tilespmem:$0x310];
	_ =	sdelay $0x4  }
0x3e: {  	v55 =	vshll.u32 v3, $0x1  }
0x3f: {  	v3 =	vand.u32 $0x7, v3;
	v4 =	vand.u32 $0xFFFFFFF0, v55  }
0x40: {  	v3 =	vor.u32 v3, v4  }
0x41: {  	v4 =	vperm.xlane v3, v0;
	_ =	sdelay $0x1  }
0x42: {  	v3 =	vperm.xlane v3, v2;
	v4 =	vadd.s32 v1, v4;
	_ =	sdelay $0x1  }
0x43: {  	v3 =	vadd.s32 v1, v3;
	_ =	sdelay $0x1  }
0x44: {  	s10 =	simm.s32 $0x1500  }
0x45: {  	[tilespmem:s10], [sflag:$0x2] =	stream.indirect_vreg.gather [hbm4b:s2+s3], $0x80, v4, vm0, $0xb8;
	[tilespmem:$0x18500] =	vst v63  }
0x46: {  	s11 =	simm.s32 $0x1D00  }
0x47: {  	[tilespmem:s11], [sflag:$0x2] =	stream.indirect_vreg.gather [hbm4b:s2+s3], $0x80, v3, vm0, $0xb8;
	[tilespmem:$0x18500] =	vst v63  }
0x48: {  	v3 =	vld [tilespmem:$0x320];
	_ =	sdelay $0x4  }
0x49: {  	v56 =	vshll.u32 v3, $0x1  }
0x4a: {  	v3 =	vand.u32 $0x7, v3;
	v4 =	vand.u32 $0xFFFFFFF0, v56  }
0x4b: {  	v3 =	vor.u32 v3, v4  }
0x4c: {  	v4 =	vperm.xlane v3, v0;
	_ =	sdelay $0x1  }
0x4d: {  	v3 =	vperm.xlane v3, v2;
	v4 =	vadd.s32 v1, v4;
	_ =	sdelay $0x1  }
0x4e: {  	v3 =	vadd.s32 v1, v3;
	_ =	sdelay $0x1  }
0x4f: {  	s12 =	simm.s32 $0x2500  }
0x50: {  	[tilespmem:s12], [sflag:$0x2] =	stream.indirect_vreg.gather [hbm4b:s2+s3], $0x80, v4, vm0, $0xb8;
	[tilespmem:$0x18500] =	vst v63  }
0x51: {  	s13 =	simm.s32 $0x2D00  }
0x52: {  	[tilespmem:s13], [sflag:$0x2] =	stream.indirect_vreg.gather [hbm4b:s2+s3], $0x80, v3, vm0, $0xb8;
	[tilespmem:$0x18500] =	vst v63  }
0x53: {  	v3 =	vld [tilespmem:$0x330];
	_ =	sdelay $0x4  }
0x54: {  	v57 =	vshll.u32 v3, $0x1  }
0x55: {  	v3 =	vand.u32 $0x7, v3;
	v4 =	vand.u32 $0xFFFFFFF0, v57  }
0x56: {  	v3 =	vor.u32 v3, v4  }
0x57: {  	v4 =	vperm.xlane v3, v0;
	_ =	sdelay $0x1  }
0x58: {  	v3 =	vperm.xlane v3, v2;
	v4 =	vadd.s32 v1, v4;
	_ =	sdelay $0x1  }
0x59: {  	v3 =	vadd.s32 v1, v3;
	_ =	sdelay $0x1  }
0x5a: {  	s14 =	simm.s32 $0x3500  }
0x5b: {  	[tilespmem:s14], [sflag:$0x2] =	stream.indirect_vreg.gather [hbm4b:s2+s3], $0x80, v4, vm0, $0xb8;
	[tilespmem:$0x18500] =	vst v63  }
0x5c: {  	s15 =	simm.s32 $0x3D00  }
0x5d: {  	[tilespmem:s15], [sflag:$0x2] =	stream.indirect_vreg.gather [hbm4b:s2+s3], $0x80, v3, vm0, $0xb8;
	[tilespmem:$0x18500] =	vst v63  }
0x5e: {  	v3 =	vld [tilespmem:$0x380];
	_ =	sdelay $0x4  }
0x5f: {  	v58 =	vshll.u32 v3, $0x1  }
0x60: {  	v3 =	vand.u32 $0x7, v3;
	v4 =	vand.u32 $0xFFFFFFF0, v58  }
0x61: {  	v3 =	vor.u32 v3, v4  }
0x62: {  	v4 =	vperm.xlane v3, v0;
	_ =	sdelay $0x1  }
0x63: {  	v3 =	vperm.xlane v3, v2;
	v4 =	vadd.s32 v1, v4;
	_ =	sdelay $0x1  }
0x64: {  	v3 =	vadd.s32 v1, v3;
	_ =	sdelay $0x1  }
0x65: {  	s16 =	simm.s32 $0x4500  }
0x66: {  	[tilespmem:s16], [sflag:$0x2] =	stream.indirect_vreg.gather [hbm4b:s2+s3], $0x80, v4, vm0, $0xb8;
	[tilespmem:$0x18500] =	vst v63  }
0x67: {  	s17 =	simm.s32 $0x4D00  }
0x68: {  	[tilespmem:s17], [sflag:$0x2] =	stream.indirect_vreg.gather [hbm4b:s2+s3], $0x80, v3, vm0, $0xb8;
	[tilespmem:$0x18500] =	vst v63  }
0x69: {  	v3 =	vld [tilespmem:$0x390];
	_ =	sdelay $0x4  }
0x6a: {  	v59 =	vshll.u32 v3, $0x1  }
0x6b: {  	v3 =	vand.u32 $0x7, v3;
	v4 =	vand.u32 $0xFFFFFFF0, v59  }
0x6c: {  	v3 =	vor.u32 v3, v4  }
0x6d: {  	v4 =	vperm.xlane v3, v0;
	_ =	sdelay $0x1  }
0x6e: {  	v3 =	vperm.xlane v3, v2;
	v4 =	vadd.s32 v1, v4;
	_ =	sdelay $0x1  }
0x6f: {  	v3 =	vadd.s32 v1, v3;
	_ =	sdelay $0x1  }
0x70: {  	s7 =	simm.s32 $0x5500  }
0x71: {  	[tilespmem:s7], [sflag:$0x2] =	stream.indirect_vreg.gather [hbm4b:s2+s3], $0x80, v4, vm0, $0xb8;
	[tilespmem:$0x18500] =	vst v63  }
0x72: {  	s8 =	simm.s32 $0x5D00  }
0x73: {  	[tilespmem:s8], [sflag:$0x2] =	stream.indirect_vreg.gather [hbm4b:s2+s3], $0x80, v3, vm0, $0xb8;
	[tilespmem:$0x18500] =	vst v63  }
0x74: {  	v3 =	vld [tilespmem:$0x3A0];
	_ =	sdelay $0x4  }
0x75: {  	v60 =	vshll.u32 v3, $0x1  }
0x76: {  	v3 =	vand.u32 $0x7, v3;
	v4 =	vand.u32 $0xFFFFFFF0, v60  }
0x77: {  	v3 =	vor.u32 v3, v4  }
0x78: {  	v4 =	vperm.xlane v3, v0;
	_ =	sdelay $0x1  }
0x79: {  	v3 =	vperm.xlane v3, v2;
	v4 =	vadd.s32 v1, v4;
	_ =	sdelay $0x1  }
0x7a: {  	v3 =	vadd.s32 v1, v3;
	_ =	sdelay $0x1  }
0x7b: {  	s10 =	simm.s32 $0x6500  }
0x7c: {  	[tilespmem:s10], [sflag:$0x2] =	stream.indirect_vreg.gather [hbm4b:s2+s3], $0x80, v4, vm0, $0xb8;
	[tilespmem:$0x18500] =	vst v63  }
0x7d: {  	s11 =	simm.s32 $0x6D00  }
0x7e: {  	[tilespmem:s11], [sflag:$0x2] =	stream.indirect_vreg.gather [hbm4b:s2+s3], $0x80, v3, vm0, $0xb8;
	[tilespmem:$0x18500] =	vst v63  }
0x7f: {  	v3 =	vld [tilespmem:$0x3B0];
	_ =	sdelay $0x4  }
0x80: {  	v61 =	vshll.u32 v3, $0x1  }
0x81: {  	v3 =	vand.u32 $0x7, v3;
	v4 =	vand.u32 $0xFFFFFFF0, v61  }
0x82: {  	v3 =	vor.u32 v3, v4  }
0x83: {  	v4 =	vperm.xlane v3, v0;
	_ =	sdelay $0x1  }
0x84: {  	v3 =	vperm.xlane v3, v2;
	v4 =	vadd.s32 v1, v4;
	_ =	sdelay $0x1  }
0x85: {  	v3 =	vadd.s32 v1, v3;
	_ =	sdelay $0x1  }
0x86: {  	s12 =	simm.s32 $0x7500  }
0x87: {  	[tilespmem:s12], [sflag:$0x2] =	stream.indirect_vreg.gather [hbm4b:s2+s3], $0x80, v4, vm0, $0xb8;
	[tilespmem:$0x18500] =	vst v63  }
0x88: {  	s13 =	simm.s32 $0x7D00  }
0x89: {  	[tilespmem:s13], [sflag:$0x2] =	stream.indirect_vreg.gather [hbm4b:s2+s3], $0x80, v3, vm0, $0xb8;
	[tilespmem:$0x18500] =	vst v63  }
0x8a: {  	v3 =	vld [tilespmem:$0x3C0];
	_ =	sdelay $0x4  }
0x8b: {  	v62 =	vshll.u32 v3, $0x1  }
0x8c: {  	v3 =	vand.u32 $0x7, v3;
	v4 =	vand.u32 $0xFFFFFFF0, v62  }
0x8d: {  	v3 =	vor.u32 v3, v4  }
0x8e: {  	v4 =	vperm.xlane v3, v0;
	_ =	sdelay $0x1  }
0x8f: {  	v3 =	vperm.xlane v3, v2;
	v4 =	vadd.s32 v1, v4;
	_ =	sdelay $0x1  }
0x90: {  	v3 =	vadd.s32 v1, v3;
	_ =	sdelay $0x1  }
0x91: {  	s14 =	simm.s32 $0x8500  }
0x92: {  	[tilespmem:s14], [sflag:$0x2] =	stream.indirect_vreg.gather [hbm4b:s2+s3], $0x80, v4, vm0, $0xb8;
	[tilespmem:$0x18500] =	vst v63  }
0x93: {  	s15 =	simm.s32 $0x8D00  }
0x94: {  	[tilespmem:s15], [sflag:$0x2] =	stream.indirect_vreg.gather [hbm4b:s2+s3], $0x80, v3, vm0, $0xb8;
	[tilespmem:$0x18500] =	vst v63  }
0x95: {  	v3 =	vld [tilespmem:$0x3D0];
	_ =	sdelay $0x4  }
0x96: {  	v63 =	vshll.u32 v3, $0x1  }
0x97: {  	v3 =	vand.u32 $0x7, v3;
	v4 =	vand.u32 $0xFFFFFFF0, v63  }
0x98: {  	v3 =	vor.u32 v3, v4  }
0x99: {  	v4 =	vperm.xlane v3, v0;
	_ =	sdelay $0x1  }
0x9a: {  	v3 =	vperm.xlane v3, v2;
	v4 =	vadd.s32 v1, v4;
	_ =	sdelay $0x1  }
0x9b: {  	v3 =	vadd.s32 v1, v3  }
.Ltmp2:
0x9c: {  	_ = 	snop;
	(pc) =	sbr.rel .LBB2_2-.Ltmp2, $4  }
0x9d: {  	s16 =	simm.s32 $0x9500  }
0x9e: {  	[tilespmem:s16], [sflag:$0x2] =	stream.indirect_vreg.gather [hbm4b:s2+s3], $0x80, v4, vm0, $0xb8;
	[tilespmem:$0x18500] =	vst v63  }
0x9f: {  	s1 =	simm.s32 $0x0;
	s17 =	simm.s32 $0x9D00  }
0xa0: {  	[tilespmem:s17], [sflag:$0x2] =	stream.indirect_vreg.gather [hbm4b:s2+s3], $0x80, v3, vm0, $0xb8;
	[tilespmem:$0x18500] =	vst v63  }
.LBB2_17:
0xa1: {  	s1 =	sadd.s32 $0x1, s1  }
0xa2: {  	p0 =	sne.s32 s1, $0x23  }
.Ltmp3:
0xa3: {  	_ = 	snop;
	(pc) =	sbr.rel @!p0 .LBB2_18-.Ltmp3, $1  }
0xa4: {  	_ =	sdelay $0x3  }
.LBB2_2:
0xa5: {  	s7 =	sshll.u32 s1, $0x1  }
0xa6: {  	s8 =	sadd.s32 s6, s7  }
0xa7: {  	p0 =	sgt.u32 s8, $0x88B  }
.Ltmp4:
0xa8: {  	_ = 	snop;
	(pc) =	sbr.rel @p0 .LBB2_4-.Ltmp4, $2  }
0xa9: {  	_ =	sdelay $0x2  }
0xaa: {  	s7 =	sadd.s32 $0x1, s8  }
.Ltmp5:
0xab: {  	(pc) =	sbr.rel .LBB2_5-.Ltmp5, $3  }
0xac: {  	s10 =	smul.u32 $0x24, s7;
	_ =	sdelay $0x1  }
0xad: {  	s10 =	sadd.s32 s4, s10  }
0xae: {  	[tilespmem:s31], [sflag:$0x1] =	stream.linear.gather [hbm4b:s10+s3], $0x120, $0x38;
	[tilespmem:$0x18500] =	vst v63  }
.LBB2_4:
0xaf: {  	p1 =	sne.s32 s8, $0x88C  }
.Ltmp6:
0xb0: {  	_ = 	snop;
	(pc) =	sbr.rel @p1 .LBB2_17-.Ltmp6, $1  }
0xb1: {  	_ =	sdelay $0x3  }
.LBB2_5:
0xb2: {  	_ =	swait.ge [sflag:s0], $0x4000  }
.Ltmp7:
0xb3: {  	[sflag:s0] =	ssyncset.done $0x0;
	(pc) =	sbr.rel @p0 .LBB2_7-.Ltmp7, $4  }
0xb4: {  	[sflag:s0] =	ssyncadd.s32 $0xFFFFC000  }
0xb5: {  	_ =	swait.ge [sflag:s0], $0x6000  }
0xb6: {  	[sflag:s0] =	ssyncset.done $0x0  }
0xb7: {  	[sflag:s0] =	ssyncadd.s32 $0xFFFFA000  }
0xb8: {  	_ =	swait.ge [sflag:s9], $0x120  }
0xb9: {  	[sflag:s9] =	ssyncset.done $0x0  }
0xba: {  	[sflag:s9] =	ssyncadd.s32 $0xFFFFFEE0  }
0xbb: {  	v3 =	vld [tilespmem:$0x180]  }
0xbc: {  	v4 =	vld [tilespmem:$0x1A0]  }
0xbd: {  	v5 =	vld [tilespmem:$0x190]  }
0xbe: {  	v6 =	vld [tilespmem:$0x1B0]  }
0xbf: {  	v7 =	vld [tilespmem:$0x1C0]  }
0xc0: {  	v8 =	vld [tilespmem:$0x1E0]  }
0xc1: {  	v9 =	vld [tilespmem:$0x1D0]  }
0xc2: {  	v10 =	vld [tilespmem:$0x1F0]  }
0xc3: {  	v11 =	vld [tilespmem:$0x200];
	v3 =	vmul.u32 $0x64, v3  }
0xc4: {  	v39 =	vld [tilespmem:$0x210]  }
0xc5: {  	v14 =	vld [tilespmem:$0x240];
	v3 =	vadd.s32 v4, v3  }
0xc6: {  	v15 =	vld [tilespmem:$0x250];
	[tilespmem:$0x400] =	vst v3  }
0xc7: {  	v13 =	vld [tilespmem:$0x400]  }
0xc8: {  	v12 =	vld [tilespmem:$0x220]  }
0xc9: {  	v41 =	vld [tilespmem:$0x260];
	v7 =	vmul.u32 $0x64, v7;
	v5 =	vmul.u32 $0x64, v5  }
0xca: {  	v9 =	vmul.u32 $0x64, v9;
	v40 =	vmul.u32 $0x64, v11;
	v47 =	vmul.u32 $0x64, v14;
	v3 =	vld [tilespmem:$0x230]  }
0xcb: {  	v44 =	vld [tilespmem:$0x270];
	v48 =	vmul.u32 $0x64, v15;
	v7 =	vadd.s32 v7, v8;
	v5 =	vadd.s32 v6, v5  }
0xcc: {  	v43 =	vadd.s32 v9, v10;
	v4 =	vmul.u32 $0x64, v39;
	v45 =	vshll.u32 v13, $0x1  }
0xcd: {  	v42 =	vadd.s32 $0x2710, v7;
	[tilespmem:$0x410] =	vst v5;
	v46 =	vand.u32 $0x7, v13;
	v10 =	vand.u32 $0xFFFFFFF0, v45  }
0xce: {  	v49 =	vld [tilespmem:$0x280];
	v8 =	vadd.s32 v40, v12;
	v7 =	vadd.s32 $0x2710, v43;
	[tilespmem:$0x420] =	vst v42;
	v5 =	vor.u32 v46, v10  }
0xcf: {  	v51 =	vld [tilespmem:$0x290];
	v50 =	vadd.s32 $0x4E20, v8;
	[tilespmem:$0x430] =	vst v7;
	v3 =	vadd.s32 v4, v3;
	v52 =	vperm.xlane v5, v0  }
0xd0: {  	v6 =	vadd.s32 v47, v41;
	v53 =	vadd.s32 v48, v44;
	[tilespmem:$0x480] =	vst v50;
	v3 =	vadd.s32 $0x4E20, v3  }
0xd1: {  	[tilespmem:$0x490] =	vst v3;
	v3 =	vadd.s32 $0x7530, v6;
	v5 =	vperm.xlane v5, v2;
	v54 =	vadd.s32 v1, v52  }
0xd2: {  	[tilespmem:$0x4A0] =	vst v3;
	v3 =	vadd.s32 $0x7530, v53  }
0xd3: {  	[tilespmem:$0x4B0] =	vst v3;
	v3 =	vadd.s32 $0x9C40, v49;
	v5 =	vadd.s32 v1, v5  }
0xd4: {  	[tilespmem:$0x4C0] =	vst v3;
	v3 =	vadd.s32 $0x9C40, v51  }
0xd5: {  	s10 =	simm.s32 $0xA500;
	[tilespmem:$0x4D0] =	vst v3  }
0xd6: {  	[tilespmem:s10], [sflag:$0x2] =	stream.indirect_vreg.gather [hbm4b:s2+s3], $0x80, v54, vm0, $0xb8;
	[tilespmem:$0x18500] =	vst v63  }
0xd7: {  	s15 =	simm.s32 $0xAD00  }
0xd8: {  	[tilespmem:s15], [sflag:$0x2] =	stream.indirect_vreg.gather [hbm4b:s2+s3], $0x80, v5, vm0, $0xb8;
	[tilespmem:$0x18500] =	vst v63  }
0xd9: {  	v3 =	vld [tilespmem:$0x410];
	_ =	sdelay $0x4  }
0xda: {  	v55 =	vshll.u32 v3, $0x1  }
0xdb: {  	v3 =	vand.u32 $0x7, v3;
	v4 =	vand.u32 $0xFFFFFFF0, v55  }
0xdc: {  	v3 =	vor.u32 v3, v4  }
0xdd: {  	v4 =	vperm.xlane v3, v0;
	_ =	sdelay $0x1  }
0xde: {  	v3 =	vperm.xlane v3, v2;
	v4 =	vadd.s32 v1, v4;
	_ =	sdelay $0x1  }
0xdf: {  	v3 =	vadd.s32 v1, v3;
	_ =	sdelay $0x1  }
0xe0: {  	s16 =	simm.s32 $0xB500  }
0xe1: {  	[tilespmem:s16], [sflag:$0x2] =	stream.indirect_vreg.gather [hbm4b:s2+s3], $0x80, v4, vm0, $0xb8;
	[tilespmem:$0x18500] =	vst v63  }
0xe2: {  	s17 =	simm.s32 $0xBD00  }
0xe3: {  	[tilespmem:s17], [sflag:$0x2] =	stream.indirect_vreg.gather [hbm4b:s2+s3], $0x80, v3, vm0, $0xb8;
	[tilespmem:$0x18500] =	vst v63  }
0xe4: {  	v3 =	vld [tilespmem:$0x420];
	_ =	sdelay $0x4  }
0xe5: {  	v56 =	vshll.u32 v3, $0x1  }
0xe6: {  	v3 =	vand.u32 $0x7, v3;
	v4 =	vand.u32 $0xFFFFFFF0, v56  }
0xe7: {  	v3 =	vor.u32 v3, v4  }
0xe8: {  	v4 =	vperm.xlane v3, v0;
	_ =	sdelay $0x1  }
0xe9: {  	v3 =	vperm.xlane v3, v2;
	v4 =	vadd.s32 v1, v4;
	_ =	sdelay $0x1  }
0xea: {  	v3 =	vadd.s32 v1, v3;
	_ =	sdelay $0x1  }
0xeb: {  	s11 =	simm.s32 $0xC500  }
0xec: {  	[tilespmem:s11], [sflag:$0x2] =	stream.indirect_vreg.gather [hbm4b:s2+s3], $0x80, v4, vm0, $0xb8;
	[tilespmem:$0x18500] =	vst v63  }
0xed: {  	s12 =	simm.s32 $0xCD00  }
0xee: {  	[tilespmem:s12], [sflag:$0x2] =	stream.indirect_vreg.gather [hbm4b:s2+s3], $0x80, v3, vm0, $0xb8;
	[tilespmem:$0x18500] =	vst v63  }
0xef: {  	v3 =	vld [tilespmem:$0x430];
	_ =	sdelay $0x4  }
0xf0: {  	v57 =	vshll.u32 v3, $0x1  }
0xf1: {  	v3 =	vand.u32 $0x7, v3;
	v4 =	vand.u32 $0xFFFFFFF0, v57  }
0xf2: {  	v3 =	vor.u32 v3, v4  }
0xf3: {  	v4 =	vperm.xlane v3, v0;
	_ =	sdelay $0x1  }
0xf4: {  	v3 =	vperm.xlane v3, v2;
	v4 =	vadd.s32 v1, v4;
	_ =	sdelay $0x1  }
0xf5: {  	v3 =	vadd.s32 v1, v3;
	_ =	sdelay $0x1  }
0xf6: {  	s13 =	simm.s32 $0xD500  }
0xf7: {  	[tilespmem:s13], [sflag:$0x2] =	stream.indirect_vreg.gather [hbm4b:s2+s3], $0x80, v4, vm0, $0xb8;
	[tilespmem:$0x18500] =	vst v63  }
0xf8: {  	s14 =	simm.s32 $0xDD00  }
0xf9: {  	[tilespmem:s14], [sflag:$0x2] =	stream.indirect_vreg.gather [hbm4b:s2+s3], $0x80, v3, vm0, $0xb8;
	[tilespmem:$0x18500] =	vst v63  }
0xfa: {  	v3 =	vld [tilespmem:$0x480];
	_ =	sdelay $0x4  }
0xfb: {  	v58 =	vshll.u32 v3, $0x1  }
0xfc: {  	v3 =	vand.u32 $0x7, v3;
	v4 =	vand.u32 $0xFFFFFFF0, v58  }
0xfd: {  	v3 =	vor.u32 v3, v4  }
0xfe: {  	v4 =	vperm.xlane v3, v0;
	_ =	sdelay $0x1  }
0xff: {  	v3 =	vperm.xlane v3, v2;
	v4 =	vadd.s32 v1, v4;
	_ =	sdelay $0x1  }
0x100: {  	v3 =	vadd.s32 v1, v3;
	_ =	sdelay $0x1  }
0x101: {  	s15 =	simm.s32 $0xE500  }
0x102: {  	[tilespmem:s15], [sflag:$0x2] =	stream.indirect_vreg.gather [hbm4b:s2+s3], $0x80, v4, vm0, $0xb8;
	[tilespmem:$0x18500] =	vst v63  }
0x103: {  	s16 =	simm.s32 $0xED00  }
0x104: {  	[tilespmem:s16], [sflag:$0x2] =	stream.indirect_vreg.gather [hbm4b:s2+s3], $0x80, v3, vm0, $0xb8;
	[tilespmem:$0x18500] =	vst v63  }
0x105: {  	v3 =	vld [tilespmem:$0x490];
	_ =	sdelay $0x4  }
0x106: {  	v59 =	vshll.u32 v3, $0x1  }
0x107: {  	v3 =	vand.u32 $0x7, v3;
	v4 =	vand.u32 $0xFFFFFFF0, v59  }
0x108: {  	v3 =	vor.u32 v3, v4  }
0x109: {  	v4 =	vperm.xlane v3, v0;
	_ =	sdelay $0x1  }
0x10a: {  	v3 =	vperm.xlane v3, v2;
	v4 =	vadd.s32 v1, v4;
	_ =	sdelay $0x1  }
0x10b: {  	v3 =	vadd.s32 v1, v3;
	_ =	sdelay $0x1  }
0x10c: {  	s17 =	simm.s32 $0xF500  }
0x10d: {  	[tilespmem:s17], [sflag:$0x2] =	stream.indirect_vreg.gather [hbm4b:s2+s3], $0x80, v4, vm0, $0xb8;
	[tilespmem:$0x18500] =	vst v63  }
0x10e: {  	_ = 	snop  }
0x10f: {  	[tilespmem:s18], [sflag:$0x2] =	stream.indirect_vreg.gather [hbm4b:s2+s3], $0x80, v3, vm0, $0xb8;
	[tilespmem:$0x18500] =	vst v63  }
0x110: {  	v3 =	vld [tilespmem:$0x4A0];
	_ =	sdelay $0x4  }
0x111: {  	v60 =	vshll.u32 v3, $0x1  }
0x112: {  	v3 =	vand.u32 $0x7, v3;
	v4 =	vand.u32 $0xFFFFFFF0, v60  }
0x113: {  	v3 =	vor.u32 v3, v4  }
0x114: {  	v4 =	vperm.xlane v3, v0;
	_ =	sdelay $0x1  }
0x115: {  	v3 =	vperm.xlane v3, v2;
	v4 =	vadd.s32 v1, v4;
	_ =	sdelay $0x1  }
0x116: {  	v3 =	vadd.s32 v1, v3;
	_ =	sdelay $0x2  }
0x117: {  	[tilespmem:s19], [sflag:$0x2] =	stream.indirect_vreg.gather [hbm4b:s2+s3], $0x80, v4, vm0, $0xb8;
	[tilespmem:$0x18500] =	vst v63  }
0x118: {  	_ = 	snop  }
0x119: {  	[tilespmem:s20], [sflag:$0x2] =	stream.indirect_vreg.gather [hbm4b:s2+s3], $0x80, v3, vm0, $0xb8;
	[tilespmem:$0x18500] =	vst v63  }
0x11a: {  	v3 =	vld [tilespmem:$0x4B0];
	_ =	sdelay $0x4  }
0x11b: {  	v61 =	vshll.u32 v3, $0x1  }
0x11c: {  	v3 =	vand.u32 $0x7, v3;
	v4 =	vand.u32 $0xFFFFFFF0, v61  }
0x11d: {  	v3 =	vor.u32 v3, v4  }
0x11e: {  	v4 =	vperm.xlane v3, v0;
	_ =	sdelay $0x1  }
0x11f: {  	v3 =	vperm.xlane v3, v2;
	v4 =	vadd.s32 v1, v4;
	_ =	sdelay $0x1  }
0x120: {  	v3 =	vadd.s32 v1, v3;
	_ =	sdelay $0x2  }
0x121: {  	[tilespmem:s21], [sflag:$0x2] =	stream.indirect_vreg.gather [hbm4b:s2+s3], $0x80, v4, vm0, $0xb8;
	[tilespmem:$0x18500] =	vst v63  }
0x122: {  	_ = 	snop  }
0x123: {  	[tilespmem:s22], [sflag:$0x2] =	stream.indirect_vreg.gather [hbm4b:s2+s3], $0x80, v3, vm0, $0xb8;
	[tilespmem:$0x18500] =	vst v63  }
0x124: {  	v3 =	vld [tilespmem:$0x4C0];
	_ =	sdelay $0x4  }
0x125: {  	v62 =	vshll.u32 v3, $0x1  }
0x126: {  	v3 =	vand.u32 $0x7, v3;
	v4 =	vand.u32 $0xFFFFFFF0, v62  }
0x127: {  	v3 =	vor.u32 v3, v4  }
0x128: {  	v4 =	vperm.xlane v3, v0;
	_ =	sdelay $0x1  }
0x129: {  	v3 =	vperm.xlane v3, v2;
	v4 =	vadd.s32 v1, v4;
	_ =	sdelay $0x1  }
0x12a: {  	v3 =	vadd.s32 v1, v3;
	_ =	sdelay $0x2  }
0x12b: {  	[tilespmem:s23], [sflag:$0x2] =	stream.indirect_vreg.gather [hbm4b:s2+s3], $0x80, v4, vm0, $0xb8;
	[tilespmem:$0x18500] =	vst v63  }
0x12c: {  	_ = 	snop  }
0x12d: {  	[tilespmem:s24], [sflag:$0x2] =	stream.indirect_vreg.gather [hbm4b:s2+s3], $0x80, v3, vm0, $0xb8;
	[tilespmem:$0x18500] =	vst v63  }
0x12e: {  	v3 =	vld [tilespmem:$0x4D0];
	_ =	sdelay $0x4  }
0x12f: {  	v63 =	vshll.u32 v3, $0x1  }
0x130: {  	v3 =	vand.u32 $0x7, v3;
	v4 =	vand.u32 $0xFFFFFFF0, v63  }
0x131: {  	v3 =	vor.u32 v3, v4  }
0x132: {  	v4 =	vperm.xlane v3, v0;
	_ =	sdelay $0x1  }
0x133: {  	v3 =	vperm.xlane v3, v2;
	v4 =	vadd.s32 v1, v4;
	_ =	sdelay $0x1  }
0x134: {  	v3 =	vadd.s32 v1, v3;
	_ =	sdelay $0x2  }
0x135: {  	[tilespmem:s25], [sflag:$0x2] =	stream.indirect_vreg.gather [hbm4b:s2+s3], $0x80, v4, vm0, $0xb8;
	[tilespmem:$0x18500] =	vst v63  }
0x136: {  	_ = 	snop  }
0x137: {  	[tilespmem:s26], [sflag:$0x2] =	stream.indirect_vreg.gather [hbm4b:s2+s3], $0x80, v3, vm0, $0xb8;
	[tilespmem:$0x18500] =	vst v63  }
.LBB2_7:
0x138: {  	p1 =	seq.s32 s1, $0x0  }
0x139: {  	s10 =	simm.s32 @!p1 $0x3  }
0x13a: {  	_ =	swait.ge @!p1 [sflag:s10], $0x2000  }
0x13b: {  	[sflag:s10] =	ssyncset.done @!p1 $0x0  }
0x13c: {  	s11 =	simm.s32 $0x0;
	[sflag:s10] =	ssyncadd.s32 @!p1 $0xFFFFE000;
	s10 =	simm.s32 $0x0  }
.LBB2_8:
0x13d: {  	s12 =	sand.u32 $0x1800, s10;
	s13 =	sand.u32 $0x300, s11  }
0x13e: {  	s12 =	sor.u32 s13, s12  }
0x13f: {  	v3 =	vld [tilespmem:s12+$0x500]  }
0x140: {  	v4 =	vld [tilespmem:s12+$0x2500]  }
0x141: {  	v5 =	vld [tilespmem:s12+$0x4500]  }
0x142: {  	v6 =	vld [tilespmem:s12+$0x6500]  }
0x143: {  	v7 =	vld [tilespmem:s12+$0x8500]  }
0x144: {  	v8 =	vld [tilespmem:s12+$0x510]  }
0x145: {  	v9 =	vld [tilespmem:s12+$0x2510]  }
0x146: {  	v10 =	vld [tilespmem:s12+$0x4510]  }
0x147: {  	v11 =	vld [tilespmem:s12+$0x6510]  }
0x148: {  	v12 =	vld [tilespmem:s12+$0x8510]  }
0x149: {  	v13 =	vld [tilespmem:s12+$0x520]  }
0x14a: {  	v14 =	vld [tilespmem:s12+$0x2520]  }
0x14b: {  	v15 =	vld [tilespmem:s12+$0x4520]  }
0x14c: {  	v16 =	vld [tilespmem:s12+$0x6520]  }
0x14d: {  	v17 =	vld [tilespmem:s12+$0x8520]  }
0x14e: {  	v18 =	vld [tilespmem:s12+$0x530]  }
0x14f: {  	v19 =	vld [tilespmem:s12+$0x2530]  }
0x150: {  	v20 =	vld [tilespmem:s12+$0x4530]  }
0x151: {  	v21 =	vld [tilespmem:s12+$0x6530]  }
0x152: {  	v22 =	vld [tilespmem:s12+$0x8530]  }
0x153: {  	v23 =	vld [tilespmem:s12+$0x540]  }
0x154: {  	v24 =	vld [tilespmem:s12+$0x2540]  }
0x155: {  	v25 =	vld [tilespmem:s12+$0x4540]  }
0x156: {  	v26 =	vld [tilespmem:s12+$0x6540]  }
0x157: {  	v27 =	vld [tilespmem:s12+$0x8540]  }
0x158: {  	v28 =	vld [tilespmem:s12+$0x550]  }
0x159: {  	v29 =	vld [tilespmem:s12+$0x2550]  }
0x15a: {  	v30 =	vld [tilespmem:s12+$0x4550]  }
0x15b: {  	v31 =	vld [tilespmem:s12+$0x6550]  }
0x15c: {  	v32 =	vld [tilespmem:s12+$0x8550]  }
0x15d: {  	v33 =	vld [tilespmem:s12+$0x560]  }
0x15e: {  	v34 =	vld [tilespmem:s12+$0x2560]  }
0x15f: {  	v35 =	vld [tilespmem:s12+$0x4560]  }
0x160: {  	v36 =	vld [tilespmem:s12+$0x6560]  }
0x161: {  	v37 =	vld [tilespmem:s12+$0x8560]  }
0x162: {  	v38 =	vld [tilespmem:s12+$0x570]  }
0x163: {  	v39 =	vld [tilespmem:s12+$0x2570]  }
0x164: {  	v40 =	vld [tilespmem:s12+$0x4570]  }
0x165: {  	v41 =	vld [tilespmem:s12+$0x6570]  }
0x166: {  	v42 =	vld [tilespmem:s12+$0x8570]  }
0x167: {  	v43 =	vld [tilespmem:s12+$0x900]  }
0x168: {  	v44 =	vld [tilespmem:s12+$0x2900]  }
0x169: {  	v45 =	vld [tilespmem:s12+$0x4900]  }
0x16a: {  	v46 =	vld [tilespmem:s12+$0x6900]  }
0x16b: {  	v47 =	vld [tilespmem:s12+$0x8900]  }
0x16c: {  	v48 =	vld [tilespmem:s12+$0x910]  }
0x16d: {  	v49 =	vld [tilespmem:s12+$0x2910]  }
0x16e: {  	v50 =	vld [tilespmem:s12+$0x4910]  }
0x16f: {  	v51 =	vld [tilespmem:s12+$0x6910]  }
0x170: {  	v52 =	vld [tilespmem:s12+$0x8910]  }
0x171: {  	v53 =	vld [tilespmem:s12+$0x920]  }
0x172: {  	v60 =	vld [tilespmem:s12+$0x2930]  }
0x173: {  	v61 =	vld [tilespmem:s12+$0x4930];
	v3 =	vadd.f32 v4, v3;
	v62 =	vadd.f32 v6, v5  }
0x174: {  	v5 =	vld [tilespmem:s12+$0x2920];
	v63 =	vadd.f32 v9, v8;
	v54 =	vadd.f32 v11, v10  }
0x175: {  	v9 =	vld [tilespmem:s12+$0x4920];
	v56 =	vadd.f32 v14, v13;
	v57 =	vadd.f32 v16, v15  }
0x176: {  	v10 =	vld [tilespmem:s12+$0x6920];
	v58 =	vadd.f32 v19, v18;
	v59 =	vadd.f32 v21, v20  }
0x177: {  	v6 =	vld [tilespmem:s12+$0x8920];
	v24 =	vadd.f32 v24, v23;
	v26 =	vadd.f32 v26, v25  }
0x178: {  	v13 =	vld [tilespmem:s12+$0x930];
	v29 =	vadd.f32 v29, v28;
	v30 =	vadd.f32 v31, v30  }
0x179: {  	v21 =	vld [tilespmem:s12+$0x940];
	v33 =	vadd.f32 v34, v33;
	v34 =	vadd.f32 v36, v35  }
0x17a: {  	v19 =	vld [tilespmem:s12+$0x4940];
	v35 =	vadd.f32 v39, v38;
	v36 =	vadd.f32 v41, v40  }
0x17b: {  	v23 =	vld [tilespmem:s12+$0x6940];
	v44 =	vadd.f32 v44, v43;
	v45 =	vadd.f32 v46, v45  }
0x17c: {  	v38 =	vld [tilespmem:s12+$0x950];
	v48 =	vadd.f32 v49, v48;
	v49 =	vadd.f32 v51, v50  }
0x17d: {  	v39 =	vld [tilespmem:s12+$0x2950];
	v3 =	vadd.f32 v62, v3;
	v55 =	vadd.f32 v54, v63  }
0x17e: {  	v41 =	vld [tilespmem:s12+$0x4950];
	v8 =	vadd.f32 v57, v56;
	v62 =	vadd.f32 v59, v58  }
0x17f: {  	v46 =	vld [tilespmem:s12+$0x6950];
	v14 =	vadd.f32 v26, v24;
	v31 =	vadd.f32 v30, v29  }
0x180: {  	v50 =	vld [tilespmem:s12+$0x960];
	v20 =	vadd.f32 v34, v33;
	v40 =	vadd.f32 v36, v35  }
0x181: {  	v51 =	vld [tilespmem:s12+$0x2960];
	v25 =	vadd.f32 v45, v44;
	v54 =	vadd.f32 v49, v48  }
0x182: {  	v63 =	vld [tilespmem:s12+$0x6930];
	v3 =	vadd.f32 v3, v7;
	v4 =	vadd.f32 v55, v12  }
0x183: {  	v57 =	vld [tilespmem:s12+$0x6960];
	v8 =	vadd.f32 v8, v17;
	v11 =	vadd.f32 v62, v22  }
0x184: {  	v59 =	vld [tilespmem:s12+$0x970];
	v14 =	vadd.f32 v14, v27;
	v15 =	vadd.f32 v31, v32  }
0x185: {  	v17 =	vld [tilespmem:s12+$0x2940];
	v20 =	vadd.f32 v20, v37;
	v22 =	vadd.f32 v40, v42  }
0x186: {  	v55 =	vld [tilespmem:s12+$0x4960];
	v56 =	vadd.f32 v10, v9;
	v58 =	vadd.f32 v60, v13;
	[tilespmem:s12+$0x14500] =	vst v3  }
0x187: {  	v62 =	vld [tilespmem:s12+$0x2970];
	v60 =	vadd.f32 v25, v47;
	v23 =	vadd.f32 v23, v19;
	[tilespmem:s12+$0x14510] =	vst v4  }
0x188: {  	v31 =	vld [tilespmem:s12+$0x8950];
	v27 =	vadd.f32 v39, v38;
	v28 =	vadd.f32 v46, v41;
	[tilespmem:s12+$0x14520] =	vst v8  }
0x189: {  	v25 =	vld [tilespmem:s12+$0x6970];
	v36 =	vadd.f32 v51, v50;
	v3 =	vadd.f32 v5, v53;
	[tilespmem:s12+$0x14530] =	vst v11  }
0x18a: {  	[tilespmem:s12+$0x14540] =	vst v14;
	v7 =	vadd.f32 v63, v61;
	v61 =	vadd.f32 v54, v52;
	v63 =	vld [tilespmem:s12+$0x4970]  }
0x18b: {  	v29 =	vld [tilespmem:s12+$0x8940];
	[tilespmem:s12+$0x14550] =	vst v15;
	v34 =	vadd.f32 v28, v27;
	v3 =	vadd.f32 v56, v3  }
0x18c: {  	v18 =	vld [tilespmem:s12+$0x8930];
	[tilespmem:s12+$0x14560] =	vst v20;
	v4 =	vadd.f32 v7, v58;
	v21 =	vadd.f32 v17, v21  }
0x18d: {  	v35 =	vld [tilespmem:s12+$0x8960];
	[tilespmem:s12+$0x14570] =	vst v22;
	v9 =	vadd.f32 v57, v55;
	v10 =	vadd.f32 v62, v59  }
0x18e: {  	v37 =	vld [tilespmem:s12+$0x8970];
	[tilespmem:s12+$0x14900] =	vst v60;
	v3 =	vadd.f32 v3, v6;
	v7 =	vadd.f32 v23, v21  }
0x18f: {  	[tilespmem:s12+$0x14910] =	vst v61;
	v39 =	vadd.f32 v34, v31;
	v5 =	vadd.f32 v25, v63  }
0x190: {  	v38 =	vadd.f32 v9, v36;
	[tilespmem:s12+$0x14920] =	vst v3;
	v3 =	vadd.f32 v7, v29  }
0x191: {  	v4 =	vadd.f32 v4, v18;
	[tilespmem:s12+$0x14950] =	vst v39;
	v5 =	vadd.f32 v5, v10  }
0x192: {  	s16 =	sadd.s32 $0x2100, s10;
	s14 =	sadd.s32 $0x1080, s11;
	[tilespmem:s12+$0x14940] =	vst v3;
	v3 =	vadd.f32 v38, v35  }
0x193: {  	s15 =	sadd.s32 $0x4100, s10;
	s13 =	sand.u32 $0x3800, s16;
	s14 =	sand.u32 $0x380, s14;
	[tilespmem:s12+$0x14930] =	vst v4;
	v40 =	vadd.f32 v5, v37  }
0x194: {  	s17 =	sadd.s32 $0x2080, s11;
	s16 =	sadd.s32 $0x6100, s10;
	s13 =	sor.u32 s14, s13;
	[tilespmem:s12+$0x14960] =	vst v3  }
0x195: {  	s14 =	sand.u32 $0x5800, s15;
	s15 =	sand.u32 $0x380, s17;
	s17 =	sadd.s32 $0x3080, s11;
	v3 =	vld [tilespmem:s12+$0x580];
	[tilespmem:s12+$0x14970] =	vst v40  }
0x196: {  	s16 =	sand.u32 $0x7800, s16;
	s14 =	sor.u32 s15, s14;
	s17 =	sand.u32 $0x380, s17;
	v4 =	vld [tilespmem:s13+$0x500]  }
0x197: {  	s15 =	sor.u32 s17, s16;
	v41 =	vld [tilespmem:s14+$0x500]  }
0x198: {  	v42 =	vld [tilespmem:s15+$0x500]  }
0x199: {  	s16 =	sadd.s32 $0x8100, s10;
	s17 =	sadd.s32 $0x4080, s11  }
0x19a: {  	s16 =	sand.u32 $0x9800, s16;
	s17 =	sand.u32 $0x380, s17  }
0x19b: {  	s16 =	sor.u32 s17, s16  }
0x19c: {  	v43 =	vld [tilespmem:s16+$0x500]  }
0x19d: {  	v3 =	vadd.f32 v4, v3;
	v44 =	vadd.f32 v42, v41;
	_ =	sdelay $0x1  }
0x19e: {  	v3 =	vadd.f32 v44, v3;
	_ =	sdelay $0x1  }
0x19f: {  	v3 =	vadd.f32 v3, v43;
	_ =	sdelay $0x1  }
0x1a0: {  	[tilespmem:s12+$0x14580] =	vst v3;
	v3 =	vld [tilespmem:s12+$0x590]  }
0x1a1: {  	v45 =	vld [tilespmem:s13+$0x510]  }
0x1a2: {  	v46 =	vld [tilespmem:s14+$0x510]  }
0x1a3: {  	v47 =	vld [tilespmem:s15+$0x510];
	_ =	sdelay $0x3  }
0x1a4: {  	v48 =	vld [tilespmem:s16+$0x510]  }
0x1a5: {  	v3 =	vadd.f32 v45, v3;
	v49 =	vadd.f32 v47, v46;
	_ =	sdelay $0x1  }
0x1a6: {  	v3 =	vadd.f32 v49, v3;
	_ =	sdelay $0x1  }
0x1a7: {  	v3 =	vadd.f32 v3, v48;
	_ =	sdelay $0x1  }
0x1a8: {  	[tilespmem:s12+$0x14590] =	vst v3;
	v3 =	vld [tilespmem:s12+$0x5A0]  }
0x1a9: {  	v50 =	vld [tilespmem:s13+$0x520]  }
0x1aa: {  	v51 =	vld [tilespmem:s14+$0x520]  }
0x1ab: {  	v52 =	vld [tilespmem:s15+$0x520];
	_ =	sdelay $0x3  }
0x1ac: {  	v53 =	vld [tilespmem:s16+$0x520]  }
0x1ad: {  	v3 =	vadd.f32 v50, v3;
	v54 =	vadd.f32 v52, v51;
	_ =	sdelay $0x1  }
0x1ae: {  	v3 =	vadd.f32 v54, v3;
	_ =	sdelay $0x1  }
0x1af: {  	v3 =	vadd.f32 v3, v53;
	_ =	sdelay $0x1  }
0x1b0: {  	[tilespmem:s12+$0x145A0] =	vst v3;
	v3 =	vld [tilespmem:s12+$0x5B0]  }
0x1b1: {  	v55 =	vld [tilespmem:s13+$0x530]  }
0x1b2: {  	v56 =	vld [tilespmem:s14+$0x530]  }
0x1b3: {  	v57 =	vld [tilespmem:s15+$0x530];
	_ =	sdelay $0x3  }
0x1b4: {  	v58 =	vld [tilespmem:s16+$0x530]  }
0x1b5: {  	v3 =	vadd.f32 v55, v3;
	v59 =	vadd.f32 v57, v56;
	_ =	sdelay $0x1  }
0x1b6: {  	v3 =	vadd.f32 v59, v3;
	_ =	sdelay $0x1  }
0x1b7: {  	v3 =	vadd.f32 v3, v58;
	_ =	sdelay $0x1  }
0x1b8: {  	[tilespmem:s12+$0x145B0] =	vst v3;
	v3 =	vld [tilespmem:s12+$0x5C0]  }
0x1b9: {  	v60 =	vld [tilespmem:s13+$0x540]  }
0x1ba: {  	v61 =	vld [tilespmem:s14+$0x540]  }
0x1bb: {  	v62 =	vld [tilespmem:s15+$0x540];
	_ =	sdelay $0x3  }
0x1bc: {  	v63 =	vld [tilespmem:s16+$0x540]  }
0x1bd: {  	v3 =	vadd.f32 v60, v3;
	v8 =	vadd.f32 v62, v61;
	_ =	sdelay $0x1  }
0x1be: {  	v3 =	vadd.f32 v8, v3;
	_ =	sdelay $0x1  }
0x1bf: {  	v3 =	vadd.f32 v3, v63;
	_ =	sdelay $0x1  }
0x1c0: {  	[tilespmem:s12+$0x145C0] =	vst v3;
	v3 =	vld [tilespmem:s12+$0x5D0]  }
0x1c1: {  	v9 =	vld [tilespmem:s13+$0x550]  }
0x1c2: {  	v10 =	vld [tilespmem:s14+$0x550]  }
0x1c3: {  	v11 =	vld [tilespmem:s15+$0x550];
	_ =	sdelay $0x3  }
0x1c4: {  	v12 =	vld [tilespmem:s16+$0x550]  }
0x1c5: {  	v3 =	vadd.f32 v9, v3;
	v13 =	vadd.f32 v11, v10;
	_ =	sdelay $0x1  }
0x1c6: {  	v3 =	vadd.f32 v13, v3;
	_ =	sdelay $0x1  }
0x1c7: {  	v3 =	vadd.f32 v3, v12;
	_ =	sdelay $0x1  }
0x1c8: {  	[tilespmem:s12+$0x145D0] =	vst v3;
	v3 =	vld [tilespmem:s12+$0x5E0]  }
0x1c9: {  	v14 =	vld [tilespmem:s13+$0x560]  }
0x1ca: {  	v15 =	vld [tilespmem:s14+$0x560]  }
0x1cb: {  	v16 =	vld [tilespmem:s15+$0x560];
	_ =	sdelay $0x3  }
0x1cc: {  	v17 =	vld [tilespmem:s16+$0x560]  }
0x1cd: {  	v3 =	vadd.f32 v14, v3;
	v18 =	vadd.f32 v16, v15;
	_ =	sdelay $0x1  }
0x1ce: {  	v3 =	vadd.f32 v18, v3;
	_ =	sdelay $0x1  }
0x1cf: {  	v3 =	vadd.f32 v3, v17;
	_ =	sdelay $0x1  }
0x1d0: {  	[tilespmem:s12+$0x145E0] =	vst v3;
	v3 =	vld [tilespmem:s12+$0x5F0]  }
0x1d1: {  	v19 =	vld [tilespmem:s13+$0x570]  }
0x1d2: {  	v20 =	vld [tilespmem:s14+$0x570]  }
0x1d3: {  	v21 =	vld [tilespmem:s15+$0x570];
	_ =	sdelay $0x3  }
0x1d4: {  	v22 =	vld [tilespmem:s16+$0x570]  }
0x1d5: {  	v3 =	vadd.f32 v19, v3;
	v23 =	vadd.f32 v21, v20;
	_ =	sdelay $0x1  }
0x1d6: {  	v3 =	vadd.f32 v23, v3;
	_ =	sdelay $0x1  }
0x1d7: {  	v3 =	vadd.f32 v3, v22;
	_ =	sdelay $0x1  }
0x1d8: {  	[tilespmem:s12+$0x145F0] =	vst v3;
	v3 =	vld [tilespmem:s12+$0x980]  }
0x1d9: {  	v24 =	vld [tilespmem:s13+$0x900]  }
0x1da: {  	v25 =	vld [tilespmem:s14+$0x900]  }
0x1db: {  	v26 =	vld [tilespmem:s15+$0x900];
	_ =	sdelay $0x3  }
0x1dc: {  	v27 =	vld [tilespmem:s16+$0x900]  }
0x1dd: {  	v3 =	vadd.f32 v24, v3;
	v28 =	vadd.f32 v26, v25;
	_ =	sdelay $0x1  }
0x1de: {  	v3 =	vadd.f32 v28, v3;
	_ =	sdelay $0x1  }
0x1df: {  	v3 =	vadd.f32 v3, v27;
	_ =	sdelay $0x1  }
0x1e0: {  	[tilespmem:s12+$0x14980] =	vst v3;
	v3 =	vld [tilespmem:s12+$0x990]  }
0x1e1: {  	v29 =	vld [tilespmem:s13+$0x910]  }
0x1e2: {  	v30 =	vld [tilespmem:s14+$0x910]  }
0x1e3: {  	v31 =	vld [tilespmem:s15+$0x910];
	_ =	sdelay $0x3  }
0x1e4: {  	v32 =	vld [tilespmem:s16+$0x910]  }
0x1e5: {  	v3 =	vadd.f32 v29, v3;
	v33 =	vadd.f32 v31, v30;
	_ =	sdelay $0x1  }
0x1e6: {  	v3 =	vadd.f32 v33, v3;
	_ =	sdelay $0x1  }
0x1e7: {  	v3 =	vadd.f32 v3, v32;
	_ =	sdelay $0x1  }
0x1e8: {  	[tilespmem:s12+$0x14990] =	vst v3;
	v3 =	vld [tilespmem:s12+$0x9A0]  }
0x1e9: {  	v34 =	vld [tilespmem:s13+$0x920]  }
0x1ea: {  	v35 =	vld [tilespmem:s14+$0x920]  }
0x1eb: {  	v36 =	vld [tilespmem:s15+$0x920];
	_ =	sdelay $0x3  }
0x1ec: {  	v37 =	vld [tilespmem:s16+$0x920]  }
0x1ed: {  	v3 =	vadd.f32 v34, v3;
	v38 =	vadd.f32 v36, v35;
	_ =	sdelay $0x1  }
0x1ee: {  	v3 =	vadd.f32 v38, v3;
	_ =	sdelay $0x1  }
0x1ef: {  	v3 =	vadd.f32 v3, v37;
	_ =	sdelay $0x1  }
0x1f0: {  	[tilespmem:s12+$0x149A0] =	vst v3;
	v3 =	vld [tilespmem:s12+$0x9B0]  }
0x1f1: {  	v39 =	vld [tilespmem:s13+$0x930]  }
0x1f2: {  	v40 =	vld [tilespmem:s14+$0x930]  }
0x1f3: {  	v41 =	vld [tilespmem:s15+$0x930];
	_ =	sdelay $0x3  }
0x1f4: {  	v42 =	vld [tilespmem:s16+$0x930]  }
0x1f5: {  	v3 =	vadd.f32 v39, v3;
	v43 =	vadd.f32 v41, v40;
	_ =	sdelay $0x1  }
0x1f6: {  	v3 =	vadd.f32 v43, v3;
	_ =	sdelay $0x1  }
0x1f7: {  	v3 =	vadd.f32 v3, v42;
	_ =	sdelay $0x1  }
0x1f8: {  	[tilespmem:s12+$0x149B0] =	vst v3;
	v3 =	vld [tilespmem:s12+$0x9C0]  }
0x1f9: {  	v44 =	vld [tilespmem:s13+$0x940]  }
0x1fa: {  	v45 =	vld [tilespmem:s14+$0x940]  }
0x1fb: {  	v46 =	vld [tilespmem:s15+$0x940];
	_ =	sdelay $0x3  }
0x1fc: {  	v47 =	vld [tilespmem:s16+$0x940]  }
0x1fd: {  	v3 =	vadd.f32 v44, v3;
	v48 =	vadd.f32 v46, v45;
	_ =	sdelay $0x1  }
0x1fe: {  	v3 =	vadd.f32 v48, v3;
	_ =	sdelay $0x1  }
0x1ff: {  	v3 =	vadd.f32 v3, v47;
	_ =	sdelay $0x1  }
0x200: {  	[tilespmem:s12+$0x149C0] =	vst v3;
	v3 =	vld [tilespmem:s12+$0x9D0]  }
0x201: {  	v49 =	vld [tilespmem:s13+$0x950]  }
0x202: {  	v50 =	vld [tilespmem:s14+$0x950]  }
0x203: {  	v51 =	vld [tilespmem:s15+$0x950];
	_ =	sdelay $0x3  }
0x204: {  	v52 =	vld [tilespmem:s16+$0x950]  }
0x205: {  	v3 =	vadd.f32 v49, v3;
	v53 =	vadd.f32 v51, v50;
	_ =	sdelay $0x1  }
0x206: {  	v3 =	vadd.f32 v53, v3;
	_ =	sdelay $0x1  }
0x207: {  	v3 =	vadd.f32 v3, v52;
	_ =	sdelay $0x1  }
0x208: {  	[tilespmem:s12+$0x149D0] =	vst v3;
	v3 =	vld [tilespmem:s12+$0x9E0]  }
0x209: {  	v54 =	vld [tilespmem:s13+$0x960]  }
0x20a: {  	v55 =	vld [tilespmem:s14+$0x960]  }
0x20b: {  	v56 =	vld [tilespmem:s15+$0x960];
	_ =	sdelay $0x3  }
0x20c: {  	v57 =	vld [tilespmem:s16+$0x960]  }
0x20d: {  	v3 =	vadd.f32 v54, v3;
	v58 =	vadd.f32 v56, v55;
	_ =	sdelay $0x1  }
0x20e: {  	v3 =	vadd.f32 v58, v3;
	_ =	sdelay $0x1  }
0x20f: {  	v3 =	vadd.f32 v3, v57;
	_ =	sdelay $0x1  }
0x210: {  	[tilespmem:s12+$0x149E0] =	vst v3;
	v3 =	vld [tilespmem:s12+$0x9F0]  }
0x211: {  	v59 =	vld [tilespmem:s13+$0x970]  }
0x212: {  	v60 =	vld [tilespmem:s14+$0x970]  }
0x213: {  	v61 =	vld [tilespmem:s15+$0x970];
	_ =	sdelay $0x3  }
0x214: {  	v62 =	vld [tilespmem:s16+$0x970]  }
0x215: {  	v3 =	vadd.f32 v59, v3;
	v63 =	vadd.f32 v61, v60  }
0x216: {  	p2 =	sne.s32 s11, $0xF00  }
.Ltmp8:
0x217: {  	v3 =	vadd.f32 v63, v3;
	(pc) =	sbr.rel @p2 .LBB2_8-.Ltmp8, $3  }
0x218: {  	_ = 	snop  }
0x219: {  	v3 =	vadd.f32 v3, v62;
	_ =	sdelay $0x1  }
0x21a: {  	s10 =	sadd.s32 $0x200, s10;
	s11 =	sadd.s32 $0x100, s11;
	[tilespmem:s12+$0x149F0] =	vst v3  }
0x21b: {  	p2 =	sgt.u32 s8, $0x88A  }
.Ltmp9:
0x21c: {  	_ = 	snop;
	(pc) =	sbr.rel @p2 .LBB2_11-.Ltmp9, $4  }
0x21d: {  	_ = 	snop  }
0x21e: {  	s10 =	sshll.u32 s8, $0xA  }
0x21f: {  	s10 =	sadd.s32 s5, s10  }
0x220: {  	[hbm4b:s10+s3] =	stream.linear.scatter [tilespmem:s28], [sflag:$0x3], $0x2000, $0x38;
	[tilespmem:$0x18500] =	vst v63  }
0x221: {  	s8 =	smul.u32 $0x120, s8  }
.Ltmp10:
0x222: {  	_ = 	snop;
	(pc) =	sbr.rel .LBB2_12-.Ltmp10, $4  }
0x223: {  	s8 =	sshrl.u32 s8, $0x3  }
0x224: {  	s8 =	sadd.s32 s4, s8  }
0x225: {  	s8 =	sadd.s32 $0x48, s8  }
0x226: {  	[tilespmem:s3], [sflag:$0x1] =	stream.linear.gather [hbm4b:s8+s3], $0x120, $0x38;
	[tilespmem:$0x18500] =	vst v63  }
.LBB2_11:
.Ltmp11:
0x227: {  	(pc) =	sbr.rel @p0 .LBB2_17-.Ltmp11, $1  }
0x228: {  	_ =	sdelay $0x3  }
.LBB2_12:
0x229: {  	_ =	swait.ge [sflag:s0], $0x4000  }
.Ltmp12:
0x22a: {  	[sflag:s0] =	ssyncset.done $0x0;
	(pc) =	sbr.rel @p2 .LBB2_14-.Ltmp12, $4  }
0x22b: {  	[sflag:s0] =	ssyncadd.s32 $0xFFFFC000  }
0x22c: {  	_ =	swait.ge [sflag:s0], $0x6000  }
0x22d: {  	[sflag:s0] =	ssyncset.done $0x0  }
0x22e: {  	[sflag:s0] =	ssyncadd.s32 $0xFFFFA000  }
0x22f: {  	_ =	swait.ge [sflag:s9], $0x120  }
0x230: {  	[sflag:s9] =	ssyncset.done $0x0  }
0x231: {  	[sflag:s9] =	ssyncadd.s32 $0xFFFFFEE0  }
0x232: {  	v3 =	vld [tilespmem:$0x0]  }
0x233: {  	v4 =	vld [tilespmem:$0x20]  }
0x234: {  	v5 =	vld [tilespmem:$0x10]  }
0x235: {  	v6 =	vld [tilespmem:$0x30]  }
0x236: {  	v7 =	vld [tilespmem:$0x40]  }
0x237: {  	v8 =	vld [tilespmem:$0x60]  }
0x238: {  	v9 =	vld [tilespmem:$0x50]  }
0x239: {  	v10 =	vld [tilespmem:$0x70]  }
0x23a: {  	v11 =	vld [tilespmem:$0x80];
	v3 =	vmul.u32 $0x64, v3  }
0x23b: {  	v39 =	vld [tilespmem:$0x90]  }
0x23c: {  	v14 =	vld [tilespmem:$0xC0];
	v3 =	vadd.s32 v4, v3  }
0x23d: {  	v15 =	vld [tilespmem:$0xD0];
	[tilespmem:$0x300] =	vst v3  }
0x23e: {  	v13 =	vld [tilespmem:$0x300]  }
0x23f: {  	v12 =	vld [tilespmem:$0xA0]  }
0x240: {  	v41 =	vld [tilespmem:$0xE0];
	v7 =	vmul.u32 $0x64, v7;
	v5 =	vmul.u32 $0x64, v5  }
0x241: {  	v9 =	vmul.u32 $0x64, v9;
	v40 =	vmul.u32 $0x64, v11;
	v47 =	vmul.u32 $0x64, v14;
	v3 =	vld [tilespmem:$0xB0]  }
0x242: {  	v44 =	vld [tilespmem:$0xF0];
	v48 =	vmul.u32 $0x64, v15;
	v7 =	vadd.s32 v7, v8;
	v5 =	vadd.s32 v6, v5  }
0x243: {  	v43 =	vadd.s32 v9, v10;
	v4 =	vmul.u32 $0x64, v39;
	v45 =	vshll.u32 v13, $0x1  }
0x244: {  	v42 =	vadd.s32 $0x2710, v7;
	[tilespmem:$0x310] =	vst v5;
	v46 =	vand.u32 $0x7, v13;
	v10 =	vand.u32 $0xFFFFFFF0, v45  }
0x245: {  	v49 =	vld [tilespmem:$0x100];
	v8 =	vadd.s32 v40, v12;
	v7 =	vadd.s32 $0x2710, v43;
	[tilespmem:$0x320] =	vst v42;
	v5 =	vor.u32 v46, v10  }
0x246: {  	v51 =	vld [tilespmem:$0x110];
	v50 =	vadd.s32 $0x4E20, v8;
	[tilespmem:$0x330] =	vst v7;
	v3 =	vadd.s32 v4, v3;
	v52 =	vperm.xlane v5, v0  }
0x247: {  	v6 =	vadd.s32 v47, v41;
	v53 =	vadd.s32 v48, v44;
	[tilespmem:$0x380] =	vst v50;
	v3 =	vadd.s32 $0x4E20, v3  }
0x248: {  	[tilespmem:$0x390] =	vst v3;
	v3 =	vadd.s32 $0x7530, v6;
	v5 =	vperm.xlane v5, v2;
	v54 =	vadd.s32 v1, v52  }
0x249: {  	[tilespmem:$0x3A0] =	vst v3;
	v3 =	vadd.s32 $0x7530, v53  }
0x24a: {  	[tilespmem:$0x3B0] =	vst v3;
	v3 =	vadd.s32 $0x9C40, v49;
	v5 =	vadd.s32 v1, v5  }
0x24b: {  	[tilespmem:$0x3C0] =	vst v3;
	v3 =	vadd.s32 $0x9C40, v51  }
0x24c: {  	s8 =	simm.s32 $0x500;
	[tilespmem:$0x3D0] =	vst v3  }
0x24d: {  	[tilespmem:s8], [sflag:$0x2] =	stream.indirect_vreg.gather [hbm4b:s2+s3], $0x80, v54, vm0, $0xb8;
	[tilespmem:$0x18500] =	vst v63  }
0x24e: {  	s15 =	simm.s32 $0xD00  }
0x24f: {  	[tilespmem:s15], [sflag:$0x2] =	stream.indirect_vreg.gather [hbm4b:s2+s3], $0x80, v5, vm0, $0xb8;
	[tilespmem:$0x18500] =	vst v63  }
0x250: {  	v3 =	vld [tilespmem:$0x310];
	_ =	sdelay $0x4  }
0x251: {  	v55 =	vshll.u32 v3, $0x1  }
0x252: {  	v3 =	vand.u32 $0x7, v3;
	v4 =	vand.u32 $0xFFFFFFF0, v55  }
0x253: {  	v3 =	vor.u32 v3, v4  }
0x254: {  	v4 =	vperm.xlane v3, v0;
	_ =	sdelay $0x1  }
0x255: {  	v3 =	vperm.xlane v3, v2;
	v4 =	vadd.s32 v1, v4;
	_ =	sdelay $0x1  }
0x256: {  	v3 =	vadd.s32 v1, v3;
	_ =	sdelay $0x1  }
0x257: {  	s16 =	simm.s32 $0x1500  }
0x258: {  	[tilespmem:s16], [sflag:$0x2] =	stream.indirect_vreg.gather [hbm4b:s2+s3], $0x80, v4, vm0, $0xb8;
	[tilespmem:$0x18500] =	vst v63  }
0x259: {  	s17 =	simm.s32 $0x1D00  }
0x25a: {  	[tilespmem:s17], [sflag:$0x2] =	stream.indirect_vreg.gather [hbm4b:s2+s3], $0x80, v3, vm0, $0xb8;
	[tilespmem:$0x18500] =	vst v63  }
0x25b: {  	v3 =	vld [tilespmem:$0x320];
	_ =	sdelay $0x4  }
0x25c: {  	v56 =	vshll.u32 v3, $0x1  }
0x25d: {  	v3 =	vand.u32 $0x7, v3;
	v4 =	vand.u32 $0xFFFFFFF0, v56  }
0x25e: {  	v3 =	vor.u32 v3, v4  }
0x25f: {  	v4 =	vperm.xlane v3, v0;
	_ =	sdelay $0x1  }
0x260: {  	v3 =	vperm.xlane v3, v2;
	v4 =	vadd.s32 v1, v4;
	_ =	sdelay $0x1  }
0x261: {  	v3 =	vadd.s32 v1, v3;
	_ =	sdelay $0x1  }
0x262: {  	s10 =	simm.s32 $0x2500  }
0x263: {  	[tilespmem:s10], [sflag:$0x2] =	stream.indirect_vreg.gather [hbm4b:s2+s3], $0x80, v4, vm0, $0xb8;
	[tilespmem:$0x18500] =	vst v63  }
0x264: {  	s11 =	simm.s32 $0x2D00  }
0x265: {  	[tilespmem:s11], [sflag:$0x2] =	stream.indirect_vreg.gather [hbm4b:s2+s3], $0x80, v3, vm0, $0xb8;
	[tilespmem:$0x18500] =	vst v63  }
0x266: {  	v3 =	vld [tilespmem:$0x330];
	_ =	sdelay $0x4  }
0x267: {  	v57 =	vshll.u32 v3, $0x1  }
0x268: {  	v3 =	vand.u32 $0x7, v3;
	v4 =	vand.u32 $0xFFFFFFF0, v57  }
0x269: {  	v3 =	vor.u32 v3, v4  }
0x26a: {  	v4 =	vperm.xlane v3, v0;
	_ =	sdelay $0x1  }
0x26b: {  	v3 =	vperm.xlane v3, v2;
	v4 =	vadd.s32 v1, v4;
	_ =	sdelay $0x1  }
0x26c: {  	v3 =	vadd.s32 v1, v3;
	_ =	sdelay $0x1  }
0x26d: {  	s12 =	simm.s32 $0x3500  }
0x26e: {  	[tilespmem:s12], [sflag:$0x2] =	stream.indirect_vreg.gather [hbm4b:s2+s3], $0x80, v4, vm0, $0xb8;
	[tilespmem:$0x18500] =	vst v63  }
0x26f: {  	s13 =	simm.s32 $0x3D00  }
0x270: {  	[tilespmem:s13], [sflag:$0x2] =	stream.indirect_vreg.gather [hbm4b:s2+s3], $0x80, v3, vm0, $0xb8;
	[tilespmem:$0x18500] =	vst v63  }
0x271: {  	v3 =	vld [tilespmem:$0x380];
	_ =	sdelay $0x4  }
0x272: {  	v58 =	vshll.u32 v3, $0x1  }
0x273: {  	v3 =	vand.u32 $0x7, v3;
	v4 =	vand.u32 $0xFFFFFFF0, v58  }
0x274: {  	v3 =	vor.u32 v3, v4  }
0x275: {  	v4 =	vperm.xlane v3, v0;
	_ =	sdelay $0x1  }
0x276: {  	v3 =	vperm.xlane v3, v2;
	v4 =	vadd.s32 v1, v4;
	_ =	sdelay $0x1  }
0x277: {  	v3 =	vadd.s32 v1, v3;
	_ =	sdelay $0x1  }
0x278: {  	s14 =	simm.s32 $0x4500  }
0x279: {  	[tilespmem:s14], [sflag:$0x2] =	stream.indirect_vreg.gather [hbm4b:s2+s3], $0x80, v4, vm0, $0xb8;
	[tilespmem:$0x18500] =	vst v63  }
0x27a: {  	s15 =	simm.s32 $0x4D00  }
0x27b: {  	[tilespmem:s15], [sflag:$0x2] =	stream.indirect_vreg.gather [hbm4b:s2+s3], $0x80, v3, vm0, $0xb8;
	[tilespmem:$0x18500] =	vst v63  }
0x27c: {  	v3 =	vld [tilespmem:$0x390];
	_ =	sdelay $0x4  }
0x27d: {  	v59 =	vshll.u32 v3, $0x1  }
0x27e: {  	v3 =	vand.u32 $0x7, v3;
	v4 =	vand.u32 $0xFFFFFFF0, v59  }
0x27f: {  	v3 =	vor.u32 v3, v4  }
0x280: {  	v4 =	vperm.xlane v3, v0;
	_ =	sdelay $0x1  }
0x281: {  	v3 =	vperm.xlane v3, v2;
	v4 =	vadd.s32 v1, v4;
	_ =	sdelay $0x1  }
0x282: {  	v3 =	vadd.s32 v1, v3;
	_ =	sdelay $0x1  }
0x283: {  	s16 =	simm.s32 $0x5500  }
0x284: {  	[tilespmem:s16], [sflag:$0x2] =	stream.indirect_vreg.gather [hbm4b:s2+s3], $0x80, v4, vm0, $0xb8;
	[tilespmem:$0x18500] =	vst v63  }
0x285: {  	s17 =	simm.s32 $0x5D00  }
0x286: {  	[tilespmem:s17], [sflag:$0x2] =	stream.indirect_vreg.gather [hbm4b:s2+s3], $0x80, v3, vm0, $0xb8;
	[tilespmem:$0x18500] =	vst v63  }
0x287: {  	v3 =	vld [tilespmem:$0x3A0];
	_ =	sdelay $0x4  }
0x288: {  	v60 =	vshll.u32 v3, $0x1  }
0x289: {  	v3 =	vand.u32 $0x7, v3;
	v4 =	vand.u32 $0xFFFFFFF0, v60  }
0x28a: {  	v3 =	vor.u32 v3, v4  }
0x28b: {  	v4 =	vperm.xlane v3, v0;
	_ =	sdelay $0x1  }
0x28c: {  	v3 =	vperm.xlane v3, v2;
	v4 =	vadd.s32 v1, v4;
	_ =	sdelay $0x1  }
0x28d: {  	v3 =	vadd.s32 v1, v3;
	_ =	sdelay $0x1  }
0x28e: {  	s10 =	simm.s32 $0x6500  }
0x28f: {  	[tilespmem:s10], [sflag:$0x2] =	stream.indirect_vreg.gather [hbm4b:s2+s3], $0x80, v4, vm0, $0xb8;
	[tilespmem:$0x18500] =	vst v63  }
0x290: {  	s11 =	simm.s32 $0x6D00  }
0x291: {  	[tilespmem:s11], [sflag:$0x2] =	stream.indirect_vreg.gather [hbm4b:s2+s3], $0x80, v3, vm0, $0xb8;
	[tilespmem:$0x18500] =	vst v63  }
0x292: {  	v3 =	vld [tilespmem:$0x3B0];
	_ =	sdelay $0x4  }
0x293: {  	v61 =	vshll.u32 v3, $0x1  }
0x294: {  	v3 =	vand.u32 $0x7, v3;
	v4 =	vand.u32 $0xFFFFFFF0, v61  }
0x295: {  	v3 =	vor.u32 v3, v4  }
0x296: {  	v4 =	vperm.xlane v3, v0;
	_ =	sdelay $0x1  }
0x297: {  	v3 =	vperm.xlane v3, v2;
	v4 =	vadd.s32 v1, v4;
	_ =	sdelay $0x1  }
0x298: {  	v3 =	vadd.s32 v1, v3;
	_ =	sdelay $0x1  }
0x299: {  	s12 =	simm.s32 $0x7500  }
0x29a: {  	[tilespmem:s12], [sflag:$0x2] =	stream.indirect_vreg.gather [hbm4b:s2+s3], $0x80, v4, vm0, $0xb8;
	[tilespmem:$0x18500] =	vst v63  }
0x29b: {  	s13 =	simm.s32 $0x7D00  }
0x29c: {  	[tilespmem:s13], [sflag:$0x2] =	stream.indirect_vreg.gather [hbm4b:s2+s3], $0x80, v3, vm0, $0xb8;
	[tilespmem:$0x18500] =	vst v63  }
0x29d: {  	v3 =	vld [tilespmem:$0x3C0];
	_ =	sdelay $0x4  }
0x29e: {  	v62 =	vshll.u32 v3, $0x1  }
0x29f: {  	v3 =	vand.u32 $0x7, v3;
	v4 =	vand.u32 $0xFFFFFFF0, v62  }
0x2a0: {  	v3 =	vor.u32 v3, v4  }
0x2a1: {  	v4 =	vperm.xlane v3, v0;
	_ =	sdelay $0x1  }
0x2a2: {  	v3 =	vperm.xlane v3, v2;
	v4 =	vadd.s32 v1, v4;
	_ =	sdelay $0x1  }
0x2a3: {  	v3 =	vadd.s32 v1, v3;
	_ =	sdelay $0x1  }
0x2a4: {  	s14 =	simm.s32 $0x8500  }
0x2a5: {  	[tilespmem:s14], [sflag:$0x2] =	stream.indirect_vreg.gather [hbm4b:s2+s3], $0x80, v4, vm0, $0xb8;
	[tilespmem:$0x18500] =	vst v63  }
0x2a6: {  	s15 =	simm.s32 $0x8D00  }
0x2a7: {  	[tilespmem:s15], [sflag:$0x2] =	stream.indirect_vreg.gather [hbm4b:s2+s3], $0x80, v3, vm0, $0xb8;
	[tilespmem:$0x18500] =	vst v63  }
0x2a8: {  	v3 =	vld [tilespmem:$0x3D0];
	_ =	sdelay $0x4  }
0x2a9: {  	v63 =	vshll.u32 v3, $0x1  }
0x2aa: {  	v3 =	vand.u32 $0x7, v3;
	v4 =	vand.u32 $0xFFFFFFF0, v63  }
0x2ab: {  	v3 =	vor.u32 v3, v4  }
0x2ac: {  	v4 =	vperm.xlane v3, v0;
	_ =	sdelay $0x1  }
0x2ad: {  	v3 =	vperm.xlane v3, v2;
	v4 =	vadd.s32 v1, v4;
	_ =	sdelay $0x1  }
0x2ae: {  	v3 =	vadd.s32 v1, v3;
	_ =	sdelay $0x1  }
0x2af: {  	s16 =	simm.s32 $0x9500  }
0x2b0: {  	[tilespmem:s16], [sflag:$0x2] =	stream.indirect_vreg.gather [hbm4b:s2+s3], $0x80, v4, vm0, $0xb8;
	[tilespmem:$0x18500] =	vst v63  }
0x2b1: {  	s17 =	simm.s32 $0x9D00  }
0x2b2: {  	[tilespmem:s17], [sflag:$0x2] =	stream.indirect_vreg.gather [hbm4b:s2+s3], $0x80, v3, vm0, $0xb8;
	[tilespmem:$0x18500] =	vst v63  }
.LBB2_14:
0x2b3: {  	s8 =	simm.s32 @!p1 $0x4  }
0x2b4: {  	_ =	swait.ge @!p1 [sflag:s8], $0x2000  }
0x2b5: {  	[sflag:s8] =	ssyncset.done @!p1 $0x0  }
0x2b6: {  	s10 =	simm.s32 $0x0;
	[sflag:s8] =	ssyncadd.s32 @!p1 $0xFFFFE000;
	s8 =	simm.s32 $0x0  }
.LBB2_15:
0x2b7: {  	s11 =	sand.u32 $0x1800, s8;
	s12 =	sand.u32 $0x300, s10  }
0x2b8: {  	s11 =	sor.u32 s12, s11  }
0x2b9: {  	v3 =	vld [tilespmem:s11+$0xA500]  }
0x2ba: {  	v4 =	vld [tilespmem:s11+$0xC500]  }
0x2bb: {  	v5 =	vld [tilespmem:s11+$0xE500]  }
0x2bc: {  	v6 =	vld [tilespmem:s11+$0x10500]  }
0x2bd: {  	v7 =	vld [tilespmem:s11+$0x12500]  }
0x2be: {  	v8 =	vld [tilespmem:s11+$0xA510]  }
0x2bf: {  	v9 =	vld [tilespmem:s11+$0xC510]  }
0x2c0: {  	v10 =	vld [tilespmem:s11+$0xE510]  }
0x2c1: {  	v11 =	vld [tilespmem:s11+$0x10510]  }
0x2c2: {  	v12 =	vld [tilespmem:s11+$0x12510]  }
0x2c3: {  	v13 =	vld [tilespmem:s11+$0xA520]  }
0x2c4: {  	v14 =	vld [tilespmem:s11+$0xC520]  }
0x2c5: {  	v15 =	vld [tilespmem:s11+$0xE520]  }
0x2c6: {  	v16 =	vld [tilespmem:s11+$0x10520]  }
0x2c7: {  	v17 =	vld [tilespmem:s11+$0x12520]  }
0x2c8: {  	v18 =	vld [tilespmem:s11+$0xA530]  }
0x2c9: {  	v19 =	vld [tilespmem:s11+$0xC530]  }
0x2ca: {  	v20 =	vld [tilespmem:s11+$0xE530]  }
0x2cb: {  	v21 =	vld [tilespmem:s11+$0x10530]  }
0x2cc: {  	v22 =	vld [tilespmem:s11+$0x12530]  }
0x2cd: {  	v23 =	vld [tilespmem:s11+$0xA540]  }
0x2ce: {  	v24 =	vld [tilespmem:s11+$0xC540]  }
0x2cf: {  	v25 =	vld [tilespmem:s11+$0xE540]  }
0x2d0: {  	v26 =	vld [tilespmem:s11+$0x10540]  }
0x2d1: {  	v27 =	vld [tilespmem:s11+$0x12540]  }
0x2d2: {  	v28 =	vld [tilespmem:s11+$0xA550]  }
0x2d3: {  	v29 =	vld [tilespmem:s11+$0xC550]  }
0x2d4: {  	v30 =	vld [tilespmem:s11+$0xE550]  }
0x2d5: {  	v31 =	vld [tilespmem:s11+$0x10550]  }
0x2d6: {  	v32 =	vld [tilespmem:s11+$0x12550]  }
0x2d7: {  	v33 =	vld [tilespmem:s11+$0xA560]  }
0x2d8: {  	v34 =	vld [tilespmem:s11+$0xC560]  }
0x2d9: {  	v35 =	vld [tilespmem:s11+$0xE560]  }
0x2da: {  	v36 =	vld [tilespmem:s11+$0x10560]  }
0x2db: {  	v37 =	vld [tilespmem:s11+$0x12560]  }
0x2dc: {  	v38 =	vld [tilespmem:s11+$0xA570]  }
0x2dd: {  	v39 =	vld [tilespmem:s11+$0xC570]  }
0x2de: {  	v40 =	vld [tilespmem:s11+$0xE570]  }
0x2df: {  	v41 =	vld [tilespmem:s11+$0x10570]  }
0x2e0: {  	v42 =	vld [tilespmem:s11+$0x12570]  }
0x2e1: {  	v43 =	vld [tilespmem:s11+$0xA900]  }
0x2e2: {  	v44 =	vld [tilespmem:s11+$0xC900]  }
0x2e3: {  	v45 =	vld [tilespmem:s11+$0xE900]  }
0x2e4: {  	v46 =	vld [tilespmem:s11+$0x10900]  }
0x2e5: {  	v47 =	vld [tilespmem:s11+$0x12900]  }
0x2e6: {  	v48 =	vld [tilespmem:s11+$0xA910]  }
0x2e7: {  	v49 =	vld [tilespmem:s11+$0xC910]  }
0x2e8: {  	v50 =	vld [tilespmem:s11+$0xE910]  }
0x2e9: {  	v51 =	vld [tilespmem:s11+$0x10910]  }
0x2ea: {  	v52 =	vld [tilespmem:s11+$0x12910]  }
0x2eb: {  	v53 =	vld [tilespmem:s11+$0xA920]  }
0x2ec: {  	v60 =	vld [tilespmem:s11+$0xC930]  }
0x2ed: {  	v61 =	vld [tilespmem:s11+$0xE930];
	v3 =	vadd.f32 v4, v3;
	v62 =	vadd.f32 v6, v5  }
0x2ee: {  	v5 =	vld [tilespmem:s11+$0xC920];
	v63 =	vadd.f32 v9, v8;
	v54 =	vadd.f32 v11, v10  }
0x2ef: {  	v9 =	vld [tilespmem:s11+$0xE920];
	v56 =	vadd.f32 v14, v13;
	v57 =	vadd.f32 v16, v15  }
0x2f0: {  	v10 =	vld [tilespmem:s11+$0x10920];
	v58 =	vadd.f32 v19, v18;
	v59 =	vadd.f32 v21, v20  }
0x2f1: {  	v6 =	vld [tilespmem:s11+$0x12920];
	v24 =	vadd.f32 v24, v23;
	v26 =	vadd.f32 v26, v25  }
0x2f2: {  	v13 =	vld [tilespmem:s11+$0xA930];
	v29 =	vadd.f32 v29, v28;
	v30 =	vadd.f32 v31, v30  }
0x2f3: {  	v21 =	vld [tilespmem:s11+$0xA940];
	v33 =	vadd.f32 v34, v33;
	v34 =	vadd.f32 v36, v35  }
0x2f4: {  	v19 =	vld [tilespmem:s11+$0xE940];
	v35 =	vadd.f32 v39, v38;
	v36 =	vadd.f32 v41, v40  }
0x2f5: {  	v23 =	vld [tilespmem:s11+$0x10940];
	v44 =	vadd.f32 v44, v43;
	v45 =	vadd.f32 v46, v45  }
0x2f6: {  	v38 =	vld [tilespmem:s11+$0xA950];
	v48 =	vadd.f32 v49, v48;
	v49 =	vadd.f32 v51, v50  }
0x2f7: {  	v39 =	vld [tilespmem:s11+$0xC950];
	v3 =	vadd.f32 v62, v3;
	v55 =	vadd.f32 v54, v63  }
0x2f8: {  	v41 =	vld [tilespmem:s11+$0xE950];
	v8 =	vadd.f32 v57, v56;
	v62 =	vadd.f32 v59, v58  }
0x2f9: {  	v46 =	vld [tilespmem:s11+$0x10950];
	v14 =	vadd.f32 v26, v24;
	v31 =	vadd.f32 v30, v29  }
0x2fa: {  	v50 =	vld [tilespmem:s11+$0xA960];
	v20 =	vadd.f32 v34, v33;
	v40 =	vadd.f32 v36, v35  }
0x2fb: {  	v51 =	vld [tilespmem:s11+$0xC960];
	v25 =	vadd.f32 v45, v44;
	v54 =	vadd.f32 v49, v48  }
0x2fc: {  	v63 =	vld [tilespmem:s11+$0x10930];
	v3 =	vadd.f32 v3, v7;
	v4 =	vadd.f32 v55, v12  }
0x2fd: {  	v57 =	vld [tilespmem:s11+$0x10960];
	v8 =	vadd.f32 v8, v17;
	v11 =	vadd.f32 v62, v22  }
0x2fe: {  	v59 =	vld [tilespmem:s11+$0xA970];
	v14 =	vadd.f32 v14, v27;
	v15 =	vadd.f32 v31, v32  }
0x2ff: {  	v17 =	vld [tilespmem:s11+$0xC940];
	v20 =	vadd.f32 v20, v37;
	v22 =	vadd.f32 v40, v42  }
0x300: {  	v55 =	vld [tilespmem:s11+$0xE960];
	v56 =	vadd.f32 v10, v9;
	v58 =	vadd.f32 v60, v13;
	[tilespmem:s11+$0x16500] =	vst v3  }
0x301: {  	v62 =	vld [tilespmem:s11+$0xC970];
	v60 =	vadd.f32 v25, v47;
	v23 =	vadd.f32 v23, v19;
	[tilespmem:s11+$0x16510] =	vst v4  }
0x302: {  	v31 =	vld [tilespmem:s11+$0x12950];
	v27 =	vadd.f32 v39, v38;
	v28 =	vadd.f32 v46, v41;
	[tilespmem:s11+$0x16520] =	vst v8  }
0x303: {  	v25 =	vld [tilespmem:s11+$0x10970];
	v36 =	vadd.f32 v51, v50;
	v3 =	vadd.f32 v5, v53;
	[tilespmem:s11+$0x16530] =	vst v11  }
0x304: {  	[tilespmem:s11+$0x16540] =	vst v14;
	v7 =	vadd.f32 v63, v61;
	v61 =	vadd.f32 v54, v52;
	v63 =	vld [tilespmem:s11+$0xE970]  }
0x305: {  	v29 =	vld [tilespmem:s11+$0x12940];
	[tilespmem:s11+$0x16550] =	vst v15;
	v34 =	vadd.f32 v28, v27;
	v3 =	vadd.f32 v56, v3  }
0x306: {  	v18 =	vld [tilespmem:s11+$0x12930];
	[tilespmem:s11+$0x16560] =	vst v20;
	v4 =	vadd.f32 v7, v58;
	v21 =	vadd.f32 v17, v21  }
0x307: {  	v35 =	vld [tilespmem:s11+$0x12960];
	[tilespmem:s11+$0x16570] =	vst v22;
	v9 =	vadd.f32 v57, v55;
	v10 =	vadd.f32 v62, v59  }
0x308: {  	v37 =	vld [tilespmem:s11+$0x12970];
	[tilespmem:s11+$0x16900] =	vst v60;
	v3 =	vadd.f32 v3, v6;
	v7 =	vadd.f32 v23, v21  }
0x309: {  	[tilespmem:s11+$0x16910] =	vst v61;
	v39 =	vadd.f32 v34, v31;
	v5 =	vadd.f32 v25, v63  }
0x30a: {  	v38 =	vadd.f32 v9, v36;
	[tilespmem:s11+$0x16920] =	vst v3;
	v3 =	vadd.f32 v7, v29  }
0x30b: {  	v4 =	vadd.f32 v4, v18;
	[tilespmem:s11+$0x16950] =	vst v39;
	v5 =	vadd.f32 v5, v10  }
0x30c: {  	s16 =	sadd.s32 $0x2100, s8;
	s13 =	sadd.s32 $0x1080, s10;
	[tilespmem:s11+$0x16940] =	vst v3;
	v3 =	vadd.f32 v38, v35  }
0x30d: {  	s14 =	sadd.s32 $0x4100, s8;
	s17 =	sadd.s32 $0x2080, s10;
	s15 =	sadd.s32 $0x6100, s8;
	[tilespmem:s11+$0x16930] =	vst v4;
	v40 =	vadd.f32 v5, v37  }
0x30e: {  	s12 =	sand.u32 $0x3800, s16;
	s13 =	sand.u32 $0x380, s13;
	s16 =	sadd.s32 $0x3080, s10;
	[tilespmem:s11+$0x16960] =	vst v3  }
0x30f: {  	s12 =	sor.u32 s13, s12;
	s13 =	sand.u32 $0x5800, s14;
	s14 =	sand.u32 $0x380, s17;
	v3 =	vld [tilespmem:s11+$0xA580];
	[tilespmem:s11+$0x16970] =	vst v40  }
0x310: {  	s15 =	sand.u32 $0x7800, s15;
	s17 =	sand.u32 $0x380, s16;
	s13 =	sor.u32 s14, s13;
	v4 =	vld [tilespmem:s12+$0xA500]  }
0x311: {  	s14 =	sor.u32 s17, s15;
	v41 =	vld [tilespmem:s13+$0xA500]  }
0x312: {  	v42 =	vld [tilespmem:s14+$0xA500]  }
0x313: {  	s16 =	sadd.s32 $0x8100, s8;
	s17 =	sadd.s32 $0x4080, s10  }
0x314: {  	s15 =	sand.u32 $0x9800, s16;
	s16 =	sand.u32 $0x380, s17  }
0x315: {  	s15 =	sor.u32 s16, s15  }
0x316: {  	v43 =	vld [tilespmem:s15+$0xA500]  }
0x317: {  	v3 =	vadd.f32 v4, v3;
	v44 =	vadd.f32 v42, v41;
	_ =	sdelay $0x1  }
0x318: {  	v3 =	vadd.f32 v44, v3;
	_ =	sdelay $0x1  }
0x319: {  	v3 =	vadd.f32 v3, v43;
	_ =	sdelay $0x1  }
0x31a: {  	[tilespmem:s11+$0x16580] =	vst v3;
	v3 =	vld [tilespmem:s11+$0xA590]  }
0x31b: {  	v45 =	vld [tilespmem:s12+$0xA510]  }
0x31c: {  	v46 =	vld [tilespmem:s13+$0xA510]  }
0x31d: {  	v47 =	vld [tilespmem:s14+$0xA510];
	_ =	sdelay $0x3  }
0x31e: {  	v48 =	vld [tilespmem:s15+$0xA510]  }
0x31f: {  	v3 =	vadd.f32 v45, v3;
	v49 =	vadd.f32 v47, v46;
	_ =	sdelay $0x1  }
0x320: {  	v3 =	vadd.f32 v49, v3;
	_ =	sdelay $0x1  }
0x321: {  	v3 =	vadd.f32 v3, v48;
	_ =	sdelay $0x1  }
0x322: {  	[tilespmem:s11+$0x16590] =	vst v3;
	v3 =	vld [tilespmem:s11+$0xA5A0]  }
0x323: {  	v50 =	vld [tilespmem:s12+$0xA520]  }
0x324: {  	v51 =	vld [tilespmem:s13+$0xA520]  }
0x325: {  	v52 =	vld [tilespmem:s14+$0xA520];
	_ =	sdelay $0x3  }
0x326: {  	v53 =	vld [tilespmem:s15+$0xA520]  }
0x327: {  	v3 =	vadd.f32 v50, v3;
	v54 =	vadd.f32 v52, v51;
	_ =	sdelay $0x1  }
0x328: {  	v3 =	vadd.f32 v54, v3;
	_ =	sdelay $0x1  }
0x329: {  	v3 =	vadd.f32 v3, v53;
	_ =	sdelay $0x1  }
0x32a: {  	[tilespmem:s11+$0x165A0] =	vst v3;
	v3 =	vld [tilespmem:s11+$0xA5B0]  }
0x32b: {  	v55 =	vld [tilespmem:s12+$0xA530]  }
0x32c: {  	v56 =	vld [tilespmem:s13+$0xA530]  }
0x32d: {  	v57 =	vld [tilespmem:s14+$0xA530];
	_ =	sdelay $0x3  }
0x32e: {  	v58 =	vld [tilespmem:s15+$0xA530]  }
0x32f: {  	v3 =	vadd.f32 v55, v3;
	v59 =	vadd.f32 v57, v56;
	_ =	sdelay $0x1  }
0x330: {  	v3 =	vadd.f32 v59, v3;
	_ =	sdelay $0x1  }
0x331: {  	v3 =	vadd.f32 v3, v58;
	_ =	sdelay $0x1  }
0x332: {  	[tilespmem:s11+$0x165B0] =	vst v3;
	v3 =	vld [tilespmem:s11+$0xA5C0]  }
0x333: {  	v60 =	vld [tilespmem:s12+$0xA540]  }
0x334: {  	v61 =	vld [tilespmem:s13+$0xA540]  }
0x335: {  	v62 =	vld [tilespmem:s14+$0xA540];
	_ =	sdelay $0x3  }
0x336: {  	v63 =	vld [tilespmem:s15+$0xA540]  }
0x337: {  	v3 =	vadd.f32 v60, v3;
	v8 =	vadd.f32 v62, v61;
	_ =	sdelay $0x1  }
0x338: {  	v3 =	vadd.f32 v8, v3;
	_ =	sdelay $0x1  }
0x339: {  	v3 =	vadd.f32 v3, v63;
	_ =	sdelay $0x1  }
0x33a: {  	[tilespmem:s11+$0x165C0] =	vst v3;
	v3 =	vld [tilespmem:s11+$0xA5D0]  }
0x33b: {  	v9 =	vld [tilespmem:s12+$0xA550]  }
0x33c: {  	v10 =	vld [tilespmem:s13+$0xA550]  }
0x33d: {  	v11 =	vld [tilespmem:s14+$0xA550];
	_ =	sdelay $0x3  }
0x33e: {  	v12 =	vld [tilespmem:s15+$0xA550]  }
0x33f: {  	v3 =	vadd.f32 v9, v3;
	v13 =	vadd.f32 v11, v10;
	_ =	sdelay $0x1  }
0x340: {  	v3 =	vadd.f32 v13, v3;
	_ =	sdelay $0x1  }
0x341: {  	v3 =	vadd.f32 v3, v12;
	_ =	sdelay $0x1  }
0x342: {  	[tilespmem:s11+$0x165D0] =	vst v3;
	v3 =	vld [tilespmem:s11+$0xA5E0]  }
0x343: {  	v14 =	vld [tilespmem:s12+$0xA560]  }
0x344: {  	v15 =	vld [tilespmem:s13+$0xA560]  }
0x345: {  	v16 =	vld [tilespmem:s14+$0xA560];
	_ =	sdelay $0x3  }
0x346: {  	v17 =	vld [tilespmem:s15+$0xA560]  }
0x347: {  	v3 =	vadd.f32 v14, v3;
	v18 =	vadd.f32 v16, v15;
	_ =	sdelay $0x1  }
0x348: {  	v3 =	vadd.f32 v18, v3;
	_ =	sdelay $0x1  }
0x349: {  	v3 =	vadd.f32 v3, v17;
	_ =	sdelay $0x1  }
0x34a: {  	[tilespmem:s11+$0x165E0] =	vst v3;
	v3 =	vld [tilespmem:s11+$0xA5F0]  }
0x34b: {  	v19 =	vld [tilespmem:s12+$0xA570]  }
0x34c: {  	v20 =	vld [tilespmem:s13+$0xA570]  }
0x34d: {  	v21 =	vld [tilespmem:s14+$0xA570];
	_ =	sdelay $0x3  }
0x34e: {  	v22 =	vld [tilespmem:s15+$0xA570]  }
0x34f: {  	v3 =	vadd.f32 v19, v3;
	v23 =	vadd.f32 v21, v20;
	_ =	sdelay $0x1  }
0x350: {  	v3 =	vadd.f32 v23, v3;
	_ =	sdelay $0x1  }
0x351: {  	v3 =	vadd.f32 v3, v22;
	_ =	sdelay $0x1  }
0x352: {  	[tilespmem:s11+$0x165F0] =	vst v3;
	v3 =	vld [tilespmem:s11+$0xA980]  }
0x353: {  	v24 =	vld [tilespmem:s12+$0xA900]  }
0x354: {  	v25 =	vld [tilespmem:s13+$0xA900]  }
0x355: {  	v26 =	vld [tilespmem:s14+$0xA900];
	_ =	sdelay $0x3  }
0x356: {  	v27 =	vld [tilespmem:s15+$0xA900]  }
0x357: {  	v3 =	vadd.f32 v24, v3;
	v28 =	vadd.f32 v26, v25;
	_ =	sdelay $0x1  }
0x358: {  	v3 =	vadd.f32 v28, v3;
	_ =	sdelay $0x1  }
0x359: {  	v3 =	vadd.f32 v3, v27;
	_ =	sdelay $0x1  }
0x35a: {  	[tilespmem:s11+$0x16980] =	vst v3;
	v3 =	vld [tilespmem:s11+$0xA990]  }
0x35b: {  	v29 =	vld [tilespmem:s12+$0xA910]  }
0x35c: {  	v30 =	vld [tilespmem:s13+$0xA910]  }
0x35d: {  	v31 =	vld [tilespmem:s14+$0xA910];
	_ =	sdelay $0x3  }
0x35e: {  	v32 =	vld [tilespmem:s15+$0xA910]  }
0x35f: {  	v3 =	vadd.f32 v29, v3;
	v33 =	vadd.f32 v31, v30;
	_ =	sdelay $0x1  }
0x360: {  	v3 =	vadd.f32 v33, v3;
	_ =	sdelay $0x1  }
0x361: {  	v3 =	vadd.f32 v3, v32;
	_ =	sdelay $0x1  }
0x362: {  	[tilespmem:s11+$0x16990] =	vst v3;
	v3 =	vld [tilespmem:s11+$0xA9A0]  }
0x363: {  	v34 =	vld [tilespmem:s12+$0xA920]  }
0x364: {  	v35 =	vld [tilespmem:s13+$0xA920]  }
0x365: {  	v36 =	vld [tilespmem:s14+$0xA920];
	_ =	sdelay $0x3  }
0x366: {  	v37 =	vld [tilespmem:s15+$0xA920]  }
0x367: {  	v3 =	vadd.f32 v34, v3;
	v38 =	vadd.f32 v36, v35;
	_ =	sdelay $0x1  }
0x368: {  	v3 =	vadd.f32 v38, v3;
	_ =	sdelay $0x1  }
0x369: {  	v3 =	vadd.f32 v3, v37;
	_ =	sdelay $0x1  }
0x36a: {  	[tilespmem:s11+$0x169A0] =	vst v3;
	v3 =	vld [tilespmem:s11+$0xA9B0]  }
0x36b: {  	v39 =	vld [tilespmem:s12+$0xA930]  }
0x36c: {  	v40 =	vld [tilespmem:s13+$0xA930]  }
0x36d: {  	v41 =	vld [tilespmem:s14+$0xA930];
	_ =	sdelay $0x3  }
0x36e: {  	v42 =	vld [tilespmem:s15+$0xA930]  }
0x36f: {  	v3 =	vadd.f32 v39, v3;
	v43 =	vadd.f32 v41, v40;
	_ =	sdelay $0x1  }
0x370: {  	v3 =	vadd.f32 v43, v3;
	_ =	sdelay $0x1  }
0x371: {  	v3 =	vadd.f32 v3, v42;
	_ =	sdelay $0x1  }
0x372: {  	[tilespmem:s11+$0x169B0] =	vst v3;
	v3 =	vld [tilespmem:s11+$0xA9C0]  }
0x373: {  	v44 =	vld [tilespmem:s12+$0xA940]  }
0x374: {  	v45 =	vld [tilespmem:s13+$0xA940]  }
0x375: {  	v46 =	vld [tilespmem:s14+$0xA940];
	_ =	sdelay $0x3  }
0x376: {  	v47 =	vld [tilespmem:s15+$0xA940]  }
0x377: {  	v3 =	vadd.f32 v44, v3;
	v48 =	vadd.f32 v46, v45;
	_ =	sdelay $0x1  }
0x378: {  	v3 =	vadd.f32 v48, v3;
	_ =	sdelay $0x1  }
0x379: {  	v3 =	vadd.f32 v3, v47;
	_ =	sdelay $0x1  }
0x37a: {  	[tilespmem:s11+$0x169C0] =	vst v3;
	v3 =	vld [tilespmem:s11+$0xA9D0]  }
0x37b: {  	v49 =	vld [tilespmem:s12+$0xA950]  }
0x37c: {  	v50 =	vld [tilespmem:s13+$0xA950]  }
0x37d: {  	v51 =	vld [tilespmem:s14+$0xA950];
	_ =	sdelay $0x3  }
0x37e: {  	v52 =	vld [tilespmem:s15+$0xA950]  }
0x37f: {  	v3 =	vadd.f32 v49, v3;
	v53 =	vadd.f32 v51, v50;
	_ =	sdelay $0x1  }
0x380: {  	v3 =	vadd.f32 v53, v3;
	_ =	sdelay $0x1  }
0x381: {  	v3 =	vadd.f32 v3, v52;
	_ =	sdelay $0x1  }
0x382: {  	[tilespmem:s11+$0x169D0] =	vst v3;
	v3 =	vld [tilespmem:s11+$0xA9E0]  }
0x383: {  	v54 =	vld [tilespmem:s12+$0xA960]  }
0x384: {  	v55 =	vld [tilespmem:s13+$0xA960]  }
0x385: {  	v56 =	vld [tilespmem:s14+$0xA960];
	_ =	sdelay $0x3  }
0x386: {  	v57 =	vld [tilespmem:s15+$0xA960]  }
0x387: {  	v3 =	vadd.f32 v54, v3;
	v58 =	vadd.f32 v56, v55;
	_ =	sdelay $0x1  }
0x388: {  	v3 =	vadd.f32 v58, v3;
	_ =	sdelay $0x1  }
0x389: {  	v3 =	vadd.f32 v3, v57;
	_ =	sdelay $0x1  }
0x38a: {  	[tilespmem:s11+$0x169E0] =	vst v3;
	v3 =	vld [tilespmem:s11+$0xA9F0]  }
0x38b: {  	v59 =	vld [tilespmem:s12+$0xA970]  }
0x38c: {  	v60 =	vld [tilespmem:s13+$0xA970]  }
0x38d: {  	v61 =	vld [tilespmem:s14+$0xA970];
	_ =	sdelay $0x3  }
0x38e: {  	v62 =	vld [tilespmem:s15+$0xA970]  }
0x38f: {  	v3 =	vadd.f32 v59, v3;
	v63 =	vadd.f32 v61, v60  }
0x390: {  	p0 =	sne.s32 s10, $0xF00  }
.Ltmp13:
0x391: {  	v3 =	vadd.f32 v63, v3;
	(pc) =	sbr.rel @p0 .LBB2_15-.Ltmp13, $3  }
0x392: {  	_ = 	snop  }
0x393: {  	v3 =	vadd.f32 v3, v62;
	_ =	sdelay $0x1  }
0x394: {  	s8 =	sadd.s32 $0x200, s8;
	s10 =	sadd.s32 $0x100, s10;
	[tilespmem:s11+$0x169F0] =	vst v3  }
.Ltmp14:
0x395: {  	(pc) =	sbr.rel .LBB2_17-.Ltmp14, $4  }
0x396: {  	_ = 	snop  }
0x397: {  	s7 =	sshll.u32 s7, $0xA  }
0x398: {  	s7 =	sadd.s32 s5, s7  }
0x399: {  	[hbm4b:s7+s3] =	stream.linear.scatter [tilespmem:s29], [sflag:$0x4], $0x2000, $0x38;
	[tilespmem:$0x18500] =	vst v63  }
.LBB2_19:
0x39a: {  	_ =	sfence.sel $0x180000  }
0x39b: {  	[bflag:$0x0] =	sbarrier.arrive $0xFFFF  }
0x39c: {  	_ =	strace $0x90000047  }
0x39d: {  	s0 =	stileid.u32;
	[bflag:$0x2] =	sbarrier.arrive $0xFFFF  }
0x39e: {  	p0 =	sne.s32 s0, $0x0;
	s0 =	rddreg [dreg:$0x2]  }
0x39f: {  	s0 =	sadd.s32 @!p0 $0x100000, s0  }
0x3a0: {  	[sflag:s0] =	ssyncadd.tile.s32 @!p0 $0x1;
	_ =	shalt  }
.Lfunc_end2:
_tile_overlayer_lowered:
.L_overlay_start_2:
0x3a1: {  	(tag) =	ssettag $0x2  }
0x3a2: {  	s0 =	rddreg [dreg:$0x0];
	s2 =	stileid.u32  }
0x3a3: {  	s1 =	rddreg [dreg:$0x1];
	p0 =	sne.s32 s2, $0x0  }
0x3a4: {  	s3 =	rddreg [dreg:$0x2];
	[bflag:$0x3] =	sbarrier.arrive $0xFFFF;
	s2 =	simm.s32 @!p0 $0x1C05  }
0x3a5: {  	[timem:s3], [sflag:s2] =	dma.local @!p0 [hbm:s0], s1  }
0x3a6: {  	s0 =	simm.s32 @!p0 $0x5  }
0x3a7: {  	_ =	swait.ge @!p0 [sflag:s0], s1  }
0x3a8: {  	s1 =	ssub.s32 @!p0 $0x0, s1;
	[sflag:s0] =	ssyncset.done @!p0 $0x0  }
0x3a9: {  	[sflag:s0] =	ssyncadd.s32 @!p0 s1  }
0x3aa: {  	[bflag:$0x3] =	sbarrier.arrive $0xFFFF  }
0x3ab: {  	_ =	shalt  }

</sc_bundles>
